<compile_context>
chip_gen: v7x
topology: tpu7x:2x2x1
jax: 0.10.2.dev20260603
libtpu: 0.0.44.dev20260713+nightly
codegen_flags: <defaults>
</compile_context>

<pallas_src>
import jax
import jax.numpy as jnp
from jax import lax
from jax.experimental import pallas as pl
from jax.experimental.pallas import tpu as pltpu
from jax.experimental.pallas import tpu_sc as plsc

N_NODES = 10000
FEAT = 128
N_EDGES = 320000

NC = 2
NS = 16
N_PAD = 10240
E_PAD = 327680
CHUNK = 128
TILE_EDGES = E_PAD // (NC * NS)
TILE_CHUNKS = TILE_EDGES // CHUNK
TILE_ROWS = N_PAD // NS
DUMMY = N_NODES

_MESH = plsc.VectorSubcoreMesh(core_axis_name="c", subcore_axis_name="s")


_DEPTH = 8


def _deg_body(esd_hbm, deg_out, didx, ones_v, zrow, deg_sp, ssem):
    c = lax.axis_index("c")
    s = lax.axis_index("s")
    cbase = (c * NS + s) * TILE_CHUNKS
    pltpu.sync_copy(esd_hbm.at[pl.ds(cbase, TILE_CHUNKS)], didx)
    for i in range(CHUNK // 16):
        ones_v[pl.ds(16 * i, 16)] = jnp.ones((16,), jnp.float32)
    for i in range(TILE_ROWS // 16):
        zrow[pl.ds(16 * i, 16)] = jnp.zeros((16,), jnp.float32)
    pltpu.sync_copy(zrow, deg_sp.at[pl.ds(s * TILE_ROWS, TILE_ROWS)])
    plsc.subcore_barrier()

    def fire(ci):
        pltpu.async_copy(ones_v, deg_sp.at[didx.at[ci, 1]], ssem, add=True)

    def drain():
        pltpu.make_async_copy(ones_v, deg_sp.at[didx.at[0, 1]], ssem).wait()

    for ci in range(_DEPTH):
        fire(ci)

    def step(g, carry):
        drain()
        fire(g + _DEPTH)
        return carry

    lax.fori_loop(0, TILE_CHUNKS - _DEPTH, step, 0)
    for _ in range(_DEPTH):
        drain()
    plsc.subcore_barrier()
    pltpu.sync_copy(deg_sp.at[pl.ds(s * TILE_ROWS, TILE_ROWS)],
                    deg_out.at[c, pl.ds(s * TILE_ROWS, TILE_ROWS)])


def _deg_kernel(esd):
    return pl.kernel(
        _deg_body,
        out_type=jax.ShapeDtypeStruct((NC, N_PAD), jnp.float32),
        mesh=_MESH,
        scratch_types=[
            pltpu.VMEM((TILE_CHUNKS, 2, CHUNK), jnp.int32),
            pltpu.VMEM((CHUNK,), jnp.float32),
            pltpu.VMEM((TILE_ROWS,), jnp.float32),
            pltpu.VMEM_SHARED((N_PAD,), jnp.float32),
            pltpu.SemaphoreType.DMA,
        ],
    )(esd)




def _agg_body(hp_hbm, esd_hbm, acc_out,
              sdidx, rows, acc_sp, isem, gsem, ssem):
    c = lax.axis_index("c")
    s = lax.axis_index("s")
    cbase = (c * NS + s) * TILE_CHUNKS
    pltpu.sync_copy(hp_hbm.at[pl.ds(s * TILE_ROWS, TILE_ROWS)],
                    acc_sp.at[pl.ds(s * TILE_ROWS, TILE_ROWS)])
    plsc.subcore_barrier()

    def fire_i(ci, isl):
        pltpu.async_copy(esd_hbm.at[cbase + ci], sdidx.at[isl], isem)

    def wait_i(ci, isl):
        pltpu.make_async_copy(esd_hbm.at[cbase + ci], sdidx.at[isl],
                              isem).wait()

    def fire_g(b, isl):
        pltpu.async_copy(hp_hbm.at[sdidx.at[isl, 0]], rows.at[b], gsem)

    def wait_g(b, isl):
        pltpu.make_async_copy(hp_hbm.at[sdidx.at[isl, 0]], rows.at[b],
                              gsem).wait()

    def scat(b, isl):
        pltpu.async_copy(rows.at[b], acc_sp.at[sdidx.at[isl, 1]], ssem,
                         add=True)

    def wait_s(b, isl):
        pltpu.make_async_copy(rows.at[b], acc_sp.at[sdidx.at[isl, 1]],
                              ssem).wait()

    def process(ci, k, fire_idx, fire_gather, wait_prev):
        b = k % 2
        wait_g(b, k)
        scat(b, k)
        if wait_prev:
            wait_s(1 - b, (k + 3) % 4)
        if fire_idx:
            fire_i(ci + 3, (k + 3) % 4)
        if fire_gather:
            wait_i(ci + 1, (k + 1) % 4)
            fire_g(1 - b, (k + 1) % 4)

    fire_i(0, 0)
    fire_i(1, 1)
    fire_i(2, 2)
    wait_i(0, 0)
    fire_g(0, 0)
    process(0, 0, True, True, False)
    for k in range(1, 4):
        process(k, k, True, True, True)

    def outer(g, carry):
        for k in range(4):
            process(4 * g + k, k, True, True, True)
        return carry

    lax.fori_loop(1, TILE_CHUNKS // 4 - 1, outer, 0)
    base = TILE_CHUNKS - 4
    process(base + 0, 0, True, True, True)
    process(base + 1, 1, False, True, True)
    process(base + 2, 2, False, True, True)
    process(base + 3, 3, False, False, True)
    wait_s(1, 3)
    plsc.subcore_barrier()
    pltpu.sync_copy(acc_sp.at[pl.ds(s * TILE_ROWS, TILE_ROWS)],
                    acc_out.at[c, pl.ds(s * TILE_ROWS, TILE_ROWS)])


def _agg_kernel(hp, esd):
    return pl.kernel(
        _agg_body,
        out_type=jax.ShapeDtypeStruct((NC, N_PAD, FEAT), jnp.float32),
        mesh=_MESH,
        scratch_types=[
            pltpu.VMEM((4, 2, CHUNK), jnp.int32),
            pltpu.VMEM((2, CHUNK, FEAT), jnp.float32),
            pltpu.VMEM_SHARED((N_PAD, FEAT), jnp.float32),
            pltpu.SemaphoreType.DMA,
            pltpu.SemaphoreType.DMA,
            pltpu.SemaphoreType.DMA,
        ],
    )(hp, esd)


def _agg2_body(sp_hbm, esd_hbm, agg_out,
               sdall, vals, acc_sp, sp_sp, zrow, sem, ssem):
    c = lax.axis_index("c")
    s = lax.axis_index("s")
    cbase = (c * NS + s) * TILE_CHUNKS
    pltpu.sync_copy(esd_hbm.at[pl.ds(cbase, TILE_CHUNKS)], sdall)
    for i in range(TILE_ROWS // 16):
        zrow[pl.ds(16 * i, 16)] = jnp.zeros((16,), jnp.float32)
    pltpu.sync_copy(zrow, acc_sp.at[pl.ds(s * TILE_ROWS, TILE_ROWS)])
    pltpu.sync_copy(sp_hbm.at[pl.ds(s * TILE_ROWS, TILE_ROWS)],
                    sp_sp.at[pl.ds(s * TILE_ROWS, TILE_ROWS)])
    plsc.subcore_barrier()

    def fire_g(ci):
        pltpu.async_copy(sp_sp.at[sdall.at[ci, 0]], vals.at[ci], sem)

    def wait_g(ci):
        pltpu.make_async_copy(sp_sp.at[sdall.at[ci, 0]], vals.at[ci],
                              sem).wait()

    def fire_s(ci):
        pltpu.async_copy(vals.at[ci], acc_sp.at[sdall.at[ci, 1]], ssem,
                         add=True)

    def wait_s(ci):
        pltpu.make_async_copy(vals.at[ci], acc_sp.at[sdall.at[ci, 1]],
                              ssem).wait()

    for ci in range(_DEPTH):
        fire_g(ci)

    def step(g, carry):
        wait_g(g)
        fire_s(g)
        fire_g(g + _DEPTH)
        return carry

    lax.fori_loop(0, TILE_CHUNKS - _DEPTH, step, 0)
    for ci in range(TILE_CHUNKS - _DEPTH, TILE_CHUNKS):
        wait_g(ci)
        fire_s(ci)
    lax.fori_loop(0, TILE_CHUNKS, lambda g, cr: (wait_s(g), cr)[1], 0)
    plsc.subcore_barrier()
    pltpu.sync_copy(acc_sp.at[pl.ds(s * TILE_ROWS, TILE_ROWS)],
                    agg_out.at[c, pl.ds(s * TILE_ROWS, TILE_ROWS)])


def _agg2_kernel(sp, esd):
    return pl.kernel(
        _agg2_body,
        out_type=jax.ShapeDtypeStruct((NC, N_PAD), jnp.float32),
        mesh=_MESH,
        scratch_types=[
            pltpu.VMEM((TILE_CHUNKS, 2, CHUNK), jnp.int32),
            pltpu.VMEM((TILE_CHUNKS, CHUNK), jnp.float32),
            pltpu.VMEM_SHARED((N_PAD,), jnp.float32),
            pltpu.VMEM_SHARED((N_PAD,), jnp.float32),
            pltpu.VMEM((TILE_ROWS,), jnp.float32),
            pltpu.SemaphoreType.DMA,
            pltpu.SemaphoreType.DMA,
        ],
    )(sp, esd)


_BLK = 1024
_NBLK = N_PAD // _BLK


def _mm1_body(x_ref, w_ref, degp_ref, hp_ref, dinv_ref):
    deg = degp_ref[0] + degp_ref[1] + 1.0
    dinv = lax.rsqrt(deg)
    hp_ref[...] = jnp.dot(x_ref[...], w_ref[...],
                          preferred_element_type=jnp.float32) * dinv
    dinv_ref[...] = dinv


_XBLK = 1000


def _mm1_kernel(x, W1, degp3):
    return pl.pallas_call(
        _mm1_body,
        grid=(N_NODES // _XBLK,),
        in_specs=[
            pl.BlockSpec((_XBLK, FEAT), lambda i: (i, 0)),
            pl.BlockSpec((FEAT, FEAT), lambda i: (0, 0)),
            pl.BlockSpec((NC, _XBLK, 1), lambda i: (0, i, 0)),
        ],
        out_specs=[
            pl.BlockSpec((_XBLK, FEAT), lambda i: (i, 0)),
            pl.BlockSpec((_XBLK, 1), lambda i: (i, 0)),
        ],
        out_shape=[
            jax.ShapeDtypeStruct((N_PAD, FEAT), jnp.float32),
            jax.ShapeDtypeStruct((N_PAD, 1), jnp.float32),
        ],
    )(x, W1, degp3)




def _post_body(acc_ref, hp_ref, dinv_ref, b1_ref, gamma_ref, beta_ref,
               w2_ref, sp_ref, out1_ref, stats_ref):
    p = pl.program_id(0)
    i = pl.program_id(1)
    rows = lax.broadcasted_iota(jnp.int32, (_BLK, 1), 0) + i * _BLK
    mask = rows < N_NODES

    @pl.when(p == 0)
    def _():
        val = ((acc_ref[0] + acc_ref[1] - hp_ref[...]) * dinv_ref[...]
               + b1_ref[...])
        val = jnp.where(mask, val, 0.0)
        out1_ref[pl.ds(i * _BLK, _BLK), :] = val

        @pl.when(i == 0)
        def _():
            stats_ref[...] = jnp.zeros_like(stats_ref)

        stats_ref[0:1, :] += jnp.sum(val, axis=0, keepdims=True)
        stats_ref[1:2, :] += jnp.sum(val * val, axis=0, keepdims=True)
        sp_ref[...] = jnp.zeros_like(sp_ref)

    @pl.when(p == 1)
    def _():
        inv_n = 1.0 / N_NODES
        mean = stats_ref[0:1, :] * inv_n
        var = stats_ref[1:2, :] * inv_n - mean * mean
        rstd = lax.rsqrt(var + 1e-5)
        xb = out1_ref[pl.ds(i * _BLK, _BLK), :]
        bn = (xb - mean) * (rstd * gamma_ref[...]) + beta_ref[...]
        r = jnp.maximum(bn, 0.0)
        sv = jnp.dot(r, w2_ref[...], preferred_element_type=jnp.float32)
        sp_ref[...] = jnp.where(mask, sv * dinv_ref[...], 0.0)


def _post_kernel(accp, hp, dinv, b1r, gammar, betar, W2):
    return pl.pallas_call(
        _post_body,
        grid=(2, _NBLK),
        in_specs=[
            pl.BlockSpec((NC, _BLK, FEAT), lambda p, i: (0, i * (1 - p), 0)),
            pl.BlockSpec((_BLK, FEAT), lambda p, i: (i * (1 - p), 0)),
            pl.BlockSpec((_BLK, 1), lambda p, i: (i, 0)),
            pl.BlockSpec((1, FEAT), lambda p, i: (0, 0)),
            pl.BlockSpec((1, FEAT), lambda p, i: (0, 0)),
            pl.BlockSpec((1, FEAT), lambda p, i: (0, 0)),
            pl.BlockSpec((FEAT, 1), lambda p, i: (0, 0)),
        ],
        out_specs=pl.BlockSpec((_BLK, 1), lambda p, i: (i, 0)),
        out_shape=jax.ShapeDtypeStruct((N_PAD, 1), jnp.float32),
        scratch_shapes=[
            pltpu.VMEM((N_PAD, FEAT), jnp.float32),
            pltpu.VMEM((8, FEAT), jnp.float32),
        ],
    )(accp, hp, dinv, b1r, gammar, betar, W2)


def _fin_body(agg_ref, sp_ref, dinv_ref, b2_ref, out_ref):
    out_ref[...] = ((agg_ref[0] + agg_ref[1] + sp_ref[...]) * dinv_ref[...]
                    + b2_ref[...])


def _fin_kernel(agg3, sp, dinv, b2r):
    return pl.pallas_call(
        _fin_body,
        grid=(_NBLK,),
        in_specs=[
            pl.BlockSpec((NC, _BLK, 1), lambda i: (0, i, 0)),
            pl.BlockSpec((_BLK, 1), lambda i: (i, 0)),
            pl.BlockSpec((_BLK, 1), lambda i: (i, 0)),
            pl.BlockSpec((1, 1), lambda i: (0, 0)),
        ],
        out_specs=pl.BlockSpec((_BLK, 1), lambda i: (i, 0)),
        out_shape=jax.ShapeDtypeStruct((N_PAD, 1), jnp.float32),
    )(agg3, sp, dinv, b2r)


def kernel(x, edge_index, W1, b1, gamma, beta, W2, b2):
    ei = edge_index.astype(jnp.int32)
    epad = DUMMY + jnp.arange(E_PAD - N_EDGES, dtype=jnp.int32) % (
        N_PAD - N_NODES)
    src2 = jnp.concatenate([ei[0], epad]).reshape(E_PAD // CHUNK, CHUNK)
    dst2 = jnp.concatenate([ei[1], epad]).reshape(E_PAD // CHUNK, CHUNK)
    esd = jnp.stack([src2, dst2], axis=1)
    del src2, dst2
    degp = _deg_kernel(esd)
    hp, dinv = _mm1_kernel(x, W1, degp.reshape(NC, N_PAD, 1))
    accp = _agg_kernel(hp, esd)
    sp = _post_kernel(accp, hp, dinv, b1.reshape(1, FEAT),
                      gamma.reshape(1, FEAT), beta.reshape(1, FEAT),
                      W2)
    agg2 = _agg2_kernel(sp.reshape(N_PAD), esd)
    out2 = _fin_kernel(agg2.reshape(NC, N_PAD, 1), sp, dinv,
                       b2.reshape(1, 1))
    return out2[:N_NODES]

# --- scband reference (transcript-rebuilt; emitter-appended) ---
"""Pipeline reference for scband-segment-gnn-23304492548489 (READ-ONLY COPY).

The authoritative reference and input builder live on the scoring server;
editing this copy changes nothing except your own understanding.
"""

import jax, jax.numpy as jnp
import numpy as np

N_NODES = 10000
IN_FEAT = 128
HIDDEN = 128
N_EDGES = 320000


def gcn_conv(x, edge_index, W, b, num_nodes):
    # PyG GCNConv: add self-loops, symmetric normalization D^-1/2 (A+I) D^-1/2, linear transform, bias
    src = edge_index[0]
    dst = edge_index[1]
    loop = jnp.arange(num_nodes, dtype=edge_index.dtype)
    src = jnp.concatenate([src, loop])
    dst = jnp.concatenate([dst, loop])
    deg = jnp.zeros((num_nodes,), dtype=x.dtype).at[dst].add(1.0)
    dinv = jnp.where(deg > 0, 1.0 / jnp.sqrt(deg), 0.0)
    norm = dinv[src] * dinv[dst]
    h = x @ W  # [N, out]
    msg = h[src] * norm[:, None]
    out = jnp.zeros((num_nodes, W.shape[1]), dtype=x.dtype).at[dst].add(msg)
    return out + b


def batch_norm(x, gamma, beta, eps=1e-5):
    mean = jnp.mean(x, axis=0)
    var = jnp.var(x, axis=0)  # biased, as torch uses for normalization
    xhat = (x - mean) / jnp.sqrt(var + eps)
    return xhat * gamma + beta


def setup_inputs(seed: int = 0) -> dict:
    key = jax.random.key(seed)
    k1, k2, k3, k4 = jax.random.split(key, 4)
    x = jax.random.normal(k1, (N_NODES, IN_FEAT), dtype=jnp.float32)
    edge_index = jax.random.randint(k2, (2, N_EDGES), 0, N_NODES, dtype=jnp.int64)
    s1 = 1.0 / np.sqrt(IN_FEAT)
    W1 = jax.random.uniform(k3, (IN_FEAT, HIDDEN), dtype=jnp.float32, minval=-s1, maxval=s1)
    b1 = jnp.zeros((HIDDEN,), dtype=jnp.float32)
    gamma = jnp.ones((HIDDEN,), dtype=jnp.float32)
    beta = jnp.zeros((HIDDEN,), dtype=jnp.float32)
    s2 = 1.0 / np.sqrt(HIDDEN)
    W2 = jax.random.uniform(k4, (HIDDEN, 1), dtype=jnp.float32, minval=-s2, maxval=s2)
    b2 = jnp.zeros((1,), dtype=jnp.float32)
    return {"x": x, "edge_index": edge_index, "W1": W1, "b1": b1,
            "gamma": gamma, "beta": beta, "W2": W2, "b2": b2}


def reference(x, edge_index, W1, b1, gamma, beta, W2, b2):
    h = gcn_conv(x, edge_index, W1, b1, N_NODES)
    h = batch_norm(h, gamma, beta)
    h = jax.nn.relu(h)
    # dropout: identity (eval mode / deterministic reference)
    out = gcn_conv(h, edge_index, W2, b2, N_NODES)
    return out

if __name__ == "__main__":
    import jax
    _d = setup_inputs()
    print(jax.jit(kernel)(*tuple(_d.values())))

</pallas_src>

<mosaic_0001>
#map = affine_map<(d0, d1) -> (0)>
#map1 = affine_map<(d0, d1) -> (0, 0, 0)>
#map2 = affine_map<(d0, d1) -> (0, 0)>
module attributes {stable_mosaic.version = 14 : i64} {
  func.func @_agg2_body(%arg0: i32, %arg1: i32, %arg2: memref<10240xf32, #tpu.memory_space<hbm>>, %arg3: memref<2560x2x128xi32, #tpu.memory_space<hbm>>, %arg4: memref<2x10240xf32, #tpu.memory_space<hbm>>, %arg5: memref<80x2x128xi32, #tpu.memory_space<vmem>>, %arg6: memref<80x128xf32, #tpu.memory_space<vmem>>, %arg7: memref<10240xf32, #tpu.memory_space<vmem_shared>>, %arg8: memref<10240xf32, #tpu.memory_space<vmem_shared>>, %arg9: memref<640xf32, #tpu.memory_space<vmem>>, %arg10: memref<!tpu.dma_semaphore, #tpu.memory_space<semaphore_mem>>, %arg11: memref<!tpu.dma_semaphore, #tpu.memory_space<semaphore_mem>>) attributes {dimension_semantics = [#tpu.dimension_semantics<core_parallel>, #tpu.dimension_semantics<subcore_parallel>], iteration_bounds = array<i64: 2, 16>, scalar_prefetch = 0 : i64, scratch_operands = 7 : i64, tpu.core_type = #tpu.core_type<sc_vector_subcore>, window_params = [{transform_indices = #map}, {transform_indices = #map1}, {transform_indices = #map2}]} {
    %mul3A = arith.constant 16 : i32
    %mul3A_0 = arith.muli %arg0, %mul3A : i32
    %add3A = arith.addi %mul3A_0, %arg1 : i32
    %mul3A_1 = arith.constant 80 : i32
    %mul3A_2 = arith.muli %add3A, %mul3A_1 : i32
    "tpu.region"() ({
      %run_scoped3A = tpu.sem_alloc : memref<!tpu.dma_semaphore, #tpu.memory_space<semaphore_mem>>
      %dma_start3A_525 = arith.constant 0 : i32
      %dma_start3A_526 = arith.constant 0 : i32
      %dma_start3A_527 = tpu.memref_slice %arg3[%mul3A_2, %dma_start3A_525, %dma_start3A_526] : memref<2560x2x128xi32, #tpu.memory_space<hbm>> -> memref<80x2x128xi32, #tpu.memory_space<hbm>>
      %dma_start3A_528 = arith.constant 0 : i32
      %dma_start3A_529 = arith.constant 0 : i32
      %dma_start3A_530 = tpu.memref_slice %arg3[%mul3A_2, %dma_start3A_528, %dma_start3A_529] : memref<2560x2x128xi32, #tpu.memory_space<hbm>> -> memref<80x2x128xi32, #tpu.memory_space<hbm>>
      tpu.enqueue_dma source(%dma_start3A_530 : memref<80x2x128xi32, #tpu.memory_space<hbm>>) target(%arg5 : memref<80x2x128xi32, #tpu.memory_space<vmem>>) target_semaphore(%run_scoped3A : memref<!tpu.dma_semaphore, #tpu.memory_space<semaphore_mem>>)
      %dma_wait3A_531 = arith.constant 0 : i32
      %dma_wait3A_532 = arith.constant 0 : i32
      %dma_wait3A_533 = tpu.memref_slice %arg3[%mul3A_2, %dma_wait3A_531, %dma_wait3A_532] : memref<2560x2x128xi32, #tpu.memory_space<hbm>> -> memref<80x2x128xi32, #tpu.memory_space<hbm>>
      %dma_wait3A_534 = arith.constant 0 : i32
      %dma_wait3A_535 = arith.constant 0 : i32
      %dma_wait3A_536 = tpu.memref_slice %arg3[%mul3A_2, %dma_wait3A_534, %dma_wait3A_535] : memref<2560x2x128xi32, #tpu.memory_space<hbm>> -> memref<80x2x128xi32, #tpu.memory_space<hbm>>
      tpu.wait_dma2 semaphore(%run_scoped3A : memref<!tpu.dma_semaphore, #tpu.memory_space<semaphore_mem>>) src(%dma_wait3A_536 : memref<80x2x128xi32, #tpu.memory_space<hbm>>) dst(%arg5 : memref<80x2x128xi32, #tpu.memory_space<vmem>>)
      tpu.yield
    }) : () -> ()
    %broadcast_in_dim3A = arith.constant 0.000000e+00 : f32
    %broadcast_in_dim3A_3 = vector.broadcast %broadcast_in_dim3A : f32 to vector<16xf32>
    %swap3A = arith.constant 0 : index
    %swap3A_4 = tpu.vector_load %arg9[%swap3A] {strides = array<i32>} : memref<640xf32, #tpu.memory_space<vmem>>, vector<16xf32>,
    %swap3A_5 = vector.shape_cast %swap3A_4 : vector<16xf32> to vector<16xf32>
    %swap3A_6 = vector.shape_cast %broadcast_in_dim3A_3 : vector<16xf32> to vector<16xf32>
    tpu.vector_store %arg9[%swap3A], %swap3A_6 {strides = array<i32>} : memref<640xf32, #tpu.memory_space<vmem>>, vector<16xf32>,
    %broadcast_in_dim3A_7 = arith.constant 0.000000e+00 : f32
    %broadcast_in_dim3A_8 = vector.broadcast %broadcast_in_dim3A_7 : f32 to vector<16xf32>
    %swap3A_9 = arith.constant 16 : index
    %swap3A_10 = tpu.vector_load %arg9[%swap3A_9] {strides = array<i32>} : memref<640xf32, #tpu.memory_space<vmem>>, vector<16xf32>,
    %swap3A_11 = vector.shape_cast %swap3A_10 : vector<16xf32> to vector<16xf32>
    %swap3A_12 = vector.shape_cast %broadcast_in_dim3A_8 : vector<16xf32> to vector<16xf32>
    tpu.vector_store %arg9[%swap3A_9], %swap3A_12 {strides = array<i32>} : memref<640xf32, #tpu.memory_space<vmem>>, vector<16xf32>,
    %broadcast_in_dim3A_13 = arith.constant 0.000000e+00 : f32
    %broadcast_in_dim3A_14 = vector.broadcast %broadcast_in_dim3A_13 : f32 to vector<16xf32>
    %swap3A_15 = arith.constant 32 : index
    %swap3A_16 = tpu.vector_load %arg9[%swap3A_15] {strides = array<i32>} : memref<640xf32, #tpu.memory_space<vmem>>, vector<16xf32>,
    %swap3A_17 = vector.shape_cast %swap3A_16 : vector<16xf32> to vector<16xf32>
    %swap3A_18 = vector.shape_cast %broadcast_in_dim3A_14 : vector<16xf32> to vector<16xf32>
    tpu.vector_store %arg9[%swap3A_15], %swap3A_18 {strides = array<i32>} : memref<640xf32, #tpu.memory_space<vmem>>, vector<16xf32>,
    %broadcast_in_dim3A_19 = arith.constant 0.000000e+00 : f32
    %broadcast_in_dim3A_20 = vector.broadcast %broadcast_in_dim3A_19 : f32 to vector<16xf32>
    %swap3A_21 = arith.constant 48 : index
    %swap3A_22 = tpu.vector_load %arg9[%swap3A_21] {strides = array<i32>} : memref<640xf32, #tpu.memory_space<vmem>>, vector<16xf32>,
    %swap3A_23 = vector.shape_cast %swap3A_22 : vector<16xf32> to vector<16xf32>
    %swap3A_24 = vector.shape_cast %broadcast_in_dim3A_20 : vector<16xf32> to vector<16xf32>
    tpu.vector_store %arg9[%swap3A_21], %swap3A_24 {strides = array<i32>} : memref<640xf32, #tpu.memory_space<vmem>>, vector<16xf32>,
    %broadcast_in_dim3A_25 = arith.constant 0.000000e+00 : f32
    %broadcast_in_dim3A_26 = vector.broadcast %broadcast_in_dim3A_25 : f32 to vector<16xf32>
    %swap3A_27 = arith.constant 64 : index
    %swap3A_28 = tpu.vector_load %arg9[%swap3A_27] {strides = array<i32>} : memref<640xf32, #tpu.memory_space<vmem>>, vector<16xf32>,
    %swap3A_29 = vector.shape_cast %swap3A_28 : vector<16xf32> to vector<16xf32>
    %swap3A_30 = vector.shape_cast %broadcast_in_dim3A_26 : vector<16xf32> to vector<16xf32>
    tpu.vector_store %arg9[%swap3A_27], %swap3A_30 {strides = array<i32>} : memref<640xf32, #tpu.memory_space<vmem>>, vector<16xf32>,
    %broadcast_in_dim3A_31 = arith.constant 0.000000e+00 : f32
    %broadcast_in_dim3A_32 = vector.broadcast %broadcast_in_dim3A_31 : f32 to vector<16xf32>
    %swap3A_33 = arith.constant 80 : index
    %swap3A_34 = tpu.vector_load %arg9[%swap3A_33] {strides = array<i32>} : memref<640xf32, #tpu.memory_space<vmem>>, vector<16xf32>,
    %swap3A_35 = vector.shape_cast %swap3A_34 : vector<16xf32> to vector<16xf32>
    %swap3A_36 = vector.shape_cast %broadcast_in_dim3A_32 : vector<16xf32> to vector<16xf32>
    tpu.vector_store %arg9[%swap3A_33], %swap3A_36 {strides = array<i32>} : memref<640xf32, #tpu.memory_space<vmem>>, vector<16xf32>,
    %broadcast_in_dim3A_37 = arith.constant 0.000000e+00 : f32
    %broadcast_in_dim3A_38 = vector.broadcast %broadcast_in_dim3A_37 : f32 to vector<16xf32>
    %swap3A_39 = arith.constant 96 : index
    %swap3A_40 = tpu.vector_load %arg9[%swap3A_39] {strides = array<i32>} : memref<640xf32, #tpu.memory_space<vmem>>, vector<16xf32>,
    %swap3A_41 = vector.shape_cast %swap3A_40 : vector<16xf32> to vector<16xf32>
    %swap3A_42 = vector.shape_cast %broadcast_in_dim3A_38 : vector<16xf32> to vector<16xf32>
    tpu.vector_store %arg9[%swap3A_39], %swap3A_42 {strides = array<i32>} : memref<640xf32, #tpu.memory_space<vmem>>, vector<16xf32>,
    %broadcast_in_dim3A_43 = arith.constant 0.000000e+00 : f32
    %broadcast_in_dim3A_44 = vector.broadcast %broadcast_in_dim3A_43 : f32 to vector<16xf32>
    %swap3A_45 = arith.constant 112 : index
    %swap3A_46 = tpu.vector_load %arg9[%swap3A_45] {strides = array<i32>} : memref<640xf32, #tpu.memory_space<vmem>>, vector<16xf32>,
    %swap3A_47 = vector.shape_cast %swap3A_46 : vector<16xf32> to vector<16xf32>
    %swap3A_48 = vector.shape_cast %broadcast_in_dim3A_44 : vector<16xf32> to vector<16xf32>
    tpu.vector_store %arg9[%swap3A_45], %swap3A_48 {strides = array<i32>} : memref<640xf32, #tpu.memory_space<vmem>>, vector<16xf32>,
    %broadcast_in_dim3A_49 = arith.constant 0.000000e+00 : f32
    %broadcast_in_dim3A_50 = vector.broadcast %broadcast_in_dim3A_49 : f32 to vector<16xf32>
    %swap3A_51 = arith.constant 128 : index
    %swap3A_52 = tpu.vector_load %arg9[%swap3A_51] {strides = array<i32>} : memref<640xf32, #tpu.memory_space<vmem>>, vector<16xf32>,
    %swap3A_53 = vector.shape_cast %swap3A_52 : vector<16xf32> to vector<16xf32>
    %swap3A_54 = vector.shape_cast %broadcast_in_dim3A_50 : vector<16xf32> to vector<16xf32>
    tpu.vector_store %arg9[%swap3A_51], %swap3A_54 {strides = array<i32>} : memref<640xf32, #tpu.memory_space<vmem>>, vector<16xf32>,
    %broadcast_in_dim3A_55 = arith.constant 0.000000e+00 : f32
    %broadcast_in_dim3A_56 = vector.broadcast %broadcast_in_dim3A_55 : f32 to vector<16xf32>
    %swap3A_57 = arith.constant 144 : index
    %swap3A_58 = tpu.vector_load %arg9[%swap3A_57] {strides = array<i32>} : memref<640xf32, #tpu.memory_space<vmem>>, vector<16xf32>,
    %swap3A_59 = vector.shape_cast %swap3A_58 : vector<16xf32> to vector<16xf32>
    %swap3A_60 = vector.shape_cast %broadcast_in_dim3A_56 : vector<16xf32> to vector<16xf32>
    tpu.vector_store %arg9[%swap3A_57], %swap3A_60 {strides = array<i32>} : memref<640xf32, #tpu.memory_space<vmem>>, vector<16xf32>,
    %broadcast_in_dim3A_61 = arith.constant 0.000000e+00 : f32
    %broadcast_in_dim3A_62 = vector.broadcast %broadcast_in_dim3A_61 : f32 to vector<16xf32>
    %swap3A_63 = arith.constant 160 : index
    %swap3A_64 = tpu.vector_load %arg9[%swap3A_63] {strides = array<i32>} : memref<640xf32, #tpu.memory_space<vmem>>, vector<16xf32>,
    %swap3A_65 = vector.shape_cast %swap3A_64 : vector<16xf32> to vector<16xf32>
    %swap3A_66 = vector.shape_cast %broadcast_in_dim3A_62 : vector<16xf32> to vector<16xf32>
    tpu.vector_store %arg9[%swap3A_63], %swap3A_66 {strides = array<i32>} : memref<640xf32, #tpu.memory_space<vmem>>, vector<16xf32>,
    %broadcast_in_dim3A_67 = arith.constant 0.000000e+00 : f32
    %broadcast_in_dim3A_68 = vector.broadcast %broadcast_in_dim3A_67 : f32 to vector<16xf32>
    %swap3A_69 = arith.constant 176 : index
    %swap3A_70 = tpu.vector_load %arg9[%swap3A_69] {strides = array<i32>} : memref<640xf32, #tpu.memory_space<vmem>>, vector<16xf32>,
    %swap3A_71 = vector.shape_cast %swap3A_70 : vector<16xf32> to vector<16xf32>
    %swap3A_72 = vector.shape_cast %broadcast_in_dim3A_68 : vector<16xf32> to vector<16xf32>
    tpu.vector_store %arg9[%swap3A_69], %swap3A_72 {strides = array<i32>} : memref<640xf32, #tpu.memory_space<vmem>>, vector<16xf32>,
    %broadcast_in_dim3A_73 = arith.constant 0.000000e+00 : f32
    %broadcast_in_dim3A_74 = vector.broadcast %broadcast_in_dim3A_73 : f32 to vector<16xf32>
    %swap3A_75 = arith.constant 192 : index
    %swap3A_76 = tpu.vector_load %arg9[%swap3A_75] {strides = array<i32>} : memref<640xf32, #tpu.memory_space<vmem>>, vector<16xf32>,
    %swap3A_77 = vector.shape_cast %swap3A_76 : vector<16xf32> to vector<16xf32>
    %swap3A_78 = vector.shape_cast %broadcast_in_dim3A_74 : vector<16xf32> to vector<16xf32>
    tpu.vector_store %arg9[%swap3A_75], %swap3A_78 {strides = array<i32>} : memref<640xf32, #tpu.memory_space<vmem>>, vector<16xf32>,
    %broadcast_in_dim3A_79 = arith.constant 0.000000e+00 : f32
    %broadcast_in_dim3A_80 = vector.broadcast %broadcast_in_dim3A_79 : f32 to vector<16xf32>
    %swap3A_81 = arith.constant 208 : index
    %swap3A_82 = tpu.vector_load %arg9[%swap3A_81] {strides = array<i32>} : memref<640xf32, #tpu.memory_space<vmem>>, vector<16xf32>,
    %swap3A_83 = vector.shape_cast %swap3A_82 : vector<16xf32> to vector<16xf32>
    %swap3A_84 = vector.shape_cast %broadcast_in_dim3A_80 : vector<16xf32> to vector<16xf32>
    tpu.vector_store %arg9[%swap3A_81], %swap3A_84 {strides = array<i32>} : memref<640xf32, #tpu.memory_space<vmem>>, vector<16xf32>,
    %broadcast_in_dim3A_85 = arith.constant 0.000000e+00 : f32
    %broadcast_in_dim3A_86 = vector.broadcast %broadcast_in_dim3A_85 : f32 to vector<16xf32>
    %swap3A_87 = arith.constant 224 : index
    %swap3A_88 = tpu.vector_load %arg9[%swap3A_87] {strides = array<i32>} : memref<640xf32, #tpu.memory_space<vmem>>, vector<16xf32>,
    %swap3A_89 = vector.shape_cast %swap3A_88 : vector<16xf32> to vector<16xf32>
    %swap3A_90 = vector.shape_cast %broadcast_in_dim3A_86 : vector<16xf32> to vector<16xf32>
    tpu.vector_store %arg9[%swap3A_87], %swap3A_90 {strides = array<i32>} : memref<640xf32, #tpu.memory_space<vmem>>, vector<16xf32>,
    %broadcast_in_dim3A_91 = arith.constant 0.000000e+00 : f32
    %broadcast_in_dim3A_92 = vector.broadcast %broadcast_in_dim3A_91 : f32 to vector<16xf32>
    %swap3A_93 = arith.constant 240 : index
    %swap3A_94 = tpu.vector_load %arg9[%swap3A_93] {strides = array<i32>} : memref<640xf32, #tpu.memory_space<vmem>>, vector<16xf32>,
    %swap3A_95 = vector.shape_cast %swap3A_94 : vector<16xf32> to vector<16xf32>
    %swap3A_96 = vector.shape_cast %broadcast_in_dim3A_92 : vector<16xf32> to vector<16xf32>
    tpu.vector_store %arg9[%swap3A_93], %swap3A_96 {strides = array<i32>} : memref<640xf32, #tpu.memory_space<vmem>>, vector<16xf32>,
    %broadcast_in_dim3A_97 = arith.constant 0.000000e+00 : f32
    %broadcast_in_dim3A_98 = vector.broadcast %broadcast_in_dim3A_97 : f32 to vector<16xf32>
    %swap3A_99 = arith.constant 256 : index
    %swap3A_100 = tpu.vector_load %arg9[%swap3A_99] {strides = array<i32>} : memref<640xf32, #tpu.memory_space<vmem>>, vector<16xf32>,
    %swap3A_101 = vector.shape_cast %swap3A_100 : vector<16xf32> to vector<16xf32>
    %swap3A_102 = vector.shape_cast %broadcast_in_dim3A_98 : vector<16xf32> to vector<16xf32>
    tpu.vector_store %arg9[%swap3A_99], %swap3A_102 {strides = array<i32>} : memref<640xf32, #tpu.memory_space<vmem>>, vector<16xf32>,
    %broadcast_in_dim3A_103 = arith.constant 0.000000e+00 : f32
    %broadcast_in_dim3A_104 = vector.broadcast %broadcast_in_dim3A_103 : f32 to vector<16xf32>
    %swap3A_105 = arith.constant 272 : index
    %swap3A_106 = tpu.vector_load %arg9[%swap3A_105] {strides = array<i32>} : memref<640xf32, #tpu.memory_space<vmem>>, vector<16xf32>,
    %swap3A_107 = vector.shape_cast %swap3A_106 : vector<16xf32> to vector<16xf32>
    %swap3A_108 = vector.shape_cast %broadcast_in_dim3A_104 : vector<16xf32> to vector<16xf32>
    tpu.vector_store %arg9[%swap3A_105], %swap3A_108 {strides = array<i32>} : memref<640xf32, #tpu.memory_space<vmem>>, vector<16xf32>,
    %broadcast_in_dim3A_109 = arith.constant 0.000000e+00 : f32
    %broadcast_in_dim3A_110 = vector.broadcast %broadcast_in_dim3A_109 : f32 to vector<16xf32>
    %swap3A_111 = arith.constant 288 : index
    %swap3A_112 = tpu.vector_load %arg9[%swap3A_111] {strides = array<i32>} : memref<640xf32, #tpu.memory_space<vmem>>, vector<16xf32>,
    %swap3A_113 = vector.shape_cast %swap3A_112 : vector<16xf32> to vector<16xf32>
    %swap3A_114 = vector.shape_cast %broadcast_in_dim3A_110 : vector<16xf32> to vector<16xf32>
    tpu.vector_store %arg9[%swap3A_111], %swap3A_114 {strides = array<i32>} : memref<640xf32, #tpu.memory_space<vmem>>, vector<16xf32>,
    %broadcast_in_dim3A_115 = arith.constant 0.000000e+00 : f32
    %broadcast_in_dim3A_116 = vector.broadcast %broadcast_in_dim3A_115 : f32 to vector<16xf32>
    %swap3A_117 = arith.constant 304 : index
    %swap3A_118 = tpu.vector_load %arg9[%swap3A_117] {strides = array<i32>} : memref<640xf32, #tpu.memory_space<vmem>>, vector<16xf32>,
    %swap3A_119 = vector.shape_cast %swap3A_118 : vector<16xf32> to vector<16xf32>
    %swap3A_120 = vector.shape_cast %broadcast_in_dim3A_116 : vector<16xf32> to vector<16xf32>
    tpu.vector_store %arg9[%swap3A_117], %swap3A_120 {strides = array<i32>} : memref<640xf32, #tpu.memory_space<vmem>>, vector<16xf32>,
    %broadcast_in_dim3A_121 = arith.constant 0.000000e+00 : f32
    %broadcast_in_dim3A_122 = vector.broadcast %broadcast_in_dim3A_121 : f32 to vector<16xf32>
    %swap3A_123 = arith.constant 320 : index
    %swap3A_124 = tpu.vector_load %arg9[%swap3A_123] {strides = array<i32>} : memref<640xf32, #tpu.memory_space<vmem>>, vector<16xf32>,
    %swap3A_125 = vector.shape_cast %swap3A_124 : vector<16xf32> to vector<16xf32>
    %swap3A_126 = vector.shape_cast %broadcast_in_dim3A_122 : vector<16xf32> to vector<16xf32>
    tpu.vector_store %arg9[%swap3A_123], %swap3A_126 {strides = array<i32>} : memref<640xf32, #tpu.memory_space<vmem>>, vector<16xf32>,
    %broadcast_in_dim3A_127 = arith.constant 0.000000e+00 : f32
    %broadcast_in_dim3A_128 = vector.broadcast %broadcast_in_dim3A_127 : f32 to vector<16xf32>
    %swap3A_129 = arith.constant 336 : index
    %swap3A_130 = tpu.vector_load %arg9[%swap3A_129] {strides = array<i32>} : memref<640xf32, #tpu.memory_space<vmem>>, vector<16xf32>,
    %swap3A_131 = vector.shape_cast %swap3A_130 : vector<16xf32> to vector<16xf32>
    %swap3A_132 = vector.shape_cast %broadcast_in_dim3A_128 : vector<16xf32> to vector<16xf32>
    tpu.vector_store %arg9[%swap3A_129], %swap3A_132 {strides = array<i32>} : memref<640xf32, #tpu.memory_space<vmem>>, vector<16xf32>,
    %broadcast_in_dim3A_133 = arith.constant 0.000000e+00 : f32
    %broadcast_in_dim3A_134 = vector.broadcast %broadcast_in_dim3A_133 : f32 to vector<16xf32>
    %swap3A_135 = arith.constant 352 : index
    %swap3A_136 = tpu.vector_load %arg9[%swap3A_135] {strides = array<i32>} : memref<640xf32, #tpu.memory_space<vmem>>, vector<16xf32>,
    %swap3A_137 = vector.shape_cast %swap3A_136 : vector<16xf32> to vector<16xf32>
    %swap3A_138 = vector.shape_cast %broadcast_in_dim3A_134 : vector<16xf32> to vector<16xf32>
    tpu.vector_store %arg9[%swap3A_135], %swap3A_138 {strides = array<i32>} : memref<640xf32, #tpu.memory_space<vmem>>, vector<16xf32>,
    %broadcast_in_dim3A_139 = arith.constant 0.000000e+00 : f32
    %broadcast_in_dim3A_140 = vector.broadcast %broadcast_in_dim3A_139 : f32 to vector<16xf32>
    %swap3A_141 = arith.constant 368 : index
    %swap3A_142 = tpu.vector_load %arg9[%swap3A_141] {strides = array<i32>} : memref<640xf32, #tpu.memory_space<vmem>>, vector<16xf32>,
    %swap3A_143 = vector.shape_cast %swap3A_142 : vector<16xf32> to vector<16xf32>
    %swap3A_144 = vector.shape_cast %broadcast_in_dim3A_140 : vector<16xf32> to vector<16xf32>
    tpu.vector_store %arg9[%swap3A_141], %swap3A_144 {strides = array<i32>} : memref<640xf32, #tpu.memory_space<vmem>>, vector<16xf32>,
    %broadcast_in_dim3A_145 = arith.constant 0.000000e+00 : f32
    %broadcast_in_dim3A_146 = vector.broadcast %broadcast_in_dim3A_145 : f32 to vector<16xf32>
    %swap3A_147 = arith.constant 384 : index
    %swap3A_148 = tpu.vector_load %arg9[%swap3A_147] {strides = array<i32>} : memref<640xf32, #tpu.memory_space<vmem>>, vector<16xf32>,
    %swap3A_149 = vector.shape_cast %swap3A_148 : vector<16xf32> to vector<16xf32>
    %swap3A_150 = vector.shape_cast %broadcast_in_dim3A_146 : vector<16xf32> to vector<16xf32>
    tpu.vector_store %arg9[%swap3A_147], %swap3A_150 {strides = array<i32>} : memref<640xf32, #tpu.memory_space<vmem>>, vector<16xf32>,
    %broadcast_in_dim3A_151 = arith.constant 0.000000e+00 : f32
    %broadcast_in_dim3A_152 = vector.broadcast %broadcast_in_dim3A_151 : f32 to vector<16xf32>
    %swap3A_153 = arith.constant 400 : index
    %swap3A_154 = tpu.vector_load %arg9[%swap3A_153] {strides = array<i32>} : memref<640xf32, #tpu.memory_space<vmem>>, vector<16xf32>,
    %swap3A_155 = vector.shape_cast %swap3A_154 : vector<16xf32> to vector<16xf32>
    %swap3A_156 = vector.shape_cast %broadcast_in_dim3A_152 : vector<16xf32> to vector<16xf32>
    tpu.vector_store %arg9[%swap3A_153], %swap3A_156 {strides = array<i32>} : memref<640xf32, #tpu.memory_space<vmem>>, vector<16xf32>,
    %broadcast_in_dim3A_157 = arith.constant 0.000000e+00 : f32
    %broadcast_in_dim3A_158 = vector.broadcast %broadcast_in_dim3A_157 : f32 to vector<16xf32>
    %swap3A_159 = arith.constant 416 : index
    %swap3A_160 = tpu.vector_load %arg9[%swap3A_159] {strides = array<i32>} : memref<640xf32, #tpu.memory_space<vmem>>, vector<16xf32>,
    %swap3A_161 = vector.shape_cast %swap3A_160 : vector<16xf32> to vector<16xf32>
    %swap3A_162 = vector.shape_cast %broadcast_in_dim3A_158 : vector<16xf32> to vector<16xf32>
    tpu.vector_store %arg9[%swap3A_159], %swap3A_162 {strides = array<i32>} : memref<640xf32, #tpu.memory_space<vmem>>, vector<16xf32>,
    %broadcast_in_dim3A_163 = arith.constant 0.000000e+00 : f32
    %broadcast_in_dim3A_164 = vector.broadcast %broadcast_in_dim3A_163 : f32 to vector<16xf32>
    %swap3A_165 = arith.constant 432 : index
    %swap3A_166 = tpu.vector_load %arg9[%swap3A_165] {strides = array<i32>} : memref<640xf32, #tpu.memory_space<vmem>>, vector<16xf32>,
    %swap3A_167 = vector.shape_cast %swap3A_166 : vector<16xf32> to vector<16xf32>
    %swap3A_168 = vector.shape_cast %broadcast_in_dim3A_164 : vector<16xf32> to vector<16xf32>
    tpu.vector_store %arg9[%swap3A_165], %swap3A_168 {strides = array<i32>} : memref<640xf32, #tpu.memory_space<vmem>>, vector<16xf32>,
    %broadcast_in_dim3A_169 = arith.constant 0.000000e+00 : f32
    %broadcast_in_dim3A_170 = vector.broadcast %broadcast_in_dim3A_169 : f32 to vector<16xf32>
    %swap3A_171 = arith.constant 448 : index
    %swap3A_172 = tpu.vector_load %arg9[%swap3A_171] {strides = array<i32>} : memref<640xf32, #tpu.memory_space<vmem>>, vector<16xf32>,
    %swap3A_173 = vector.shape_cast %swap3A_172 : vector<16xf32> to vector<16xf32>
    %swap3A_174 = vector.shape_cast %broadcast_in_dim3A_170 : vector<16xf32> to vector<16xf32>
    tpu.vector_store %arg9[%swap3A_171], %swap3A_174 {strides = array<i32>} : memref<640xf32, #tpu.memory_space<vmem>>, vector<16xf32>,
    %broadcast_in_dim3A_175 = arith.constant 0.000000e+00 : f32
    %broadcast_in_dim3A_176 = vector.broadcast %broadcast_in_dim3A_175 : f32 to vector<16xf32>
    %swap3A_177 = arith.constant 464 : index
    %swap3A_178 = tpu.vector_load %arg9[%swap3A_177] {strides = array<i32>} : memref<640xf32, #tpu.memory_space<vmem>>, vector<16xf32>,
    %swap3A_179 = vector.shape_cast %swap3A_178 : vector<16xf32> to vector<16xf32>
    %swap3A_180 = vector.shape_cast %broadcast_in_dim3A_176 : vector<16xf32> to vector<16xf32>
    tpu.vector_store %arg9[%swap3A_177], %swap3A_180 {strides = array<i32>} : memref<640xf32, #tpu.memory_space<vmem>>, vector<16xf32>,
    %broadcast_in_dim3A_181 = arith.constant 0.000000e+00 : f32
    %broadcast_in_dim3A_182 = vector.broadcast %broadcast_in_dim3A_181 : f32 to vector<16xf32>
    %swap3A_183 = arith.constant 480 : index
    %swap3A_184 = tpu.vector_load %arg9[%swap3A_183] {strides = array<i32>} : memref<640xf32, #tpu.memory_space<vmem>>, vector<16xf32>,
    %swap3A_185 = vector.shape_cast %swap3A_184 : vector<16xf32> to vector<16xf32>
    %swap3A_186 = vector.shape_cast %broadcast_in_dim3A_182 : vector<16xf32> to vector<16xf32>
    tpu.vector_store %arg9[%swap3A_183], %swap3A_186 {strides = array<i32>} : memref<640xf32, #tpu.memory_space<vmem>>, vector<16xf32>,
    %broadcast_in_dim3A_187 = arith.constant 0.000000e+00 : f32
    %broadcast_in_dim3A_188 = vector.broadcast %broadcast_in_dim3A_187 : f32 to vector<16xf32>
    %swap3A_189 = arith.constant 496 : index
    %swap3A_190 = tpu.vector_load %arg9[%swap3A_189] {strides = array<i32>} : memref<640xf32, #tpu.memory_space<vmem>>, vector<16xf32>,
    %swap3A_191 = vector.shape_cast %swap3A_190 : vector<16xf32> to vector<16xf32>
    %swap3A_192 = vector.shape_cast %broadcast_in_dim3A_188 : vector<16xf32> to vector<16xf32>
    tpu.vector_store %arg9[%swap3A_189], %swap3A_192 {strides = array<i32>} : memref<640xf32, #tpu.memory_space<vmem>>, vector<16xf32>,
    %broadcast_in_dim3A_193 = arith.constant 0.000000e+00 : f32
    %broadcast_in_dim3A_194 = vector.broadcast %broadcast_in_dim3A_193 : f32 to vector<16xf32>
    %swap3A_195 = arith.constant 512 : index
    %swap3A_196 = tpu.vector_load %arg9[%swap3A_195] {strides = array<i32>} : memref<640xf32, #tpu.memory_space<vmem>>, vector<16xf32>,
    %swap3A_197 = vector.shape_cast %swap3A_196 : vector<16xf32> to vector<16xf32>
    %swap3A_198 = vector.shape_cast %broadcast_in_dim3A_194 : vector<16xf32> to vector<16xf32>
    tpu.vector_store %arg9[%swap3A_195], %swap3A_198 {strides = array<i32>} : memref<640xf32, #tpu.memory_space<vmem>>, vector<16xf32>,
    %broadcast_in_dim3A_199 = arith.constant 0.000000e+00 : f32
    %broadcast_in_dim3A_200 = vector.broadcast %broadcast_in_dim3A_199 : f32 to vector<16xf32>
    %swap3A_201 = arith.constant 528 : index
    %swap3A_202 = tpu.vector_load %arg9[%swap3A_201] {strides = array<i32>} : memref<640xf32, #tpu.memory_space<vmem>>, vector<16xf32>,
    %swap3A_203 = vector.shape_cast %swap3A_202 : vector<16xf32> to vector<16xf32>
    %swap3A_204 = vector.shape_cast %broadcast_in_dim3A_200 : vector<16xf32> to vector<16xf32>
    tpu.vector_store %arg9[%swap3A_201], %swap3A_204 {strides = array<i32>} : memref<640xf32, #tpu.memory_space<vmem>>, vector<16xf32>,
    %broadcast_in_dim3A_205 = arith.constant 0.000000e+00 : f32
    %broadcast_in_dim3A_206 = vector.broadcast %broadcast_in_dim3A_205 : f32 to vector<16xf32>
    %swap3A_207 = arith.constant 544 : index
    %swap3A_208 = tpu.vector_load %arg9[%swap3A_207] {strides = array<i32>} : memref<640xf32, #tpu.memory_space<vmem>>, vector<16xf32>,
    %swap3A_209 = vector.shape_cast %swap3A_208 : vector<16xf32> to vector<16xf32>
    %swap3A_210 = vector.shape_cast %broadcast_in_dim3A_206 : vector<16xf32> to vector<16xf32>
    tpu.vector_store %arg9[%swap3A_207], %swap3A_210 {strides = array<i32>} : memref<640xf32, #tpu.memory_space<vmem>>, vector<16xf32>,
    %broadcast_in_dim3A_211 = arith.constant 0.000000e+00 : f32
    %broadcast_in_dim3A_212 = vector.broadcast %broadcast_in_dim3A_211 : f32 to vector<16xf32>
    %swap3A_213 = arith.constant 560 : index
    %swap3A_214 = tpu.vector_load %arg9[%swap3A_213] {strides = array<i32>} : memref<640xf32, #tpu.memory_space<vmem>>, vector<16xf32>,
    %swap3A_215 = vector.shape_cast %swap3A_214 : vector<16xf32> to vector<16xf32>
    %swap3A_216 = vector.shape_cast %broadcast_in_dim3A_212 : vector<16xf32> to vector<16xf32>
    tpu.vector_store %arg9[%swap3A_213], %swap3A_216 {strides = array<i32>} : memref<640xf32, #tpu.memory_space<vmem>>, vector<16xf32>,
    %broadcast_in_dim3A_217 = arith.constant 0.000000e+00 : f32
    %broadcast_in_dim3A_218 = vector.broadcast %broadcast_in_dim3A_217 : f32 to vector<16xf32>
    %swap3A_219 = arith.constant 576 : index
    %swap3A_220 = tpu.vector_load %arg9[%swap3A_219] {strides = array<i32>} : memref<640xf32, #tpu.memory_space<vmem>>, vector<16xf32>,
    %swap3A_221 = vector.shape_cast %swap3A_220 : vector<16xf32> to vector<16xf32>
    %swap3A_222 = vector.shape_cast %broadcast_in_dim3A_218 : vector<16xf32> to vector<16xf32>
    tpu.vector_store %arg9[%swap3A_219], %swap3A_222 {strides = array<i32>} : memref<640xf32, #tpu.memory_space<vmem>>, vector<16xf32>,
    %broadcast_in_dim3A_223 = arith.constant 0.000000e+00 : f32
    %broadcast_in_dim3A_224 = vector.broadcast %broadcast_in_dim3A_223 : f32 to vector<16xf32>
    %swap3A_225 = arith.constant 592 : index
    %swap3A_226 = tpu.vector_load %arg9[%swap3A_225] {strides = array<i32>} : memref<640xf32, #tpu.memory_space<vmem>>, vector<16xf32>,
    %swap3A_227 = vector.shape_cast %swap3A_226 : vector<16xf32> to vector<16xf32>
    %swap3A_228 = vector.shape_cast %broadcast_in_dim3A_224 : vector<16xf32> to vector<16xf32>
    tpu.vector_store %arg9[%swap3A_225], %swap3A_228 {strides = array<i32>} : memref<640xf32, #tpu.memory_space<vmem>>, vector<16xf32>,
    %broadcast_in_dim3A_229 = arith.constant 0.000000e+00 : f32
    %broadcast_in_dim3A_230 = vector.broadcast %broadcast_in_dim3A_229 : f32 to vector<16xf32>
    %swap3A_231 = arith.constant 608 : index
    %swap3A_232 = tpu.vector_load %arg9[%swap3A_231] {strides = array<i32>} : memref<640xf32, #tpu.memory_space<vmem>>, vector<16xf32>,
    %swap3A_233 = vector.shape_cast %swap3A_232 : vector<16xf32> to vector<16xf32>
    %swap3A_234 = vector.shape_cast %broadcast_in_dim3A_230 : vector<16xf32> to vector<16xf32>
    tpu.vector_store %arg9[%swap3A_231], %swap3A_234 {strides = array<i32>} : memref<640xf32, #tpu.memory_space<vmem>>, vector<16xf32>,
    %broadcast_in_dim3A_235 = arith.constant 0.000000e+00 : f32
    %broadcast_in_dim3A_236 = vector.broadcast %broadcast_in_dim3A_235 : f32 to vector<16xf32>
    %swap3A_237 = arith.constant 624 : index
    %swap3A_238 = tpu.vector_load %arg9[%swap3A_237] {strides = array<i32>} : memref<640xf32, #tpu.memory_space<vmem>>, vector<16xf32>,
    %swap3A_239 = vector.shape_cast %swap3A_238 : vector<16xf32> to vector<16xf32>
    %swap3A_240 = vector.shape_cast %broadcast_in_dim3A_236 : vector<16xf32> to vector<16xf32>
    tpu.vector_store %arg9[%swap3A_237], %swap3A_240 {strides = array<i32>} : memref<640xf32, #tpu.memory_space<vmem>>, vector<16xf32>,
    %mul3A_241 = arith.constant 640 : i32
    %mul3A_242 = arith.muli %arg1, %mul3A_241 : i32
    "tpu.region"() ({
      %run_scoped3A = tpu.sem_alloc : memref<!tpu.dma_semaphore, #tpu.memory_space<semaphore_mem>>
      %dma_start3A_525 = tpu.memref_slice %arg7[%mul3A_242] : memref<10240xf32, #tpu.memory_space<vmem_shared>> -> memref<640xf32, #tpu.memory_space<vmem_shared>>
      %dma_start3A_526 = tpu.memref_slice %arg7[%mul3A_242] : memref<10240xf32, #tpu.memory_space<vmem_shared>> -> memref<640xf32, #tpu.memory_space<vmem_shared>>
      tpu.enqueue_dma source(%arg9 : memref<640xf32, #tpu.memory_space<vmem>>) target(%dma_start3A_526 : memref<640xf32, #tpu.memory_space<vmem_shared>>) target_semaphore(%run_scoped3A : memref<!tpu.dma_semaphore, #tpu.memory_space<semaphore_mem>>)
      %dma_wait3A_527 = tpu.memref_slice %arg7[%mul3A_242] : memref<10240xf32, #tpu.memory_space<vmem_shared>> -> memref<640xf32, #tpu.memory_space<vmem_shared>>
      %dma_wait3A_528 = tpu.memref_slice %arg7[%mul3A_242] : memref<10240xf32, #tpu.memory_space<vmem_shared>> -> memref<640xf32, #tpu.memory_space<vmem_shared>>
      tpu.wait_dma2 semaphore(%run_scoped3A : memref<!tpu.dma_semaphore, #tpu.memory_space<semaphore_mem>>) src(%arg9 : memref<640xf32, #tpu.memory_space<vmem>>) dst(%dma_wait3A_528 : memref<640xf32, #tpu.memory_space<vmem_shared>>)
      tpu.yield
    }) : () -> ()
    %mul3A_243 = arith.constant 640 : i32
    %mul3A_244 = arith.muli %arg1, %mul3A_243 : i32
    %mul3A_245 = arith.constant 640 : i32
    %mul3A_246 = arith.muli %arg1, %mul3A_245 : i32
    "tpu.region"() ({
      %run_scoped3A = tpu.sem_alloc : memref<!tpu.dma_semaphore, #tpu.memory_space<semaphore_mem>>
      %dma_start3A_525 = tpu.memref_slice %arg8[%mul3A_246] : memref<10240xf32, #tpu.memory_space<vmem_shared>> -> memref<640xf32, #tpu.memory_space<vmem_shared>>
      %dma_start3A_526 = tpu.memref_slice %arg2[%mul3A_244] : memref<10240xf32, #tpu.memory_space<hbm>> -> memref<640xf32, #tpu.memory_space<hbm>>
      tpu.enqueue_dma source(%dma_start3A_526 : memref<640xf32, #tpu.memory_space<hbm>>) target(%dma_start3A_525 : memref<640xf32, #tpu.memory_space<vmem_shared>>) target_semaphore(%run_scoped3A : memref<!tpu.dma_semaphore, #tpu.memory_space<semaphore_mem>>)
      %dma_wait3A_527 = tpu.memref_slice %arg8[%mul3A_246] : memref<10240xf32, #tpu.memory_space<vmem_shared>> -> memref<640xf32, #tpu.memory_space<vmem_shared>>
      %dma_wait3A_528 = tpu.memref_slice %arg2[%mul3A_244] : memref<10240xf32, #tpu.memory_space<hbm>> -> memref<640xf32, #tpu.memory_space<hbm>>
      tpu.wait_dma2 semaphore(%run_scoped3A : memref<!tpu.dma_semaphore, #tpu.memory_space<semaphore_mem>>) src(%dma_wait3A_528 : memref<640xf32, #tpu.memory_space<hbm>>) dst(%dma_wait3A_527 : memref<640xf32, #tpu.memory_space<vmem_shared>>)
      tpu.yield
    }) : () -> ()
    %barrier3A = arith.constant 0 : index
    tpu.barrier barrier_id(%barrier3A)
    %dma_start3A = arith.constant 0 : i32
    %dma_start3A_247 = arith.constant 0 : i32
    %dma_start3A_248 = arith.constant 0 : i32
    %dma_start3A_249 = arith.constant 0 : i32
    %dma_start3A_250 = tpu.memref_slice %arg6[%dma_start3A_248, %dma_start3A_249] : memref<80x128xf32, #tpu.memory_space<vmem>> -> memref<1x128xf32, #tpu.memory_space<vmem>>
    %dma_start3A_251 = tpu.memref_squeeze %dma_start3A_250 : memref<1x128xf32, #tpu.memory_space<vmem>> -> memref<128xf32, #tpu.memory_space<vmem>>
    %dma_start3A_252 = arith.constant 0 : i32
    %dma_start3A_253 = tpu.memref_slice %arg5[%dma_start3A, %dma_start3A_247, %dma_start3A_252] : memref<80x2x128xi32, #tpu.memory_space<vmem>> -> memref<1x1x128xi32, #tpu.memory_space<vmem>>
    %dma_start3A_254 = tpu.memref_squeeze %dma_start3A_253 : memref<1x1x128xi32, #tpu.memory_space<vmem>> -> memref<128xi32, #tpu.memory_space<vmem>>
    %dma_start3A_255 = arith.constant 0 : i32
    %dma_start3A_256 = tpu.memref_slice %arg8[%dma_start3A_255] : memref<10240xf32, #tpu.memory_space<vmem_shared>> -> memref<10240xf32, #tpu.memory_space<vmem_shared>>
    tpu.enqueue_indirect_dma source(%dma_start3A_256 : memref<10240xf32, #tpu.memory_space<vmem_shared>>) target(%dma_start3A_251 : memref<128xf32, #tpu.memory_space<vmem>>) offsets(%dma_start3A_254 : memref<128xi32, #tpu.memory_space<vmem>>) semaphore(%arg10 : memref<!tpu.dma_semaphore, #tpu.memory_space<semaphore_mem>>)
    %dma_start3A_257 = arith.constant 1 : i32
    %dma_start3A_258 = arith.constant 0 : i32
    %dma_start3A_259 = arith.constant 1 : i32
    %dma_start3A_260 = arith.constant 0 : i32
    %dma_start3A_261 = tpu.memref_slice %arg6[%dma_start3A_259, %dma_start3A_260] : memref<80x128xf32, #tpu.memory_space<vmem>> -> memref<1x128xf32, #tpu.memory_space<vmem>>
    %dma_start3A_262 = tpu.memref_squeeze %dma_start3A_261 : memref<1x128xf32, #tpu.memory_space<vmem>> -> memref<128xf32, #tpu.memory_space<vmem>>
    %dma_start3A_263 = arith.constant 0 : i32
    %dma_start3A_264 = tpu.memref_slice %arg5[%dma_start3A_257, %dma_start3A_258, %dma_start3A_263] : memref<80x2x128xi32, #tpu.memory_space<vmem>> -> memref<1x1x128xi32, #tpu.memory_space<vmem>>
    %dma_start3A_265 = tpu.memref_squeeze %dma_start3A_264 : memref<1x1x128xi32, #tpu.memory_space<vmem>> -> memref<128xi32, #tpu.memory_space<vmem>>
    %dma_start3A_266 = arith.constant 0 : i32
    %dma_start3A_267 = tpu.memref_slice %arg8[%dma_start3A_266] : memref<10240xf32, #tpu.memory_space<vmem_shared>> -> memref<10240xf32, #tpu.memory_space<vmem_shared>>
    tpu.enqueue_indirect_dma source(%dma_start3A_267 : memref<10240xf32, #tpu.memory_space<vmem_shared>>) target(%dma_start3A_262 : memref<128xf32, #tpu.memory_space<vmem>>) offsets(%dma_start3A_265 : memref<128xi32, #tpu.memory_space<vmem>>) semaphore(%arg10 : memref<!tpu.dma_semaphore, #tpu.memory_space<semaphore_mem>>)
    %dma_start3A_268 = arith.constant 2 : i32
    %dma_start3A_269 = arith.constant 0 : i32
    %dma_start3A_270 = arith.constant 2 : i32
    %dma_start3A_271 = arith.constant 0 : i32
    %dma_start3A_272 = tpu.memref_slice %arg6[%dma_start3A_270, %dma_start3A_271] : memref<80x128xf32, #tpu.memory_space<vmem>> -> memref<1x128xf32, #tpu.memory_space<vmem>>
    %dma_start3A_273 = tpu.memref_squeeze %dma_start3A_272 : memref<1x128xf32, #tpu.memory_space<vmem>> -> memref<128xf32, #tpu.memory_space<vmem>>
    %dma_start3A_274 = arith.constant 0 : i32
    %dma_start3A_275 = tpu.memref_slice %arg5[%dma_start3A_268, %dma_start3A_269, %dma_start3A_274] : memref<80x2x128xi32, #tpu.memory_space<vmem>> -> memref<1x1x128xi32, #tpu.memory_space<vmem>>
    %dma_start3A_276 = tpu.memref_squeeze %dma_start3A_275 : memref<1x1x128xi32, #tpu.memory_space<vmem>> -> memref<128xi32, #tpu.memory_space<vmem>>
    %dma_start3A_277 = arith.constant 0 : i32
    %dma_start3A_278 = tpu.memref_slice %arg8[%dma_start3A_277] : memref<10240xf32, #tpu.memory_space<vmem_shared>> -> memref<10240xf32, #tpu.memory_space<vmem_shared>>
    tpu.enqueue_indirect_dma source(%dma_start3A_278 : memref<10240xf32, #tpu.memory_space<vmem_shared>>) target(%dma_start3A_273 : memref<128xf32, #tpu.memory_space<vmem>>) offsets(%dma_start3A_276 : memref<128xi32, #tpu.memory_space<vmem>>) semaphore(%arg10 : memref<!tpu.dma_semaphore, #tpu.memory_space<semaphore_mem>>)
    %dma_start3A_279 = arith.constant 3 : i32
    %dma_start3A_280 = arith.constant 0 : i32
    %dma_start3A_281 = arith.constant 3 : i32
    %dma_start3A_282 = arith.constant 0 : i32
    %dma_start3A_283 = tpu.memref_slice %arg6[%dma_start3A_281, %dma_start3A_282] : memref<80x128xf32, #tpu.memory_space<vmem>> -> memref<1x128xf32, #tpu.memory_space<vmem>>
    %dma_start3A_284 = tpu.memref_squeeze %dma_start3A_283 : memref<1x128xf32, #tpu.memory_space<vmem>> -> memref<128xf32, #tpu.memory_space<vmem>>
    %dma_start3A_285 = arith.constant 0 : i32
    %dma_start3A_286 = tpu.memref_slice %arg5[%dma_start3A_279, %dma_start3A_280, %dma_start3A_285] : memref<80x2x128xi32, #tpu.memory_space<vmem>> -> memref<1x1x128xi32, #tpu.memory_space<vmem>>
    %dma_start3A_287 = tpu.memref_squeeze %dma_start3A_286 : memref<1x1x128xi32, #tpu.memory_space<vmem>> -> memref<128xi32, #tpu.memory_space<vmem>>
    %dma_start3A_288 = arith.constant 0 : i32
    %dma_start3A_289 = tpu.memref_slice %arg8[%dma_start3A_288] : memref<10240xf32, #tpu.memory_space<vmem_shared>> -> memref<10240xf32, #tpu.memory_space<vmem_shared>>
    tpu.enqueue_indirect_dma source(%dma_start3A_289 : memref<10240xf32, #tpu.memory_space<vmem_shared>>) target(%dma_start3A_284 : memref<128xf32, #tpu.memory_space<vmem>>) offsets(%dma_start3A_287 : memref<128xi32, #tpu.memory_space<vmem>>) semaphore(%arg10 : memref<!tpu.dma_semaphore, #tpu.memory_space<semaphore_mem>>)
    %dma_start3A_290 = arith.constant 4 : i32
    %dma_start3A_291 = arith.constant 0 : i32
    %dma_start3A_292 = arith.constant 4 : i32
    %dma_start3A_293 = arith.constant 0 : i32
    %dma_start3A_294 = tpu.memref_slice %arg6[%dma_start3A_292, %dma_start3A_293] : memref<80x128xf32, #tpu.memory_space<vmem>> -> memref<1x128xf32, #tpu.memory_space<vmem>>
    %dma_start3A_295 = tpu.memref_squeeze %dma_start3A_294 : memref<1x128xf32, #tpu.memory_space<vmem>> -> memref<128xf32, #tpu.memory_space<vmem>>
    %dma_start3A_296 = arith.constant 0 : i32
    %dma_start3A_297 = tpu.memref_slice %arg5[%dma_start3A_290, %dma_start3A_291, %dma_start3A_296] : memref<80x2x128xi32, #tpu.memory_space<vmem>> -> memref<1x1x128xi32, #tpu.memory_space<vmem>>
    %dma_start3A_298 = tpu.memref_squeeze %dma_start3A_297 : memref<1x1x128xi32, #tpu.memory_space<vmem>> -> memref<128xi32, #tpu.memory_space<vmem>>
    %dma_start3A_299 = arith.constant 0 : i32
    %dma_start3A_300 = tpu.memref_slice %arg8[%dma_start3A_299] : memref<10240xf32, #tpu.memory_space<vmem_shared>> -> memref<10240xf32, #tpu.memory_space<vmem_shared>>
    tpu.enqueue_indirect_dma source(%dma_start3A_300 : memref<10240xf32, #tpu.memory_space<vmem_shared>>) target(%dma_start3A_295 : memref<128xf32, #tpu.memory_space<vmem>>) offsets(%dma_start3A_298 : memref<128xi32, #tpu.memory_space<vmem>>) semaphore(%arg10 : memref<!tpu.dma_semaphore, #tpu.memory_space<semaphore_mem>>)
    %dma_start3A_301 = arith.constant 5 : i32
    %dma_start3A_302 = arith.constant 0 : i32
    %dma_start3A_303 = arith.constant 5 : i32
    %dma_start3A_304 = arith.constant 0 : i32
    %dma_start3A_305 = tpu.memref_slice %arg6[%dma_start3A_303, %dma_start3A_304] : memref<80x128xf32, #tpu.memory_space<vmem>> -> memref<1x128xf32, #tpu.memory_space<vmem>>
    %dma_start3A_306 = tpu.memref_squeeze %dma_start3A_305 : memref<1x128xf32, #tpu.memory_space<vmem>> -> memref<128xf32, #tpu.memory_space<vmem>>
    %dma_start3A_307 = arith.constant 0 : i32
    %dma_start3A_308 = tpu.memref_slice %arg5[%dma_start3A_301, %dma_start3A_302, %dma_start3A_307] : memref<80x2x128xi32, #tpu.memory_space<vmem>> -> memref<1x1x128xi32, #tpu.memory_space<vmem>>
    %dma_start3A_309 = tpu.memref_squeeze %dma_start3A_308 : memref<1x1x128xi32, #tpu.memory_space<vmem>> -> memref<128xi32, #tpu.memory_space<vmem>>
    %dma_start3A_310 = arith.constant 0 : i32
    %dma_start3A_311 = tpu.memref_slice %arg8[%dma_start3A_310] : memref<10240xf32, #tpu.memory_space<vmem_shared>> -> memref<10240xf32, #tpu.memory_space<vmem_shared>>
    tpu.enqueue_indirect_dma source(%dma_start3A_311 : memref<10240xf32, #tpu.memory_space<vmem_shared>>) target(%dma_start3A_306 : memref<128xf32, #tpu.memory_space<vmem>>) offsets(%dma_start3A_309 : memref<128xi32, #tpu.memory_space<vmem>>) semaphore(%arg10 : memref<!tpu.dma_semaphore, #tpu.memory_space<semaphore_mem>>)
    %dma_start3A_312 = arith.constant 6 : i32
    %dma_start3A_313 = arith.constant 0 : i32
    %dma_start3A_314 = arith.constant 6 : i32
    %dma_start3A_315 = arith.constant 0 : i32
    %dma_start3A_316 = tpu.memref_slice %arg6[%dma_start3A_314, %dma_start3A_315] : memref<80x128xf32, #tpu.memory_space<vmem>> -> memref<1x128xf32, #tpu.memory_space<vmem>>
    %dma_start3A_317 = tpu.memref_squeeze %dma_start3A_316 : memref<1x128xf32, #tpu.memory_space<vmem>> -> memref<128xf32, #tpu.memory_space<vmem>>
    %dma_start3A_318 = arith.constant 0 : i32
    %dma_start3A_319 = tpu.memref_slice %arg5[%dma_start3A_312, %dma_start3A_313, %dma_start3A_318] : memref<80x2x128xi32, #tpu.memory_space<vmem>> -> memref<1x1x128xi32, #tpu.memory_space<vmem>>
    %dma_start3A_320 = tpu.memref_squeeze %dma_start3A_319 : memref<1x1x128xi32, #tpu.memory_space<vmem>> -> memref<128xi32, #tpu.memory_space<vmem>>
    %dma_start3A_321 = arith.constant 0 : i32
    %dma_start3A_322 = tpu.memref_slice %arg8[%dma_start3A_321] : memref<10240xf32, #tpu.memory_space<vmem_shared>> -> memref<10240xf32, #tpu.memory_space<vmem_shared>>
    tpu.enqueue_indirect_dma source(%dma_start3A_322 : memref<10240xf32, #tpu.memory_space<vmem_shared>>) target(%dma_start3A_317 : memref<128xf32, #tpu.memory_space<vmem>>) offsets(%dma_start3A_320 : memref<128xi32, #tpu.memory_space<vmem>>) semaphore(%arg10 : memref<!tpu.dma_semaphore, #tpu.memory_space<semaphore_mem>>)
    %dma_start3A_323 = arith.constant 7 : i32
    %dma_start3A_324 = arith.constant 0 : i32
    %dma_start3A_325 = arith.constant 7 : i32
    %dma_start3A_326 = arith.constant 0 : i32
    %dma_start3A_327 = tpu.memref_slice %arg6[%dma_start3A_325, %dma_start3A_326] : memref<80x128xf32, #tpu.memory_space<vmem>> -> memref<1x128xf32, #tpu.memory_space<vmem>>
    %dma_start3A_328 = tpu.memref_squeeze %dma_start3A_327 : memref<1x128xf32, #tpu.memory_space<vmem>> -> memref<128xf32, #tpu.memory_space<vmem>>
    %dma_start3A_329 = arith.constant 0 : i32
    %dma_start3A_330 = tpu.memref_slice %arg5[%dma_start3A_323, %dma_start3A_324, %dma_start3A_329] : memref<80x2x128xi32, #tpu.memory_space<vmem>> -> memref<1x1x128xi32, #tpu.memory_space<vmem>>
    %dma_start3A_331 = tpu.memref_squeeze %dma_start3A_330 : memref<1x1x128xi32, #tpu.memory_space<vmem>> -> memref<128xi32, #tpu.memory_space<vmem>>
    %dma_start3A_332 = arith.constant 0 : i32
    %dma_start3A_333 = tpu.memref_slice %arg8[%dma_start3A_332] : memref<10240xf32, #tpu.memory_space<vmem_shared>> -> memref<10240xf32, #tpu.memory_space<vmem_shared>>
    tpu.enqueue_indirect_dma source(%dma_start3A_333 : memref<10240xf32, #tpu.memory_space<vmem_shared>>) target(%dma_start3A_328 : memref<128xf32, #tpu.memory_space<vmem>>) offsets(%dma_start3A_331 : memref<128xi32, #tpu.memory_space<vmem>>) semaphore(%arg10 : memref<!tpu.dma_semaphore, #tpu.memory_space<semaphore_mem>>)
    %scan3A = arith.constant 0 : i32
    %scan3A_334 = arith.constant 0 : i32
    %scan3A_335 = arith.constant 72 : i32
    %scan3A_336 = arith.addi %scan3A_334, %scan3A_335 : i32
    %scan3A_337 = arith.constant 1 : i32
    scf.for %scan3A_525 = %scan3A_334 to %scan3A_336 step %scan3A_337  : i32 {
      %dma_wait3A_526 = arith.constant 0 : i32
      %dma_wait3A_527 = arith.constant 0 : i32
      %dma_wait3A_528 = tpu.memref_slice %arg6[%scan3A_525, %dma_wait3A_527] : memref<80x128xf32, #tpu.memory_space<vmem>> -> memref<1x128xf32, #tpu.memory_space<vmem>>
      %dma_wait3A_529 = tpu.memref_squeeze %dma_wait3A_528 : memref<1x128xf32, #tpu.memory_space<vmem>> -> memref<128xf32, #tpu.memory_space<vmem>>
      %dma_wait3A_530 = arith.constant 0 : i32
      %dma_wait3A_531 = tpu.memref_slice %arg5[%scan3A_525, %dma_wait3A_526, %dma_wait3A_530] : memref<80x2x128xi32, #tpu.memory_space<vmem>> -> memref<1x1x128xi32, #tpu.memory_space<vmem>>
      %dma_wait3A_532 = tpu.memref_squeeze %dma_wait3A_531 : memref<1x1x128xi32, #tpu.memory_space<vmem>> -> memref<128xi32, #tpu.memory_space<vmem>>
      %dma_wait3A_533 = arith.constant 0 : i32
      %dma_wait3A_534 = tpu.memref_slice %arg8[%dma_wait3A_533] : memref<10240xf32, #tpu.memory_space<vmem_shared>> -> memref<10240xf32, #tpu.memory_space<vmem_shared>>
      tpu.wait_indirect_dma semaphore(%arg10 : memref<!tpu.dma_semaphore, #tpu.memory_space<semaphore_mem>>) src(%dma_wait3A_534 : memref<10240xf32, #tpu.memory_space<vmem_shared>>) dst(%dma_wait3A_529 : memref<128xf32, #tpu.memory_space<vmem>>)
      %dma_start3A_535 = arith.constant 1 : i32
      %dma_start3A_536 = arith.constant 0 : i32
      %dma_start3A_537 = tpu.memref_slice %arg6[%scan3A_525, %dma_start3A_536] : memref<80x128xf32, #tpu.memory_space<vmem>> -> memref<1x128xf32, #tpu.memory_space<vmem>>
      %dma_start3A_538 = tpu.memref_squeeze %dma_start3A_537 : memref<1x128xf32, #tpu.memory_space<vmem>> -> memref<128xf32, #tpu.memory_space<vmem>>
      %dma_start3A_539 = arith.constant 0 : i32
      %dma_start3A_540 = tpu.memref_slice %arg5[%scan3A_525, %dma_start3A_535, %dma_start3A_539] : memref<80x2x128xi32, #tpu.memory_space<vmem>> -> memref<1x1x128xi32, #tpu.memory_space<vmem>>
      %dma_start3A_541 = tpu.memref_squeeze %dma_start3A_540 : memref<1x1x128xi32, #tpu.memory_space<vmem>> -> memref<128xi32, #tpu.memory_space<vmem>>
      %dma_start3A_542 = arith.constant 0 : i32
      %dma_start3A_543 = tpu.memref_slice %arg7[%dma_start3A_542] : memref<10240xf32, #tpu.memory_space<vmem_shared>> -> memref<10240xf32, #tpu.memory_space<vmem_shared>>
      tpu.enqueue_indirect_dma source(%dma_start3A_538 : memref<128xf32, #tpu.memory_space<vmem>>) target(%dma_start3A_543 : memref<10240xf32, #tpu.memory_space<vmem_shared>>) offsets(%dma_start3A_541 : memref<128xi32, #tpu.memory_space<vmem>>) semaphore(%arg11 : memref<!tpu.dma_semaphore, #tpu.memory_space<semaphore_mem>>) {add = true}
      %add3A_544 = arith.constant 8 : i32
      %add3A_545 = arith.addi %scan3A_525, %add3A_544 : i32
      %dma_start3A_546 = arith.constant 0 : i32
      %dma_start3A_547 = arith.constant 0 : i32
      %dma_start3A_548 = tpu.memref_slice %arg6[%add3A_545, %dma_start3A_547] : memref<80x128xf32, #tpu.memory_space<vmem>> -> memref<1x128xf32, #tpu.memory_space<vmem>>
      %dma_start3A_549 = tpu.memref_squeeze %dma_start3A_548 : memref<1x128xf32, #tpu.memory_space<vmem>> -> memref<128xf32, #tpu.memory_space<vmem>>
      %dma_start3A_550 = arith.constant 0 : i32
      %dma_start3A_551 = tpu.memref_slice %arg5[%add3A_545, %dma_start3A_546, %dma_start3A_550] : memref<80x2x128xi32, #tpu.memory_space<vmem>> -> memref<1x1x128xi32, #tpu.memory_space<vmem>>
      %dma_start3A_552 = tpu.memref_squeeze %dma_start3A_551 : memref<1x1x128xi32, #tpu.memory_space<vmem>> -> memref<128xi32, #tpu.memory_space<vmem>>
      %dma_start3A_553 = arith.constant 0 : i32
      %dma_start3A_554 = tpu.memref_slice %arg8[%dma_start3A_553] : memref<10240xf32, #tpu.memory_space<vmem_shared>> -> memref<10240xf32, #tpu.memory_space<vmem_shared>>
      tpu.enqueue_indirect_dma source(%dma_start3A_554 : memref<10240xf32, #tpu.memory_space<vmem_shared>>) target(%dma_start3A_549 : memref<128xf32, #tpu.memory_space<vmem>>) offsets(%dma_start3A_552 : memref<128xi32, #tpu.memory_space<vmem>>) semaphore(%arg10 : memref<!tpu.dma_semaphore, #tpu.memory_space<semaphore_mem>>)
    }
    %scan3A_338 = arith.constant 72 : i32
    %dma_wait3A = arith.constant 72 : i32
    %dma_wait3A_339 = arith.constant 0 : i32
    %dma_wait3A_340 = arith.constant 72 : i32
    %dma_wait3A_341 = arith.constant 0 : i32
    %dma_wait3A_342 = tpu.memref_slice %arg6[%dma_wait3A_340, %dma_wait3A_341] : memref<80x128xf32, #tpu.memory_space<vmem>> -> memref<1x128xf32, #tpu.memory_space<vmem>>
    %dma_wait3A_343 = tpu.memref_squeeze %dma_wait3A_342 : memref<1x128xf32, #tpu.memory_space<vmem>> -> memref<128xf32, #tpu.memory_space<vmem>>
    %dma_wait3A_344 = arith.constant 0 : i32
    %dma_wait3A_345 = tpu.memref_slice %arg5[%dma_wait3A, %dma_wait3A_339, %dma_wait3A_344] : memref<80x2x128xi32, #tpu.memory_space<vmem>> -> memref<1x1x128xi32, #tpu.memory_space<vmem>>
    %dma_wait3A_346 = tpu.memref_squeeze %dma_wait3A_345 : memref<1x1x128xi32, #tpu.memory_space<vmem>> -> memref<128xi32, #tpu.memory_space<vmem>>
    %dma_wait3A_347 = arith.constant 0 : i32
    %dma_wait3A_348 = tpu.memref_slice %arg8[%dma_wait3A_347] : memref<10240xf32, #tpu.memory_space<vmem_shared>> -> memref<10240xf32, #tpu.memory_space<vmem_shared>>
    tpu.wait_indirect_dma semaphore(%arg10 : memref<!tpu.dma_semaphore, #tpu.memory_space<semaphore_mem>>) src(%dma_wait3A_348 : memref<10240xf32, #tpu.memory_space<vmem_shared>>) dst(%dma_wait3A_343 : memref<128xf32, #tpu.memory_space<vmem>>)
    %dma_start3A_349 = arith.constant 72 : i32
    %dma_start3A_350 = arith.constant 72 : i32
    %dma_start3A_351 = arith.constant 1 : i32
    %dma_start3A_352 = arith.constant 0 : i32
    %dma_start3A_353 = tpu.memref_slice %arg6[%dma_start3A_349, %dma_start3A_352] : memref<80x128xf32, #tpu.memory_space<vmem>> -> memref<1x128xf32, #tpu.memory_space<vmem>>
    %dma_start3A_354 = tpu.memref_squeeze %dma_start3A_353 : memref<1x128xf32, #tpu.memory_space<vmem>> -> memref<128xf32, #tpu.memory_space<vmem>>
    %dma_start3A_355 = arith.constant 0 : i32
    %dma_start3A_356 = tpu.memref_slice %arg5[%dma_start3A_350, %dma_start3A_351, %dma_start3A_355] : memref<80x2x128xi32, #tpu.memory_space<vmem>> -> memref<1x1x128xi32, #tpu.memory_space<vmem>>
    %dma_start3A_357 = tpu.memref_squeeze %dma_start3A_356 : memref<1x1x128xi32, #tpu.memory_space<vmem>> -> memref<128xi32, #tpu.memory_space<vmem>>
    %dma_start3A_358 = arith.constant 0 : i32
    %dma_start3A_359 = tpu.memref_slice %arg7[%dma_start3A_358] : memref<10240xf32, #tpu.memory_space<vmem_shared>> -> memref<10240xf32, #tpu.memory_space<vmem_shared>>
    tpu.enqueue_indirect_dma source(%dma_start3A_354 : memref<128xf32, #tpu.memory_space<vmem>>) target(%dma_start3A_359 : memref<10240xf32, #tpu.memory_space<vmem_shared>>) offsets(%dma_start3A_357 : memref<128xi32, #tpu.memory_space<vmem>>) semaphore(%arg11 : memref<!tpu.dma_semaphore, #tpu.memory_space<semaphore_mem>>) {add = true}
    %dma_wait3A_360 = arith.constant 73 : i32
    %dma_wait3A_361 = arith.constant 0 : i32
    %dma_wait3A_362 = arith.constant 73 : i32
    %dma_wait3A_363 = arith.constant 0 : i32
    %dma_wait3A_364 = tpu.memref_slice %arg6[%dma_wait3A_362, %dma_wait3A_363] : memref<80x128xf32, #tpu.memory_space<vmem>> -> memref<1x128xf32, #tpu.memory_space<vmem>>
    %dma_wait3A_365 = tpu.memref_squeeze %dma_wait3A_364 : memref<1x128xf32, #tpu.memory_space<vmem>> -> memref<128xf32, #tpu.memory_space<vmem>>
    %dma_wait3A_366 = arith.constant 0 : i32
    %dma_wait3A_367 = tpu.memref_slice %arg5[%dma_wait3A_360, %dma_wait3A_361, %dma_wait3A_366] : memref<80x2x128xi32, #tpu.memory_space<vmem>> -> memref<1x1x128xi32, #tpu.memory_space<vmem>>
    %dma_wait3A_368 = tpu.memref_squeeze %dma_wait3A_367 : memref<1x1x128xi32, #tpu.memory_space<vmem>> -> memref<128xi32, #tpu.memory_space<vmem>>
    %dma_wait3A_369 = arith.constant 0 : i32
    %dma_wait3A_370 = tpu.memref_slice %arg8[%dma_wait3A_369] : memref<10240xf32, #tpu.memory_space<vmem_shared>> -> memref<10240xf32, #tpu.memory_space<vmem_shared>>
    tpu.wait_indirect_dma semaphore(%arg10 : memref<!tpu.dma_semaphore, #tpu.memory_space<semaphore_mem>>) src(%dma_wait3A_370 : memref<10240xf32, #tpu.memory_space<vmem_shared>>) dst(%dma_wait3A_365 : memref<128xf32, #tpu.memory_space<vmem>>)
    %dma_start3A_371 = arith.constant 73 : i32
    %dma_start3A_372 = arith.constant 73 : i32
    %dma_start3A_373 = arith.constant 1 : i32
    %dma_start3A_374 = arith.constant 0 : i32
    %dma_start3A_375 = tpu.memref_slice %arg6[%dma_start3A_371, %dma_start3A_374] : memref<80x128xf32, #tpu.memory_space<vmem>> -> memref<1x128xf32, #tpu.memory_space<vmem>>
    %dma_start3A_376 = tpu.memref_squeeze %dma_start3A_375 : memref<1x128xf32, #tpu.memory_space<vmem>> -> memref<128xf32, #tpu.memory_space<vmem>>
    %dma_start3A_377 = arith.constant 0 : i32
    %dma_start3A_378 = tpu.memref_slice %arg5[%dma_start3A_372, %dma_start3A_373, %dma_start3A_377] : memref<80x2x128xi32, #tpu.memory_space<vmem>> -> memref<1x1x128xi32, #tpu.memory_space<vmem>>
    %dma_start3A_379 = tpu.memref_squeeze %dma_start3A_378 : memref<1x1x128xi32, #tpu.memory_space<vmem>> -> memref<128xi32, #tpu.memory_space<vmem>>
    %dma_start3A_380 = arith.constant 0 : i32
    %dma_start3A_381 = tpu.memref_slice %arg7[%dma_start3A_380] : memref<10240xf32, #tpu.memory_space<vmem_shared>> -> memref<10240xf32, #tpu.memory_space<vmem_shared>>
    tpu.enqueue_indirect_dma source(%dma_start3A_376 : memref<128xf32, #tpu.memory_space<vmem>>) target(%dma_start3A_381 : memref<10240xf32, #tpu.memory_space<vmem_shared>>) offsets(%dma_start3A_379 : memref<128xi32, #tpu.memory_space<vmem>>) semaphore(%arg11 : memref<!tpu.dma_semaphore, #tpu.memory_space<semaphore_mem>>) {add = true}
    %dma_wait3A_382 = arith.constant 74 : i32
    %dma_wait3A_383 = arith.constant 0 : i32
    %dma_wait3A_384 = arith.constant 74 : i32
    %dma_wait3A_385 = arith.constant 0 : i32
    %dma_wait3A_386 = tpu.memref_slice %arg6[%dma_wait3A_384, %dma_wait3A_385] : memref<80x128xf32, #tpu.memory_space<vmem>> -> memref<1x128xf32, #tpu.memory_space<vmem>>
    %dma_wait3A_387 = tpu.memref_squeeze %dma_wait3A_386 : memref<1x128xf32, #tpu.memory_space<vmem>> -> memref<128xf32, #tpu.memory_space<vmem>>
    %dma_wait3A_388 = arith.constant 0 : i32
    %dma_wait3A_389 = tpu.memref_slice %arg5[%dma_wait3A_382, %dma_wait3A_383, %dma_wait3A_388] : memref<80x2x128xi32, #tpu.memory_space<vmem>> -> memref<1x1x128xi32, #tpu.memory_space<vmem>>
    %dma_wait3A_390 = tpu.memref_squeeze %dma_wait3A_389 : memref<1x1x128xi32, #tpu.memory_space<vmem>> -> memref<128xi32, #tpu.memory_space<vmem>>
    %dma_wait3A_391 = arith.constant 0 : i32
    %dma_wait3A_392 = tpu.memref_slice %arg8[%dma_wait3A_391] : memref<10240xf32, #tpu.memory_space<vmem_shared>> -> memref<10240xf32, #tpu.memory_space<vmem_shared>>
    tpu.wait_indirect_dma semaphore(%arg10 : memref<!tpu.dma_semaphore, #tpu.memory_space<semaphore_mem>>) src(%dma_wait3A_392 : memref<10240xf32, #tpu.memory_space<vmem_shared>>) dst(%dma_wait3A_387 : memref<128xf32, #tpu.memory_space<vmem>>)
    %dma_start3A_393 = arith.constant 74 : i32
    %dma_start3A_394 = arith.constant 74 : i32
    %dma_start3A_395 = arith.constant 1 : i32
    %dma_start3A_396 = arith.constant 0 : i32
    %dma_start3A_397 = tpu.memref_slice %arg6[%dma_start3A_393, %dma_start3A_396] : memref<80x128xf32, #tpu.memory_space<vmem>> -> memref<1x128xf32, #tpu.memory_space<vmem>>
    %dma_start3A_398 = tpu.memref_squeeze %dma_start3A_397 : memref<1x128xf32, #tpu.memory_space<vmem>> -> memref<128xf32, #tpu.memory_space<vmem>>
    %dma_start3A_399 = arith.constant 0 : i32
    %dma_start3A_400 = tpu.memref_slice %arg5[%dma_start3A_394, %dma_start3A_395, %dma_start3A_399] : memref<80x2x128xi32, #tpu.memory_space<vmem>> -> memref<1x1x128xi32, #tpu.memory_space<vmem>>
    %dma_start3A_401 = tpu.memref_squeeze %dma_start3A_400 : memref<1x1x128xi32, #tpu.memory_space<vmem>> -> memref<128xi32, #tpu.memory_space<vmem>>
    %dma_start3A_402 = arith.constant 0 : i32
    %dma_start3A_403 = tpu.memref_slice %arg7[%dma_start3A_402] : memref<10240xf32, #tpu.memory_space<vmem_shared>> -> memref<10240xf32, #tpu.memory_space<vmem_shared>>
    tpu.enqueue_indirect_dma source(%dma_start3A_398 : memref<128xf32, #tpu.memory_space<vmem>>) target(%dma_start3A_403 : memref<10240xf32, #tpu.memory_space<vmem_shared>>) offsets(%dma_start3A_401 : memref<128xi32, #tpu.memory_space<vmem>>) semaphore(%arg11 : memref<!tpu.dma_semaphore, #tpu.memory_space<semaphore_mem>>) {add = true}
    %dma_wait3A_404 = arith.constant 75 : i32
    %dma_wait3A_405 = arith.constant 0 : i32
    %dma_wait3A_406 = arith.constant 75 : i32
    %dma_wait3A_407 = arith.constant 0 : i32
    %dma_wait3A_408 = tpu.memref_slice %arg6[%dma_wait3A_406, %dma_wait3A_407] : memref<80x128xf32, #tpu.memory_space<vmem>> -> memref<1x128xf32, #tpu.memory_space<vmem>>
    %dma_wait3A_409 = tpu.memref_squeeze %dma_wait3A_408 : memref<1x128xf32, #tpu.memory_space<vmem>> -> memref<128xf32, #tpu.memory_space<vmem>>
    %dma_wait3A_410 = arith.constant 0 : i32
    %dma_wait3A_411 = tpu.memref_slice %arg5[%dma_wait3A_404, %dma_wait3A_405, %dma_wait3A_410] : memref<80x2x128xi32, #tpu.memory_space<vmem>> -> memref<1x1x128xi32, #tpu.memory_space<vmem>>
    %dma_wait3A_412 = tpu.memref_squeeze %dma_wait3A_411 : memref<1x1x128xi32, #tpu.memory_space<vmem>> -> memref<128xi32, #tpu.memory_space<vmem>>
    %dma_wait3A_413 = arith.constant 0 : i32
    %dma_wait3A_414 = tpu.memref_slice %arg8[%dma_wait3A_413] : memref<10240xf32, #tpu.memory_space<vmem_shared>> -> memref<10240xf32, #tpu.memory_space<vmem_shared>>
    tpu.wait_indirect_dma semaphore(%arg10 : memref<!tpu.dma_semaphore, #tpu.memory_space<semaphore_mem>>) src(%dma_wait3A_414 : memref<10240xf32, #tpu.memory_space<vmem_shared>>) dst(%dma_wait3A_409 : memref<128xf32, #tpu.memory_space<vmem>>)
    %dma_start3A_415 = arith.constant 75 : i32
    %dma_start3A_416 = arith.constant 75 : i32
    %dma_start3A_417 = arith.constant 1 : i32
    %dma_start3A_418 = arith.constant 0 : i32
    %dma_start3A_419 = tpu.memref_slice %arg6[%dma_start3A_415, %dma_start3A_418] : memref<80x128xf32, #tpu.memory_space<vmem>> -> memref<1x128xf32, #tpu.memory_space<vmem>>
    %dma_start3A_420 = tpu.memref_squeeze %dma_start3A_419 : memref<1x128xf32, #tpu.memory_space<vmem>> -> memref<128xf32, #tpu.memory_space<vmem>>
    %dma_start3A_421 = arith.constant 0 : i32
    %dma_start3A_422 = tpu.memref_slice %arg5[%dma_start3A_416, %dma_start3A_417, %dma_start3A_421] : memref<80x2x128xi32, #tpu.memory_space<vmem>> -> memref<1x1x128xi32, #tpu.memory_space<vmem>>
    %dma_start3A_423 = tpu.memref_squeeze %dma_start3A_422 : memref<1x1x128xi32, #tpu.memory_space<vmem>> -> memref<128xi32, #tpu.memory_space<vmem>>
    %dma_start3A_424 = arith.constant 0 : i32
    %dma_start3A_425 = tpu.memref_slice %arg7[%dma_start3A_424] : memref<10240xf32, #tpu.memory_space<vmem_shared>> -> memref<10240xf32, #tpu.memory_space<vmem_shared>>
    tpu.enqueue_indirect_dma source(%dma_start3A_420 : memref<128xf32, #tpu.memory_space<vmem>>) target(%dma_start3A_425 : memref<10240xf32, #tpu.memory_space<vmem_shared>>) offsets(%dma_start3A_423 : memref<128xi32, #tpu.memory_space<vmem>>) semaphore(%arg11 : memref<!tpu.dma_semaphore, #tpu.memory_space<semaphore_mem>>) {add = true}
    %dma_wait3A_426 = arith.constant 76 : i32
    %dma_wait3A_427 = arith.constant 0 : i32
    %dma_wait3A_428 = arith.constant 76 : i32
    %dma_wait3A_429 = arith.constant 0 : i32
    %dma_wait3A_430 = tpu.memref_slice %arg6[%dma_wait3A_428, %dma_wait3A_429] : memref<80x128xf32, #tpu.memory_space<vmem>> -> memref<1x128xf32, #tpu.memory_space<vmem>>
    %dma_wait3A_431 = tpu.memref_squeeze %dma_wait3A_430 : memref<1x128xf32, #tpu.memory_space<vmem>> -> memref<128xf32, #tpu.memory_space<vmem>>
    %dma_wait3A_432 = arith.constant 0 : i32
    %dma_wait3A_433 = tpu.memref_slice %arg5[%dma_wait3A_426, %dma_wait3A_427, %dma_wait3A_432] : memref<80x2x128xi32, #tpu.memory_space<vmem>> -> memref<1x1x128xi32, #tpu.memory_space<vmem>>
    %dma_wait3A_434 = tpu.memref_squeeze %dma_wait3A_433 : memref<1x1x128xi32, #tpu.memory_space<vmem>> -> memref<128xi32, #tpu.memory_space<vmem>>
    %dma_wait3A_435 = arith.constant 0 : i32
    %dma_wait3A_436 = tpu.memref_slice %arg8[%dma_wait3A_435] : memref<10240xf32, #tpu.memory_space<vmem_shared>> -> memref<10240xf32, #tpu.memory_space<vmem_shared>>
    tpu.wait_indirect_dma semaphore(%arg10 : memref<!tpu.dma_semaphore, #tpu.memory_space<semaphore_mem>>) src(%dma_wait3A_436 : memref<10240xf32, #tpu.memory_space<vmem_shared>>) dst(%dma_wait3A_431 : memref<128xf32, #tpu.memory_space<vmem>>)
    %dma_start3A_437 = arith.constant 76 : i32
    %dma_start3A_438 = arith.constant 76 : i32
    %dma_start3A_439 = arith.constant 1 : i32
    %dma_start3A_440 = arith.constant 0 : i32
    %dma_start3A_441 = tpu.memref_slice %arg6[%dma_start3A_437, %dma_start3A_440] : memref<80x128xf32, #tpu.memory_space<vmem>> -> memref<1x128xf32, #tpu.memory_space<vmem>>
    %dma_start3A_442 = tpu.memref_squeeze %dma_start3A_441 : memref<1x128xf32, #tpu.memory_space<vmem>> -> memref<128xf32, #tpu.memory_space<vmem>>
    %dma_start3A_443 = arith.constant 0 : i32
    %dma_start3A_444 = tpu.memref_slice %arg5[%dma_start3A_438, %dma_start3A_439, %dma_start3A_443] : memref<80x2x128xi32, #tpu.memory_space<vmem>> -> memref<1x1x128xi32, #tpu.memory_space<vmem>>
    %dma_start3A_445 = tpu.memref_squeeze %dma_start3A_444 : memref<1x1x128xi32, #tpu.memory_space<vmem>> -> memref<128xi32, #tpu.memory_space<vmem>>
    %dma_start3A_446 = arith.constant 0 : i32
    %dma_start3A_447 = tpu.memref_slice %arg7[%dma_start3A_446] : memref<10240xf32, #tpu.memory_space<vmem_shared>> -> memref<10240xf32, #tpu.memory_space<vmem_shared>>
    tpu.enqueue_indirect_dma source(%dma_start3A_442 : memref<128xf32, #tpu.memory_space<vmem>>) target(%dma_start3A_447 : memref<10240xf32, #tpu.memory_space<vmem_shared>>) offsets(%dma_start3A_445 : memref<128xi32, #tpu.memory_space<vmem>>) semaphore(%arg11 : memref<!tpu.dma_semaphore, #tpu.memory_space<semaphore_mem>>) {add = true}
    %dma_wait3A_448 = arith.constant 77 : i32
    %dma_wait3A_449 = arith.constant 0 : i32
    %dma_wait3A_450 = arith.constant 77 : i32
    %dma_wait3A_451 = arith.constant 0 : i32
    %dma_wait3A_452 = tpu.memref_slice %arg6[%dma_wait3A_450, %dma_wait3A_451] : memref<80x128xf32, #tpu.memory_space<vmem>> -> memref<1x128xf32, #tpu.memory_space<vmem>>
    %dma_wait3A_453 = tpu.memref_squeeze %dma_wait3A_452 : memref<1x128xf32, #tpu.memory_space<vmem>> -> memref<128xf32, #tpu.memory_space<vmem>>
    %dma_wait3A_454 = arith.constant 0 : i32
    %dma_wait3A_455 = tpu.memref_slice %arg5[%dma_wait3A_448, %dma_wait3A_449, %dma_wait3A_454] : memref<80x2x128xi32, #tpu.memory_space<vmem>> -> memref<1x1x128xi32, #tpu.memory_space<vmem>>
    %dma_wait3A_456 = tpu.memref_squeeze %dma_wait3A_455 : memref<1x1x128xi32, #tpu.memory_space<vmem>> -> memref<128xi32, #tpu.memory_space<vmem>>
    %dma_wait3A_457 = arith.constant 0 : i32
    %dma_wait3A_458 = tpu.memref_slice %arg8[%dma_wait3A_457] : memref<10240xf32, #tpu.memory_space<vmem_shared>> -> memref<10240xf32, #tpu.memory_space<vmem_shared>>
    tpu.wait_indirect_dma semaphore(%arg10 : memref<!tpu.dma_semaphore, #tpu.memory_space<semaphore_mem>>) src(%dma_wait3A_458 : memref<10240xf32, #tpu.memory_space<vmem_shared>>) dst(%dma_wait3A_453 : memref<128xf32, #tpu.memory_space<vmem>>)
    %dma_start3A_459 = arith.constant 77 : i32
    %dma_start3A_460 = arith.constant 77 : i32
    %dma_start3A_461 = arith.constant 1 : i32
    %dma_start3A_462 = arith.constant 0 : i32
    %dma_start3A_463 = tpu.memref_slice %arg6[%dma_start3A_459, %dma_start3A_462] : memref<80x128xf32, #tpu.memory_space<vmem>> -> memref<1x128xf32, #tpu.memory_space<vmem>>
    %dma_start3A_464 = tpu.memref_squeeze %dma_start3A_463 : memref<1x128xf32, #tpu.memory_space<vmem>> -> memref<128xf32, #tpu.memory_space<vmem>>
    %dma_start3A_465 = arith.constant 0 : i32
    %dma_start3A_466 = tpu.memref_slice %arg5[%dma_start3A_460, %dma_start3A_461, %dma_start3A_465] : memref<80x2x128xi32, #tpu.memory_space<vmem>> -> memref<1x1x128xi32, #tpu.memory_space<vmem>>
    %dma_start3A_467 = tpu.memref_squeeze %dma_start3A_466 : memref<1x1x128xi32, #tpu.memory_space<vmem>> -> memref<128xi32, #tpu.memory_space<vmem>>
    %dma_start3A_468 = arith.constant 0 : i32
    %dma_start3A_469 = tpu.memref_slice %arg7[%dma_start3A_468] : memref<10240xf32, #tpu.memory_space<vmem_shared>> -> memref<10240xf32, #tpu.memory_space<vmem_shared>>
    tpu.enqueue_indirect_dma source(%dma_start3A_464 : memref<128xf32, #tpu.memory_space<vmem>>) target(%dma_start3A_469 : memref<10240xf32, #tpu.memory_space<vmem_shared>>) offsets(%dma_start3A_467 : memref<128xi32, #tpu.memory_space<vmem>>) semaphore(%arg11 : memref<!tpu.dma_semaphore, #tpu.memory_space<semaphore_mem>>) {add = true}
    %dma_wait3A_470 = arith.constant 78 : i32
    %dma_wait3A_471 = arith.constant 0 : i32
    %dma_wait3A_472 = arith.constant 78 : i32
    %dma_wait3A_473 = arith.constant 0 : i32
    %dma_wait3A_474 = tpu.memref_slice %arg6[%dma_wait3A_472, %dma_wait3A_473] : memref<80x128xf32, #tpu.memory_space<vmem>> -> memref<1x128xf32, #tpu.memory_space<vmem>>
    %dma_wait3A_475 = tpu.memref_squeeze %dma_wait3A_474 : memref<1x128xf32, #tpu.memory_space<vmem>> -> memref<128xf32, #tpu.memory_space<vmem>>
    %dma_wait3A_476 = arith.constant 0 : i32
    %dma_wait3A_477 = tpu.memref_slice %arg5[%dma_wait3A_470, %dma_wait3A_471, %dma_wait3A_476] : memref<80x2x128xi32, #tpu.memory_space<vmem>> -> memref<1x1x128xi32, #tpu.memory_space<vmem>>
    %dma_wait3A_478 = tpu.memref_squeeze %dma_wait3A_477 : memref<1x1x128xi32, #tpu.memory_space<vmem>> -> memref<128xi32, #tpu.memory_space<vmem>>
    %dma_wait3A_479 = arith.constant 0 : i32
    %dma_wait3A_480 = tpu.memref_slice %arg8[%dma_wait3A_479] : memref<10240xf32, #tpu.memory_space<vmem_shared>> -> memref<10240xf32, #tpu.memory_space<vmem_shared>>
    tpu.wait_indirect_dma semaphore(%arg10 : memref<!tpu.dma_semaphore, #tpu.memory_space<semaphore_mem>>) src(%dma_wait3A_480 : memref<10240xf32, #tpu.memory_space<vmem_shared>>) dst(%dma_wait3A_475 : memref<128xf32, #tpu.memory_space<vmem>>)
    %dma_start3A_481 = arith.constant 78 : i32
    %dma_start3A_482 = arith.constant 78 : i32
    %dma_start3A_483 = arith.constant 1 : i32
    %dma_start3A_484 = arith.constant 0 : i32
    %dma_start3A_485 = tpu.memref_slice %arg6[%dma_start3A_481, %dma_start3A_484] : memref<80x128xf32, #tpu.memory_space<vmem>> -> memref<1x128xf32, #tpu.memory_space<vmem>>
    %dma_start3A_486 = tpu.memref_squeeze %dma_start3A_485 : memref<1x128xf32, #tpu.memory_space<vmem>> -> memref<128xf32, #tpu.memory_space<vmem>>
    %dma_start3A_487 = arith.constant 0 : i32
    %dma_start3A_488 = tpu.memref_slice %arg5[%dma_start3A_482, %dma_start3A_483, %dma_start3A_487] : memref<80x2x128xi32, #tpu.memory_space<vmem>> -> memref<1x1x128xi32, #tpu.memory_space<vmem>>
    %dma_start3A_489 = tpu.memref_squeeze %dma_start3A_488 : memref<1x1x128xi32, #tpu.memory_space<vmem>> -> memref<128xi32, #tpu.memory_space<vmem>>
    %dma_start3A_490 = arith.constant 0 : i32
    %dma_start3A_491 = tpu.memref_slice %arg7[%dma_start3A_490] : memref<10240xf32, #tpu.memory_space<vmem_shared>> -> memref<10240xf32, #tpu.memory_space<vmem_shared>>
    tpu.enqueue_indirect_dma source(%dma_start3A_486 : memref<128xf32, #tpu.memory_space<vmem>>) target(%dma_start3A_491 : memref<10240xf32, #tpu.memory_space<vmem_shared>>) offsets(%dma_start3A_489 : memref<128xi32, #tpu.memory_space<vmem>>) semaphore(%arg11 : memref<!tpu.dma_semaphore, #tpu.memory_space<semaphore_mem>>) {add = true}
    %dma_wait3A_492 = arith.constant 79 : i32
    %dma_wait3A_493 = arith.constant 0 : i32
    %dma_wait3A_494 = arith.constant 79 : i32
    %dma_wait3A_495 = arith.constant 0 : i32
    %dma_wait3A_496 = tpu.memref_slice %arg6[%dma_wait3A_494, %dma_wait3A_495] : memref<80x128xf32, #tpu.memory_space<vmem>> -> memref<1x128xf32, #tpu.memory_space<vmem>>
    %dma_wait3A_497 = tpu.memref_squeeze %dma_wait3A_496 : memref<1x128xf32, #tpu.memory_space<vmem>> -> memref<128xf32, #tpu.memory_space<vmem>>
    %dma_wait3A_498 = arith.constant 0 : i32
    %dma_wait3A_499 = tpu.memref_slice %arg5[%dma_wait3A_492, %dma_wait3A_493, %dma_wait3A_498] : memref<80x2x128xi32, #tpu.memory_space<vmem>> -> memref<1x1x128xi32, #tpu.memory_space<vmem>>
    %dma_wait3A_500 = tpu.memref_squeeze %dma_wait3A_499 : memref<1x1x128xi32, #tpu.memory_space<vmem>> -> memref<128xi32, #tpu.memory_space<vmem>>
    %dma_wait3A_501 = arith.constant 0 : i32
    %dma_wait3A_502 = tpu.memref_slice %arg8[%dma_wait3A_501] : memref<10240xf32, #tpu.memory_space<vmem_shared>> -> memref<10240xf32, #tpu.memory_space<vmem_shared>>
    tpu.wait_indirect_dma semaphore(%arg10 : memref<!tpu.dma_semaphore, #tpu.memory_space<semaphore_mem>>) src(%dma_wait3A_502 : memref<10240xf32, #tpu.memory_space<vmem_shared>>) dst(%dma_wait3A_497 : memref<128xf32, #tpu.memory_space<vmem>>)
    %dma_start3A_503 = arith.constant 79 : i32
    %dma_start3A_504 = arith.constant 79 : i32
    %dma_start3A_505 = arith.constant 1 : i32
    %dma_start3A_506 = arith.constant 0 : i32
    %dma_start3A_507 = tpu.memref_slice %arg6[%dma_start3A_503, %dma_start3A_506] : memref<80x128xf32, #tpu.memory_space<vmem>> -> memref<1x128xf32, #tpu.memory_space<vmem>>
    %dma_start3A_508 = tpu.memref_squeeze %dma_start3A_507 : memref<1x128xf32, #tpu.memory_space<vmem>> -> memref<128xf32, #tpu.memory_space<vmem>>
    %dma_start3A_509 = arith.constant 0 : i32
    %dma_start3A_510 = tpu.memref_slice %arg5[%dma_start3A_504, %dma_start3A_505, %dma_start3A_509] : memref<80x2x128xi32, #tpu.memory_space<vmem>> -> memref<1x1x128xi32, #tpu.memory_space<vmem>>
    %dma_start3A_511 = tpu.memref_squeeze %dma_start3A_510 : memref<1x1x128xi32, #tpu.memory_space<vmem>> -> memref<128xi32, #tpu.memory_space<vmem>>
    %dma_start3A_512 = arith.constant 0 : i32
    %dma_start3A_513 = tpu.memref_slice %arg7[%dma_start3A_512] : memref<10240xf32, #tpu.memory_space<vmem_shared>> -> memref<10240xf32, #tpu.memory_space<vmem_shared>>
    tpu.enqueue_indirect_dma source(%dma_start3A_508 : memref<128xf32, #tpu.memory_space<vmem>>) target(%dma_start3A_513 : memref<10240xf32, #tpu.memory_space<vmem_shared>>) offsets(%dma_start3A_511 : memref<128xi32, #tpu.memory_space<vmem>>) semaphore(%arg11 : memref<!tpu.dma_semaphore, #tpu.memory_space<semaphore_mem>>) {add = true}
    %scan3A_514 = arith.constant 0 : i32
    %scan3A_515 = arith.constant 0 : i32
    %scan3A_516 = arith.constant 80 : i32
    %scan3A_517 = arith.addi %scan3A_515, %scan3A_516 : i32
    %scan3A_518 = arith.constant 1 : i32
    scf.for %scan3A_525 = %scan3A_515 to %scan3A_517 step %scan3A_518  : i32 {
      %dma_wait3A_526 = arith.constant 1 : i32
      %dma_wait3A_527 = arith.constant 0 : i32
      %dma_wait3A_528 = tpu.memref_slice %arg6[%scan3A_525, %dma_wait3A_527] : memref<80x128xf32, #tpu.memory_space<vmem>> -> memref<1x128xf32, #tpu.memory_space<vmem>>
      %dma_wait3A_529 = tpu.memref_squeeze %dma_wait3A_528 : memref<1x128xf32, #tpu.memory_space<vmem>> -> memref<128xf32, #tpu.memory_space<vmem>>
      %dma_wait3A_530 = arith.constant 0 : i32
      %dma_wait3A_531 = tpu.memref_slice %arg5[%scan3A_525, %dma_wait3A_526, %dma_wait3A_530] : memref<80x2x128xi32, #tpu.memory_space<vmem>> -> memref<1x1x128xi32, #tpu.memory_space<vmem>>
      %dma_wait3A_532 = tpu.memref_squeeze %dma_wait3A_531 : memref<1x1x128xi32, #tpu.memory_space<vmem>> -> memref<128xi32, #tpu.memory_space<vmem>>
      %dma_wait3A_533 = arith.constant 0 : i32
      %dma_wait3A_534 = tpu.memref_slice %arg7[%dma_wait3A_533] : memref<10240xf32, #tpu.memory_space<vmem_shared>> -> memref<10240xf32, #tpu.memory_space<vmem_shared>>
      tpu.wait_indirect_dma semaphore(%arg11 : memref<!tpu.dma_semaphore, #tpu.memory_space<semaphore_mem>>) src(%dma_wait3A_529 : memref<128xf32, #tpu.memory_space<vmem>>) dst(%dma_wait3A_534 : memref<10240xf32, #tpu.memory_space<vmem_shared>>)
    }
    %scan3A_519 = arith.constant 80 : i32
    %barrier3A_520 = arith.constant 0 : index
    tpu.barrier barrier_id(%barrier3A_520)
    %mul3A_521 = arith.constant 640 : i32
    %mul3A_522 = arith.muli %arg1, %mul3A_521 : i32
    %mul3A_523 = arith.constant 640 : i32
    %mul3A_524 = arith.muli %arg1, %mul3A_523 : i32
    "tpu.region"() ({
      %run_scoped3A = tpu.sem_alloc : memref<!tpu.dma_semaphore, #tpu.memory_space<semaphore_mem>>
      %dma_start3A_525 = tpu.memref_slice %arg4[%arg0, %mul3A_524] : memref<2x10240xf32, #tpu.memory_space<hbm>> -> memref<1x640xf32, #tpu.memory_space<hbm>>
      %dma_start3A_526 = tpu.memref_squeeze %dma_start3A_525 : memref<1x640xf32, #tpu.memory_space<hbm>> -> memref<640xf32, #tpu.memory_space<hbm>>
      %dma_start3A_527 = tpu.memref_slice %arg7[%mul3A_522] : memref<10240xf32, #tpu.memory_space<vmem_shared>> -> memref<640xf32, #tpu.memory_space<vmem_shared>>
      tpu.enqueue_dma source(%dma_start3A_527 : memref<640xf32, #tpu.memory_space<vmem_shared>>) target(%dma_start3A_526 : memref<640xf32, #tpu.memory_space<hbm>>) target_semaphore(%run_scoped3A : memref<!tpu.dma_semaphore, #tpu.memory_space<semaphore_mem>>)
      %dma_wait3A_528 = tpu.memref_slice %arg4[%arg0, %mul3A_524] : memref<2x10240xf32, #tpu.memory_space<hbm>> -> memref<1x640xf32, #tpu.memory_space<hbm>>
      %dma_wait3A_529 = tpu.memref_squeeze %dma_wait3A_528 : memref<1x640xf32, #tpu.memory_space<hbm>> -> memref<640xf32, #tpu.memory_space<hbm>>
      %dma_wait3A_530 = tpu.memref_slice %arg7[%mul3A_522] : memref<10240xf32, #tpu.memory_space<vmem_shared>> -> memref<640xf32, #tpu.memory_space<vmem_shared>>
      tpu.wait_dma2 semaphore(%run_scoped3A : memref<!tpu.dma_semaphore, #tpu.memory_space<semaphore_mem>>) src(%dma_wait3A_530 : memref<640xf32, #tpu.memory_space<vmem_shared>>) dst(%dma_wait3A_529 : memref<640xf32, #tpu.memory_space<hbm>>)
      tpu.yield
    }) : () -> ()
    return
  }
}

#map = affine_map<(d0, d1) -> (0, 0, 0)>
#map1 = affine_map<(d0, d1) -> (0, 0)>
module attributes {stable_mosaic.version = 14 : i64} {
  func.func @_deg_body(%arg0: i32, %arg1: i32, %arg2: memref<2560x2x128xi32, #tpu.memory_space<hbm>>, %arg3: memref<2x10240xf32, #tpu.memory_space<hbm>>, %arg4: memref<80x2x128xi32, #tpu.memory_space<vmem>>, %arg5: memref<128xf32, #tpu.memory_space<vmem>>, %arg6: memref<640xf32, #tpu.memory_space<vmem>>, %arg7: memref<10240xf32, #tpu.memory_space<vmem_shared>>, %arg8: memref<!tpu.dma_semaphore, #tpu.memory_space<semaphore_mem>>) attributes {dimension_semantics = [#tpu.dimension_semantics<core_parallel>, #tpu.dimension_semantics<subcore_parallel>], iteration_bounds = array<i64: 2, 16>, scalar_prefetch = 0 : i64, scratch_operands = 5 : i64, tpu.core_type = #tpu.core_type<sc_vector_subcore>, window_params = [{transform_indices = #map}, {transform_indices = #map1}]} {
    %mul3A = arith.constant 16 : i32
    %mul3A_0 = arith.muli %arg0, %mul3A : i32
    %add3A = arith.addi %mul3A_0, %arg1 : i32
    %mul3A_1 = arith.constant 80 : i32
    %mul3A_2 = arith.muli %add3A, %mul3A_1 : i32
    "tpu.region"() ({
      %run_scoped3A = tpu.sem_alloc : memref<!tpu.dma_semaphore, #tpu.memory_space<semaphore_mem>>
      %dma_start3A_411 = arith.constant 0 : i32
      %dma_start3A_412 = arith.constant 0 : i32
      %dma_start3A_413 = tpu.memref_slice %arg2[%mul3A_2, %dma_start3A_411, %dma_start3A_412] : memref<2560x2x128xi32, #tpu.memory_space<hbm>> -> memref<80x2x128xi32, #tpu.memory_space<hbm>>
      %dma_start3A_414 = arith.constant 0 : i32
      %dma_start3A_415 = arith.constant 0 : i32
      %dma_start3A_416 = tpu.memref_slice %arg2[%mul3A_2, %dma_start3A_414, %dma_start3A_415] : memref<2560x2x128xi32, #tpu.memory_space<hbm>> -> memref<80x2x128xi32, #tpu.memory_space<hbm>>
      tpu.enqueue_dma source(%dma_start3A_416 : memref<80x2x128xi32, #tpu.memory_space<hbm>>) target(%arg4 : memref<80x2x128xi32, #tpu.memory_space<vmem>>) target_semaphore(%run_scoped3A : memref<!tpu.dma_semaphore, #tpu.memory_space<semaphore_mem>>)
      %dma_wait3A_417 = arith.constant 0 : i32
      %dma_wait3A_418 = arith.constant 0 : i32
      %dma_wait3A_419 = tpu.memref_slice %arg2[%mul3A_2, %dma_wait3A_417, %dma_wait3A_418] : memref<2560x2x128xi32, #tpu.memory_space<hbm>> -> memref<80x2x128xi32, #tpu.memory_space<hbm>>
      %dma_wait3A_420 = arith.constant 0 : i32
      %dma_wait3A_421 = arith.constant 0 : i32
      %dma_wait3A_422 = tpu.memref_slice %arg2[%mul3A_2, %dma_wait3A_420, %dma_wait3A_421] : memref<2560x2x128xi32, #tpu.memory_space<hbm>> -> memref<80x2x128xi32, #tpu.memory_space<hbm>>
      tpu.wait_dma2 semaphore(%run_scoped3A : memref<!tpu.dma_semaphore, #tpu.memory_space<semaphore_mem>>) src(%dma_wait3A_422 : memref<80x2x128xi32, #tpu.memory_space<hbm>>) dst(%arg4 : memref<80x2x128xi32, #tpu.memory_space<vmem>>)
      tpu.yield
    }) : () -> ()
    %broadcast_in_dim3A = arith.constant 1.000000e+00 : f32
    %broadcast_in_dim3A_3 = vector.broadcast %broadcast_in_dim3A : f32 to vector<16xf32>
    %swap3A = arith.constant 0 : index
    %swap3A_4 = tpu.vector_load %arg5[%swap3A] {strides = array<i32>} : memref<128xf32, #tpu.memory_space<vmem>>, vector<16xf32>,
    %swap3A_5 = vector.shape_cast %swap3A_4 : vector<16xf32> to vector<16xf32>
    %swap3A_6 = vector.shape_cast %broadcast_in_dim3A_3 : vector<16xf32> to vector<16xf32>
    tpu.vector_store %arg5[%swap3A], %swap3A_6 {strides = array<i32>} : memref<128xf32, #tpu.memory_space<vmem>>, vector<16xf32>,
    %broadcast_in_dim3A_7 = arith.constant 1.000000e+00 : f32
    %broadcast_in_dim3A_8 = vector.broadcast %broadcast_in_dim3A_7 : f32 to vector<16xf32>
    %swap3A_9 = arith.constant 16 : index
    %swap3A_10 = tpu.vector_load %arg5[%swap3A_9] {strides = array<i32>} : memref<128xf32, #tpu.memory_space<vmem>>, vector<16xf32>,
    %swap3A_11 = vector.shape_cast %swap3A_10 : vector<16xf32> to vector<16xf32>
    %swap3A_12 = vector.shape_cast %broadcast_in_dim3A_8 : vector<16xf32> to vector<16xf32>
    tpu.vector_store %arg5[%swap3A_9], %swap3A_12 {strides = array<i32>} : memref<128xf32, #tpu.memory_space<vmem>>, vector<16xf32>,
    %broadcast_in_dim3A_13 = arith.constant 1.000000e+00 : f32
    %broadcast_in_dim3A_14 = vector.broadcast %broadcast_in_dim3A_13 : f32 to vector<16xf32>
    %swap3A_15 = arith.constant 32 : index
    %swap3A_16 = tpu.vector_load %arg5[%swap3A_15] {strides = array<i32>} : memref<128xf32, #tpu.memory_space<vmem>>, vector<16xf32>,
    %swap3A_17 = vector.shape_cast %swap3A_16 : vector<16xf32> to vector<16xf32>
    %swap3A_18 = vector.shape_cast %broadcast_in_dim3A_14 : vector<16xf32> to vector<16xf32>
    tpu.vector_store %arg5[%swap3A_15], %swap3A_18 {strides = array<i32>} : memref<128xf32, #tpu.memory_space<vmem>>, vector<16xf32>,
    %broadcast_in_dim3A_19 = arith.constant 1.000000e+00 : f32
    %broadcast_in_dim3A_20 = vector.broadcast %broadcast_in_dim3A_19 : f32 to vector<16xf32>
    %swap3A_21 = arith.constant 48 : index
    %swap3A_22 = tpu.vector_load %arg5[%swap3A_21] {strides = array<i32>} : memref<128xf32, #tpu.memory_space<vmem>>, vector<16xf32>,
    %swap3A_23 = vector.shape_cast %swap3A_22 : vector<16xf32> to vector<16xf32>
    %swap3A_24 = vector.shape_cast %broadcast_in_dim3A_20 : vector<16xf32> to vector<16xf32>
    tpu.vector_store %arg5[%swap3A_21], %swap3A_24 {strides = array<i32>} : memref<128xf32, #tpu.memory_space<vmem>>, vector<16xf32>,
    %broadcast_in_dim3A_25 = arith.constant 1.000000e+00 : f32
    %broadcast_in_dim3A_26 = vector.broadcast %broadcast_in_dim3A_25 : f32 to vector<16xf32>
    %swap3A_27 = arith.constant 64 : index
    %swap3A_28 = tpu.vector_load %arg5[%swap3A_27] {strides = array<i32>} : memref<128xf32, #tpu.memory_space<vmem>>, vector<16xf32>,
    %swap3A_29 = vector.shape_cast %swap3A_28 : vector<16xf32> to vector<16xf32>
    %swap3A_30 = vector.shape_cast %broadcast_in_dim3A_26 : vector<16xf32> to vector<16xf32>
    tpu.vector_store %arg5[%swap3A_27], %swap3A_30 {strides = array<i32>} : memref<128xf32, #tpu.memory_space<vmem>>, vector<16xf32>,
    %broadcast_in_dim3A_31 = arith.constant 1.000000e+00 : f32
    %broadcast_in_dim3A_32 = vector.broadcast %broadcast_in_dim3A_31 : f32 to vector<16xf32>
    %swap3A_33 = arith.constant 80 : index
    %swap3A_34 = tpu.vector_load %arg5[%swap3A_33] {strides = array<i32>} : memref<128xf32, #tpu.memory_space<vmem>>, vector<16xf32>,
    %swap3A_35 = vector.shape_cast %swap3A_34 : vector<16xf32> to vector<16xf32>
    %swap3A_36 = vector.shape_cast %broadcast_in_dim3A_32 : vector<16xf32> to vector<16xf32>
    tpu.vector_store %arg5[%swap3A_33], %swap3A_36 {strides = array<i32>} : memref<128xf32, #tpu.memory_space<vmem>>, vector<16xf32>,
    %broadcast_in_dim3A_37 = arith.constant 1.000000e+00 : f32
    %broadcast_in_dim3A_38 = vector.broadcast %broadcast_in_dim3A_37 : f32 to vector<16xf32>
    %swap3A_39 = arith.constant 96 : index
    %swap3A_40 = tpu.vector_load %arg5[%swap3A_39] {strides = array<i32>} : memref<128xf32, #tpu.memory_space<vmem>>, vector<16xf32>,
    %swap3A_41 = vector.shape_cast %swap3A_40 : vector<16xf32> to vector<16xf32>
    %swap3A_42 = vector.shape_cast %broadcast_in_dim3A_38 : vector<16xf32> to vector<16xf32>
    tpu.vector_store %arg5[%swap3A_39], %swap3A_42 {strides = array<i32>} : memref<128xf32, #tpu.memory_space<vmem>>, vector<16xf32>,
    %broadcast_in_dim3A_43 = arith.constant 1.000000e+00 : f32
    %broadcast_in_dim3A_44 = vector.broadcast %broadcast_in_dim3A_43 : f32 to vector<16xf32>
    %swap3A_45 = arith.constant 112 : index
    %swap3A_46 = tpu.vector_load %arg5[%swap3A_45] {strides = array<i32>} : memref<128xf32, #tpu.memory_space<vmem>>, vector<16xf32>,
    %swap3A_47 = vector.shape_cast %swap3A_46 : vector<16xf32> to vector<16xf32>
    %swap3A_48 = vector.shape_cast %broadcast_in_dim3A_44 : vector<16xf32> to vector<16xf32>
    tpu.vector_store %arg5[%swap3A_45], %swap3A_48 {strides = array<i32>} : memref<128xf32, #tpu.memory_space<vmem>>, vector<16xf32>,
    %broadcast_in_dim3A_49 = arith.constant 0.000000e+00 : f32
    %broadcast_in_dim3A_50 = vector.broadcast %broadcast_in_dim3A_49 : f32 to vector<16xf32>
    %swap3A_51 = arith.constant 0 : index
    %swap3A_52 = tpu.vector_load %arg6[%swap3A_51] {strides = array<i32>} : memref<640xf32, #tpu.memory_space<vmem>>, vector<16xf32>,
    %swap3A_53 = vector.shape_cast %swap3A_52 : vector<16xf32> to vector<16xf32>
    %swap3A_54 = vector.shape_cast %broadcast_in_dim3A_50 : vector<16xf32> to vector<16xf32>
    tpu.vector_store %arg6[%swap3A_51], %swap3A_54 {strides = array<i32>} : memref<640xf32, #tpu.memory_space<vmem>>, vector<16xf32>,
    %broadcast_in_dim3A_55 = arith.constant 0.000000e+00 : f32
    %broadcast_in_dim3A_56 = vector.broadcast %broadcast_in_dim3A_55 : f32 to vector<16xf32>
    %swap3A_57 = arith.constant 16 : index
    %swap3A_58 = tpu.vector_load %arg6[%swap3A_57] {strides = array<i32>} : memref<640xf32, #tpu.memory_space<vmem>>, vector<16xf32>,
    %swap3A_59 = vector.shape_cast %swap3A_58 : vector<16xf32> to vector<16xf32>
    %swap3A_60 = vector.shape_cast %broadcast_in_dim3A_56 : vector<16xf32> to vector<16xf32>
    tpu.vector_store %arg6[%swap3A_57], %swap3A_60 {strides = array<i32>} : memref<640xf32, #tpu.memory_space<vmem>>, vector<16xf32>,
    %broadcast_in_dim3A_61 = arith.constant 0.000000e+00 : f32
    %broadcast_in_dim3A_62 = vector.broadcast %broadcast_in_dim3A_61 : f32 to vector<16xf32>
    %swap3A_63 = arith.constant 32 : index
    %swap3A_64 = tpu.vector_load %arg6[%swap3A_63] {strides = array<i32>} : memref<640xf32, #tpu.memory_space<vmem>>, vector<16xf32>,
    %swap3A_65 = vector.shape_cast %swap3A_64 : vector<16xf32> to vector<16xf32>
    %swap3A_66 = vector.shape_cast %broadcast_in_dim3A_62 : vector<16xf32> to vector<16xf32>
    tpu.vector_store %arg6[%swap3A_63], %swap3A_66 {strides = array<i32>} : memref<640xf32, #tpu.memory_space<vmem>>, vector<16xf32>,
    %broadcast_in_dim3A_67 = arith.constant 0.000000e+00 : f32
    %broadcast_in_dim3A_68 = vector.broadcast %broadcast_in_dim3A_67 : f32 to vector<16xf32>
    %swap3A_69 = arith.constant 48 : index
    %swap3A_70 = tpu.vector_load %arg6[%swap3A_69] {strides = array<i32>} : memref<640xf32, #tpu.memory_space<vmem>>, vector<16xf32>,
    %swap3A_71 = vector.shape_cast %swap3A_70 : vector<16xf32> to vector<16xf32>
    %swap3A_72 = vector.shape_cast %broadcast_in_dim3A_68 : vector<16xf32> to vector<16xf32>
    tpu.vector_store %arg6[%swap3A_69], %swap3A_72 {strides = array<i32>} : memref<640xf32, #tpu.memory_space<vmem>>, vector<16xf32>,
    %broadcast_in_dim3A_73 = arith.constant 0.000000e+00 : f32
    %broadcast_in_dim3A_74 = vector.broadcast %broadcast_in_dim3A_73 : f32 to vector<16xf32>
    %swap3A_75 = arith.constant 64 : index
    %swap3A_76 = tpu.vector_load %arg6[%swap3A_75] {strides = array<i32>} : memref<640xf32, #tpu.memory_space<vmem>>, vector<16xf32>,
    %swap3A_77 = vector.shape_cast %swap3A_76 : vector<16xf32> to vector<16xf32>
    %swap3A_78 = vector.shape_cast %broadcast_in_dim3A_74 : vector<16xf32> to vector<16xf32>
    tpu.vector_store %arg6[%swap3A_75], %swap3A_78 {strides = array<i32>} : memref<640xf32, #tpu.memory_space<vmem>>, vector<16xf32>,
    %broadcast_in_dim3A_79 = arith.constant 0.000000e+00 : f32
    %broadcast_in_dim3A_80 = vector.broadcast %broadcast_in_dim3A_79 : f32 to vector<16xf32>
    %swap3A_81 = arith.constant 80 : index
    %swap3A_82 = tpu.vector_load %arg6[%swap3A_81] {strides = array<i32>} : memref<640xf32, #tpu.memory_space<vmem>>, vector<16xf32>,
    %swap3A_83 = vector.shape_cast %swap3A_82 : vector<16xf32> to vector<16xf32>
    %swap3A_84 = vector.shape_cast %broadcast_in_dim3A_80 : vector<16xf32> to vector<16xf32>
    tpu.vector_store %arg6[%swap3A_81], %swap3A_84 {strides = array<i32>} : memref<640xf32, #tpu.memory_space<vmem>>, vector<16xf32>,
    %broadcast_in_dim3A_85 = arith.constant 0.000000e+00 : f32
    %broadcast_in_dim3A_86 = vector.broadcast %broadcast_in_dim3A_85 : f32 to vector<16xf32>
    %swap3A_87 = arith.constant 96 : index
    %swap3A_88 = tpu.vector_load %arg6[%swap3A_87] {strides = array<i32>} : memref<640xf32, #tpu.memory_space<vmem>>, vector<16xf32>,
    %swap3A_89 = vector.shape_cast %swap3A_88 : vector<16xf32> to vector<16xf32>
    %swap3A_90 = vector.shape_cast %broadcast_in_dim3A_86 : vector<16xf32> to vector<16xf32>
    tpu.vector_store %arg6[%swap3A_87], %swap3A_90 {strides = array<i32>} : memref<640xf32, #tpu.memory_space<vmem>>, vector<16xf32>,
    %broadcast_in_dim3A_91 = arith.constant 0.000000e+00 : f32
    %broadcast_in_dim3A_92 = vector.broadcast %broadcast_in_dim3A_91 : f32 to vector<16xf32>
    %swap3A_93 = arith.constant 112 : index
    %swap3A_94 = tpu.vector_load %arg6[%swap3A_93] {strides = array<i32>} : memref<640xf32, #tpu.memory_space<vmem>>, vector<16xf32>,
    %swap3A_95 = vector.shape_cast %swap3A_94 : vector<16xf32> to vector<16xf32>
    %swap3A_96 = vector.shape_cast %broadcast_in_dim3A_92 : vector<16xf32> to vector<16xf32>
    tpu.vector_store %arg6[%swap3A_93], %swap3A_96 {strides = array<i32>} : memref<640xf32, #tpu.memory_space<vmem>>, vector<16xf32>,
    %broadcast_in_dim3A_97 = arith.constant 0.000000e+00 : f32
    %broadcast_in_dim3A_98 = vector.broadcast %broadcast_in_dim3A_97 : f32 to vector<16xf32>
    %swap3A_99 = arith.constant 128 : index
    %swap3A_100 = tpu.vector_load %arg6[%swap3A_99] {strides = array<i32>} : memref<640xf32, #tpu.memory_space<vmem>>, vector<16xf32>,
    %swap3A_101 = vector.shape_cast %swap3A_100 : vector<16xf32> to vector<16xf32>
    %swap3A_102 = vector.shape_cast %broadcast_in_dim3A_98 : vector<16xf32> to vector<16xf32>
    tpu.vector_store %arg6[%swap3A_99], %swap3A_102 {strides = array<i32>} : memref<640xf32, #tpu.memory_space<vmem>>, vector<16xf32>,
    %broadcast_in_dim3A_103 = arith.constant 0.000000e+00 : f32
    %broadcast_in_dim3A_104 = vector.broadcast %broadcast_in_dim3A_103 : f32 to vector<16xf32>
    %swap3A_105 = arith.constant 144 : index
    %swap3A_106 = tpu.vector_load %arg6[%swap3A_105] {strides = array<i32>} : memref<640xf32, #tpu.memory_space<vmem>>, vector<16xf32>,
    %swap3A_107 = vector.shape_cast %swap3A_106 : vector<16xf32> to vector<16xf32>
    %swap3A_108 = vector.shape_cast %broadcast_in_dim3A_104 : vector<16xf32> to vector<16xf32>
    tpu.vector_store %arg6[%swap3A_105], %swap3A_108 {strides = array<i32>} : memref<640xf32, #tpu.memory_space<vmem>>, vector<16xf32>,
    %broadcast_in_dim3A_109 = arith.constant 0.000000e+00 : f32
    %broadcast_in_dim3A_110 = vector.broadcast %broadcast_in_dim3A_109 : f32 to vector<16xf32>
    %swap3A_111 = arith.constant 160 : index
    %swap3A_112 = tpu.vector_load %arg6[%swap3A_111] {strides = array<i32>} : memref<640xf32, #tpu.memory_space<vmem>>, vector<16xf32>,
    %swap3A_113 = vector.shape_cast %swap3A_112 : vector<16xf32> to vector<16xf32>
    %swap3A_114 = vector.shape_cast %broadcast_in_dim3A_110 : vector<16xf32> to vector<16xf32>
    tpu.vector_store %arg6[%swap3A_111], %swap3A_114 {strides = array<i32>} : memref<640xf32, #tpu.memory_space<vmem>>, vector<16xf32>,
    %broadcast_in_dim3A_115 = arith.constant 0.000000e+00 : f32
    %broadcast_in_dim3A_116 = vector.broadcast %broadcast_in_dim3A_115 : f32 to vector<16xf32>
    %swap3A_117 = arith.constant 176 : index
    %swap3A_118 = tpu.vector_load %arg6[%swap3A_117] {strides = array<i32>} : memref<640xf32, #tpu.memory_space<vmem>>, vector<16xf32>,
    %swap3A_119 = vector.shape_cast %swap3A_118 : vector<16xf32> to vector<16xf32>
    %swap3A_120 = vector.shape_cast %broadcast_in_dim3A_116 : vector<16xf32> to vector<16xf32>
    tpu.vector_store %arg6[%swap3A_117], %swap3A_120 {strides = array<i32>} : memref<640xf32, #tpu.memory_space<vmem>>, vector<16xf32>,
    %broadcast_in_dim3A_121 = arith.constant 0.000000e+00 : f32
    %broadcast_in_dim3A_122 = vector.broadcast %broadcast_in_dim3A_121 : f32 to vector<16xf32>
    %swap3A_123 = arith.constant 192 : index
    %swap3A_124 = tpu.vector_load %arg6[%swap3A_123] {strides = array<i32>} : memref<640xf32, #tpu.memory_space<vmem>>, vector<16xf32>,
    %swap3A_125 = vector.shape_cast %swap3A_124 : vector<16xf32> to vector<16xf32>
    %swap3A_126 = vector.shape_cast %broadcast_in_dim3A_122 : vector<16xf32> to vector<16xf32>
    tpu.vector_store %arg6[%swap3A_123], %swap3A_126 {strides = array<i32>} : memref<640xf32, #tpu.memory_space<vmem>>, vector<16xf32>,
    %broadcast_in_dim3A_127 = arith.constant 0.000000e+00 : f32
    %broadcast_in_dim3A_128 = vector.broadcast %broadcast_in_dim3A_127 : f32 to vector<16xf32>
    %swap3A_129 = arith.constant 208 : index
    %swap3A_130 = tpu.vector_load %arg6[%swap3A_129] {strides = array<i32>} : memref<640xf32, #tpu.memory_space<vmem>>, vector<16xf32>,
    %swap3A_131 = vector.shape_cast %swap3A_130 : vector<16xf32> to vector<16xf32>
    %swap3A_132 = vector.shape_cast %broadcast_in_dim3A_128 : vector<16xf32> to vector<16xf32>
    tpu.vector_store %arg6[%swap3A_129], %swap3A_132 {strides = array<i32>} : memref<640xf32, #tpu.memory_space<vmem>>, vector<16xf32>,
    %broadcast_in_dim3A_133 = arith.constant 0.000000e+00 : f32
    %broadcast_in_dim3A_134 = vector.broadcast %broadcast_in_dim3A_133 : f32 to vector<16xf32>
    %swap3A_135 = arith.constant 224 : index
    %swap3A_136 = tpu.vector_load %arg6[%swap3A_135] {strides = array<i32>} : memref<640xf32, #tpu.memory_space<vmem>>, vector<16xf32>,
    %swap3A_137 = vector.shape_cast %swap3A_136 : vector<16xf32> to vector<16xf32>
    %swap3A_138 = vector.shape_cast %broadcast_in_dim3A_134 : vector<16xf32> to vector<16xf32>
    tpu.vector_store %arg6[%swap3A_135], %swap3A_138 {strides = array<i32>} : memref<640xf32, #tpu.memory_space<vmem>>, vector<16xf32>,
    %broadcast_in_dim3A_139 = arith.constant 0.000000e+00 : f32
    %broadcast_in_dim3A_140 = vector.broadcast %broadcast_in_dim3A_139 : f32 to vector<16xf32>
    %swap3A_141 = arith.constant 240 : index
    %swap3A_142 = tpu.vector_load %arg6[%swap3A_141] {strides = array<i32>} : memref<640xf32, #tpu.memory_space<vmem>>, vector<16xf32>,
    %swap3A_143 = vector.shape_cast %swap3A_142 : vector<16xf32> to vector<16xf32>
    %swap3A_144 = vector.shape_cast %broadcast_in_dim3A_140 : vector<16xf32> to vector<16xf32>
    tpu.vector_store %arg6[%swap3A_141], %swap3A_144 {strides = array<i32>} : memref<640xf32, #tpu.memory_space<vmem>>, vector<16xf32>,
    %broadcast_in_dim3A_145 = arith.constant 0.000000e+00 : f32
    %broadcast_in_dim3A_146 = vector.broadcast %broadcast_in_dim3A_145 : f32 to vector<16xf32>
    %swap3A_147 = arith.constant 256 : index
    %swap3A_148 = tpu.vector_load %arg6[%swap3A_147] {strides = array<i32>} : memref<640xf32, #tpu.memory_space<vmem>>, vector<16xf32>,
    %swap3A_149 = vector.shape_cast %swap3A_148 : vector<16xf32> to vector<16xf32>
    %swap3A_150 = vector.shape_cast %broadcast_in_dim3A_146 : vector<16xf32> to vector<16xf32>
    tpu.vector_store %arg6[%swap3A_147], %swap3A_150 {strides = array<i32>} : memref<640xf32, #tpu.memory_space<vmem>>, vector<16xf32>,
    %broadcast_in_dim3A_151 = arith.constant 0.000000e+00 : f32
    %broadcast_in_dim3A_152 = vector.broadcast %broadcast_in_dim3A_151 : f32 to vector<16xf32>
    %swap3A_153 = arith.constant 272 : index
    %swap3A_154 = tpu.vector_load %arg6[%swap3A_153] {strides = array<i32>} : memref<640xf32, #tpu.memory_space<vmem>>, vector<16xf32>,
    %swap3A_155 = vector.shape_cast %swap3A_154 : vector<16xf32> to vector<16xf32>
    %swap3A_156 = vector.shape_cast %broadcast_in_dim3A_152 : vector<16xf32> to vector<16xf32>
    tpu.vector_store %arg6[%swap3A_153], %swap3A_156 {strides = array<i32>} : memref<640xf32, #tpu.memory_space<vmem>>, vector<16xf32>,
    %broadcast_in_dim3A_157 = arith.constant 0.000000e+00 : f32
    %broadcast_in_dim3A_158 = vector.broadcast %broadcast_in_dim3A_157 : f32 to vector<16xf32>
    %swap3A_159 = arith.constant 288 : index
    %swap3A_160 = tpu.vector_load %arg6[%swap3A_159] {strides = array<i32>} : memref<640xf32, #tpu.memory_space<vmem>>, vector<16xf32>,
    %swap3A_161 = vector.shape_cast %swap3A_160 : vector<16xf32> to vector<16xf32>
    %swap3A_162 = vector.shape_cast %broadcast_in_dim3A_158 : vector<16xf32> to vector<16xf32>
    tpu.vector_store %arg6[%swap3A_159], %swap3A_162 {strides = array<i32>} : memref<640xf32, #tpu.memory_space<vmem>>, vector<16xf32>,
    %broadcast_in_dim3A_163 = arith.constant 0.000000e+00 : f32
    %broadcast_in_dim3A_164 = vector.broadcast %broadcast_in_dim3A_163 : f32 to vector<16xf32>
    %swap3A_165 = arith.constant 304 : index
    %swap3A_166 = tpu.vector_load %arg6[%swap3A_165] {strides = array<i32>} : memref<640xf32, #tpu.memory_space<vmem>>, vector<16xf32>,
    %swap3A_167 = vector.shape_cast %swap3A_166 : vector<16xf32> to vector<16xf32>
    %swap3A_168 = vector.shape_cast %broadcast_in_dim3A_164 : vector<16xf32> to vector<16xf32>
    tpu.vector_store %arg6[%swap3A_165], %swap3A_168 {strides = array<i32>} : memref<640xf32, #tpu.memory_space<vmem>>, vector<16xf32>,
    %broadcast_in_dim3A_169 = arith.constant 0.000000e+00 : f32
    %broadcast_in_dim3A_170 = vector.broadcast %broadcast_in_dim3A_169 : f32 to vector<16xf32>
    %swap3A_171 = arith.constant 320 : index
    %swap3A_172 = tpu.vector_load %arg6[%swap3A_171] {strides = array<i32>} : memref<640xf32, #tpu.memory_space<vmem>>, vector<16xf32>,
    %swap3A_173 = vector.shape_cast %swap3A_172 : vector<16xf32> to vector<16xf32>
    %swap3A_174 = vector.shape_cast %broadcast_in_dim3A_170 : vector<16xf32> to vector<16xf32>
    tpu.vector_store %arg6[%swap3A_171], %swap3A_174 {strides = array<i32>} : memref<640xf32, #tpu.memory_space<vmem>>, vector<16xf32>,
    %broadcast_in_dim3A_175 = arith.constant 0.000000e+00 : f32
    %broadcast_in_dim3A_176 = vector.broadcast %broadcast_in_dim3A_175 : f32 to vector<16xf32>
    %swap3A_177 = arith.constant 336 : index
    %swap3A_178 = tpu.vector_load %arg6[%swap3A_177] {strides = array<i32>} : memref<640xf32, #tpu.memory_space<vmem>>, vector<16xf32>,
    %swap3A_179 = vector.shape_cast %swap3A_178 : vector<16xf32> to vector<16xf32>
    %swap3A_180 = vector.shape_cast %broadcast_in_dim3A_176 : vector<16xf32> to vector<16xf32>
    tpu.vector_store %arg6[%swap3A_177], %swap3A_180 {strides = array<i32>} : memref<640xf32, #tpu.memory_space<vmem>>, vector<16xf32>,
    %broadcast_in_dim3A_181 = arith.constant 0.000000e+00 : f32
    %broadcast_in_dim3A_182 = vector.broadcast %broadcast_in_dim3A_181 : f32 to vector<16xf32>
    %swap3A_183 = arith.constant 352 : index
    %swap3A_184 = tpu.vector_load %arg6[%swap3A_183] {strides = array<i32>} : memref<640xf32, #tpu.memory_space<vmem>>, vector<16xf32>,
    %swap3A_185 = vector.shape_cast %swap3A_184 : vector<16xf32> to vector<16xf32>
    %swap3A_186 = vector.shape_cast %broadcast_in_dim3A_182 : vector<16xf32> to vector<16xf32>
    tpu.vector_store %arg6[%swap3A_183], %swap3A_186 {strides = array<i32>} : memref<640xf32, #tpu.memory_space<vmem>>, vector<16xf32>,
    %broadcast_in_dim3A_187 = arith.constant 0.000000e+00 : f32
    %broadcast_in_dim3A_188 = vector.broadcast %broadcast_in_dim3A_187 : f32 to vector<16xf32>
    %swap3A_189 = arith.constant 368 : index
    %swap3A_190 = tpu.vector_load %arg6[%swap3A_189] {strides = array<i32>} : memref<640xf32, #tpu.memory_space<vmem>>, vector<16xf32>,
    %swap3A_191 = vector.shape_cast %swap3A_190 : vector<16xf32> to vector<16xf32>
    %swap3A_192 = vector.shape_cast %broadcast_in_dim3A_188 : vector<16xf32> to vector<16xf32>
    tpu.vector_store %arg6[%swap3A_189], %swap3A_192 {strides = array<i32>} : memref<640xf32, #tpu.memory_space<vmem>>, vector<16xf32>,
    %broadcast_in_dim3A_193 = arith.constant 0.000000e+00 : f32
    %broadcast_in_dim3A_194 = vector.broadcast %broadcast_in_dim3A_193 : f32 to vector<16xf32>
    %swap3A_195 = arith.constant 384 : index
    %swap3A_196 = tpu.vector_load %arg6[%swap3A_195] {strides = array<i32>} : memref<640xf32, #tpu.memory_space<vmem>>, vector<16xf32>,
    %swap3A_197 = vector.shape_cast %swap3A_196 : vector<16xf32> to vector<16xf32>
    %swap3A_198 = vector.shape_cast %broadcast_in_dim3A_194 : vector<16xf32> to vector<16xf32>
    tpu.vector_store %arg6[%swap3A_195], %swap3A_198 {strides = array<i32>} : memref<640xf32, #tpu.memory_space<vmem>>, vector<16xf32>,
    %broadcast_in_dim3A_199 = arith.constant 0.000000e+00 : f32
    %broadcast_in_dim3A_200 = vector.broadcast %broadcast_in_dim3A_199 : f32 to vector<16xf32>
    %swap3A_201 = arith.constant 400 : index
    %swap3A_202 = tpu.vector_load %arg6[%swap3A_201] {strides = array<i32>} : memref<640xf32, #tpu.memory_space<vmem>>, vector<16xf32>,
    %swap3A_203 = vector.shape_cast %swap3A_202 : vector<16xf32> to vector<16xf32>
    %swap3A_204 = vector.shape_cast %broadcast_in_dim3A_200 : vector<16xf32> to vector<16xf32>
    tpu.vector_store %arg6[%swap3A_201], %swap3A_204 {strides = array<i32>} : memref<640xf32, #tpu.memory_space<vmem>>, vector<16xf32>,
    %broadcast_in_dim3A_205 = arith.constant 0.000000e+00 : f32
    %broadcast_in_dim3A_206 = vector.broadcast %broadcast_in_dim3A_205 : f32 to vector<16xf32>
    %swap3A_207 = arith.constant 416 : index
    %swap3A_208 = tpu.vector_load %arg6[%swap3A_207] {strides = array<i32>} : memref<640xf32, #tpu.memory_space<vmem>>, vector<16xf32>,
    %swap3A_209 = vector.shape_cast %swap3A_208 : vector<16xf32> to vector<16xf32>
    %swap3A_210 = vector.shape_cast %broadcast_in_dim3A_206 : vector<16xf32> to vector<16xf32>
    tpu.vector_store %arg6[%swap3A_207], %swap3A_210 {strides = array<i32>} : memref<640xf32, #tpu.memory_space<vmem>>, vector<16xf32>,
    %broadcast_in_dim3A_211 = arith.constant 0.000000e+00 : f32
    %broadcast_in_dim3A_212 = vector.broadcast %broadcast_in_dim3A_211 : f32 to vector<16xf32>
    %swap3A_213 = arith.constant 432 : index
    %swap3A_214 = tpu.vector_load %arg6[%swap3A_213] {strides = array<i32>} : memref<640xf32, #tpu.memory_space<vmem>>, vector<16xf32>,
    %swap3A_215 = vector.shape_cast %swap3A_214 : vector<16xf32> to vector<16xf32>
    %swap3A_216 = vector.shape_cast %broadcast_in_dim3A_212 : vector<16xf32> to vector<16xf32>
    tpu.vector_store %arg6[%swap3A_213], %swap3A_216 {strides = array<i32>} : memref<640xf32, #tpu.memory_space<vmem>>, vector<16xf32>,
    %broadcast_in_dim3A_217 = arith.constant 0.000000e+00 : f32
    %broadcast_in_dim3A_218 = vector.broadcast %broadcast_in_dim3A_217 : f32 to vector<16xf32>
    %swap3A_219 = arith.constant 448 : index
    %swap3A_220 = tpu.vector_load %arg6[%swap3A_219] {strides = array<i32>} : memref<640xf32, #tpu.memory_space<vmem>>, vector<16xf32>,
    %swap3A_221 = vector.shape_cast %swap3A_220 : vector<16xf32> to vector<16xf32>
    %swap3A_222 = vector.shape_cast %broadcast_in_dim3A_218 : vector<16xf32> to vector<16xf32>
    tpu.vector_store %arg6[%swap3A_219], %swap3A_222 {strides = array<i32>} : memref<640xf32, #tpu.memory_space<vmem>>, vector<16xf32>,
    %broadcast_in_dim3A_223 = arith.constant 0.000000e+00 : f32
    %broadcast_in_dim3A_224 = vector.broadcast %broadcast_in_dim3A_223 : f32 to vector<16xf32>
    %swap3A_225 = arith.constant 464 : index
    %swap3A_226 = tpu.vector_load %arg6[%swap3A_225] {strides = array<i32>} : memref<640xf32, #tpu.memory_space<vmem>>, vector<16xf32>,
    %swap3A_227 = vector.shape_cast %swap3A_226 : vector<16xf32> to vector<16xf32>
    %swap3A_228 = vector.shape_cast %broadcast_in_dim3A_224 : vector<16xf32> to vector<16xf32>
    tpu.vector_store %arg6[%swap3A_225], %swap3A_228 {strides = array<i32>} : memref<640xf32, #tpu.memory_space<vmem>>, vector<16xf32>,
    %broadcast_in_dim3A_229 = arith.constant 0.000000e+00 : f32
    %broadcast_in_dim3A_230 = vector.broadcast %broadcast_in_dim3A_229 : f32 to vector<16xf32>
    %swap3A_231 = arith.constant 480 : index
    %swap3A_232 = tpu.vector_load %arg6[%swap3A_231] {strides = array<i32>} : memref<640xf32, #tpu.memory_space<vmem>>, vector<16xf32>,
    %swap3A_233 = vector.shape_cast %swap3A_232 : vector<16xf32> to vector<16xf32>
    %swap3A_234 = vector.shape_cast %broadcast_in_dim3A_230 : vector<16xf32> to vector<16xf32>
    tpu.vector_store %arg6[%swap3A_231], %swap3A_234 {strides = array<i32>} : memref<640xf32, #tpu.memory_space<vmem>>, vector<16xf32>,
    %broadcast_in_dim3A_235 = arith.constant 0.000000e+00 : f32
    %broadcast_in_dim3A_236 = vector.broadcast %broadcast_in_dim3A_235 : f32 to vector<16xf32>
    %swap3A_237 = arith.constant 496 : index
    %swap3A_238 = tpu.vector_load %arg6[%swap3A_237] {strides = array<i32>} : memref<640xf32, #tpu.memory_space<vmem>>, vector<16xf32>,
    %swap3A_239 = vector.shape_cast %swap3A_238 : vector<16xf32> to vector<16xf32>
    %swap3A_240 = vector.shape_cast %broadcast_in_dim3A_236 : vector<16xf32> to vector<16xf32>
    tpu.vector_store %arg6[%swap3A_237], %swap3A_240 {strides = array<i32>} : memref<640xf32, #tpu.memory_space<vmem>>, vector<16xf32>,
    %broadcast_in_dim3A_241 = arith.constant 0.000000e+00 : f32
    %broadcast_in_dim3A_242 = vector.broadcast %broadcast_in_dim3A_241 : f32 to vector<16xf32>
    %swap3A_243 = arith.constant 512 : index
    %swap3A_244 = tpu.vector_load %arg6[%swap3A_243] {strides = array<i32>} : memref<640xf32, #tpu.memory_space<vmem>>, vector<16xf32>,
    %swap3A_245 = vector.shape_cast %swap3A_244 : vector<16xf32> to vector<16xf32>
    %swap3A_246 = vector.shape_cast %broadcast_in_dim3A_242 : vector<16xf32> to vector<16xf32>
    tpu.vector_store %arg6[%swap3A_243], %swap3A_246 {strides = array<i32>} : memref<640xf32, #tpu.memory_space<vmem>>, vector<16xf32>,
    %broadcast_in_dim3A_247 = arith.constant 0.000000e+00 : f32
    %broadcast_in_dim3A_248 = vector.broadcast %broadcast_in_dim3A_247 : f32 to vector<16xf32>
    %swap3A_249 = arith.constant 528 : index
    %swap3A_250 = tpu.vector_load %arg6[%swap3A_249] {strides = array<i32>} : memref<640xf32, #tpu.memory_space<vmem>>, vector<16xf32>,
    %swap3A_251 = vector.shape_cast %swap3A_250 : vector<16xf32> to vector<16xf32>
    %swap3A_252 = vector.shape_cast %broadcast_in_dim3A_248 : vector<16xf32> to vector<16xf32>
    tpu.vector_store %arg6[%swap3A_249], %swap3A_252 {strides = array<i32>} : memref<640xf32, #tpu.memory_space<vmem>>, vector<16xf32>,
    %broadcast_in_dim3A_253 = arith.constant 0.000000e+00 : f32
    %broadcast_in_dim3A_254 = vector.broadcast %broadcast_in_dim3A_253 : f32 to vector<16xf32>
    %swap3A_255 = arith.constant 544 : index
    %swap3A_256 = tpu.vector_load %arg6[%swap3A_255] {strides = array<i32>} : memref<640xf32, #tpu.memory_space<vmem>>, vector<16xf32>,
    %swap3A_257 = vector.shape_cast %swap3A_256 : vector<16xf32> to vector<16xf32>
    %swap3A_258 = vector.shape_cast %broadcast_in_dim3A_254 : vector<16xf32> to vector<16xf32>
    tpu.vector_store %arg6[%swap3A_255], %swap3A_258 {strides = array<i32>} : memref<640xf32, #tpu.memory_space<vmem>>, vector<16xf32>,
    %broadcast_in_dim3A_259 = arith.constant 0.000000e+00 : f32
    %broadcast_in_dim3A_260 = vector.broadcast %broadcast_in_dim3A_259 : f32 to vector<16xf32>
    %swap3A_261 = arith.constant 560 : index
    %swap3A_262 = tpu.vector_load %arg6[%swap3A_261] {strides = array<i32>} : memref<640xf32, #tpu.memory_space<vmem>>, vector<16xf32>,
    %swap3A_263 = vector.shape_cast %swap3A_262 : vector<16xf32> to vector<16xf32>
    %swap3A_264 = vector.shape_cast %broadcast_in_dim3A_260 : vector<16xf32> to vector<16xf32>
    tpu.vector_store %arg6[%swap3A_261], %swap3A_264 {strides = array<i32>} : memref<640xf32, #tpu.memory_space<vmem>>, vector<16xf32>,
    %broadcast_in_dim3A_265 = arith.constant 0.000000e+00 : f32
    %broadcast_in_dim3A_266 = vector.broadcast %broadcast_in_dim3A_265 : f32 to vector<16xf32>
    %swap3A_267 = arith.constant 576 : index
    %swap3A_268 = tpu.vector_load %arg6[%swap3A_267] {strides = array<i32>} : memref<640xf32, #tpu.memory_space<vmem>>, vector<16xf32>,
    %swap3A_269 = vector.shape_cast %swap3A_268 : vector<16xf32> to vector<16xf32>
    %swap3A_270 = vector.shape_cast %broadcast_in_dim3A_266 : vector<16xf32> to vector<16xf32>
    tpu.vector_store %arg6[%swap3A_267], %swap3A_270 {strides = array<i32>} : memref<640xf32, #tpu.memory_space<vmem>>, vector<16xf32>,
    %broadcast_in_dim3A_271 = arith.constant 0.000000e+00 : f32
    %broadcast_in_dim3A_272 = vector.broadcast %broadcast_in_dim3A_271 : f32 to vector<16xf32>
    %swap3A_273 = arith.constant 592 : index
    %swap3A_274 = tpu.vector_load %arg6[%swap3A_273] {strides = array<i32>} : memref<640xf32, #tpu.memory_space<vmem>>, vector<16xf32>,
    %swap3A_275 = vector.shape_cast %swap3A_274 : vector<16xf32> to vector<16xf32>
    %swap3A_276 = vector.shape_cast %broadcast_in_dim3A_272 : vector<16xf32> to vector<16xf32>
    tpu.vector_store %arg6[%swap3A_273], %swap3A_276 {strides = array<i32>} : memref<640xf32, #tpu.memory_space<vmem>>, vector<16xf32>,
    %broadcast_in_dim3A_277 = arith.constant 0.000000e+00 : f32
    %broadcast_in_dim3A_278 = vector.broadcast %broadcast_in_dim3A_277 : f32 to vector<16xf32>
    %swap3A_279 = arith.constant 608 : index
    %swap3A_280 = tpu.vector_load %arg6[%swap3A_279] {strides = array<i32>} : memref<640xf32, #tpu.memory_space<vmem>>, vector<16xf32>,
    %swap3A_281 = vector.shape_cast %swap3A_280 : vector<16xf32> to vector<16xf32>
    %swap3A_282 = vector.shape_cast %broadcast_in_dim3A_278 : vector<16xf32> to vector<16xf32>
    tpu.vector_store %arg6[%swap3A_279], %swap3A_282 {strides = array<i32>} : memref<640xf32, #tpu.memory_space<vmem>>, vector<16xf32>,
    %broadcast_in_dim3A_283 = arith.constant 0.000000e+00 : f32
    %broadcast_in_dim3A_284 = vector.broadcast %broadcast_in_dim3A_283 : f32 to vector<16xf32>
    %swap3A_285 = arith.constant 624 : index
    %swap3A_286 = tpu.vector_load %arg6[%swap3A_285] {strides = array<i32>} : memref<640xf32, #tpu.memory_space<vmem>>, vector<16xf32>,
    %swap3A_287 = vector.shape_cast %swap3A_286 : vector<16xf32> to vector<16xf32>
    %swap3A_288 = vector.shape_cast %broadcast_in_dim3A_284 : vector<16xf32> to vector<16xf32>
    tpu.vector_store %arg6[%swap3A_285], %swap3A_288 {strides = array<i32>} : memref<640xf32, #tpu.memory_space<vmem>>, vector<16xf32>,
    %mul3A_289 = arith.constant 640 : i32
    %mul3A_290 = arith.muli %arg1, %mul3A_289 : i32
    "tpu.region"() ({
      %run_scoped3A = tpu.sem_alloc : memref<!tpu.dma_semaphore, #tpu.memory_space<semaphore_mem>>
      %dma_start3A_411 = tpu.memref_slice %arg7[%mul3A_290] : memref<10240xf32, #tpu.memory_space<vmem_shared>> -> memref<640xf32, #tpu.memory_space<vmem_shared>>
      %dma_start3A_412 = tpu.memref_slice %arg7[%mul3A_290] : memref<10240xf32, #tpu.memory_space<vmem_shared>> -> memref<640xf32, #tpu.memory_space<vmem_shared>>
      tpu.enqueue_dma source(%arg6 : memref<640xf32, #tpu.memory_space<vmem>>) target(%dma_start3A_412 : memref<640xf32, #tpu.memory_space<vmem_shared>>) target_semaphore(%run_scoped3A : memref<!tpu.dma_semaphore, #tpu.memory_space<semaphore_mem>>)
      %dma_wait3A_413 = tpu.memref_slice %arg7[%mul3A_290] : memref<10240xf32, #tpu.memory_space<vmem_shared>> -> memref<640xf32, #tpu.memory_space<vmem_shared>>
      %dma_wait3A_414 = tpu.memref_slice %arg7[%mul3A_290] : memref<10240xf32, #tpu.memory_space<vmem_shared>> -> memref<640xf32, #tpu.memory_space<vmem_shared>>
      tpu.wait_dma2 semaphore(%run_scoped3A : memref<!tpu.dma_semaphore, #tpu.memory_space<semaphore_mem>>) src(%arg6 : memref<640xf32, #tpu.memory_space<vmem>>) dst(%dma_wait3A_414 : memref<640xf32, #tpu.memory_space<vmem_shared>>)
      tpu.yield
    }) : () -> ()
    %barrier3A = arith.constant 0 : index
    tpu.barrier barrier_id(%barrier3A)
    %dma_start3A = arith.constant 0 : i32
    %dma_start3A_291 = arith.constant 1 : i32
    %dma_start3A_292 = arith.constant 0 : i32
    %dma_start3A_293 = tpu.memref_slice %arg4[%dma_start3A, %dma_start3A_291, %dma_start3A_292] : memref<80x2x128xi32, #tpu.memory_space<vmem>> -> memref<1x1x128xi32, #tpu.memory_space<vmem>>
    %dma_start3A_294 = tpu.memref_squeeze %dma_start3A_293 : memref<1x1x128xi32, #tpu.memory_space<vmem>> -> memref<128xi32, #tpu.memory_space<vmem>>
    %dma_start3A_295 = arith.constant 0 : i32
    %dma_start3A_296 = tpu.memref_slice %arg7[%dma_start3A_295] : memref<10240xf32, #tpu.memory_space<vmem_shared>> -> memref<10240xf32, #tpu.memory_space<vmem_shared>>
    tpu.enqueue_indirect_dma source(%arg5 : memref<128xf32, #tpu.memory_space<vmem>>) target(%dma_start3A_296 : memref<10240xf32, #tpu.memory_space<vmem_shared>>) offsets(%dma_start3A_294 : memref<128xi32, #tpu.memory_space<vmem>>) semaphore(%arg8 : memref<!tpu.dma_semaphore, #tpu.memory_space<semaphore_mem>>) {add = true}
    %dma_start3A_297 = arith.constant 1 : i32
    %dma_start3A_298 = arith.constant 1 : i32
    %dma_start3A_299 = arith.constant 0 : i32
    %dma_start3A_300 = tpu.memref_slice %arg4[%dma_start3A_297, %dma_start3A_298, %dma_start3A_299] : memref<80x2x128xi32, #tpu.memory_space<vmem>> -> memref<1x1x128xi32, #tpu.memory_space<vmem>>
    %dma_start3A_301 = tpu.memref_squeeze %dma_start3A_300 : memref<1x1x128xi32, #tpu.memory_space<vmem>> -> memref<128xi32, #tpu.memory_space<vmem>>
    %dma_start3A_302 = arith.constant 0 : i32
    %dma_start3A_303 = tpu.memref_slice %arg7[%dma_start3A_302] : memref<10240xf32, #tpu.memory_space<vmem_shared>> -> memref<10240xf32, #tpu.memory_space<vmem_shared>>
    tpu.enqueue_indirect_dma source(%arg5 : memref<128xf32, #tpu.memory_space<vmem>>) target(%dma_start3A_303 : memref<10240xf32, #tpu.memory_space<vmem_shared>>) offsets(%dma_start3A_301 : memref<128xi32, #tpu.memory_space<vmem>>) semaphore(%arg8 : memref<!tpu.dma_semaphore, #tpu.memory_space<semaphore_mem>>) {add = true}
    %dma_start3A_304 = arith.constant 2 : i32
    %dma_start3A_305 = arith.constant 1 : i32
    %dma_start3A_306 = arith.constant 0 : i32
    %dma_start3A_307 = tpu.memref_slice %arg4[%dma_start3A_304, %dma_start3A_305, %dma_start3A_306] : memref<80x2x128xi32, #tpu.memory_space<vmem>> -> memref<1x1x128xi32, #tpu.memory_space<vmem>>
    %dma_start3A_308 = tpu.memref_squeeze %dma_start3A_307 : memref<1x1x128xi32, #tpu.memory_space<vmem>> -> memref<128xi32, #tpu.memory_space<vmem>>
    %dma_start3A_309 = arith.constant 0 : i32
    %dma_start3A_310 = tpu.memref_slice %arg7[%dma_start3A_309] : memref<10240xf32, #tpu.memory_space<vmem_shared>> -> memref<10240xf32, #tpu.memory_space<vmem_shared>>
    tpu.enqueue_indirect_dma source(%arg5 : memref<128xf32, #tpu.memory_space<vmem>>) target(%dma_start3A_310 : memref<10240xf32, #tpu.memory_space<vmem_shared>>) offsets(%dma_start3A_308 : memref<128xi32, #tpu.memory_space<vmem>>) semaphore(%arg8 : memref<!tpu.dma_semaphore, #tpu.memory_space<semaphore_mem>>) {add = true}
    %dma_start3A_311 = arith.constant 3 : i32
    %dma_start3A_312 = arith.constant 1 : i32
    %dma_start3A_313 = arith.constant 0 : i32
    %dma_start3A_314 = tpu.memref_slice %arg4[%dma_start3A_311, %dma_start3A_312, %dma_start3A_313] : memref<80x2x128xi32, #tpu.memory_space<vmem>> -> memref<1x1x128xi32, #tpu.memory_space<vmem>>
    %dma_start3A_315 = tpu.memref_squeeze %dma_start3A_314 : memref<1x1x128xi32, #tpu.memory_space<vmem>> -> memref<128xi32, #tpu.memory_space<vmem>>
    %dma_start3A_316 = arith.constant 0 : i32
    %dma_start3A_317 = tpu.memref_slice %arg7[%dma_start3A_316] : memref<10240xf32, #tpu.memory_space<vmem_shared>> -> memref<10240xf32, #tpu.memory_space<vmem_shared>>
    tpu.enqueue_indirect_dma source(%arg5 : memref<128xf32, #tpu.memory_space<vmem>>) target(%dma_start3A_317 : memref<10240xf32, #tpu.memory_space<vmem_shared>>) offsets(%dma_start3A_315 : memref<128xi32, #tpu.memory_space<vmem>>) semaphore(%arg8 : memref<!tpu.dma_semaphore, #tpu.memory_space<semaphore_mem>>) {add = true}
    %dma_start3A_318 = arith.constant 4 : i32
    %dma_start3A_319 = arith.constant 1 : i32
    %dma_start3A_320 = arith.constant 0 : i32
    %dma_start3A_321 = tpu.memref_slice %arg4[%dma_start3A_318, %dma_start3A_319, %dma_start3A_320] : memref<80x2x128xi32, #tpu.memory_space<vmem>> -> memref<1x1x128xi32, #tpu.memory_space<vmem>>
    %dma_start3A_322 = tpu.memref_squeeze %dma_start3A_321 : memref<1x1x128xi32, #tpu.memory_space<vmem>> -> memref<128xi32, #tpu.memory_space<vmem>>
    %dma_start3A_323 = arith.constant 0 : i32
    %dma_start3A_324 = tpu.memref_slice %arg7[%dma_start3A_323] : memref<10240xf32, #tpu.memory_space<vmem_shared>> -> memref<10240xf32, #tpu.memory_space<vmem_shared>>
    tpu.enqueue_indirect_dma source(%arg5 : memref<128xf32, #tpu.memory_space<vmem>>) target(%dma_start3A_324 : memref<10240xf32, #tpu.memory_space<vmem_shared>>) offsets(%dma_start3A_322 : memref<128xi32, #tpu.memory_space<vmem>>) semaphore(%arg8 : memref<!tpu.dma_semaphore, #tpu.memory_space<semaphore_mem>>) {add = true}
    %dma_start3A_325 = arith.constant 5 : i32
    %dma_start3A_326 = arith.constant 1 : i32
    %dma_start3A_327 = arith.constant 0 : i32
    %dma_start3A_328 = tpu.memref_slice %arg4[%dma_start3A_325, %dma_start3A_326, %dma_start3A_327] : memref<80x2x128xi32, #tpu.memory_space<vmem>> -> memref<1x1x128xi32, #tpu.memory_space<vmem>>
    %dma_start3A_329 = tpu.memref_squeeze %dma_start3A_328 : memref<1x1x128xi32, #tpu.memory_space<vmem>> -> memref<128xi32, #tpu.memory_space<vmem>>
    %dma_start3A_330 = arith.constant 0 : i32
    %dma_start3A_331 = tpu.memref_slice %arg7[%dma_start3A_330] : memref<10240xf32, #tpu.memory_space<vmem_shared>> -> memref<10240xf32, #tpu.memory_space<vmem_shared>>
    tpu.enqueue_indirect_dma source(%arg5 : memref<128xf32, #tpu.memory_space<vmem>>) target(%dma_start3A_331 : memref<10240xf32, #tpu.memory_space<vmem_shared>>) offsets(%dma_start3A_329 : memref<128xi32, #tpu.memory_space<vmem>>) semaphore(%arg8 : memref<!tpu.dma_semaphore, #tpu.memory_space<semaphore_mem>>) {add = true}
    %dma_start3A_332 = arith.constant 6 : i32
    %dma_start3A_333 = arith.constant 1 : i32
    %dma_start3A_334 = arith.constant 0 : i32
    %dma_start3A_335 = tpu.memref_slice %arg4[%dma_start3A_332, %dma_start3A_333, %dma_start3A_334] : memref<80x2x128xi32, #tpu.memory_space<vmem>> -> memref<1x1x128xi32, #tpu.memory_space<vmem>>
    %dma_start3A_336 = tpu.memref_squeeze %dma_start3A_335 : memref<1x1x128xi32, #tpu.memory_space<vmem>> -> memref<128xi32, #tpu.memory_space<vmem>>
    %dma_start3A_337 = arith.constant 0 : i32
    %dma_start3A_338 = tpu.memref_slice %arg7[%dma_start3A_337] : memref<10240xf32, #tpu.memory_space<vmem_shared>> -> memref<10240xf32, #tpu.memory_space<vmem_shared>>
    tpu.enqueue_indirect_dma source(%arg5 : memref<128xf32, #tpu.memory_space<vmem>>) target(%dma_start3A_338 : memref<10240xf32, #tpu.memory_space<vmem_shared>>) offsets(%dma_start3A_336 : memref<128xi32, #tpu.memory_space<vmem>>) semaphore(%arg8 : memref<!tpu.dma_semaphore, #tpu.memory_space<semaphore_mem>>) {add = true}
    %dma_start3A_339 = arith.constant 7 : i32
    %dma_start3A_340 = arith.constant 1 : i32
    %dma_start3A_341 = arith.constant 0 : i32
    %dma_start3A_342 = tpu.memref_slice %arg4[%dma_start3A_339, %dma_start3A_340, %dma_start3A_341] : memref<80x2x128xi32, #tpu.memory_space<vmem>> -> memref<1x1x128xi32, #tpu.memory_space<vmem>>
    %dma_start3A_343 = tpu.memref_squeeze %dma_start3A_342 : memref<1x1x128xi32, #tpu.memory_space<vmem>> -> memref<128xi32, #tpu.memory_space<vmem>>
    %dma_start3A_344 = arith.constant 0 : i32
    %dma_start3A_345 = tpu.memref_slice %arg7[%dma_start3A_344] : memref<10240xf32, #tpu.memory_space<vmem_shared>> -> memref<10240xf32, #tpu.memory_space<vmem_shared>>
    tpu.enqueue_indirect_dma source(%arg5 : memref<128xf32, #tpu.memory_space<vmem>>) target(%dma_start3A_345 : memref<10240xf32, #tpu.memory_space<vmem_shared>>) offsets(%dma_start3A_343 : memref<128xi32, #tpu.memory_space<vmem>>) semaphore(%arg8 : memref<!tpu.dma_semaphore, #tpu.memory_space<semaphore_mem>>) {add = true}
    %scan3A = arith.constant 0 : i32
    %scan3A_346 = arith.constant 0 : i32
    %scan3A_347 = arith.constant 72 : i32
    %scan3A_348 = arith.addi %scan3A_346, %scan3A_347 : i32
    %scan3A_349 = arith.constant 1 : i32
    scf.for %scan3A_411 = %scan3A_346 to %scan3A_348 step %scan3A_349  : i32 {
      %dma_wait3A_412 = arith.constant 0 : i32
      %dma_wait3A_413 = arith.constant 1 : i32
      %dma_wait3A_414 = arith.constant 0 : i32
      %dma_wait3A_415 = tpu.memref_slice %arg4[%dma_wait3A_412, %dma_wait3A_413, %dma_wait3A_414] : memref<80x2x128xi32, #tpu.memory_space<vmem>> -> memref<1x1x128xi32, #tpu.memory_space<vmem>>
      %dma_wait3A_416 = tpu.memref_squeeze %dma_wait3A_415 : memref<1x1x128xi32, #tpu.memory_space<vmem>> -> memref<128xi32, #tpu.memory_space<vmem>>
      %dma_wait3A_417 = arith.constant 0 : i32
      %dma_wait3A_418 = tpu.memref_slice %arg7[%dma_wait3A_417] : memref<10240xf32, #tpu.memory_space<vmem_shared>> -> memref<10240xf32, #tpu.memory_space<vmem_shared>>
      tpu.wait_indirect_dma semaphore(%arg8 : memref<!tpu.dma_semaphore, #tpu.memory_space<semaphore_mem>>) src(%arg5 : memref<128xf32, #tpu.memory_space<vmem>>) dst(%dma_wait3A_418 : memref<10240xf32, #tpu.memory_space<vmem_shared>>)
      %add3A_419 = arith.constant 8 : i32
      %add3A_420 = arith.addi %scan3A_411, %add3A_419 : i32
      %dma_start3A_421 = arith.constant 1 : i32
      %dma_start3A_422 = arith.constant 0 : i32
      %dma_start3A_423 = tpu.memref_slice %arg4[%add3A_420, %dma_start3A_421, %dma_start3A_422] : memref<80x2x128xi32, #tpu.memory_space<vmem>> -> memref<1x1x128xi32, #tpu.memory_space<vmem>>
      %dma_start3A_424 = tpu.memref_squeeze %dma_start3A_423 : memref<1x1x128xi32, #tpu.memory_space<vmem>> -> memref<128xi32, #tpu.memory_space<vmem>>
      %dma_start3A_425 = arith.constant 0 : i32
      %dma_start3A_426 = tpu.memref_slice %arg7[%dma_start3A_425] : memref<10240xf32, #tpu.memory_space<vmem_shared>> -> memref<10240xf32, #tpu.memory_space<vmem_shared>>
      tpu.enqueue_indirect_dma source(%arg5 : memref<128xf32, #tpu.memory_space<vmem>>) target(%dma_start3A_426 : memref<10240xf32, #tpu.memory_space<vmem_shared>>) offsets(%dma_start3A_424 : memref<128xi32, #tpu.memory_space<vmem>>) semaphore(%arg8 : memref<!tpu.dma_semaphore, #tpu.memory_space<semaphore_mem>>) {add = true}
    }
    %scan3A_350 = arith.constant 72 : i32
    %dma_wait3A = arith.constant 0 : i32
    %dma_wait3A_351 = arith.constant 1 : i32
    %dma_wait3A_352 = arith.constant 0 : i32
    %dma_wait3A_353 = tpu.memref_slice %arg4[%dma_wait3A, %dma_wait3A_351, %dma_wait3A_352] : memref<80x2x128xi32, #tpu.memory_space<vmem>> -> memref<1x1x128xi32, #tpu.memory_space<vmem>>
    %dma_wait3A_354 = tpu.memref_squeeze %dma_wait3A_353 : memref<1x1x128xi32, #tpu.memory_space<vmem>> -> memref<128xi32, #tpu.memory_space<vmem>>
    %dma_wait3A_355 = arith.constant 0 : i32
    %dma_wait3A_356 = tpu.memref_slice %arg7[%dma_wait3A_355] : memref<10240xf32, #tpu.memory_space<vmem_shared>> -> memref<10240xf32, #tpu.memory_space<vmem_shared>>
    tpu.wait_indirect_dma semaphore(%arg8 : memref<!tpu.dma_semaphore, #tpu.memory_space<semaphore_mem>>) src(%arg5 : memref<128xf32, #tpu.memory_space<vmem>>) dst(%dma_wait3A_356 : memref<10240xf32, #tpu.memory_space<vmem_shared>>)
    %dma_wait3A_357 = arith.constant 0 : i32
    %dma_wait3A_358 = arith.constant 1 : i32
    %dma_wait3A_359 = arith.constant 0 : i32
    %dma_wait3A_360 = tpu.memref_slice %arg4[%dma_wait3A_357, %dma_wait3A_358, %dma_wait3A_359] : memref<80x2x128xi32, #tpu.memory_space<vmem>> -> memref<1x1x128xi32, #tpu.memory_space<vmem>>
    %dma_wait3A_361 = tpu.memref_squeeze %dma_wait3A_360 : memref<1x1x128xi32, #tpu.memory_space<vmem>> -> memref<128xi32, #tpu.memory_space<vmem>>
    %dma_wait3A_362 = arith.constant 0 : i32
    %dma_wait3A_363 = tpu.memref_slice %arg7[%dma_wait3A_362] : memref<10240xf32, #tpu.memory_space<vmem_shared>> -> memref<10240xf32, #tpu.memory_space<vmem_shared>>
    tpu.wait_indirect_dma semaphore(%arg8 : memref<!tpu.dma_semaphore, #tpu.memory_space<semaphore_mem>>) src(%arg5 : memref<128xf32, #tpu.memory_space<vmem>>) dst(%dma_wait3A_363 : memref<10240xf32, #tpu.memory_space<vmem_shared>>)
    %dma_wait3A_364 = arith.constant 0 : i32
    %dma_wait3A_365 = arith.constant 1 : i32
    %dma_wait3A_366 = arith.constant 0 : i32
    %dma_wait3A_367 = tpu.memref_slice %arg4[%dma_wait3A_364, %dma_wait3A_365, %dma_wait3A_366] : memref<80x2x128xi32, #tpu.memory_space<vmem>> -> memref<1x1x128xi32, #tpu.memory_space<vmem>>
    %dma_wait3A_368 = tpu.memref_squeeze %dma_wait3A_367 : memref<1x1x128xi32, #tpu.memory_space<vmem>> -> memref<128xi32, #tpu.memory_space<vmem>>
    %dma_wait3A_369 = arith.constant 0 : i32
    %dma_wait3A_370 = tpu.memref_slice %arg7[%dma_wait3A_369] : memref<10240xf32, #tpu.memory_space<vmem_shared>> -> memref<10240xf32, #tpu.memory_space<vmem_shared>>
    tpu.wait_indirect_dma semaphore(%arg8 : memref<!tpu.dma_semaphore, #tpu.memory_space<semaphore_mem>>) src(%arg5 : memref<128xf32, #tpu.memory_space<vmem>>) dst(%dma_wait3A_370 : memref<10240xf32, #tpu.memory_space<vmem_shared>>)
    %dma_wait3A_371 = arith.constant 0 : i32
    %dma_wait3A_372 = arith.constant 1 : i32
    %dma_wait3A_373 = arith.constant 0 : i32
    %dma_wait3A_374 = tpu.memref_slice %arg4[%dma_wait3A_371, %dma_wait3A_372, %dma_wait3A_373] : memref<80x2x128xi32, #tpu.memory_space<vmem>> -> memref<1x1x128xi32, #tpu.memory_space<vmem>>
    %dma_wait3A_375 = tpu.memref_squeeze %dma_wait3A_374 : memref<1x1x128xi32, #tpu.memory_space<vmem>> -> memref<128xi32, #tpu.memory_space<vmem>>
    %dma_wait3A_376 = arith.constant 0 : i32
    %dma_wait3A_377 = tpu.memref_slice %arg7[%dma_wait3A_376] : memref<10240xf32, #tpu.memory_space<vmem_shared>> -> memref<10240xf32, #tpu.memory_space<vmem_shared>>
    tpu.wait_indirect_dma semaphore(%arg8 : memref<!tpu.dma_semaphore, #tpu.memory_space<semaphore_mem>>) src(%arg5 : memref<128xf32, #tpu.memory_space<vmem>>) dst(%dma_wait3A_377 : memref<10240xf32, #tpu.memory_space<vmem_shared>>)
    %dma_wait3A_378 = arith.constant 0 : i32
    %dma_wait3A_379 = arith.constant 1 : i32
    %dma_wait3A_380 = arith.constant 0 : i32
    %dma_wait3A_381 = tpu.memref_slice %arg4[%dma_wait3A_378, %dma_wait3A_379, %dma_wait3A_380] : memref<80x2x128xi32, #tpu.memory_space<vmem>> -> memref<1x1x128xi32, #tpu.memory_space<vmem>>
    %dma_wait3A_382 = tpu.memref_squeeze %dma_wait3A_381 : memref<1x1x128xi32, #tpu.memory_space<vmem>> -> memref<128xi32, #tpu.memory_space<vmem>>
    %dma_wait3A_383 = arith.constant 0 : i32
    %dma_wait3A_384 = tpu.memref_slice %arg7[%dma_wait3A_383] : memref<10240xf32, #tpu.memory_space<vmem_shared>> -> memref<10240xf32, #tpu.memory_space<vmem_shared>>
    tpu.wait_indirect_dma semaphore(%arg8 : memref<!tpu.dma_semaphore, #tpu.memory_space<semaphore_mem>>) src(%arg5 : memref<128xf32, #tpu.memory_space<vmem>>) dst(%dma_wait3A_384 : memref<10240xf32, #tpu.memory_space<vmem_shared>>)
    %dma_wait3A_385 = arith.constant 0 : i32
    %dma_wait3A_386 = arith.constant 1 : i32
    %dma_wait3A_387 = arith.constant 0 : i32
    %dma_wait3A_388 = tpu.memref_slice %arg4[%dma_wait3A_385, %dma_wait3A_386, %dma_wait3A_387] : memref<80x2x128xi32, #tpu.memory_space<vmem>> -> memref<1x1x128xi32, #tpu.memory_space<vmem>>
    %dma_wait3A_389 = tpu.memref_squeeze %dma_wait3A_388 : memref<1x1x128xi32, #tpu.memory_space<vmem>> -> memref<128xi32, #tpu.memory_space<vmem>>
    %dma_wait3A_390 = arith.constant 0 : i32
    %dma_wait3A_391 = tpu.memref_slice %arg7[%dma_wait3A_390] : memref<10240xf32, #tpu.memory_space<vmem_shared>> -> memref<10240xf32, #tpu.memory_space<vmem_shared>>
    tpu.wait_indirect_dma semaphore(%arg8 : memref<!tpu.dma_semaphore, #tpu.memory_space<semaphore_mem>>) src(%arg5 : memref<128xf32, #tpu.memory_space<vmem>>) dst(%dma_wait3A_391 : memref<10240xf32, #tpu.memory_space<vmem_shared>>)
    %dma_wait3A_392 = arith.constant 0 : i32
    %dma_wait3A_393 = arith.constant 1 : i32
    %dma_wait3A_394 = arith.constant 0 : i32
    %dma_wait3A_395 = tpu.memref_slice %arg4[%dma_wait3A_392, %dma_wait3A_393, %dma_wait3A_394] : memref<80x2x128xi32, #tpu.memory_space<vmem>> -> memref<1x1x128xi32, #tpu.memory_space<vmem>>
    %dma_wait3A_396 = tpu.memref_squeeze %dma_wait3A_395 : memref<1x1x128xi32, #tpu.memory_space<vmem>> -> memref<128xi32, #tpu.memory_space<vmem>>
    %dma_wait3A_397 = arith.constant 0 : i32
    %dma_wait3A_398 = tpu.memref_slice %arg7[%dma_wait3A_397] : memref<10240xf32, #tpu.memory_space<vmem_shared>> -> memref<10240xf32, #tpu.memory_space<vmem_shared>>
    tpu.wait_indirect_dma semaphore(%arg8 : memref<!tpu.dma_semaphore, #tpu.memory_space<semaphore_mem>>) src(%arg5 : memref<128xf32, #tpu.memory_space<vmem>>) dst(%dma_wait3A_398 : memref<10240xf32, #tpu.memory_space<vmem_shared>>)
    %dma_wait3A_399 = arith.constant 0 : i32
    %dma_wait3A_400 = arith.constant 1 : i32
    %dma_wait3A_401 = arith.constant 0 : i32
    %dma_wait3A_402 = tpu.memref_slice %arg4[%dma_wait3A_399, %dma_wait3A_400, %dma_wait3A_401] : memref<80x2x128xi32, #tpu.memory_space<vmem>> -> memref<1x1x128xi32, #tpu.memory_space<vmem>>
    %dma_wait3A_403 = tpu.memref_squeeze %dma_wait3A_402 : memref<1x1x128xi32, #tpu.memory_space<vmem>> -> memref<128xi32, #tpu.memory_space<vmem>>
    %dma_wait3A_404 = arith.constant 0 : i32
    %dma_wait3A_405 = tpu.memref_slice %arg7[%dma_wait3A_404] : memref<10240xf32, #tpu.memory_space<vmem_shared>> -> memref<10240xf32, #tpu.memory_space<vmem_shared>>
    tpu.wait_indirect_dma semaphore(%arg8 : memref<!tpu.dma_semaphore, #tpu.memory_space<semaphore_mem>>) src(%arg5 : memref<128xf32, #tpu.memory_space<vmem>>) dst(%dma_wait3A_405 : memref<10240xf32, #tpu.memory_space<vmem_shared>>)
    %barrier3A_406 = arith.constant 0 : index
    tpu.barrier barrier_id(%barrier3A_406)
    %mul3A_407 = arith.constant 640 : i32
    %mul3A_408 = arith.muli %arg1, %mul3A_407 : i32
    %mul3A_409 = arith.constant 640 : i32
    %mul3A_410 = arith.muli %arg1, %mul3A_409 : i32
    "tpu.region"() ({
      %run_scoped3A = tpu.sem_alloc : memref<!tpu.dma_semaphore, #tpu.memory_space<semaphore_mem>>
      %dma_start3A_411 = tpu.memref_slice %arg3[%arg0, %mul3A_410] : memref<2x10240xf32, #tpu.memory_space<hbm>> -> memref<1x640xf32, #tpu.memory_space<hbm>>
      %dma_start3A_412 = tpu.memref_squeeze %dma_start3A_411 : memref<1x640xf32, #tpu.memory_space<hbm>> -> memref<640xf32, #tpu.memory_space<hbm>>
      %dma_start3A_413 = tpu.memref_slice %arg7[%mul3A_408] : memref<10240xf32, #tpu.memory_space<vmem_shared>> -> memref<640xf32, #tpu.memory_space<vmem_shared>>
      tpu.enqueue_dma source(%dma_start3A_413 : memref<640xf32, #tpu.memory_space<vmem_shared>>) target(%dma_start3A_412 : memref<640xf32, #tpu.memory_space<hbm>>) target_semaphore(%run_scoped3A : memref<!tpu.dma_semaphore, #tpu.memory_space<semaphore_mem>>)
      %dma_wait3A_414 = tpu.memref_slice %arg3[%arg0, %mul3A_410] : memref<2x10240xf32, #tpu.memory_space<hbm>> -> memref<1x640xf32, #tpu.memory_space<hbm>>
      %dma_wait3A_415 = tpu.memref_squeeze %dma_wait3A_414 : memref<1x640xf32, #tpu.memory_space<hbm>> -> memref<640xf32, #tpu.memory_space<hbm>>
      %dma_wait3A_416 = tpu.memref_slice %arg7[%mul3A_408] : memref<10240xf32, #tpu.memory_space<vmem_shared>> -> memref<640xf32, #tpu.memory_space<vmem_shared>>
      tpu.wait_dma2 semaphore(%run_scoped3A : memref<!tpu.dma_semaphore, #tpu.memory_space<semaphore_mem>>) src(%dma_wait3A_416 : memref<640xf32, #tpu.memory_space<vmem_shared>>) dst(%dma_wait3A_415 : memref<640xf32, #tpu.memory_space<hbm>>)
      tpu.yield
    }) : () -> ()
    return
  }
}

#map = affine_map<(d0, d1) -> (0, 0)>
#map1 = affine_map<(d0, d1) -> (0, 0, 0)>
module attributes {stable_mosaic.version = 14 : i64} {
  func.func @_agg_body(%arg0: i32, %arg1: i32, %arg2: memref<10240x128xf32, #tpu.memory_space<hbm>>, %arg3: memref<2560x2x128xi32, #tpu.memory_space<hbm>>, %arg4: memref<2x10240x128xf32, #tpu.memory_space<hbm>>, %arg5: memref<4x2x128xi32, #tpu.memory_space<vmem>>, %arg6: memref<2x128x128xf32, #tpu.memory_space<vmem>>, %arg7: memref<10240x128xf32, #tpu.memory_space<vmem_shared>>, %arg8: memref<!tpu.dma_semaphore, #tpu.memory_space<semaphore_mem>>, %arg9: memref<!tpu.dma_semaphore, #tpu.memory_space<semaphore_mem>>, %arg10: memref<!tpu.dma_semaphore, #tpu.memory_space<semaphore_mem>>) attributes {dimension_semantics = [#tpu.dimension_semantics<core_parallel>, #tpu.dimension_semantics<subcore_parallel>], iteration_bounds = array<i64: 2, 16>, scalar_prefetch = 0 : i64, scratch_operands = 6 : i64, tpu.core_type = #tpu.core_type<sc_vector_subcore>, window_params = [{transform_indices = #map}, {transform_indices = #map1}, {transform_indices = #map1}]} {
    %mul3A = arith.constant 16 : i32
    %mul3A_0 = arith.muli %arg0, %mul3A : i32
    %add3A = arith.addi %mul3A_0, %arg1 : i32
    %mul3A_1 = arith.constant 80 : i32
    %mul3A_2 = arith.muli %add3A, %mul3A_1 : i32
    %mul3A_3 = arith.constant 640 : i32
    %mul3A_4 = arith.muli %arg1, %mul3A_3 : i32
    %mul3A_5 = arith.constant 640 : i32
    %mul3A_6 = arith.muli %arg1, %mul3A_5 : i32
    "tpu.region"() ({
      %run_scoped3A = tpu.sem_alloc : memref<!tpu.dma_semaphore, #tpu.memory_space<semaphore_mem>>
      %dma_start3A_735 = arith.constant 0 : i32
      %dma_start3A_736 = tpu.memref_slice %arg7[%mul3A_6, %dma_start3A_735] : memref<10240x128xf32, #tpu.memory_space<vmem_shared>> -> memref<640x128xf32, #tpu.memory_space<vmem_shared>>
      %dma_start3A_737 = arith.constant 0 : i32
      %dma_start3A_738 = tpu.memref_slice %arg2[%mul3A_4, %dma_start3A_737] : memref<10240x128xf32, #tpu.memory_space<hbm>> -> memref<640x128xf32, #tpu.memory_space<hbm>>
      tpu.enqueue_dma source(%dma_start3A_738 : memref<640x128xf32, #tpu.memory_space<hbm>>) target(%dma_start3A_736 : memref<640x128xf32, #tpu.memory_space<vmem_shared>>) target_semaphore(%run_scoped3A : memref<!tpu.dma_semaphore, #tpu.memory_space<semaphore_mem>>)
      %dma_wait3A_739 = arith.constant 0 : i32
      %dma_wait3A_740 = tpu.memref_slice %arg7[%mul3A_6, %dma_wait3A_739] : memref<10240x128xf32, #tpu.memory_space<vmem_shared>> -> memref<640x128xf32, #tpu.memory_space<vmem_shared>>
      %dma_wait3A_741 = arith.constant 0 : i32
      %dma_wait3A_742 = tpu.memref_slice %arg2[%mul3A_4, %dma_wait3A_741] : memref<10240x128xf32, #tpu.memory_space<hbm>> -> memref<640x128xf32, #tpu.memory_space<hbm>>
      tpu.wait_dma2 semaphore(%run_scoped3A : memref<!tpu.dma_semaphore, #tpu.memory_space<semaphore_mem>>) src(%dma_wait3A_742 : memref<640x128xf32, #tpu.memory_space<hbm>>) dst(%dma_wait3A_740 : memref<640x128xf32, #tpu.memory_space<vmem_shared>>)
      tpu.yield
    }) : () -> ()
    %barrier3A = arith.constant 0 : index
    tpu.barrier barrier_id(%barrier3A)
    %add3A_7 = arith.constant 0 : i32
    %add3A_8 = arith.addi %mul3A_2, %add3A_7 : i32
    %dma_start3A = arith.constant 0 : i32
    %dma_start3A_9 = arith.constant 0 : i32
    %dma_start3A_10 = arith.constant 0 : i32
    %dma_start3A_11 = tpu.memref_slice %arg5[%dma_start3A, %dma_start3A_9, %dma_start3A_10] : memref<4x2x128xi32, #tpu.memory_space<vmem>> -> memref<1x2x128xi32, #tpu.memory_space<vmem>>
    %dma_start3A_12 = tpu.memref_squeeze %dma_start3A_11 : memref<1x2x128xi32, #tpu.memory_space<vmem>> -> memref<2x128xi32, #tpu.memory_space<vmem>>
    %dma_start3A_13 = arith.constant 0 : i32
    %dma_start3A_14 = arith.constant 0 : i32
    %dma_start3A_15 = tpu.memref_slice %arg3[%add3A_8, %dma_start3A_13, %dma_start3A_14] : memref<2560x2x128xi32, #tpu.memory_space<hbm>> -> memref<1x2x128xi32, #tpu.memory_space<hbm>>
    %dma_start3A_16 = tpu.memref_squeeze %dma_start3A_15 : memref<1x2x128xi32, #tpu.memory_space<hbm>> -> memref<2x128xi32, #tpu.memory_space<hbm>>
    %dma_start3A_17 = arith.constant 0 : i32
    %dma_start3A_18 = arith.constant 0 : i32
    %dma_start3A_19 = tpu.memref_slice %arg5[%dma_start3A, %dma_start3A_17, %dma_start3A_18] : memref<4x2x128xi32, #tpu.memory_space<vmem>> -> memref<1x2x128xi32, #tpu.memory_space<vmem>>
    %dma_start3A_20 = tpu.memref_squeeze %dma_start3A_19 : memref<1x2x128xi32, #tpu.memory_space<vmem>> -> memref<2x128xi32, #tpu.memory_space<vmem>>
    %dma_start3A_21 = arith.constant 0 : i32
    %dma_start3A_22 = arith.constant 0 : i32
    %dma_start3A_23 = tpu.memref_slice %arg3[%add3A_8, %dma_start3A_21, %dma_start3A_22] : memref<2560x2x128xi32, #tpu.memory_space<hbm>> -> memref<1x2x128xi32, #tpu.memory_space<hbm>>
    %dma_start3A_24 = tpu.memref_squeeze %dma_start3A_23 : memref<1x2x128xi32, #tpu.memory_space<hbm>> -> memref<2x128xi32, #tpu.memory_space<hbm>>
    tpu.enqueue_dma source(%dma_start3A_24 : memref<2x128xi32, #tpu.memory_space<hbm>>) target(%dma_start3A_20 : memref<2x128xi32, #tpu.memory_space<vmem>>) target_semaphore(%arg8 : memref<!tpu.dma_semaphore, #tpu.memory_space<semaphore_mem>>)
    %add3A_25 = arith.constant 1 : i32
    %add3A_26 = arith.addi %mul3A_2, %add3A_25 : i32
    %dma_start3A_27 = arith.constant 1 : i32
    %dma_start3A_28 = arith.constant 0 : i32
    %dma_start3A_29 = arith.constant 0 : i32
    %dma_start3A_30 = tpu.memref_slice %arg5[%dma_start3A_27, %dma_start3A_28, %dma_start3A_29] : memref<4x2x128xi32, #tpu.memory_space<vmem>> -> memref<1x2x128xi32, #tpu.memory_space<vmem>>
    %dma_start3A_31 = tpu.memref_squeeze %dma_start3A_30 : memref<1x2x128xi32, #tpu.memory_space<vmem>> -> memref<2x128xi32, #tpu.memory_space<vmem>>
    %dma_start3A_32 = arith.constant 0 : i32
    %dma_start3A_33 = arith.constant 0 : i32
    %dma_start3A_34 = tpu.memref_slice %arg3[%add3A_26, %dma_start3A_32, %dma_start3A_33] : memref<2560x2x128xi32, #tpu.memory_space<hbm>> -> memref<1x2x128xi32, #tpu.memory_space<hbm>>
    %dma_start3A_35 = tpu.memref_squeeze %dma_start3A_34 : memref<1x2x128xi32, #tpu.memory_space<hbm>> -> memref<2x128xi32, #tpu.memory_space<hbm>>
    %dma_start3A_36 = arith.constant 0 : i32
    %dma_start3A_37 = arith.constant 0 : i32
    %dma_start3A_38 = tpu.memref_slice %arg5[%dma_start3A_27, %dma_start3A_36, %dma_start3A_37] : memref<4x2x128xi32, #tpu.memory_space<vmem>> -> memref<1x2x128xi32, #tpu.memory_space<vmem>>
    %dma_start3A_39 = tpu.memref_squeeze %dma_start3A_38 : memref<1x2x128xi32, #tpu.memory_space<vmem>> -> memref<2x128xi32, #tpu.memory_space<vmem>>
    %dma_start3A_40 = arith.constant 0 : i32
    %dma_start3A_41 = arith.constant 0 : i32
    %dma_start3A_42 = tpu.memref_slice %arg3[%add3A_26, %dma_start3A_40, %dma_start3A_41] : memref<2560x2x128xi32, #tpu.memory_space<hbm>> -> memref<1x2x128xi32, #tpu.memory_space<hbm>>
    %dma_start3A_43 = tpu.memref_squeeze %dma_start3A_42 : memref<1x2x128xi32, #tpu.memory_space<hbm>> -> memref<2x128xi32, #tpu.memory_space<hbm>>
    tpu.enqueue_dma source(%dma_start3A_43 : memref<2x128xi32, #tpu.memory_space<hbm>>) target(%dma_start3A_39 : memref<2x128xi32, #tpu.memory_space<vmem>>) target_semaphore(%arg8 : memref<!tpu.dma_semaphore, #tpu.memory_space<semaphore_mem>>)
    %add3A_44 = arith.constant 2 : i32
    %add3A_45 = arith.addi %mul3A_2, %add3A_44 : i32
    %dma_start3A_46 = arith.constant 2 : i32
    %dma_start3A_47 = arith.constant 0 : i32
    %dma_start3A_48 = arith.constant 0 : i32
    %dma_start3A_49 = tpu.memref_slice %arg5[%dma_start3A_46, %dma_start3A_47, %dma_start3A_48] : memref<4x2x128xi32, #tpu.memory_space<vmem>> -> memref<1x2x128xi32, #tpu.memory_space<vmem>>
    %dma_start3A_50 = tpu.memref_squeeze %dma_start3A_49 : memref<1x2x128xi32, #tpu.memory_space<vmem>> -> memref<2x128xi32, #tpu.memory_space<vmem>>
    %dma_start3A_51 = arith.constant 0 : i32
    %dma_start3A_52 = arith.constant 0 : i32
    %dma_start3A_53 = tpu.memref_slice %arg3[%add3A_45, %dma_start3A_51, %dma_start3A_52] : memref<2560x2x128xi32, #tpu.memory_space<hbm>> -> memref<1x2x128xi32, #tpu.memory_space<hbm>>
    %dma_start3A_54 = tpu.memref_squeeze %dma_start3A_53 : memref<1x2x128xi32, #tpu.memory_space<hbm>> -> memref<2x128xi32, #tpu.memory_space<hbm>>
    %dma_start3A_55 = arith.constant 0 : i32
    %dma_start3A_56 = arith.constant 0 : i32
    %dma_start3A_57 = tpu.memref_slice %arg5[%dma_start3A_46, %dma_start3A_55, %dma_start3A_56] : memref<4x2x128xi32, #tpu.memory_space<vmem>> -> memref<1x2x128xi32, #tpu.memory_space<vmem>>
    %dma_start3A_58 = tpu.memref_squeeze %dma_start3A_57 : memref<1x2x128xi32, #tpu.memory_space<vmem>> -> memref<2x128xi32, #tpu.memory_space<vmem>>
    %dma_start3A_59 = arith.constant 0 : i32
    %dma_start3A_60 = arith.constant 0 : i32
    %dma_start3A_61 = tpu.memref_slice %arg3[%add3A_45, %dma_start3A_59, %dma_start3A_60] : memref<2560x2x128xi32, #tpu.memory_space<hbm>> -> memref<1x2x128xi32, #tpu.memory_space<hbm>>
    %dma_start3A_62 = tpu.memref_squeeze %dma_start3A_61 : memref<1x2x128xi32, #tpu.memory_space<hbm>> -> memref<2x128xi32, #tpu.memory_space<hbm>>
    tpu.enqueue_dma source(%dma_start3A_62 : memref<2x128xi32, #tpu.memory_space<hbm>>) target(%dma_start3A_58 : memref<2x128xi32, #tpu.memory_space<vmem>>) target_semaphore(%arg8 : memref<!tpu.dma_semaphore, #tpu.memory_space<semaphore_mem>>)
    %add3A_63 = arith.constant 0 : i32
    %add3A_64 = arith.addi %mul3A_2, %add3A_63 : i32
    %dma_wait3A = arith.constant 0 : i32
    %dma_wait3A_65 = arith.constant 0 : i32
    %dma_wait3A_66 = arith.constant 0 : i32
    %dma_wait3A_67 = tpu.memref_slice %arg5[%dma_wait3A, %dma_wait3A_65, %dma_wait3A_66] : memref<4x2x128xi32, #tpu.memory_space<vmem>> -> memref<1x2x128xi32, #tpu.memory_space<vmem>>
    %dma_wait3A_68 = tpu.memref_squeeze %dma_wait3A_67 : memref<1x2x128xi32, #tpu.memory_space<vmem>> -> memref<2x128xi32, #tpu.memory_space<vmem>>
    %dma_wait3A_69 = arith.constant 0 : i32
    %dma_wait3A_70 = arith.constant 0 : i32
    %dma_wait3A_71 = tpu.memref_slice %arg3[%add3A_64, %dma_wait3A_69, %dma_wait3A_70] : memref<2560x2x128xi32, #tpu.memory_space<hbm>> -> memref<1x2x128xi32, #tpu.memory_space<hbm>>
    %dma_wait3A_72 = tpu.memref_squeeze %dma_wait3A_71 : memref<1x2x128xi32, #tpu.memory_space<hbm>> -> memref<2x128xi32, #tpu.memory_space<hbm>>
    %dma_wait3A_73 = arith.constant 0 : i32
    %dma_wait3A_74 = arith.constant 0 : i32
    %dma_wait3A_75 = tpu.memref_slice %arg5[%dma_wait3A, %dma_wait3A_73, %dma_wait3A_74] : memref<4x2x128xi32, #tpu.memory_space<vmem>> -> memref<1x2x128xi32, #tpu.memory_space<vmem>>
    %dma_wait3A_76 = tpu.memref_squeeze %dma_wait3A_75 : memref<1x2x128xi32, #tpu.memory_space<vmem>> -> memref<2x128xi32, #tpu.memory_space<vmem>>
    %dma_wait3A_77 = arith.constant 0 : i32
    %dma_wait3A_78 = arith.constant 0 : i32
    %dma_wait3A_79 = tpu.memref_slice %arg3[%add3A_64, %dma_wait3A_77, %dma_wait3A_78] : memref<2560x2x128xi32, #tpu.memory_space<hbm>> -> memref<1x2x128xi32, #tpu.memory_space<hbm>>
    %dma_wait3A_80 = tpu.memref_squeeze %dma_wait3A_79 : memref<1x2x128xi32, #tpu.memory_space<hbm>> -> memref<2x128xi32, #tpu.memory_space<hbm>>
    tpu.wait_dma2 semaphore(%arg8 : memref<!tpu.dma_semaphore, #tpu.memory_space<semaphore_mem>>) src(%dma_wait3A_80 : memref<2x128xi32, #tpu.memory_space<hbm>>) dst(%dma_wait3A_76 : memref<2x128xi32, #tpu.memory_space<vmem>>)
    %dma_start3A_81 = arith.constant 0 : i32
    %dma_start3A_82 = arith.constant 0 : i32
    %dma_start3A_83 = arith.constant 0 : i32
    %dma_start3A_84 = arith.constant 0 : i32
    %dma_start3A_85 = arith.constant 0 : i32
    %dma_start3A_86 = tpu.memref_slice %arg6[%dma_start3A_83, %dma_start3A_84, %dma_start3A_85] : memref<2x128x128xf32, #tpu.memory_space<vmem>> -> memref<1x128x128xf32, #tpu.memory_space<vmem>>
    %dma_start3A_87 = tpu.memref_squeeze %dma_start3A_86 : memref<1x128x128xf32, #tpu.memory_space<vmem>> -> memref<128x128xf32, #tpu.memory_space<vmem>>
    %dma_start3A_88 = arith.constant 0 : i32
    %dma_start3A_89 = tpu.memref_slice %arg5[%dma_start3A_81, %dma_start3A_82, %dma_start3A_88] : memref<4x2x128xi32, #tpu.memory_space<vmem>> -> memref<1x1x128xi32, #tpu.memory_space<vmem>>
    %dma_start3A_90 = tpu.memref_squeeze %dma_start3A_89 : memref<1x1x128xi32, #tpu.memory_space<vmem>> -> memref<128xi32, #tpu.memory_space<vmem>>
    %dma_start3A_91 = arith.constant 0 : i32
    %dma_start3A_92 = arith.constant 0 : i32
    %dma_start3A_93 = tpu.memref_slice %arg2[%dma_start3A_91, %dma_start3A_92] : memref<10240x128xf32, #tpu.memory_space<hbm>> -> memref<10240x128xf32, #tpu.memory_space<hbm>>
    tpu.enqueue_indirect_dma source(%dma_start3A_93 : memref<10240x128xf32, #tpu.memory_space<hbm>>) target(%dma_start3A_87 : memref<128x128xf32, #tpu.memory_space<vmem>>) offsets(%dma_start3A_90 : memref<128xi32, #tpu.memory_space<vmem>>) semaphore(%arg9 : memref<!tpu.dma_semaphore, #tpu.memory_space<semaphore_mem>>)
    %dma_wait3A_94 = arith.constant 0 : i32
    %dma_wait3A_95 = arith.constant 0 : i32
    %dma_wait3A_96 = arith.constant 0 : i32
    %dma_wait3A_97 = arith.constant 0 : i32
    %dma_wait3A_98 = arith.constant 0 : i32
    %dma_wait3A_99 = tpu.memref_slice %arg6[%dma_wait3A_96, %dma_wait3A_97, %dma_wait3A_98] : memref<2x128x128xf32, #tpu.memory_space<vmem>> -> memref<1x128x128xf32, #tpu.memory_space<vmem>>
    %dma_wait3A_100 = tpu.memref_squeeze %dma_wait3A_99 : memref<1x128x128xf32, #tpu.memory_space<vmem>> -> memref<128x128xf32, #tpu.memory_space<vmem>>
    %dma_wait3A_101 = arith.constant 0 : i32
    %dma_wait3A_102 = tpu.memref_slice %arg5[%dma_wait3A_94, %dma_wait3A_95, %dma_wait3A_101] : memref<4x2x128xi32, #tpu.memory_space<vmem>> -> memref<1x1x128xi32, #tpu.memory_space<vmem>>
    %dma_wait3A_103 = tpu.memref_squeeze %dma_wait3A_102 : memref<1x1x128xi32, #tpu.memory_space<vmem>> -> memref<128xi32, #tpu.memory_space<vmem>>
    %dma_wait3A_104 = arith.constant 0 : i32
    %dma_wait3A_105 = arith.constant 0 : i32
    %dma_wait3A_106 = tpu.memref_slice %arg2[%dma_wait3A_104, %dma_wait3A_105] : memref<10240x128xf32, #tpu.memory_space<hbm>> -> memref<10240x128xf32, #tpu.memory_space<hbm>>
    tpu.wait_indirect_dma semaphore(%arg9 : memref<!tpu.dma_semaphore, #tpu.memory_space<semaphore_mem>>) src(%dma_wait3A_106 : memref<10240x128xf32, #tpu.memory_space<hbm>>) dst(%dma_wait3A_100 : memref<128x128xf32, #tpu.memory_space<vmem>>)
    %dma_start3A_107 = arith.constant 0 : i32
    %dma_start3A_108 = arith.constant 0 : i32
    %dma_start3A_109 = arith.constant 1 : i32
    %dma_start3A_110 = arith.constant 0 : i32
    %dma_start3A_111 = arith.constant 0 : i32
    %dma_start3A_112 = tpu.memref_slice %arg6[%dma_start3A_107, %dma_start3A_110, %dma_start3A_111] : memref<2x128x128xf32, #tpu.memory_space<vmem>> -> memref<1x128x128xf32, #tpu.memory_space<vmem>>
    %dma_start3A_113 = tpu.memref_squeeze %dma_start3A_112 : memref<1x128x128xf32, #tpu.memory_space<vmem>> -> memref<128x128xf32, #tpu.memory_space<vmem>>
    %dma_start3A_114 = arith.constant 0 : i32
    %dma_start3A_115 = tpu.memref_slice %arg5[%dma_start3A_108, %dma_start3A_109, %dma_start3A_114] : memref<4x2x128xi32, #tpu.memory_space<vmem>> -> memref<1x1x128xi32, #tpu.memory_space<vmem>>
    %dma_start3A_116 = tpu.memref_squeeze %dma_start3A_115 : memref<1x1x128xi32, #tpu.memory_space<vmem>> -> memref<128xi32, #tpu.memory_space<vmem>>
    %dma_start3A_117 = arith.constant 0 : i32
    %dma_start3A_118 = arith.constant 0 : i32
    %dma_start3A_119 = tpu.memref_slice %arg7[%dma_start3A_117, %dma_start3A_118] : memref<10240x128xf32, #tpu.memory_space<vmem_shared>> -> memref<10240x128xf32, #tpu.memory_space<vmem_shared>>
    tpu.enqueue_indirect_dma source(%dma_start3A_113 : memref<128x128xf32, #tpu.memory_space<vmem>>) target(%dma_start3A_119 : memref<10240x128xf32, #tpu.memory_space<vmem_shared>>) offsets(%dma_start3A_116 : memref<128xi32, #tpu.memory_space<vmem>>) semaphore(%arg10 : memref<!tpu.dma_semaphore, #tpu.memory_space<semaphore_mem>>) {add = true}
    %add3A_120 = arith.constant 3 : i32
    %add3A_121 = arith.addi %mul3A_2, %add3A_120 : i32
    %dma_start3A_122 = arith.constant 3 : i32
    %dma_start3A_123 = arith.constant 0 : i32
    %dma_start3A_124 = arith.constant 0 : i32
    %dma_start3A_125 = tpu.memref_slice %arg5[%dma_start3A_122, %dma_start3A_123, %dma_start3A_124] : memref<4x2x128xi32, #tpu.memory_space<vmem>> -> memref<1x2x128xi32, #tpu.memory_space<vmem>>
    %dma_start3A_126 = tpu.memref_squeeze %dma_start3A_125 : memref<1x2x128xi32, #tpu.memory_space<vmem>> -> memref<2x128xi32, #tpu.memory_space<vmem>>
    %dma_start3A_127 = arith.constant 0 : i32
    %dma_start3A_128 = arith.constant 0 : i32
    %dma_start3A_129 = tpu.memref_slice %arg3[%add3A_121, %dma_start3A_127, %dma_start3A_128] : memref<2560x2x128xi32, #tpu.memory_space<hbm>> -> memref<1x2x128xi32, #tpu.memory_space<hbm>>
    %dma_start3A_130 = tpu.memref_squeeze %dma_start3A_129 : memref<1x2x128xi32, #tpu.memory_space<hbm>> -> memref<2x128xi32, #tpu.memory_space<hbm>>
    %dma_start3A_131 = arith.constant 0 : i32
    %dma_start3A_132 = arith.constant 0 : i32
    %dma_start3A_133 = tpu.memref_slice %arg5[%dma_start3A_122, %dma_start3A_131, %dma_start3A_132] : memref<4x2x128xi32, #tpu.memory_space<vmem>> -> memref<1x2x128xi32, #tpu.memory_space<vmem>>
    %dma_start3A_134 = tpu.memref_squeeze %dma_start3A_133 : memref<1x2x128xi32, #tpu.memory_space<vmem>> -> memref<2x128xi32, #tpu.memory_space<vmem>>
    %dma_start3A_135 = arith.constant 0 : i32
    %dma_start3A_136 = arith.constant 0 : i32
    %dma_start3A_137 = tpu.memref_slice %arg3[%add3A_121, %dma_start3A_135, %dma_start3A_136] : memref<2560x2x128xi32, #tpu.memory_space<hbm>> -> memref<1x2x128xi32, #tpu.memory_space<hbm>>
    %dma_start3A_138 = tpu.memref_squeeze %dma_start3A_137 : memref<1x2x128xi32, #tpu.memory_space<hbm>> -> memref<2x128xi32, #tpu.memory_space<hbm>>
    tpu.enqueue_dma source(%dma_start3A_138 : memref<2x128xi32, #tpu.memory_space<hbm>>) target(%dma_start3A_134 : memref<2x128xi32, #tpu.memory_space<vmem>>) target_semaphore(%arg8 : memref<!tpu.dma_semaphore, #tpu.memory_space<semaphore_mem>>)
    %add3A_139 = arith.constant 1 : i32
    %add3A_140 = arith.addi %mul3A_2, %add3A_139 : i32
    %dma_wait3A_141 = arith.constant 1 : i32
    %dma_wait3A_142 = arith.constant 0 : i32
    %dma_wait3A_143 = arith.constant 0 : i32
    %dma_wait3A_144 = tpu.memref_slice %arg5[%dma_wait3A_141, %dma_wait3A_142, %dma_wait3A_143] : memref<4x2x128xi32, #tpu.memory_space<vmem>> -> memref<1x2x128xi32, #tpu.memory_space<vmem>>
    %dma_wait3A_145 = tpu.memref_squeeze %dma_wait3A_144 : memref<1x2x128xi32, #tpu.memory_space<vmem>> -> memref<2x128xi32, #tpu.memory_space<vmem>>
    %dma_wait3A_146 = arith.constant 0 : i32
    %dma_wait3A_147 = arith.constant 0 : i32
    %dma_wait3A_148 = tpu.memref_slice %arg3[%add3A_140, %dma_wait3A_146, %dma_wait3A_147] : memref<2560x2x128xi32, #tpu.memory_space<hbm>> -> memref<1x2x128xi32, #tpu.memory_space<hbm>>
    %dma_wait3A_149 = tpu.memref_squeeze %dma_wait3A_148 : memref<1x2x128xi32, #tpu.memory_space<hbm>> -> memref<2x128xi32, #tpu.memory_space<hbm>>
    %dma_wait3A_150 = arith.constant 0 : i32
    %dma_wait3A_151 = arith.constant 0 : i32
    %dma_wait3A_152 = tpu.memref_slice %arg5[%dma_wait3A_141, %dma_wait3A_150, %dma_wait3A_151] : memref<4x2x128xi32, #tpu.memory_space<vmem>> -> memref<1x2x128xi32, #tpu.memory_space<vmem>>
    %dma_wait3A_153 = tpu.memref_squeeze %dma_wait3A_152 : memref<1x2x128xi32, #tpu.memory_space<vmem>> -> memref<2x128xi32, #tpu.memory_space<vmem>>
    %dma_wait3A_154 = arith.constant 0 : i32
    %dma_wait3A_155 = arith.constant 0 : i32
    %dma_wait3A_156 = tpu.memref_slice %arg3[%add3A_140, %dma_wait3A_154, %dma_wait3A_155] : memref<2560x2x128xi32, #tpu.memory_space<hbm>> -> memref<1x2x128xi32, #tpu.memory_space<hbm>>
    %dma_wait3A_157 = tpu.memref_squeeze %dma_wait3A_156 : memref<1x2x128xi32, #tpu.memory_space<hbm>> -> memref<2x128xi32, #tpu.memory_space<hbm>>
    tpu.wait_dma2 semaphore(%arg8 : memref<!tpu.dma_semaphore, #tpu.memory_space<semaphore_mem>>) src(%dma_wait3A_157 : memref<2x128xi32, #tpu.memory_space<hbm>>) dst(%dma_wait3A_153 : memref<2x128xi32, #tpu.memory_space<vmem>>)
    %dma_start3A_158 = arith.constant 1 : i32
    %dma_start3A_159 = arith.constant 0 : i32
    %dma_start3A_160 = arith.constant 1 : i32
    %dma_start3A_161 = arith.constant 0 : i32
    %dma_start3A_162 = arith.constant 0 : i32
    %dma_start3A_163 = tpu.memref_slice %arg6[%dma_start3A_160, %dma_start3A_161, %dma_start3A_162] : memref<2x128x128xf32, #tpu.memory_space<vmem>> -> memref<1x128x128xf32, #tpu.memory_space<vmem>>
    %dma_start3A_164 = tpu.memref_squeeze %dma_start3A_163 : memref<1x128x128xf32, #tpu.memory_space<vmem>> -> memref<128x128xf32, #tpu.memory_space<vmem>>
    %dma_start3A_165 = arith.constant 0 : i32
    %dma_start3A_166 = tpu.memref_slice %arg5[%dma_start3A_158, %dma_start3A_159, %dma_start3A_165] : memref<4x2x128xi32, #tpu.memory_space<vmem>> -> memref<1x1x128xi32, #tpu.memory_space<vmem>>
    %dma_start3A_167 = tpu.memref_squeeze %dma_start3A_166 : memref<1x1x128xi32, #tpu.memory_space<vmem>> -> memref<128xi32, #tpu.memory_space<vmem>>
    %dma_start3A_168 = arith.constant 0 : i32
    %dma_start3A_169 = arith.constant 0 : i32
    %dma_start3A_170 = tpu.memref_slice %arg2[%dma_start3A_168, %dma_start3A_169] : memref<10240x128xf32, #tpu.memory_space<hbm>> -> memref<10240x128xf32, #tpu.memory_space<hbm>>
    tpu.enqueue_indirect_dma source(%dma_start3A_170 : memref<10240x128xf32, #tpu.memory_space<hbm>>) target(%dma_start3A_164 : memref<128x128xf32, #tpu.memory_space<vmem>>) offsets(%dma_start3A_167 : memref<128xi32, #tpu.memory_space<vmem>>) semaphore(%arg9 : memref<!tpu.dma_semaphore, #tpu.memory_space<semaphore_mem>>)
    %dma_wait3A_171 = arith.constant 1 : i32
    %dma_wait3A_172 = arith.constant 0 : i32
    %dma_wait3A_173 = arith.constant 1 : i32
    %dma_wait3A_174 = arith.constant 0 : i32
    %dma_wait3A_175 = arith.constant 0 : i32
    %dma_wait3A_176 = tpu.memref_slice %arg6[%dma_wait3A_173, %dma_wait3A_174, %dma_wait3A_175] : memref<2x128x128xf32, #tpu.memory_space<vmem>> -> memref<1x128x128xf32, #tpu.memory_space<vmem>>
    %dma_wait3A_177 = tpu.memref_squeeze %dma_wait3A_176 : memref<1x128x128xf32, #tpu.memory_space<vmem>> -> memref<128x128xf32, #tpu.memory_space<vmem>>
    %dma_wait3A_178 = arith.constant 0 : i32
    %dma_wait3A_179 = tpu.memref_slice %arg5[%dma_wait3A_171, %dma_wait3A_172, %dma_wait3A_178] : memref<4x2x128xi32, #tpu.memory_space<vmem>> -> memref<1x1x128xi32, #tpu.memory_space<vmem>>
    %dma_wait3A_180 = tpu.memref_squeeze %dma_wait3A_179 : memref<1x1x128xi32, #tpu.memory_space<vmem>> -> memref<128xi32, #tpu.memory_space<vmem>>
    %dma_wait3A_181 = arith.constant 0 : i32
    %dma_wait3A_182 = arith.constant 0 : i32
    %dma_wait3A_183 = tpu.memref_slice %arg2[%dma_wait3A_181, %dma_wait3A_182] : memref<10240x128xf32, #tpu.memory_space<hbm>> -> memref<10240x128xf32, #tpu.memory_space<hbm>>
    tpu.wait_indirect_dma semaphore(%arg9 : memref<!tpu.dma_semaphore, #tpu.memory_space<semaphore_mem>>) src(%dma_wait3A_183 : memref<10240x128xf32, #tpu.memory_space<hbm>>) dst(%dma_wait3A_177 : memref<128x128xf32, #tpu.memory_space<vmem>>)
    %dma_start3A_184 = arith.constant 1 : i32
    %dma_start3A_185 = arith.constant 1 : i32
    %dma_start3A_186 = arith.constant 1 : i32
    %dma_start3A_187 = arith.constant 0 : i32
    %dma_start3A_188 = arith.constant 0 : i32
    %dma_start3A_189 = tpu.memref_slice %arg6[%dma_start3A_184, %dma_start3A_187, %dma_start3A_188] : memref<2x128x128xf32, #tpu.memory_space<vmem>> -> memref<1x128x128xf32, #tpu.memory_space<vmem>>
    %dma_start3A_190 = tpu.memref_squeeze %dma_start3A_189 : memref<1x128x128xf32, #tpu.memory_space<vmem>> -> memref<128x128xf32, #tpu.memory_space<vmem>>
    %dma_start3A_191 = arith.constant 0 : i32
    %dma_start3A_192 = tpu.memref_slice %arg5[%dma_start3A_185, %dma_start3A_186, %dma_start3A_191] : memref<4x2x128xi32, #tpu.memory_space<vmem>> -> memref<1x1x128xi32, #tpu.memory_space<vmem>>
    %dma_start3A_193 = tpu.memref_squeeze %dma_start3A_192 : memref<1x1x128xi32, #tpu.memory_space<vmem>> -> memref<128xi32, #tpu.memory_space<vmem>>
    %dma_start3A_194 = arith.constant 0 : i32
    %dma_start3A_195 = arith.constant 0 : i32
    %dma_start3A_196 = tpu.memref_slice %arg7[%dma_start3A_194, %dma_start3A_195] : memref<10240x128xf32, #tpu.memory_space<vmem_shared>> -> memref<10240x128xf32, #tpu.memory_space<vmem_shared>>
    tpu.enqueue_indirect_dma source(%dma_start3A_190 : memref<128x128xf32, #tpu.memory_space<vmem>>) target(%dma_start3A_196 : memref<10240x128xf32, #tpu.memory_space<vmem_shared>>) offsets(%dma_start3A_193 : memref<128xi32, #tpu.memory_space<vmem>>) semaphore(%arg10 : memref<!tpu.dma_semaphore, #tpu.memory_space<semaphore_mem>>) {add = true}
    %dma_wait3A_197 = arith.constant 0 : i32
    %dma_wait3A_198 = arith.constant 0 : i32
    %dma_wait3A_199 = arith.constant 1 : i32
    %dma_wait3A_200 = arith.constant 0 : i32
    %dma_wait3A_201 = arith.constant 0 : i32
    %dma_wait3A_202 = tpu.memref_slice %arg6[%dma_wait3A_197, %dma_wait3A_200, %dma_wait3A_201] : memref<2x128x128xf32, #tpu.memory_space<vmem>> -> memref<1x128x128xf32, #tpu.memory_space<vmem>>
    %dma_wait3A_203 = tpu.memref_squeeze %dma_wait3A_202 : memref<1x128x128xf32, #tpu.memory_space<vmem>> -> memref<128x128xf32, #tpu.memory_space<vmem>>
    %dma_wait3A_204 = arith.constant 0 : i32
    %dma_wait3A_205 = tpu.memref_slice %arg5[%dma_wait3A_198, %dma_wait3A_199, %dma_wait3A_204] : memref<4x2x128xi32, #tpu.memory_space<vmem>> -> memref<1x1x128xi32, #tpu.memory_space<vmem>>
    %dma_wait3A_206 = tpu.memref_squeeze %dma_wait3A_205 : memref<1x1x128xi32, #tpu.memory_space<vmem>> -> memref<128xi32, #tpu.memory_space<vmem>>
    %dma_wait3A_207 = arith.constant 0 : i32
    %dma_wait3A_208 = arith.constant 0 : i32
    %dma_wait3A_209 = tpu.memref_slice %arg7[%dma_wait3A_207, %dma_wait3A_208] : memref<10240x128xf32, #tpu.memory_space<vmem_shared>> -> memref<10240x128xf32, #tpu.memory_space<vmem_shared>>
    tpu.wait_indirect_dma semaphore(%arg10 : memref<!tpu.dma_semaphore, #tpu.memory_space<semaphore_mem>>) src(%dma_wait3A_203 : memref<128x128xf32, #tpu.memory_space<vmem>>) dst(%dma_wait3A_209 : memref<10240x128xf32, #tpu.memory_space<vmem_shared>>)
    %add3A_210 = arith.constant 4 : i32
    %add3A_211 = arith.addi %mul3A_2, %add3A_210 : i32
    %dma_start3A_212 = arith.constant 0 : i32
    %dma_start3A_213 = arith.constant 0 : i32
    %dma_start3A_214 = arith.constant 0 : i32
    %dma_start3A_215 = tpu.memref_slice %arg5[%dma_start3A_212, %dma_start3A_213, %dma_start3A_214] : memref<4x2x128xi32, #tpu.memory_space<vmem>> -> memref<1x2x128xi32, #tpu.memory_space<vmem>>
    %dma_start3A_216 = tpu.memref_squeeze %dma_start3A_215 : memref<1x2x128xi32, #tpu.memory_space<vmem>> -> memref<2x128xi32, #tpu.memory_space<vmem>>
    %dma_start3A_217 = arith.constant 0 : i32
    %dma_start3A_218 = arith.constant 0 : i32
    %dma_start3A_219 = tpu.memref_slice %arg3[%add3A_211, %dma_start3A_217, %dma_start3A_218] : memref<2560x2x128xi32, #tpu.memory_space<hbm>> -> memref<1x2x128xi32, #tpu.memory_space<hbm>>
    %dma_start3A_220 = tpu.memref_squeeze %dma_start3A_219 : memref<1x2x128xi32, #tpu.memory_space<hbm>> -> memref<2x128xi32, #tpu.memory_space<hbm>>
    %dma_start3A_221 = arith.constant 0 : i32
    %dma_start3A_222 = arith.constant 0 : i32
    %dma_start3A_223 = tpu.memref_slice %arg5[%dma_start3A_212, %dma_start3A_221, %dma_start3A_222] : memref<4x2x128xi32, #tpu.memory_space<vmem>> -> memref<1x2x128xi32, #tpu.memory_space<vmem>>
    %dma_start3A_224 = tpu.memref_squeeze %dma_start3A_223 : memref<1x2x128xi32, #tpu.memory_space<vmem>> -> memref<2x128xi32, #tpu.memory_space<vmem>>
    %dma_start3A_225 = arith.constant 0 : i32
    %dma_start3A_226 = arith.constant 0 : i32
    %dma_start3A_227 = tpu.memref_slice %arg3[%add3A_211, %dma_start3A_225, %dma_start3A_226] : memref<2560x2x128xi32, #tpu.memory_space<hbm>> -> memref<1x2x128xi32, #tpu.memory_space<hbm>>
    %dma_start3A_228 = tpu.memref_squeeze %dma_start3A_227 : memref<1x2x128xi32, #tpu.memory_space<hbm>> -> memref<2x128xi32, #tpu.memory_space<hbm>>
    tpu.enqueue_dma source(%dma_start3A_228 : memref<2x128xi32, #tpu.memory_space<hbm>>) target(%dma_start3A_224 : memref<2x128xi32, #tpu.memory_space<vmem>>) target_semaphore(%arg8 : memref<!tpu.dma_semaphore, #tpu.memory_space<semaphore_mem>>)
    %add3A_229 = arith.constant 2 : i32
    %add3A_230 = arith.addi %mul3A_2, %add3A_229 : i32
    %dma_wait3A_231 = arith.constant 2 : i32
    %dma_wait3A_232 = arith.constant 0 : i32
    %dma_wait3A_233 = arith.constant 0 : i32
    %dma_wait3A_234 = tpu.memref_slice %arg5[%dma_wait3A_231, %dma_wait3A_232, %dma_wait3A_233] : memref<4x2x128xi32, #tpu.memory_space<vmem>> -> memref<1x2x128xi32, #tpu.memory_space<vmem>>
    %dma_wait3A_235 = tpu.memref_squeeze %dma_wait3A_234 : memref<1x2x128xi32, #tpu.memory_space<vmem>> -> memref<2x128xi32, #tpu.memory_space<vmem>>
    %dma_wait3A_236 = arith.constant 0 : i32
    %dma_wait3A_237 = arith.constant 0 : i32
    %dma_wait3A_238 = tpu.memref_slice %arg3[%add3A_230, %dma_wait3A_236, %dma_wait3A_237] : memref<2560x2x128xi32, #tpu.memory_space<hbm>> -> memref<1x2x128xi32, #tpu.memory_space<hbm>>
    %dma_wait3A_239 = tpu.memref_squeeze %dma_wait3A_238 : memref<1x2x128xi32, #tpu.memory_space<hbm>> -> memref<2x128xi32, #tpu.memory_space<hbm>>
    %dma_wait3A_240 = arith.constant 0 : i32
    %dma_wait3A_241 = arith.constant 0 : i32
    %dma_wait3A_242 = tpu.memref_slice %arg5[%dma_wait3A_231, %dma_wait3A_240, %dma_wait3A_241] : memref<4x2x128xi32, #tpu.memory_space<vmem>> -> memref<1x2x128xi32, #tpu.memory_space<vmem>>
    %dma_wait3A_243 = tpu.memref_squeeze %dma_wait3A_242 : memref<1x2x128xi32, #tpu.memory_space<vmem>> -> memref<2x128xi32, #tpu.memory_space<vmem>>
    %dma_wait3A_244 = arith.constant 0 : i32
    %dma_wait3A_245 = arith.constant 0 : i32
    %dma_wait3A_246 = tpu.memref_slice %arg3[%add3A_230, %dma_wait3A_244, %dma_wait3A_245] : memref<2560x2x128xi32, #tpu.memory_space<hbm>> -> memref<1x2x128xi32, #tpu.memory_space<hbm>>
    %dma_wait3A_247 = tpu.memref_squeeze %dma_wait3A_246 : memref<1x2x128xi32, #tpu.memory_space<hbm>> -> memref<2x128xi32, #tpu.memory_space<hbm>>
    tpu.wait_dma2 semaphore(%arg8 : memref<!tpu.dma_semaphore, #tpu.memory_space<semaphore_mem>>) src(%dma_wait3A_247 : memref<2x128xi32, #tpu.memory_space<hbm>>) dst(%dma_wait3A_243 : memref<2x128xi32, #tpu.memory_space<vmem>>)
    %dma_start3A_248 = arith.constant 2 : i32
    %dma_start3A_249 = arith.constant 0 : i32
    %dma_start3A_250 = arith.constant 0 : i32
    %dma_start3A_251 = arith.constant 0 : i32
    %dma_start3A_252 = arith.constant 0 : i32
    %dma_start3A_253 = tpu.memref_slice %arg6[%dma_start3A_250, %dma_start3A_251, %dma_start3A_252] : memref<2x128x128xf32, #tpu.memory_space<vmem>> -> memref<1x128x128xf32, #tpu.memory_space<vmem>>
    %dma_start3A_254 = tpu.memref_squeeze %dma_start3A_253 : memref<1x128x128xf32, #tpu.memory_space<vmem>> -> memref<128x128xf32, #tpu.memory_space<vmem>>
    %dma_start3A_255 = arith.constant 0 : i32
    %dma_start3A_256 = tpu.memref_slice %arg5[%dma_start3A_248, %dma_start3A_249, %dma_start3A_255] : memref<4x2x128xi32, #tpu.memory_space<vmem>> -> memref<1x1x128xi32, #tpu.memory_space<vmem>>
    %dma_start3A_257 = tpu.memref_squeeze %dma_start3A_256 : memref<1x1x128xi32, #tpu.memory_space<vmem>> -> memref<128xi32, #tpu.memory_space<vmem>>
    %dma_start3A_258 = arith.constant 0 : i32
    %dma_start3A_259 = arith.constant 0 : i32
    %dma_start3A_260 = tpu.memref_slice %arg2[%dma_start3A_258, %dma_start3A_259] : memref<10240x128xf32, #tpu.memory_space<hbm>> -> memref<10240x128xf32, #tpu.memory_space<hbm>>
    tpu.enqueue_indirect_dma source(%dma_start3A_260 : memref<10240x128xf32, #tpu.memory_space<hbm>>) target(%dma_start3A_254 : memref<128x128xf32, #tpu.memory_space<vmem>>) offsets(%dma_start3A_257 : memref<128xi32, #tpu.memory_space<vmem>>) semaphore(%arg9 : memref<!tpu.dma_semaphore, #tpu.memory_space<semaphore_mem>>)
    %dma_wait3A_261 = arith.constant 2 : i32
    %dma_wait3A_262 = arith.constant 0 : i32
    %dma_wait3A_263 = arith.constant 0 : i32
    %dma_wait3A_264 = arith.constant 0 : i32
    %dma_wait3A_265 = arith.constant 0 : i32
    %dma_wait3A_266 = tpu.memref_slice %arg6[%dma_wait3A_263, %dma_wait3A_264, %dma_wait3A_265] : memref<2x128x128xf32, #tpu.memory_space<vmem>> -> memref<1x128x128xf32, #tpu.memory_space<vmem>>
    %dma_wait3A_267 = tpu.memref_squeeze %dma_wait3A_266 : memref<1x128x128xf32, #tpu.memory_space<vmem>> -> memref<128x128xf32, #tpu.memory_space<vmem>>
    %dma_wait3A_268 = arith.constant 0 : i32
    %dma_wait3A_269 = tpu.memref_slice %arg5[%dma_wait3A_261, %dma_wait3A_262, %dma_wait3A_268] : memref<4x2x128xi32, #tpu.memory_space<vmem>> -> memref<1x1x128xi32, #tpu.memory_space<vmem>>
    %dma_wait3A_270 = tpu.memref_squeeze %dma_wait3A_269 : memref<1x1x128xi32, #tpu.memory_space<vmem>> -> memref<128xi32, #tpu.memory_space<vmem>>
    %dma_wait3A_271 = arith.constant 0 : i32
    %dma_wait3A_272 = arith.constant 0 : i32
    %dma_wait3A_273 = tpu.memref_slice %arg2[%dma_wait3A_271, %dma_wait3A_272] : memref<10240x128xf32, #tpu.memory_space<hbm>> -> memref<10240x128xf32, #tpu.memory_space<hbm>>
    tpu.wait_indirect_dma semaphore(%arg9 : memref<!tpu.dma_semaphore, #tpu.memory_space<semaphore_mem>>) src(%dma_wait3A_273 : memref<10240x128xf32, #tpu.memory_space<hbm>>) dst(%dma_wait3A_267 : memref<128x128xf32, #tpu.memory_space<vmem>>)
    %dma_start3A_274 = arith.constant 0 : i32
    %dma_start3A_275 = arith.constant 2 : i32
    %dma_start3A_276 = arith.constant 1 : i32
    %dma_start3A_277 = arith.constant 0 : i32
    %dma_start3A_278 = arith.constant 0 : i32
    %dma_start3A_279 = tpu.memref_slice %arg6[%dma_start3A_274, %dma_start3A_277, %dma_start3A_278] : memref<2x128x128xf32, #tpu.memory_space<vmem>> -> memref<1x128x128xf32, #tpu.memory_space<vmem>>
    %dma_start3A_280 = tpu.memref_squeeze %dma_start3A_279 : memref<1x128x128xf32, #tpu.memory_space<vmem>> -> memref<128x128xf32, #tpu.memory_space<vmem>>
    %dma_start3A_281 = arith.constant 0 : i32
    %dma_start3A_282 = tpu.memref_slice %arg5[%dma_start3A_275, %dma_start3A_276, %dma_start3A_281] : memref<4x2x128xi32, #tpu.memory_space<vmem>> -> memref<1x1x128xi32, #tpu.memory_space<vmem>>
    %dma_start3A_283 = tpu.memref_squeeze %dma_start3A_282 : memref<1x1x128xi32, #tpu.memory_space<vmem>> -> memref<128xi32, #tpu.memory_space<vmem>>
    %dma_start3A_284 = arith.constant 0 : i32
    %dma_start3A_285 = arith.constant 0 : i32
    %dma_start3A_286 = tpu.memref_slice %arg7[%dma_start3A_284, %dma_start3A_285] : memref<10240x128xf32, #tpu.memory_space<vmem_shared>> -> memref<10240x128xf32, #tpu.memory_space<vmem_shared>>
    tpu.enqueue_indirect_dma source(%dma_start3A_280 : memref<128x128xf32, #tpu.memory_space<vmem>>) target(%dma_start3A_286 : memref<10240x128xf32, #tpu.memory_space<vmem_shared>>) offsets(%dma_start3A_283 : memref<128xi32, #tpu.memory_space<vmem>>) semaphore(%arg10 : memref<!tpu.dma_semaphore, #tpu.memory_space<semaphore_mem>>) {add = true}
    %dma_wait3A_287 = arith.constant 1 : i32
    %dma_wait3A_288 = arith.constant 1 : i32
    %dma_wait3A_289 = arith.constant 1 : i32
    %dma_wait3A_290 = arith.constant 0 : i32
    %dma_wait3A_291 = arith.constant 0 : i32
    %dma_wait3A_292 = tpu.memref_slice %arg6[%dma_wait3A_287, %dma_wait3A_290, %dma_wait3A_291] : memref<2x128x128xf32, #tpu.memory_space<vmem>> -> memref<1x128x128xf32, #tpu.memory_space<vmem>>
    %dma_wait3A_293 = tpu.memref_squeeze %dma_wait3A_292 : memref<1x128x128xf32, #tpu.memory_space<vmem>> -> memref<128x128xf32, #tpu.memory_space<vmem>>
    %dma_wait3A_294 = arith.constant 0 : i32
    %dma_wait3A_295 = tpu.memref_slice %arg5[%dma_wait3A_288, %dma_wait3A_289, %dma_wait3A_294] : memref<4x2x128xi32, #tpu.memory_space<vmem>> -> memref<1x1x128xi32, #tpu.memory_space<vmem>>
    %dma_wait3A_296 = tpu.memref_squeeze %dma_wait3A_295 : memref<1x1x128xi32, #tpu.memory_space<vmem>> -> memref<128xi32, #tpu.memory_space<vmem>>
    %dma_wait3A_297 = arith.constant 0 : i32
    %dma_wait3A_298 = arith.constant 0 : i32
    %dma_wait3A_299 = tpu.memref_slice %arg7[%dma_wait3A_297, %dma_wait3A_298] : memref<10240x128xf32, #tpu.memory_space<vmem_shared>> -> memref<10240x128xf32, #tpu.memory_space<vmem_shared>>
    tpu.wait_indirect_dma semaphore(%arg10 : memref<!tpu.dma_semaphore, #tpu.memory_space<semaphore_mem>>) src(%dma_wait3A_293 : memref<128x128xf32, #tpu.memory_space<vmem>>) dst(%dma_wait3A_299 : memref<10240x128xf32, #tpu.memory_space<vmem_shared>>)
    %add3A_300 = arith.constant 5 : i32
    %add3A_301 = arith.addi %mul3A_2, %add3A_300 : i32
    %dma_start3A_302 = arith.constant 1 : i32
    %dma_start3A_303 = arith.constant 0 : i32
    %dma_start3A_304 = arith.constant 0 : i32
    %dma_start3A_305 = tpu.memref_slice %arg5[%dma_start3A_302, %dma_start3A_303, %dma_start3A_304] : memref<4x2x128xi32, #tpu.memory_space<vmem>> -> memref<1x2x128xi32, #tpu.memory_space<vmem>>
    %dma_start3A_306 = tpu.memref_squeeze %dma_start3A_305 : memref<1x2x128xi32, #tpu.memory_space<vmem>> -> memref<2x128xi32, #tpu.memory_space<vmem>>
    %dma_start3A_307 = arith.constant 0 : i32
    %dma_start3A_308 = arith.constant 0 : i32
    %dma_start3A_309 = tpu.memref_slice %arg3[%add3A_301, %dma_start3A_307, %dma_start3A_308] : memref<2560x2x128xi32, #tpu.memory_space<hbm>> -> memref<1x2x128xi32, #tpu.memory_space<hbm>>
    %dma_start3A_310 = tpu.memref_squeeze %dma_start3A_309 : memref<1x2x128xi32, #tpu.memory_space<hbm>> -> memref<2x128xi32, #tpu.memory_space<hbm>>
    %dma_start3A_311 = arith.constant 0 : i32
    %dma_start3A_312 = arith.constant 0 : i32
    %dma_start3A_313 = tpu.memref_slice %arg5[%dma_start3A_302, %dma_start3A_311, %dma_start3A_312] : memref<4x2x128xi32, #tpu.memory_space<vmem>> -> memref<1x2x128xi32, #tpu.memory_space<vmem>>
    %dma_start3A_314 = tpu.memref_squeeze %dma_start3A_313 : memref<1x2x128xi32, #tpu.memory_space<vmem>> -> memref<2x128xi32, #tpu.memory_space<vmem>>
    %dma_start3A_315 = arith.constant 0 : i32
    %dma_start3A_316 = arith.constant 0 : i32
    %dma_start3A_317 = tpu.memref_slice %arg3[%add3A_301, %dma_start3A_315, %dma_start3A_316] : memref<2560x2x128xi32, #tpu.memory_space<hbm>> -> memref<1x2x128xi32, #tpu.memory_space<hbm>>
    %dma_start3A_318 = tpu.memref_squeeze %dma_start3A_317 : memref<1x2x128xi32, #tpu.memory_space<hbm>> -> memref<2x128xi32, #tpu.memory_space<hbm>>
    tpu.enqueue_dma source(%dma_start3A_318 : memref<2x128xi32, #tpu.memory_space<hbm>>) target(%dma_start3A_314 : memref<2x128xi32, #tpu.memory_space<vmem>>) target_semaphore(%arg8 : memref<!tpu.dma_semaphore, #tpu.memory_space<semaphore_mem>>)
    %add3A_319 = arith.constant 3 : i32
    %add3A_320 = arith.addi %mul3A_2, %add3A_319 : i32
    %dma_wait3A_321 = arith.constant 3 : i32
    %dma_wait3A_322 = arith.constant 0 : i32
    %dma_wait3A_323 = arith.constant 0 : i32
    %dma_wait3A_324 = tpu.memref_slice %arg5[%dma_wait3A_321, %dma_wait3A_322, %dma_wait3A_323] : memref<4x2x128xi32, #tpu.memory_space<vmem>> -> memref<1x2x128xi32, #tpu.memory_space<vmem>>
    %dma_wait3A_325 = tpu.memref_squeeze %dma_wait3A_324 : memref<1x2x128xi32, #tpu.memory_space<vmem>> -> memref<2x128xi32, #tpu.memory_space<vmem>>
    %dma_wait3A_326 = arith.constant 0 : i32
    %dma_wait3A_327 = arith.constant 0 : i32
    %dma_wait3A_328 = tpu.memref_slice %arg3[%add3A_320, %dma_wait3A_326, %dma_wait3A_327] : memref<2560x2x128xi32, #tpu.memory_space<hbm>> -> memref<1x2x128xi32, #tpu.memory_space<hbm>>
    %dma_wait3A_329 = tpu.memref_squeeze %dma_wait3A_328 : memref<1x2x128xi32, #tpu.memory_space<hbm>> -> memref<2x128xi32, #tpu.memory_space<hbm>>
    %dma_wait3A_330 = arith.constant 0 : i32
    %dma_wait3A_331 = arith.constant 0 : i32
    %dma_wait3A_332 = tpu.memref_slice %arg5[%dma_wait3A_321, %dma_wait3A_330, %dma_wait3A_331] : memref<4x2x128xi32, #tpu.memory_space<vmem>> -> memref<1x2x128xi32, #tpu.memory_space<vmem>>
    %dma_wait3A_333 = tpu.memref_squeeze %dma_wait3A_332 : memref<1x2x128xi32, #tpu.memory_space<vmem>> -> memref<2x128xi32, #tpu.memory_space<vmem>>
    %dma_wait3A_334 = arith.constant 0 : i32
    %dma_wait3A_335 = arith.constant 0 : i32
    %dma_wait3A_336 = tpu.memref_slice %arg3[%add3A_320, %dma_wait3A_334, %dma_wait3A_335] : memref<2560x2x128xi32, #tpu.memory_space<hbm>> -> memref<1x2x128xi32, #tpu.memory_space<hbm>>
    %dma_wait3A_337 = tpu.memref_squeeze %dma_wait3A_336 : memref<1x2x128xi32, #tpu.memory_space<hbm>> -> memref<2x128xi32, #tpu.memory_space<hbm>>
    tpu.wait_dma2 semaphore(%arg8 : memref<!tpu.dma_semaphore, #tpu.memory_space<semaphore_mem>>) src(%dma_wait3A_337 : memref<2x128xi32, #tpu.memory_space<hbm>>) dst(%dma_wait3A_333 : memref<2x128xi32, #tpu.memory_space<vmem>>)
    %dma_start3A_338 = arith.constant 3 : i32
    %dma_start3A_339 = arith.constant 0 : i32
    %dma_start3A_340 = arith.constant 1 : i32
    %dma_start3A_341 = arith.constant 0 : i32
    %dma_start3A_342 = arith.constant 0 : i32
    %dma_start3A_343 = tpu.memref_slice %arg6[%dma_start3A_340, %dma_start3A_341, %dma_start3A_342] : memref<2x128x128xf32, #tpu.memory_space<vmem>> -> memref<1x128x128xf32, #tpu.memory_space<vmem>>
    %dma_start3A_344 = tpu.memref_squeeze %dma_start3A_343 : memref<1x128x128xf32, #tpu.memory_space<vmem>> -> memref<128x128xf32, #tpu.memory_space<vmem>>
    %dma_start3A_345 = arith.constant 0 : i32
    %dma_start3A_346 = tpu.memref_slice %arg5[%dma_start3A_338, %dma_start3A_339, %dma_start3A_345] : memref<4x2x128xi32, #tpu.memory_space<vmem>> -> memref<1x1x128xi32, #tpu.memory_space<vmem>>
    %dma_start3A_347 = tpu.memref_squeeze %dma_start3A_346 : memref<1x1x128xi32, #tpu.memory_space<vmem>> -> memref<128xi32, #tpu.memory_space<vmem>>
    %dma_start3A_348 = arith.constant 0 : i32
    %dma_start3A_349 = arith.constant 0 : i32
    %dma_start3A_350 = tpu.memref_slice %arg2[%dma_start3A_348, %dma_start3A_349] : memref<10240x128xf32, #tpu.memory_space<hbm>> -> memref<10240x128xf32, #tpu.memory_space<hbm>>
    tpu.enqueue_indirect_dma source(%dma_start3A_350 : memref<10240x128xf32, #tpu.memory_space<hbm>>) target(%dma_start3A_344 : memref<128x128xf32, #tpu.memory_space<vmem>>) offsets(%dma_start3A_347 : memref<128xi32, #tpu.memory_space<vmem>>) semaphore(%arg9 : memref<!tpu.dma_semaphore, #tpu.memory_space<semaphore_mem>>)
    %dma_wait3A_351 = arith.constant 3 : i32
    %dma_wait3A_352 = arith.constant 0 : i32
    %dma_wait3A_353 = arith.constant 1 : i32
    %dma_wait3A_354 = arith.constant 0 : i32
    %dma_wait3A_355 = arith.constant 0 : i32
    %dma_wait3A_356 = tpu.memref_slice %arg6[%dma_wait3A_353, %dma_wait3A_354, %dma_wait3A_355] : memref<2x128x128xf32, #tpu.memory_space<vmem>> -> memref<1x128x128xf32, #tpu.memory_space<vmem>>
    %dma_wait3A_357 = tpu.memref_squeeze %dma_wait3A_356 : memref<1x128x128xf32, #tpu.memory_space<vmem>> -> memref<128x128xf32, #tpu.memory_space<vmem>>
    %dma_wait3A_358 = arith.constant 0 : i32
    %dma_wait3A_359 = tpu.memref_slice %arg5[%dma_wait3A_351, %dma_wait3A_352, %dma_wait3A_358] : memref<4x2x128xi32, #tpu.memory_space<vmem>> -> memref<1x1x128xi32, #tpu.memory_space<vmem>>
    %dma_wait3A_360 = tpu.memref_squeeze %dma_wait3A_359 : memref<1x1x128xi32, #tpu.memory_space<vmem>> -> memref<128xi32, #tpu.memory_space<vmem>>
    %dma_wait3A_361 = arith.constant 0 : i32
    %dma_wait3A_362 = arith.constant 0 : i32
    %dma_wait3A_363 = tpu.memref_slice %arg2[%dma_wait3A_361, %dma_wait3A_362] : memref<10240x128xf32, #tpu.memory_space<hbm>> -> memref<10240x128xf32, #tpu.memory_space<hbm>>
    tpu.wait_indirect_dma semaphore(%arg9 : memref<!tpu.dma_semaphore, #tpu.memory_space<semaphore_mem>>) src(%dma_wait3A_363 : memref<10240x128xf32, #tpu.memory_space<hbm>>) dst(%dma_wait3A_357 : memref<128x128xf32, #tpu.memory_space<vmem>>)
    %dma_start3A_364 = arith.constant 1 : i32
    %dma_start3A_365 = arith.constant 3 : i32
    %dma_start3A_366 = arith.constant 1 : i32
    %dma_start3A_367 = arith.constant 0 : i32
    %dma_start3A_368 = arith.constant 0 : i32
    %dma_start3A_369 = tpu.memref_slice %arg6[%dma_start3A_364, %dma_start3A_367, %dma_start3A_368] : memref<2x128x128xf32, #tpu.memory_space<vmem>> -> memref<1x128x128xf32, #tpu.memory_space<vmem>>
    %dma_start3A_370 = tpu.memref_squeeze %dma_start3A_369 : memref<1x128x128xf32, #tpu.memory_space<vmem>> -> memref<128x128xf32, #tpu.memory_space<vmem>>
    %dma_start3A_371 = arith.constant 0 : i32
    %dma_start3A_372 = tpu.memref_slice %arg5[%dma_start3A_365, %dma_start3A_366, %dma_start3A_371] : memref<4x2x128xi32, #tpu.memory_space<vmem>> -> memref<1x1x128xi32, #tpu.memory_space<vmem>>
    %dma_start3A_373 = tpu.memref_squeeze %dma_start3A_372 : memref<1x1x128xi32, #tpu.memory_space<vmem>> -> memref<128xi32, #tpu.memory_space<vmem>>
    %dma_start3A_374 = arith.constant 0 : i32
    %dma_start3A_375 = arith.constant 0 : i32
    %dma_start3A_376 = tpu.memref_slice %arg7[%dma_start3A_374, %dma_start3A_375] : memref<10240x128xf32, #tpu.memory_space<vmem_shared>> -> memref<10240x128xf32, #tpu.memory_space<vmem_shared>>
    tpu.enqueue_indirect_dma source(%dma_start3A_370 : memref<128x128xf32, #tpu.memory_space<vmem>>) target(%dma_start3A_376 : memref<10240x128xf32, #tpu.memory_space<vmem_shared>>) offsets(%dma_start3A_373 : memref<128xi32, #tpu.memory_space<vmem>>) semaphore(%arg10 : memref<!tpu.dma_semaphore, #tpu.memory_space<semaphore_mem>>) {add = true}
    %dma_wait3A_377 = arith.constant 0 : i32
    %dma_wait3A_378 = arith.constant 2 : i32
    %dma_wait3A_379 = arith.constant 1 : i32
    %dma_wait3A_380 = arith.constant 0 : i32
    %dma_wait3A_381 = arith.constant 0 : i32
    %dma_wait3A_382 = tpu.memref_slice %arg6[%dma_wait3A_377, %dma_wait3A_380, %dma_wait3A_381] : memref<2x128x128xf32, #tpu.memory_space<vmem>> -> memref<1x128x128xf32, #tpu.memory_space<vmem>>
    %dma_wait3A_383 = tpu.memref_squeeze %dma_wait3A_382 : memref<1x128x128xf32, #tpu.memory_space<vmem>> -> memref<128x128xf32, #tpu.memory_space<vmem>>
    %dma_wait3A_384 = arith.constant 0 : i32
    %dma_wait3A_385 = tpu.memref_slice %arg5[%dma_wait3A_378, %dma_wait3A_379, %dma_wait3A_384] : memref<4x2x128xi32, #tpu.memory_space<vmem>> -> memref<1x1x128xi32, #tpu.memory_space<vmem>>
    %dma_wait3A_386 = tpu.memref_squeeze %dma_wait3A_385 : memref<1x1x128xi32, #tpu.memory_space<vmem>> -> memref<128xi32, #tpu.memory_space<vmem>>
    %dma_wait3A_387 = arith.constant 0 : i32
    %dma_wait3A_388 = arith.constant 0 : i32
    %dma_wait3A_389 = tpu.memref_slice %arg7[%dma_wait3A_387, %dma_wait3A_388] : memref<10240x128xf32, #tpu.memory_space<vmem_shared>> -> memref<10240x128xf32, #tpu.memory_space<vmem_shared>>
    tpu.wait_indirect_dma semaphore(%arg10 : memref<!tpu.dma_semaphore, #tpu.memory_space<semaphore_mem>>) src(%dma_wait3A_383 : memref<128x128xf32, #tpu.memory_space<vmem>>) dst(%dma_wait3A_389 : memref<10240x128xf32, #tpu.memory_space<vmem_shared>>)
    %add3A_390 = arith.constant 6 : i32
    %add3A_391 = arith.addi %mul3A_2, %add3A_390 : i32
    %dma_start3A_392 = arith.constant 2 : i32
    %dma_start3A_393 = arith.constant 0 : i32
    %dma_start3A_394 = arith.constant 0 : i32
    %dma_start3A_395 = tpu.memref_slice %arg5[%dma_start3A_392, %dma_start3A_393, %dma_start3A_394] : memref<4x2x128xi32, #tpu.memory_space<vmem>> -> memref<1x2x128xi32, #tpu.memory_space<vmem>>
    %dma_start3A_396 = tpu.memref_squeeze %dma_start3A_395 : memref<1x2x128xi32, #tpu.memory_space<vmem>> -> memref<2x128xi32, #tpu.memory_space<vmem>>
    %dma_start3A_397 = arith.constant 0 : i32
    %dma_start3A_398 = arith.constant 0 : i32
    %dma_start3A_399 = tpu.memref_slice %arg3[%add3A_391, %dma_start3A_397, %dma_start3A_398] : memref<2560x2x128xi32, #tpu.memory_space<hbm>> -> memref<1x2x128xi32, #tpu.memory_space<hbm>>
    %dma_start3A_400 = tpu.memref_squeeze %dma_start3A_399 : memref<1x2x128xi32, #tpu.memory_space<hbm>> -> memref<2x128xi32, #tpu.memory_space<hbm>>
    %dma_start3A_401 = arith.constant 0 : i32
    %dma_start3A_402 = arith.constant 0 : i32
    %dma_start3A_403 = tpu.memref_slice %arg5[%dma_start3A_392, %dma_start3A_401, %dma_start3A_402] : memref<4x2x128xi32, #tpu.memory_space<vmem>> -> memref<1x2x128xi32, #tpu.memory_space<vmem>>
    %dma_start3A_404 = tpu.memref_squeeze %dma_start3A_403 : memref<1x2x128xi32, #tpu.memory_space<vmem>> -> memref<2x128xi32, #tpu.memory_space<vmem>>
    %dma_start3A_405 = arith.constant 0 : i32
    %dma_start3A_406 = arith.constant 0 : i32
    %dma_start3A_407 = tpu.memref_slice %arg3[%add3A_391, %dma_start3A_405, %dma_start3A_406] : memref<2560x2x128xi32, #tpu.memory_space<hbm>> -> memref<1x2x128xi32, #tpu.memory_space<hbm>>
    %dma_start3A_408 = tpu.memref_squeeze %dma_start3A_407 : memref<1x2x128xi32, #tpu.memory_space<hbm>> -> memref<2x128xi32, #tpu.memory_space<hbm>>
    tpu.enqueue_dma source(%dma_start3A_408 : memref<2x128xi32, #tpu.memory_space<hbm>>) target(%dma_start3A_404 : memref<2x128xi32, #tpu.memory_space<vmem>>) target_semaphore(%arg8 : memref<!tpu.dma_semaphore, #tpu.memory_space<semaphore_mem>>)
    %add3A_409 = arith.constant 4 : i32
    %add3A_410 = arith.addi %mul3A_2, %add3A_409 : i32
    %dma_wait3A_411 = arith.constant 0 : i32
    %dma_wait3A_412 = arith.constant 0 : i32
    %dma_wait3A_413 = arith.constant 0 : i32
    %dma_wait3A_414 = tpu.memref_slice %arg5[%dma_wait3A_411, %dma_wait3A_412, %dma_wait3A_413] : memref<4x2x128xi32, #tpu.memory_space<vmem>> -> memref<1x2x128xi32, #tpu.memory_space<vmem>>
    %dma_wait3A_415 = tpu.memref_squeeze %dma_wait3A_414 : memref<1x2x128xi32, #tpu.memory_space<vmem>> -> memref<2x128xi32, #tpu.memory_space<vmem>>
    %dma_wait3A_416 = arith.constant 0 : i32
    %dma_wait3A_417 = arith.constant 0 : i32
    %dma_wait3A_418 = tpu.memref_slice %arg3[%add3A_410, %dma_wait3A_416, %dma_wait3A_417] : memref<2560x2x128xi32, #tpu.memory_space<hbm>> -> memref<1x2x128xi32, #tpu.memory_space<hbm>>
    %dma_wait3A_419 = tpu.memref_squeeze %dma_wait3A_418 : memref<1x2x128xi32, #tpu.memory_space<hbm>> -> memref<2x128xi32, #tpu.memory_space<hbm>>
    %dma_wait3A_420 = arith.constant 0 : i32
    %dma_wait3A_421 = arith.constant 0 : i32
    %dma_wait3A_422 = tpu.memref_slice %arg5[%dma_wait3A_411, %dma_wait3A_420, %dma_wait3A_421] : memref<4x2x128xi32, #tpu.memory_space<vmem>> -> memref<1x2x128xi32, #tpu.memory_space<vmem>>
    %dma_wait3A_423 = tpu.memref_squeeze %dma_wait3A_422 : memref<1x2x128xi32, #tpu.memory_space<vmem>> -> memref<2x128xi32, #tpu.memory_space<vmem>>
    %dma_wait3A_424 = arith.constant 0 : i32
    %dma_wait3A_425 = arith.constant 0 : i32
    %dma_wait3A_426 = tpu.memref_slice %arg3[%add3A_410, %dma_wait3A_424, %dma_wait3A_425] : memref<2560x2x128xi32, #tpu.memory_space<hbm>> -> memref<1x2x128xi32, #tpu.memory_space<hbm>>
    %dma_wait3A_427 = tpu.memref_squeeze %dma_wait3A_426 : memref<1x2x128xi32, #tpu.memory_space<hbm>> -> memref<2x128xi32, #tpu.memory_space<hbm>>
    tpu.wait_dma2 semaphore(%arg8 : memref<!tpu.dma_semaphore, #tpu.memory_space<semaphore_mem>>) src(%dma_wait3A_427 : memref<2x128xi32, #tpu.memory_space<hbm>>) dst(%dma_wait3A_423 : memref<2x128xi32, #tpu.memory_space<vmem>>)
    %dma_start3A_428 = arith.constant 0 : i32
    %dma_start3A_429 = arith.constant 0 : i32
    %dma_start3A_430 = arith.constant 0 : i32
    %dma_start3A_431 = arith.constant 0 : i32
    %dma_start3A_432 = arith.constant 0 : i32
    %dma_start3A_433 = tpu.memref_slice %arg6[%dma_start3A_430, %dma_start3A_431, %dma_start3A_432] : memref<2x128x128xf32, #tpu.memory_space<vmem>> -> memref<1x128x128xf32, #tpu.memory_space<vmem>>
    %dma_start3A_434 = tpu.memref_squeeze %dma_start3A_433 : memref<1x128x128xf32, #tpu.memory_space<vmem>> -> memref<128x128xf32, #tpu.memory_space<vmem>>
    %dma_start3A_435 = arith.constant 0 : i32
    %dma_start3A_436 = tpu.memref_slice %arg5[%dma_start3A_428, %dma_start3A_429, %dma_start3A_435] : memref<4x2x128xi32, #tpu.memory_space<vmem>> -> memref<1x1x128xi32, #tpu.memory_space<vmem>>
    %dma_start3A_437 = tpu.memref_squeeze %dma_start3A_436 : memref<1x1x128xi32, #tpu.memory_space<vmem>> -> memref<128xi32, #tpu.memory_space<vmem>>
    %dma_start3A_438 = arith.constant 0 : i32
    %dma_start3A_439 = arith.constant 0 : i32
    %dma_start3A_440 = tpu.memref_slice %arg2[%dma_start3A_438, %dma_start3A_439] : memref<10240x128xf32, #tpu.memory_space<hbm>> -> memref<10240x128xf32, #tpu.memory_space<hbm>>
    tpu.enqueue_indirect_dma source(%dma_start3A_440 : memref<10240x128xf32, #tpu.memory_space<hbm>>) target(%dma_start3A_434 : memref<128x128xf32, #tpu.memory_space<vmem>>) offsets(%dma_start3A_437 : memref<128xi32, #tpu.memory_space<vmem>>) semaphore(%arg9 : memref<!tpu.dma_semaphore, #tpu.memory_space<semaphore_mem>>)
    %scan3A = arith.constant 0 : i32
    %scan3A_441 = arith.constant 1 : i32
    %scan3A_442 = arith.constant 18 : i32
    %scan3A_443 = arith.addi %scan3A_441, %scan3A_442 : i32
    %scan3A_444 = arith.constant 1 : i32
    scf.for %scan3A_735 = %scan3A_441 to %scan3A_443 step %scan3A_444  : i32 {
      %mul3A_736 = arith.constant 4 : i32
      %mul3A_737 = arith.muli %mul3A_736, %scan3A_735 : i32
      %add3A_738 = arith.constant 0 : i32
      %add3A_739 = arith.addi %mul3A_737, %add3A_738 : i32
      %dma_wait3A_740 = arith.constant 0 : i32
      %dma_wait3A_741 = arith.constant 0 : i32
      %dma_wait3A_742 = arith.constant 0 : i32
      %dma_wait3A_743 = arith.constant 0 : i32
      %dma_wait3A_744 = arith.constant 0 : i32
      %dma_wait3A_745 = tpu.memref_slice %arg6[%dma_wait3A_742, %dma_wait3A_743, %dma_wait3A_744] : memref<2x128x128xf32, #tpu.memory_space<vmem>> -> memref<1x128x128xf32, #tpu.memory_space<vmem>>
      %dma_wait3A_746 = tpu.memref_squeeze %dma_wait3A_745 : memref<1x128x128xf32, #tpu.memory_space<vmem>> -> memref<128x128xf32, #tpu.memory_space<vmem>>
      %dma_wait3A_747 = arith.constant 0 : i32
      %dma_wait3A_748 = tpu.memref_slice %arg5[%dma_wait3A_740, %dma_wait3A_741, %dma_wait3A_747] : memref<4x2x128xi32, #tpu.memory_space<vmem>> -> memref<1x1x128xi32, #tpu.memory_space<vmem>>
      %dma_wait3A_749 = tpu.memref_squeeze %dma_wait3A_748 : memref<1x1x128xi32, #tpu.memory_space<vmem>> -> memref<128xi32, #tpu.memory_space<vmem>>
      %dma_wait3A_750 = arith.constant 0 : i32
      %dma_wait3A_751 = arith.constant 0 : i32
      %dma_wait3A_752 = tpu.memref_slice %arg2[%dma_wait3A_750, %dma_wait3A_751] : memref<10240x128xf32, #tpu.memory_space<hbm>> -> memref<10240x128xf32, #tpu.memory_space<hbm>>
      tpu.wait_indirect_dma semaphore(%arg9 : memref<!tpu.dma_semaphore, #tpu.memory_space<semaphore_mem>>) src(%dma_wait3A_752 : memref<10240x128xf32, #tpu.memory_space<hbm>>) dst(%dma_wait3A_746 : memref<128x128xf32, #tpu.memory_space<vmem>>)
      %dma_start3A_753 = arith.constant 0 : i32
      %dma_start3A_754 = arith.constant 0 : i32
      %dma_start3A_755 = arith.constant 1 : i32
      %dma_start3A_756 = arith.constant 0 : i32
      %dma_start3A_757 = arith.constant 0 : i32
      %dma_start3A_758 = tpu.memref_slice %arg6[%dma_start3A_753, %dma_start3A_756, %dma_start3A_757] : memref<2x128x128xf32, #tpu.memory_space<vmem>> -> memref<1x128x128xf32, #tpu.memory_space<vmem>>
      %dma_start3A_759 = tpu.memref_squeeze %dma_start3A_758 : memref<1x128x128xf32, #tpu.memory_space<vmem>> -> memref<128x128xf32, #tpu.memory_space<vmem>>
      %dma_start3A_760 = arith.constant 0 : i32
      %dma_start3A_761 = tpu.memref_slice %arg5[%dma_start3A_754, %dma_start3A_755, %dma_start3A_760] : memref<4x2x128xi32, #tpu.memory_space<vmem>> -> memref<1x1x128xi32, #tpu.memory_space<vmem>>
      %dma_start3A_762 = tpu.memref_squeeze %dma_start3A_761 : memref<1x1x128xi32, #tpu.memory_space<vmem>> -> memref<128xi32, #tpu.memory_space<vmem>>
      %dma_start3A_763 = arith.constant 0 : i32
      %dma_start3A_764 = arith.constant 0 : i32
      %dma_start3A_765 = tpu.memref_slice %arg7[%dma_start3A_763, %dma_start3A_764] : memref<10240x128xf32, #tpu.memory_space<vmem_shared>> -> memref<10240x128xf32, #tpu.memory_space<vmem_shared>>
      tpu.enqueue_indirect_dma source(%dma_start3A_759 : memref<128x128xf32, #tpu.memory_space<vmem>>) target(%dma_start3A_765 : memref<10240x128xf32, #tpu.memory_space<vmem_shared>>) offsets(%dma_start3A_762 : memref<128xi32, #tpu.memory_space<vmem>>) semaphore(%arg10 : memref<!tpu.dma_semaphore, #tpu.memory_space<semaphore_mem>>) {add = true}
      %dma_wait3A_766 = arith.constant 1 : i32
      %dma_wait3A_767 = arith.constant 3 : i32
      %dma_wait3A_768 = arith.constant 1 : i32
      %dma_wait3A_769 = arith.constant 0 : i32
      %dma_wait3A_770 = arith.constant 0 : i32
      %dma_wait3A_771 = tpu.memref_slice %arg6[%dma_wait3A_766, %dma_wait3A_769, %dma_wait3A_770] : memref<2x128x128xf32, #tpu.memory_space<vmem>> -> memref<1x128x128xf32, #tpu.memory_space<vmem>>
      %dma_wait3A_772 = tpu.memref_squeeze %dma_wait3A_771 : memref<1x128x128xf32, #tpu.memory_space<vmem>> -> memref<128x128xf32, #tpu.memory_space<vmem>>
      %dma_wait3A_773 = arith.constant 0 : i32
      %dma_wait3A_774 = tpu.memref_slice %arg5[%dma_wait3A_767, %dma_wait3A_768, %dma_wait3A_773] : memref<4x2x128xi32, #tpu.memory_space<vmem>> -> memref<1x1x128xi32, #tpu.memory_space<vmem>>
      %dma_wait3A_775 = tpu.memref_squeeze %dma_wait3A_774 : memref<1x1x128xi32, #tpu.memory_space<vmem>> -> memref<128xi32, #tpu.memory_space<vmem>>
      %dma_wait3A_776 = arith.constant 0 : i32
      %dma_wait3A_777 = arith.constant 0 : i32
      %dma_wait3A_778 = tpu.memref_slice %arg7[%dma_wait3A_776, %dma_wait3A_777] : memref<10240x128xf32, #tpu.memory_space<vmem_shared>> -> memref<10240x128xf32, #tpu.memory_space<vmem_shared>>
      tpu.wait_indirect_dma semaphore(%arg10 : memref<!tpu.dma_semaphore, #tpu.memory_space<semaphore_mem>>) src(%dma_wait3A_772 : memref<128x128xf32, #tpu.memory_space<vmem>>) dst(%dma_wait3A_778 : memref<10240x128xf32, #tpu.memory_space<vmem_shared>>)
      %add3A_779 = arith.constant 3 : i32
      %add3A_780 = arith.addi %add3A_739, %add3A_779 : i32
      %add3A_781 = arith.addi %mul3A_2, %add3A_780 : i32
      %dma_start3A_782 = arith.constant 3 : i32
      %dma_start3A_783 = arith.constant 0 : i32
      %dma_start3A_784 = arith.constant 0 : i32
      %dma_start3A_785 = tpu.memref_slice %arg5[%dma_start3A_782, %dma_start3A_783, %dma_start3A_784] : memref<4x2x128xi32, #tpu.memory_space<vmem>> -> memref<1x2x128xi32, #tpu.memory_space<vmem>>
      %dma_start3A_786 = tpu.memref_squeeze %dma_start3A_785 : memref<1x2x128xi32, #tpu.memory_space<vmem>> -> memref<2x128xi32, #tpu.memory_space<vmem>>
      %dma_start3A_787 = arith.constant 0 : i32
      %dma_start3A_788 = arith.constant 0 : i32
      %dma_start3A_789 = tpu.memref_slice %arg3[%add3A_781, %dma_start3A_787, %dma_start3A_788] : memref<2560x2x128xi32, #tpu.memory_space<hbm>> -> memref<1x2x128xi32, #tpu.memory_space<hbm>>
      %dma_start3A_790 = tpu.memref_squeeze %dma_start3A_789 : memref<1x2x128xi32, #tpu.memory_space<hbm>> -> memref<2x128xi32, #tpu.memory_space<hbm>>
      %dma_start3A_791 = arith.constant 0 : i32
      %dma_start3A_792 = arith.constant 0 : i32
      %dma_start3A_793 = tpu.memref_slice %arg5[%dma_start3A_782, %dma_start3A_791, %dma_start3A_792] : memref<4x2x128xi32, #tpu.memory_space<vmem>> -> memref<1x2x128xi32, #tpu.memory_space<vmem>>
      %dma_start3A_794 = tpu.memref_squeeze %dma_start3A_793 : memref<1x2x128xi32, #tpu.memory_space<vmem>> -> memref<2x128xi32, #tpu.memory_space<vmem>>
      %dma_start3A_795 = arith.constant 0 : i32
      %dma_start3A_796 = arith.constant 0 : i32
      %dma_start3A_797 = tpu.memref_slice %arg3[%add3A_781, %dma_start3A_795, %dma_start3A_796] : memref<2560x2x128xi32, #tpu.memory_space<hbm>> -> memref<1x2x128xi32, #tpu.memory_space<hbm>>
      %dma_start3A_798 = tpu.memref_squeeze %dma_start3A_797 : memref<1x2x128xi32, #tpu.memory_space<hbm>> -> memref<2x128xi32, #tpu.memory_space<hbm>>
      tpu.enqueue_dma source(%dma_start3A_798 : memref<2x128xi32, #tpu.memory_space<hbm>>) target(%dma_start3A_794 : memref<2x128xi32, #tpu.memory_space<vmem>>) target_semaphore(%arg8 : memref<!tpu.dma_semaphore, #tpu.memory_space<semaphore_mem>>)
      %add3A_799 = arith.constant 1 : i32
      %add3A_800 = arith.addi %add3A_739, %add3A_799 : i32
      %add3A_801 = arith.addi %mul3A_2, %add3A_800 : i32
      %dma_wait3A_802 = arith.constant 1 : i32
      %dma_wait3A_803 = arith.constant 0 : i32
      %dma_wait3A_804 = arith.constant 0 : i32
      %dma_wait3A_805 = tpu.memref_slice %arg5[%dma_wait3A_802, %dma_wait3A_803, %dma_wait3A_804] : memref<4x2x128xi32, #tpu.memory_space<vmem>> -> memref<1x2x128xi32, #tpu.memory_space<vmem>>
      %dma_wait3A_806 = tpu.memref_squeeze %dma_wait3A_805 : memref<1x2x128xi32, #tpu.memory_space<vmem>> -> memref<2x128xi32, #tpu.memory_space<vmem>>
      %dma_wait3A_807 = arith.constant 0 : i32
      %dma_wait3A_808 = arith.constant 0 : i32
      %dma_wait3A_809 = tpu.memref_slice %arg3[%add3A_801, %dma_wait3A_807, %dma_wait3A_808] : memref<2560x2x128xi32, #tpu.memory_space<hbm>> -> memref<1x2x128xi32, #tpu.memory_space<hbm>>
      %dma_wait3A_810 = tpu.memref_squeeze %dma_wait3A_809 : memref<1x2x128xi32, #tpu.memory_space<hbm>> -> memref<2x128xi32, #tpu.memory_space<hbm>>
      %dma_wait3A_811 = arith.constant 0 : i32
      %dma_wait3A_812 = arith.constant 0 : i32
      %dma_wait3A_813 = tpu.memref_slice %arg5[%dma_wait3A_802, %dma_wait3A_811, %dma_wait3A_812] : memref<4x2x128xi32, #tpu.memory_space<vmem>> -> memref<1x2x128xi32, #tpu.memory_space<vmem>>
      %dma_wait3A_814 = tpu.memref_squeeze %dma_wait3A_813 : memref<1x2x128xi32, #tpu.memory_space<vmem>> -> memref<2x128xi32, #tpu.memory_space<vmem>>
      %dma_wait3A_815 = arith.constant 0 : i32
      %dma_wait3A_816 = arith.constant 0 : i32
      %dma_wait3A_817 = tpu.memref_slice %arg3[%add3A_801, %dma_wait3A_815, %dma_wait3A_816] : memref<2560x2x128xi32, #tpu.memory_space<hbm>> -> memref<1x2x128xi32, #tpu.memory_space<hbm>>
      %dma_wait3A_818 = tpu.memref_squeeze %dma_wait3A_817 : memref<1x2x128xi32, #tpu.memory_space<hbm>> -> memref<2x128xi32, #tpu.memory_space<hbm>>
      tpu.wait_dma2 semaphore(%arg8 : memref<!tpu.dma_semaphore, #tpu.memory_space<semaphore_mem>>) src(%dma_wait3A_818 : memref<2x128xi32, #tpu.memory_space<hbm>>) dst(%dma_wait3A_814 : memref<2x128xi32, #tpu.memory_space<vmem>>)
      %dma_start3A_819 = arith.constant 1 : i32
      %dma_start3A_820 = arith.constant 0 : i32
      %dma_start3A_821 = arith.constant 1 : i32
      %dma_start3A_822 = arith.constant 0 : i32
      %dma_start3A_823 = arith.constant 0 : i32
      %dma_start3A_824 = tpu.memref_slice %arg6[%dma_start3A_821, %dma_start3A_822, %dma_start3A_823] : memref<2x128x128xf32, #tpu.memory_space<vmem>> -> memref<1x128x128xf32, #tpu.memory_space<vmem>>
      %dma_start3A_825 = tpu.memref_squeeze %dma_start3A_824 : memref<1x128x128xf32, #tpu.memory_space<vmem>> -> memref<128x128xf32, #tpu.memory_space<vmem>>
      %dma_start3A_826 = arith.constant 0 : i32
      %dma_start3A_827 = tpu.memref_slice %arg5[%dma_start3A_819, %dma_start3A_820, %dma_start3A_826] : memref<4x2x128xi32, #tpu.memory_space<vmem>> -> memref<1x1x128xi32, #tpu.memory_space<vmem>>
      %dma_start3A_828 = tpu.memref_squeeze %dma_start3A_827 : memref<1x1x128xi32, #tpu.memory_space<vmem>> -> memref<128xi32, #tpu.memory_space<vmem>>
      %dma_start3A_829 = arith.constant 0 : i32
      %dma_start3A_830 = arith.constant 0 : i32
      %dma_start3A_831 = tpu.memref_slice %arg2[%dma_start3A_829, %dma_start3A_830] : memref<10240x128xf32, #tpu.memory_space<hbm>> -> memref<10240x128xf32, #tpu.memory_space<hbm>>
      tpu.enqueue_indirect_dma source(%dma_start3A_831 : memref<10240x128xf32, #tpu.memory_space<hbm>>) target(%dma_start3A_825 : memref<128x128xf32, #tpu.memory_space<vmem>>) offsets(%dma_start3A_828 : memref<128xi32, #tpu.memory_space<vmem>>) semaphore(%arg9 : memref<!tpu.dma_semaphore, #tpu.memory_space<semaphore_mem>>)
      %mul3A_832 = arith.constant 4 : i32
      %mul3A_833 = arith.muli %mul3A_832, %scan3A_735 : i32
      %add3A_834 = arith.constant 1 : i32
      %add3A_835 = arith.addi %mul3A_833, %add3A_834 : i32
      %dma_wait3A_836 = arith.constant 1 : i32
      %dma_wait3A_837 = arith.constant 0 : i32
      %dma_wait3A_838 = arith.constant 1 : i32
      %dma_wait3A_839 = arith.constant 0 : i32
      %dma_wait3A_840 = arith.constant 0 : i32
      %dma_wait3A_841 = tpu.memref_slice %arg6[%dma_wait3A_838, %dma_wait3A_839, %dma_wait3A_840] : memref<2x128x128xf32, #tpu.memory_space<vmem>> -> memref<1x128x128xf32, #tpu.memory_space<vmem>>
      %dma_wait3A_842 = tpu.memref_squeeze %dma_wait3A_841 : memref<1x128x128xf32, #tpu.memory_space<vmem>> -> memref<128x128xf32, #tpu.memory_space<vmem>>
      %dma_wait3A_843 = arith.constant 0 : i32
      %dma_wait3A_844 = tpu.memref_slice %arg5[%dma_wait3A_836, %dma_wait3A_837, %dma_wait3A_843] : memref<4x2x128xi32, #tpu.memory_space<vmem>> -> memref<1x1x128xi32, #tpu.memory_space<vmem>>
      %dma_wait3A_845 = tpu.memref_squeeze %dma_wait3A_844 : memref<1x1x128xi32, #tpu.memory_space<vmem>> -> memref<128xi32, #tpu.memory_space<vmem>>
      %dma_wait3A_846 = arith.constant 0 : i32
      %dma_wait3A_847 = arith.constant 0 : i32
      %dma_wait3A_848 = tpu.memref_slice %arg2[%dma_wait3A_846, %dma_wait3A_847] : memref<10240x128xf32, #tpu.memory_space<hbm>> -> memref<10240x128xf32, #tpu.memory_space<hbm>>
      tpu.wait_indirect_dma semaphore(%arg9 : memref<!tpu.dma_semaphore, #tpu.memory_space<semaphore_mem>>) src(%dma_wait3A_848 : memref<10240x128xf32, #tpu.memory_space<hbm>>) dst(%dma_wait3A_842 : memref<128x128xf32, #tpu.memory_space<vmem>>)
      %dma_start3A_849 = arith.constant 1 : i32
      %dma_start3A_850 = arith.constant 1 : i32
      %dma_start3A_851 = arith.constant 1 : i32
      %dma_start3A_852 = arith.constant 0 : i32
      %dma_start3A_853 = arith.constant 0 : i32
      %dma_start3A_854 = tpu.memref_slice %arg6[%dma_start3A_849, %dma_start3A_852, %dma_start3A_853] : memref<2x128x128xf32, #tpu.memory_space<vmem>> -> memref<1x128x128xf32, #tpu.memory_space<vmem>>
      %dma_start3A_855 = tpu.memref_squeeze %dma_start3A_854 : memref<1x128x128xf32, #tpu.memory_space<vmem>> -> memref<128x128xf32, #tpu.memory_space<vmem>>
      %dma_start3A_856 = arith.constant 0 : i32
      %dma_start3A_857 = tpu.memref_slice %arg5[%dma_start3A_850, %dma_start3A_851, %dma_start3A_856] : memref<4x2x128xi32, #tpu.memory_space<vmem>> -> memref<1x1x128xi32, #tpu.memory_space<vmem>>
      %dma_start3A_858 = tpu.memref_squeeze %dma_start3A_857 : memref<1x1x128xi32, #tpu.memory_space<vmem>> -> memref<128xi32, #tpu.memory_space<vmem>>
      %dma_start3A_859 = arith.constant 0 : i32
      %dma_start3A_860 = arith.constant 0 : i32
      %dma_start3A_861 = tpu.memref_slice %arg7[%dma_start3A_859, %dma_start3A_860] : memref<10240x128xf32, #tpu.memory_space<vmem_shared>> -> memref<10240x128xf32, #tpu.memory_space<vmem_shared>>
      tpu.enqueue_indirect_dma source(%dma_start3A_855 : memref<128x128xf32, #tpu.memory_space<vmem>>) target(%dma_start3A_861 : memref<10240x128xf32, #tpu.memory_space<vmem_shared>>) offsets(%dma_start3A_858 : memref<128xi32, #tpu.memory_space<vmem>>) semaphore(%arg10 : memref<!tpu.dma_semaphore, #tpu.memory_space<semaphore_mem>>) {add = true}
      %dma_wait3A_862 = arith.constant 0 : i32
      %dma_wait3A_863 = arith.constant 0 : i32
      %dma_wait3A_864 = arith.constant 1 : i32
      %dma_wait3A_865 = arith.constant 0 : i32
      %dma_wait3A_866 = arith.constant 0 : i32
      %dma_wait3A_867 = tpu.memref_slice %arg6[%dma_wait3A_862, %dma_wait3A_865, %dma_wait3A_866] : memref<2x128x128xf32, #tpu.memory_space<vmem>> -> memref<1x128x128xf32, #tpu.memory_space<vmem>>
      %dma_wait3A_868 = tpu.memref_squeeze %dma_wait3A_867 : memref<1x128x128xf32, #tpu.memory_space<vmem>> -> memref<128x128xf32, #tpu.memory_space<vmem>>
      %dma_wait3A_869 = arith.constant 0 : i32
      %dma_wait3A_870 = tpu.memref_slice %arg5[%dma_wait3A_863, %dma_wait3A_864, %dma_wait3A_869] : memref<4x2x128xi32, #tpu.memory_space<vmem>> -> memref<1x1x128xi32, #tpu.memory_space<vmem>>
      %dma_wait3A_871 = tpu.memref_squeeze %dma_wait3A_870 : memref<1x1x128xi32, #tpu.memory_space<vmem>> -> memref<128xi32, #tpu.memory_space<vmem>>
      %dma_wait3A_872 = arith.constant 0 : i32
      %dma_wait3A_873 = arith.constant 0 : i32
      %dma_wait3A_874 = tpu.memref_slice %arg7[%dma_wait3A_872, %dma_wait3A_873] : memref<10240x128xf32, #tpu.memory_space<vmem_shared>> -> memref<10240x128xf32, #tpu.memory_space<vmem_shared>>
      tpu.wait_indirect_dma semaphore(%arg10 : memref<!tpu.dma_semaphore, #tpu.memory_space<semaphore_mem>>) src(%dma_wait3A_868 : memref<128x128xf32, #tpu.memory_space<vmem>>) dst(%dma_wait3A_874 : memref<10240x128xf32, #tpu.memory_space<vmem_shared>>)
      %add3A_875 = arith.constant 3 : i32
      %add3A_876 = arith.addi %add3A_835, %add3A_875 : i32
      %add3A_877 = arith.addi %mul3A_2, %add3A_876 : i32
      %dma_start3A_878 = arith.constant 0 : i32
      %dma_start3A_879 = arith.constant 0 : i32
      %dma_start3A_880 = arith.constant 0 : i32
      %dma_start3A_881 = tpu.memref_slice %arg5[%dma_start3A_878, %dma_start3A_879, %dma_start3A_880] : memref<4x2x128xi32, #tpu.memory_space<vmem>> -> memref<1x2x128xi32, #tpu.memory_space<vmem>>
      %dma_start3A_882 = tpu.memref_squeeze %dma_start3A_881 : memref<1x2x128xi32, #tpu.memory_space<vmem>> -> memref<2x128xi32, #tpu.memory_space<vmem>>
      %dma_start3A_883 = arith.constant 0 : i32
      %dma_start3A_884 = arith.constant 0 : i32
      %dma_start3A_885 = tpu.memref_slice %arg3[%add3A_877, %dma_start3A_883, %dma_start3A_884] : memref<2560x2x128xi32, #tpu.memory_space<hbm>> -> memref<1x2x128xi32, #tpu.memory_space<hbm>>
      %dma_start3A_886 = tpu.memref_squeeze %dma_start3A_885 : memref<1x2x128xi32, #tpu.memory_space<hbm>> -> memref<2x128xi32, #tpu.memory_space<hbm>>
      %dma_start3A_887 = arith.constant 0 : i32
      %dma_start3A_888 = arith.constant 0 : i32
      %dma_start3A_889 = tpu.memref_slice %arg5[%dma_start3A_878, %dma_start3A_887, %dma_start3A_888] : memref<4x2x128xi32, #tpu.memory_space<vmem>> -> memref<1x2x128xi32, #tpu.memory_space<vmem>>
      %dma_start3A_890 = tpu.memref_squeeze %dma_start3A_889 : memref<1x2x128xi32, #tpu.memory_space<vmem>> -> memref<2x128xi32, #tpu.memory_space<vmem>>
      %dma_start3A_891 = arith.constant 0 : i32
      %dma_start3A_892 = arith.constant 0 : i32
      %dma_start3A_893 = tpu.memref_slice %arg3[%add3A_877, %dma_start3A_891, %dma_start3A_892] : memref<2560x2x128xi32, #tpu.memory_space<hbm>> -> memref<1x2x128xi32, #tpu.memory_space<hbm>>
      %dma_start3A_894 = tpu.memref_squeeze %dma_start3A_893 : memref<1x2x128xi32, #tpu.memory_space<hbm>> -> memref<2x128xi32, #tpu.memory_space<hbm>>
      tpu.enqueue_dma source(%dma_start3A_894 : memref<2x128xi32, #tpu.memory_space<hbm>>) target(%dma_start3A_890 : memref<2x128xi32, #tpu.memory_space<vmem>>) target_semaphore(%arg8 : memref<!tpu.dma_semaphore, #tpu.memory_space<semaphore_mem>>)
      %add3A_895 = arith.constant 1 : i32
      %add3A_896 = arith.addi %add3A_835, %add3A_895 : i32
      %add3A_897 = arith.addi %mul3A_2, %add3A_896 : i32
      %dma_wait3A_898 = arith.constant 2 : i32
      %dma_wait3A_899 = arith.constant 0 : i32
      %dma_wait3A_900 = arith.constant 0 : i32
      %dma_wait3A_901 = tpu.memref_slice %arg5[%dma_wait3A_898, %dma_wait3A_899, %dma_wait3A_900] : memref<4x2x128xi32, #tpu.memory_space<vmem>> -> memref<1x2x128xi32, #tpu.memory_space<vmem>>
      %dma_wait3A_902 = tpu.memref_squeeze %dma_wait3A_901 : memref<1x2x128xi32, #tpu.memory_space<vmem>> -> memref<2x128xi32, #tpu.memory_space<vmem>>
      %dma_wait3A_903 = arith.constant 0 : i32
      %dma_wait3A_904 = arith.constant 0 : i32
      %dma_wait3A_905 = tpu.memref_slice %arg3[%add3A_897, %dma_wait3A_903, %dma_wait3A_904] : memref<2560x2x128xi32, #tpu.memory_space<hbm>> -> memref<1x2x128xi32, #tpu.memory_space<hbm>>
      %dma_wait3A_906 = tpu.memref_squeeze %dma_wait3A_905 : memref<1x2x128xi32, #tpu.memory_space<hbm>> -> memref<2x128xi32, #tpu.memory_space<hbm>>
      %dma_wait3A_907 = arith.constant 0 : i32
      %dma_wait3A_908 = arith.constant 0 : i32
      %dma_wait3A_909 = tpu.memref_slice %arg5[%dma_wait3A_898, %dma_wait3A_907, %dma_wait3A_908] : memref<4x2x128xi32, #tpu.memory_space<vmem>> -> memref<1x2x128xi32, #tpu.memory_space<vmem>>
      %dma_wait3A_910 = tpu.memref_squeeze %dma_wait3A_909 : memref<1x2x128xi32, #tpu.memory_space<vmem>> -> memref<2x128xi32, #tpu.memory_space<vmem>>
      %dma_wait3A_911 = arith.constant 0 : i32
      %dma_wait3A_912 = arith.constant 0 : i32
      %dma_wait3A_913 = tpu.memref_slice %arg3[%add3A_897, %dma_wait3A_911, %dma_wait3A_912] : memref<2560x2x128xi32, #tpu.memory_space<hbm>> -> memref<1x2x128xi32, #tpu.memory_space<hbm>>
      %dma_wait3A_914 = tpu.memref_squeeze %dma_wait3A_913 : memref<1x2x128xi32, #tpu.memory_space<hbm>> -> memref<2x128xi32, #tpu.memory_space<hbm>>
      tpu.wait_dma2 semaphore(%arg8 : memref<!tpu.dma_semaphore, #tpu.memory_space<semaphore_mem>>) src(%dma_wait3A_914 : memref<2x128xi32, #tpu.memory_space<hbm>>) dst(%dma_wait3A_910 : memref<2x128xi32, #tpu.memory_space<vmem>>)
      %dma_start3A_915 = arith.constant 2 : i32
      %dma_start3A_916 = arith.constant 0 : i32
      %dma_start3A_917 = arith.constant 0 : i32
      %dma_start3A_918 = arith.constant 0 : i32
      %dma_start3A_919 = arith.constant 0 : i32
      %dma_start3A_920 = tpu.memref_slice %arg6[%dma_start3A_917, %dma_start3A_918, %dma_start3A_919] : memref<2x128x128xf32, #tpu.memory_space<vmem>> -> memref<1x128x128xf32, #tpu.memory_space<vmem>>
      %dma_start3A_921 = tpu.memref_squeeze %dma_start3A_920 : memref<1x128x128xf32, #tpu.memory_space<vmem>> -> memref<128x128xf32, #tpu.memory_space<vmem>>
      %dma_start3A_922 = arith.constant 0 : i32
      %dma_start3A_923 = tpu.memref_slice %arg5[%dma_start3A_915, %dma_start3A_916, %dma_start3A_922] : memref<4x2x128xi32, #tpu.memory_space<vmem>> -> memref<1x1x128xi32, #tpu.memory_space<vmem>>
      %dma_start3A_924 = tpu.memref_squeeze %dma_start3A_923 : memref<1x1x128xi32, #tpu.memory_space<vmem>> -> memref<128xi32, #tpu.memory_space<vmem>>
      %dma_start3A_925 = arith.constant 0 : i32
      %dma_start3A_926 = arith.constant 0 : i32
      %dma_start3A_927 = tpu.memref_slice %arg2[%dma_start3A_925, %dma_start3A_926] : memref<10240x128xf32, #tpu.memory_space<hbm>> -> memref<10240x128xf32, #tpu.memory_space<hbm>>
      tpu.enqueue_indirect_dma source(%dma_start3A_927 : memref<10240x128xf32, #tpu.memory_space<hbm>>) target(%dma_start3A_921 : memref<128x128xf32, #tpu.memory_space<vmem>>) offsets(%dma_start3A_924 : memref<128xi32, #tpu.memory_space<vmem>>) semaphore(%arg9 : memref<!tpu.dma_semaphore, #tpu.memory_space<semaphore_mem>>)
      %mul3A_928 = arith.constant 4 : i32
      %mul3A_929 = arith.muli %mul3A_928, %scan3A_735 : i32
      %add3A_930 = arith.constant 2 : i32
      %add3A_931 = arith.addi %mul3A_929, %add3A_930 : i32
      %dma_wait3A_932 = arith.constant 2 : i32
      %dma_wait3A_933 = arith.constant 0 : i32
      %dma_wait3A_934 = arith.constant 0 : i32
      %dma_wait3A_935 = arith.constant 0 : i32
      %dma_wait3A_936 = arith.constant 0 : i32
      %dma_wait3A_937 = tpu.memref_slice %arg6[%dma_wait3A_934, %dma_wait3A_935, %dma_wait3A_936] : memref<2x128x128xf32, #tpu.memory_space<vmem>> -> memref<1x128x128xf32, #tpu.memory_space<vmem>>
      %dma_wait3A_938 = tpu.memref_squeeze %dma_wait3A_937 : memref<1x128x128xf32, #tpu.memory_space<vmem>> -> memref<128x128xf32, #tpu.memory_space<vmem>>
      %dma_wait3A_939 = arith.constant 0 : i32
      %dma_wait3A_940 = tpu.memref_slice %arg5[%dma_wait3A_932, %dma_wait3A_933, %dma_wait3A_939] : memref<4x2x128xi32, #tpu.memory_space<vmem>> -> memref<1x1x128xi32, #tpu.memory_space<vmem>>
      %dma_wait3A_941 = tpu.memref_squeeze %dma_wait3A_940 : memref<1x1x128xi32, #tpu.memory_space<vmem>> -> memref<128xi32, #tpu.memory_space<vmem>>
      %dma_wait3A_942 = arith.constant 0 : i32
      %dma_wait3A_943 = arith.constant 0 : i32
      %dma_wait3A_944 = tpu.memref_slice %arg2[%dma_wait3A_942, %dma_wait3A_943] : memref<10240x128xf32, #tpu.memory_space<hbm>> -> memref<10240x128xf32, #tpu.memory_space<hbm>>
      tpu.wait_indirect_dma semaphore(%arg9 : memref<!tpu.dma_semaphore, #tpu.memory_space<semaphore_mem>>) src(%dma_wait3A_944 : memref<10240x128xf32, #tpu.memory_space<hbm>>) dst(%dma_wait3A_938 : memref<128x128xf32, #tpu.memory_space<vmem>>)
      %dma_start3A_945 = arith.constant 0 : i32
      %dma_start3A_946 = arith.constant 2 : i32
      %dma_start3A_947 = arith.constant 1 : i32
      %dma_start3A_948 = arith.constant 0 : i32
      %dma_start3A_949 = arith.constant 0 : i32
      %dma_start3A_950 = tpu.memref_slice %arg6[%dma_start3A_945, %dma_start3A_948, %dma_start3A_949] : memref<2x128x128xf32, #tpu.memory_space<vmem>> -> memref<1x128x128xf32, #tpu.memory_space<vmem>>
      %dma_start3A_951 = tpu.memref_squeeze %dma_start3A_950 : memref<1x128x128xf32, #tpu.memory_space<vmem>> -> memref<128x128xf32, #tpu.memory_space<vmem>>
      %dma_start3A_952 = arith.constant 0 : i32
      %dma_start3A_953 = tpu.memref_slice %arg5[%dma_start3A_946, %dma_start3A_947, %dma_start3A_952] : memref<4x2x128xi32, #tpu.memory_space<vmem>> -> memref<1x1x128xi32, #tpu.memory_space<vmem>>
      %dma_start3A_954 = tpu.memref_squeeze %dma_start3A_953 : memref<1x1x128xi32, #tpu.memory_space<vmem>> -> memref<128xi32, #tpu.memory_space<vmem>>
      %dma_start3A_955 = arith.constant 0 : i32
      %dma_start3A_956 = arith.constant 0 : i32
      %dma_start3A_957 = tpu.memref_slice %arg7[%dma_start3A_955, %dma_start3A_956] : memref<10240x128xf32, #tpu.memory_space<vmem_shared>> -> memref<10240x128xf32, #tpu.memory_space<vmem_shared>>
      tpu.enqueue_indirect_dma source(%dma_start3A_951 : memref<128x128xf32, #tpu.memory_space<vmem>>) target(%dma_start3A_957 : memref<10240x128xf32, #tpu.memory_space<vmem_shared>>) offsets(%dma_start3A_954 : memref<128xi32, #tpu.memory_space<vmem>>) semaphore(%arg10 : memref<!tpu.dma_semaphore, #tpu.memory_space<semaphore_mem>>) {add = true}
      %dma_wait3A_958 = arith.constant 1 : i32
      %dma_wait3A_959 = arith.constant 1 : i32
      %dma_wait3A_960 = arith.constant 1 : i32
      %dma_wait3A_961 = arith.constant 0 : i32
      %dma_wait3A_962 = arith.constant 0 : i32
      %dma_wait3A_963 = tpu.memref_slice %arg6[%dma_wait3A_958, %dma_wait3A_961, %dma_wait3A_962] : memref<2x128x128xf32, #tpu.memory_space<vmem>> -> memref<1x128x128xf32, #tpu.memory_space<vmem>>
      %dma_wait3A_964 = tpu.memref_squeeze %dma_wait3A_963 : memref<1x128x128xf32, #tpu.memory_space<vmem>> -> memref<128x128xf32, #tpu.memory_space<vmem>>
      %dma_wait3A_965 = arith.constant 0 : i32
      %dma_wait3A_966 = tpu.memref_slice %arg5[%dma_wait3A_959, %dma_wait3A_960, %dma_wait3A_965] : memref<4x2x128xi32, #tpu.memory_space<vmem>> -> memref<1x1x128xi32, #tpu.memory_space<vmem>>
      %dma_wait3A_967 = tpu.memref_squeeze %dma_wait3A_966 : memref<1x1x128xi32, #tpu.memory_space<vmem>> -> memref<128xi32, #tpu.memory_space<vmem>>
      %dma_wait3A_968 = arith.constant 0 : i32
      %dma_wait3A_969 = arith.constant 0 : i32
      %dma_wait3A_970 = tpu.memref_slice %arg7[%dma_wait3A_968, %dma_wait3A_969] : memref<10240x128xf32, #tpu.memory_space<vmem_shared>> -> memref<10240x128xf32, #tpu.memory_space<vmem_shared>>
      tpu.wait_indirect_dma semaphore(%arg10 : memref<!tpu.dma_semaphore, #tpu.memory_space<semaphore_mem>>) src(%dma_wait3A_964 : memref<128x128xf32, #tpu.memory_space<vmem>>) dst(%dma_wait3A_970 : memref<10240x128xf32, #tpu.memory_space<vmem_shared>>)
      %add3A_971 = arith.constant 3 : i32
      %add3A_972 = arith.addi %add3A_931, %add3A_971 : i32
      %add3A_973 = arith.addi %mul3A_2, %add3A_972 : i32
      %dma_start3A_974 = arith.constant 1 : i32
      %dma_start3A_975 = arith.constant 0 : i32
      %dma_start3A_976 = arith.constant 0 : i32
      %dma_start3A_977 = tpu.memref_slice %arg5[%dma_start3A_974, %dma_start3A_975, %dma_start3A_976] : memref<4x2x128xi32, #tpu.memory_space<vmem>> -> memref<1x2x128xi32, #tpu.memory_space<vmem>>
      %dma_start3A_978 = tpu.memref_squeeze %dma_start3A_977 : memref<1x2x128xi32, #tpu.memory_space<vmem>> -> memref<2x128xi32, #tpu.memory_space<vmem>>
      %dma_start3A_979 = arith.constant 0 : i32
      %dma_start3A_980 = arith.constant 0 : i32
      %dma_start3A_981 = tpu.memref_slice %arg3[%add3A_973, %dma_start3A_979, %dma_start3A_980] : memref<2560x2x128xi32, #tpu.memory_space<hbm>> -> memref<1x2x128xi32, #tpu.memory_space<hbm>>
      %dma_start3A_982 = tpu.memref_squeeze %dma_start3A_981 : memref<1x2x128xi32, #tpu.memory_space<hbm>> -> memref<2x128xi32, #tpu.memory_space<hbm>>
      %dma_start3A_983 = arith.constant 0 : i32
      %dma_start3A_984 = arith.constant 0 : i32
      %dma_start3A_985 = tpu.memref_slice %arg5[%dma_start3A_974, %dma_start3A_983, %dma_start3A_984] : memref<4x2x128xi32, #tpu.memory_space<vmem>> -> memref<1x2x128xi32, #tpu.memory_space<vmem>>
      %dma_start3A_986 = tpu.memref_squeeze %dma_start3A_985 : memref<1x2x128xi32, #tpu.memory_space<vmem>> -> memref<2x128xi32, #tpu.memory_space<vmem>>
      %dma_start3A_987 = arith.constant 0 : i32
      %dma_start3A_988 = arith.constant 0 : i32
      %dma_start3A_989 = tpu.memref_slice %arg3[%add3A_973, %dma_start3A_987, %dma_start3A_988] : memref<2560x2x128xi32, #tpu.memory_space<hbm>> -> memref<1x2x128xi32, #tpu.memory_space<hbm>>
      %dma_start3A_990 = tpu.memref_squeeze %dma_start3A_989 : memref<1x2x128xi32, #tpu.memory_space<hbm>> -> memref<2x128xi32, #tpu.memory_space<hbm>>
      tpu.enqueue_dma source(%dma_start3A_990 : memref<2x128xi32, #tpu.memory_space<hbm>>) target(%dma_start3A_986 : memref<2x128xi32, #tpu.memory_space<vmem>>) target_semaphore(%arg8 : memref<!tpu.dma_semaphore, #tpu.memory_space<semaphore_mem>>)
      %add3A_991 = arith.constant 1 : i32
      %add3A_992 = arith.addi %add3A_931, %add3A_991 : i32
      %add3A_993 = arith.addi %mul3A_2, %add3A_992 : i32
      %dma_wait3A_994 = arith.constant 3 : i32
      %dma_wait3A_995 = arith.constant 0 : i32
      %dma_wait3A_996 = arith.constant 0 : i32
      %dma_wait3A_997 = tpu.memref_slice %arg5[%dma_wait3A_994, %dma_wait3A_995, %dma_wait3A_996] : memref<4x2x128xi32, #tpu.memory_space<vmem>> -> memref<1x2x128xi32, #tpu.memory_space<vmem>>
      %dma_wait3A_998 = tpu.memref_squeeze %dma_wait3A_997 : memref<1x2x128xi32, #tpu.memory_space<vmem>> -> memref<2x128xi32, #tpu.memory_space<vmem>>
      %dma_wait3A_999 = arith.constant 0 : i32
      %dma_wait3A_1000 = arith.constant 0 : i32
      %dma_wait3A_1001 = tpu.memref_slice %arg3[%add3A_993, %dma_wait3A_999, %dma_wait3A_1000] : memref<2560x2x128xi32, #tpu.memory_space<hbm>> -> memref<1x2x128xi32, #tpu.memory_space<hbm>>
      %dma_wait3A_1002 = tpu.memref_squeeze %dma_wait3A_1001 : memref<1x2x128xi32, #tpu.memory_space<hbm>> -> memref<2x128xi32, #tpu.memory_space<hbm>>
      %dma_wait3A_1003 = arith.constant 0 : i32
      %dma_wait3A_1004 = arith.constant 0 : i32
      %dma_wait3A_1005 = tpu.memref_slice %arg5[%dma_wait3A_994, %dma_wait3A_1003, %dma_wait3A_1004] : memref<4x2x128xi32, #tpu.memory_space<vmem>> -> memref<1x2x128xi32, #tpu.memory_space<vmem>>
      %dma_wait3A_1006 = tpu.memref_squeeze %dma_wait3A_1005 : memref<1x2x128xi32, #tpu.memory_space<vmem>> -> memref<2x128xi32, #tpu.memory_space<vmem>>
      %dma_wait3A_1007 = arith.constant 0 : i32
      %dma_wait3A_1008 = arith.constant 0 : i32
      %dma_wait3A_1009 = tpu.memref_slice %arg3[%add3A_993, %dma_wait3A_1007, %dma_wait3A_1008] : memref<2560x2x128xi32, #tpu.memory_space<hbm>> -> memref<1x2x128xi32, #tpu.memory_space<hbm>>
      %dma_wait3A_1010 = tpu.memref_squeeze %dma_wait3A_1009 : memref<1x2x128xi32, #tpu.memory_space<hbm>> -> memref<2x128xi32, #tpu.memory_space<hbm>>
      tpu.wait_dma2 semaphore(%arg8 : memref<!tpu.dma_semaphore, #tpu.memory_space<semaphore_mem>>) src(%dma_wait3A_1010 : memref<2x128xi32, #tpu.memory_space<hbm>>) dst(%dma_wait3A_1006 : memref<2x128xi32, #tpu.memory_space<vmem>>)
      %dma_start3A_1011 = arith.constant 3 : i32
      %dma_start3A_1012 = arith.constant 0 : i32
      %dma_start3A_1013 = arith.constant 1 : i32
      %dma_start3A_1014 = arith.constant 0 : i32
      %dma_start3A_1015 = arith.constant 0 : i32
      %dma_start3A_1016 = tpu.memref_slice %arg6[%dma_start3A_1013, %dma_start3A_1014, %dma_start3A_1015] : memref<2x128x128xf32, #tpu.memory_space<vmem>> -> memref<1x128x128xf32, #tpu.memory_space<vmem>>
      %dma_start3A_1017 = tpu.memref_squeeze %dma_start3A_1016 : memref<1x128x128xf32, #tpu.memory_space<vmem>> -> memref<128x128xf32, #tpu.memory_space<vmem>>
      %dma_start3A_1018 = arith.constant 0 : i32
      %dma_start3A_1019 = tpu.memref_slice %arg5[%dma_start3A_1011, %dma_start3A_1012, %dma_start3A_1018] : memref<4x2x128xi32, #tpu.memory_space<vmem>> -> memref<1x1x128xi32, #tpu.memory_space<vmem>>
      %dma_start3A_1020 = tpu.memref_squeeze %dma_start3A_1019 : memref<1x1x128xi32, #tpu.memory_space<vmem>> -> memref<128xi32, #tpu.memory_space<vmem>>
      %dma_start3A_1021 = arith.constant 0 : i32
      %dma_start3A_1022 = arith.constant 0 : i32
      %dma_start3A_1023 = tpu.memref_slice %arg2[%dma_start3A_1021, %dma_start3A_1022] : memref<10240x128xf32, #tpu.memory_space<hbm>> -> memref<10240x128xf32, #tpu.memory_space<hbm>>
      tpu.enqueue_indirect_dma source(%dma_start3A_1023 : memref<10240x128xf32, #tpu.memory_space<hbm>>) target(%dma_start3A_1017 : memref<128x128xf32, #tpu.memory_space<vmem>>) offsets(%dma_start3A_1020 : memref<128xi32, #tpu.memory_space<vmem>>) semaphore(%arg9 : memref<!tpu.dma_semaphore, #tpu.memory_space<semaphore_mem>>)
      %mul3A_1024 = arith.constant 4 : i32
      %mul3A_1025 = arith.muli %mul3A_1024, %scan3A_735 : i32
      %add3A_1026 = arith.constant 3 : i32
      %add3A_1027 = arith.addi %mul3A_1025, %add3A_1026 : i32
      %dma_wait3A_1028 = arith.constant 3 : i32
      %dma_wait3A_1029 = arith.constant 0 : i32
      %dma_wait3A_1030 = arith.constant 1 : i32
      %dma_wait3A_1031 = arith.constant 0 : i32
      %dma_wait3A_1032 = arith.constant 0 : i32
      %dma_wait3A_1033 = tpu.memref_slice %arg6[%dma_wait3A_1030, %dma_wait3A_1031, %dma_wait3A_1032] : memref<2x128x128xf32, #tpu.memory_space<vmem>> -> memref<1x128x128xf32, #tpu.memory_space<vmem>>
      %dma_wait3A_1034 = tpu.memref_squeeze %dma_wait3A_1033 : memref<1x128x128xf32, #tpu.memory_space<vmem>> -> memref<128x128xf32, #tpu.memory_space<vmem>>
      %dma_wait3A_1035 = arith.constant 0 : i32
      %dma_wait3A_1036 = tpu.memref_slice %arg5[%dma_wait3A_1028, %dma_wait3A_1029, %dma_wait3A_1035] : memref<4x2x128xi32, #tpu.memory_space<vmem>> -> memref<1x1x128xi32, #tpu.memory_space<vmem>>
      %dma_wait3A_1037 = tpu.memref_squeeze %dma_wait3A_1036 : memref<1x1x128xi32, #tpu.memory_space<vmem>> -> memref<128xi32, #tpu.memory_space<vmem>>
      %dma_wait3A_1038 = arith.constant 0 : i32
      %dma_wait3A_1039 = arith.constant 0 : i32
      %dma_wait3A_1040 = tpu.memref_slice %arg2[%dma_wait3A_1038, %dma_wait3A_1039] : memref<10240x128xf32, #tpu.memory_space<hbm>> -> memref<10240x128xf32, #tpu.memory_space<hbm>>
      tpu.wait_indirect_dma semaphore(%arg9 : memref<!tpu.dma_semaphore, #tpu.memory_space<semaphore_mem>>) src(%dma_wait3A_1040 : memref<10240x128xf32, #tpu.memory_space<hbm>>) dst(%dma_wait3A_1034 : memref<128x128xf32, #tpu.memory_space<vmem>>)
      %dma_start3A_1041 = arith.constant 1 : i32
      %dma_start3A_1042 = arith.constant 3 : i32
      %dma_start3A_1043 = arith.constant 1 : i32
      %dma_start3A_1044 = arith.constant 0 : i32
      %dma_start3A_1045 = arith.constant 0 : i32
      %dma_start3A_1046 = tpu.memref_slice %arg6[%dma_start3A_1041, %dma_start3A_1044, %dma_start3A_1045] : memref<2x128x128xf32, #tpu.memory_space<vmem>> -> memref<1x128x128xf32, #tpu.memory_space<vmem>>
      %dma_start3A_1047 = tpu.memref_squeeze %dma_start3A_1046 : memref<1x128x128xf32, #tpu.memory_space<vmem>> -> memref<128x128xf32, #tpu.memory_space<vmem>>
      %dma_start3A_1048 = arith.constant 0 : i32
      %dma_start3A_1049 = tpu.memref_slice %arg5[%dma_start3A_1042, %dma_start3A_1043, %dma_start3A_1048] : memref<4x2x128xi32, #tpu.memory_space<vmem>> -> memref<1x1x128xi32, #tpu.memory_space<vmem>>
      %dma_start3A_1050 = tpu.memref_squeeze %dma_start3A_1049 : memref<1x1x128xi32, #tpu.memory_space<vmem>> -> memref<128xi32, #tpu.memory_space<vmem>>
      %dma_start3A_1051 = arith.constant 0 : i32
      %dma_start3A_1052 = arith.constant 0 : i32
      %dma_start3A_1053 = tpu.memref_slice %arg7[%dma_start3A_1051, %dma_start3A_1052] : memref<10240x128xf32, #tpu.memory_space<vmem_shared>> -> memref<10240x128xf32, #tpu.memory_space<vmem_shared>>
      tpu.enqueue_indirect_dma source(%dma_start3A_1047 : memref<128x128xf32, #tpu.memory_space<vmem>>) target(%dma_start3A_1053 : memref<10240x128xf32, #tpu.memory_space<vmem_shared>>) offsets(%dma_start3A_1050 : memref<128xi32, #tpu.memory_space<vmem>>) semaphore(%arg10 : memref<!tpu.dma_semaphore, #tpu.memory_space<semaphore_mem>>) {add = true}
      %dma_wait3A_1054 = arith.constant 0 : i32
      %dma_wait3A_1055 = arith.constant 2 : i32
      %dma_wait3A_1056 = arith.constant 1 : i32
      %dma_wait3A_1057 = arith.constant 0 : i32
      %dma_wait3A_1058 = arith.constant 0 : i32
      %dma_wait3A_1059 = tpu.memref_slice %arg6[%dma_wait3A_1054, %dma_wait3A_1057, %dma_wait3A_1058] : memref<2x128x128xf32, #tpu.memory_space<vmem>> -> memref<1x128x128xf32, #tpu.memory_space<vmem>>
      %dma_wait3A_1060 = tpu.memref_squeeze %dma_wait3A_1059 : memref<1x128x128xf32, #tpu.memory_space<vmem>> -> memref<128x128xf32, #tpu.memory_space<vmem>>
      %dma_wait3A_1061 = arith.constant 0 : i32
      %dma_wait3A_1062 = tpu.memref_slice %arg5[%dma_wait3A_1055, %dma_wait3A_1056, %dma_wait3A_1061] : memref<4x2x128xi32, #tpu.memory_space<vmem>> -> memref<1x1x128xi32, #tpu.memory_space<vmem>>
      %dma_wait3A_1063 = tpu.memref_squeeze %dma_wait3A_1062 : memref<1x1x128xi32, #tpu.memory_space<vmem>> -> memref<128xi32, #tpu.memory_space<vmem>>
      %dma_wait3A_1064 = arith.constant 0 : i32
      %dma_wait3A_1065 = arith.constant 0 : i32
      %dma_wait3A_1066 = tpu.memref_slice %arg7[%dma_wait3A_1064, %dma_wait3A_1065] : memref<10240x128xf32, #tpu.memory_space<vmem_shared>> -> memref<10240x128xf32, #tpu.memory_space<vmem_shared>>
      tpu.wait_indirect_dma semaphore(%arg10 : memref<!tpu.dma_semaphore, #tpu.memory_space<semaphore_mem>>) src(%dma_wait3A_1060 : memref<128x128xf32, #tpu.memory_space<vmem>>) dst(%dma_wait3A_1066 : memref<10240x128xf32, #tpu.memory_space<vmem_shared>>)
      %add3A_1067 = arith.constant 3 : i32
      %add3A_1068 = arith.addi %add3A_1027, %add3A_1067 : i32
      %add3A_1069 = arith.addi %mul3A_2, %add3A_1068 : i32
      %dma_start3A_1070 = arith.constant 2 : i32
      %dma_start3A_1071 = arith.constant 0 : i32
      %dma_start3A_1072 = arith.constant 0 : i32
      %dma_start3A_1073 = tpu.memref_slice %arg5[%dma_start3A_1070, %dma_start3A_1071, %dma_start3A_1072] : memref<4x2x128xi32, #tpu.memory_space<vmem>> -> memref<1x2x128xi32, #tpu.memory_space<vmem>>
      %dma_start3A_1074 = tpu.memref_squeeze %dma_start3A_1073 : memref<1x2x128xi32, #tpu.memory_space<vmem>> -> memref<2x128xi32, #tpu.memory_space<vmem>>
      %dma_start3A_1075 = arith.constant 0 : i32
      %dma_start3A_1076 = arith.constant 0 : i32
      %dma_start3A_1077 = tpu.memref_slice %arg3[%add3A_1069, %dma_start3A_1075, %dma_start3A_1076] : memref<2560x2x128xi32, #tpu.memory_space<hbm>> -> memref<1x2x128xi32, #tpu.memory_space<hbm>>
      %dma_start3A_1078 = tpu.memref_squeeze %dma_start3A_1077 : memref<1x2x128xi32, #tpu.memory_space<hbm>> -> memref<2x128xi32, #tpu.memory_space<hbm>>
      %dma_start3A_1079 = arith.constant 0 : i32
      %dma_start3A_1080 = arith.constant 0 : i32
      %dma_start3A_1081 = tpu.memref_slice %arg5[%dma_start3A_1070, %dma_start3A_1079, %dma_start3A_1080] : memref<4x2x128xi32, #tpu.memory_space<vmem>> -> memref<1x2x128xi32, #tpu.memory_space<vmem>>
      %dma_start3A_1082 = tpu.memref_squeeze %dma_start3A_1081 : memref<1x2x128xi32, #tpu.memory_space<vmem>> -> memref<2x128xi32, #tpu.memory_space<vmem>>
      %dma_start3A_1083 = arith.constant 0 : i32
      %dma_start3A_1084 = arith.constant 0 : i32
      %dma_start3A_1085 = tpu.memref_slice %arg3[%add3A_1069, %dma_start3A_1083, %dma_start3A_1084] : memref<2560x2x128xi32, #tpu.memory_space<hbm>> -> memref<1x2x128xi32, #tpu.memory_space<hbm>>
      %dma_start3A_1086 = tpu.memref_squeeze %dma_start3A_1085 : memref<1x2x128xi32, #tpu.memory_space<hbm>> -> memref<2x128xi32, #tpu.memory_space<hbm>>
      tpu.enqueue_dma source(%dma_start3A_1086 : memref<2x128xi32, #tpu.memory_space<hbm>>) target(%dma_start3A_1082 : memref<2x128xi32, #tpu.memory_space<vmem>>) target_semaphore(%arg8 : memref<!tpu.dma_semaphore, #tpu.memory_space<semaphore_mem>>)
      %add3A_1087 = arith.constant 1 : i32
      %add3A_1088 = arith.addi %add3A_1027, %add3A_1087 : i32
      %add3A_1089 = arith.addi %mul3A_2, %add3A_1088 : i32
      %dma_wait3A_1090 = arith.constant 0 : i32
      %dma_wait3A_1091 = arith.constant 0 : i32
      %dma_wait3A_1092 = arith.constant 0 : i32
      %dma_wait3A_1093 = tpu.memref_slice %arg5[%dma_wait3A_1090, %dma_wait3A_1091, %dma_wait3A_1092] : memref<4x2x128xi32, #tpu.memory_space<vmem>> -> memref<1x2x128xi32, #tpu.memory_space<vmem>>
      %dma_wait3A_1094 = tpu.memref_squeeze %dma_wait3A_1093 : memref<1x2x128xi32, #tpu.memory_space<vmem>> -> memref<2x128xi32, #tpu.memory_space<vmem>>
      %dma_wait3A_1095 = arith.constant 0 : i32
      %dma_wait3A_1096 = arith.constant 0 : i32
      %dma_wait3A_1097 = tpu.memref_slice %arg3[%add3A_1089, %dma_wait3A_1095, %dma_wait3A_1096] : memref<2560x2x128xi32, #tpu.memory_space<hbm>> -> memref<1x2x128xi32, #tpu.memory_space<hbm>>
      %dma_wait3A_1098 = tpu.memref_squeeze %dma_wait3A_1097 : memref<1x2x128xi32, #tpu.memory_space<hbm>> -> memref<2x128xi32, #tpu.memory_space<hbm>>
      %dma_wait3A_1099 = arith.constant 0 : i32
      %dma_wait3A_1100 = arith.constant 0 : i32
      %dma_wait3A_1101 = tpu.memref_slice %arg5[%dma_wait3A_1090, %dma_wait3A_1099, %dma_wait3A_1100] : memref<4x2x128xi32, #tpu.memory_space<vmem>> -> memref<1x2x128xi32, #tpu.memory_space<vmem>>
      %dma_wait3A_1102 = tpu.memref_squeeze %dma_wait3A_1101 : memref<1x2x128xi32, #tpu.memory_space<vmem>> -> memref<2x128xi32, #tpu.memory_space<vmem>>
      %dma_wait3A_1103 = arith.constant 0 : i32
      %dma_wait3A_1104 = arith.constant 0 : i32
      %dma_wait3A_1105 = tpu.memref_slice %arg3[%add3A_1089, %dma_wait3A_1103, %dma_wait3A_1104] : memref<2560x2x128xi32, #tpu.memory_space<hbm>> -> memref<1x2x128xi32, #tpu.memory_space<hbm>>
      %dma_wait3A_1106 = tpu.memref_squeeze %dma_wait3A_1105 : memref<1x2x128xi32, #tpu.memory_space<hbm>> -> memref<2x128xi32, #tpu.memory_space<hbm>>
      tpu.wait_dma2 semaphore(%arg8 : memref<!tpu.dma_semaphore, #tpu.memory_space<semaphore_mem>>) src(%dma_wait3A_1106 : memref<2x128xi32, #tpu.memory_space<hbm>>) dst(%dma_wait3A_1102 : memref<2x128xi32, #tpu.memory_space<vmem>>)
      %dma_start3A_1107 = arith.constant 0 : i32
      %dma_start3A_1108 = arith.constant 0 : i32
      %dma_start3A_1109 = arith.constant 0 : i32
      %dma_start3A_1110 = arith.constant 0 : i32
      %dma_start3A_1111 = arith.constant 0 : i32
      %dma_start3A_1112 = tpu.memref_slice %arg6[%dma_start3A_1109, %dma_start3A_1110, %dma_start3A_1111] : memref<2x128x128xf32, #tpu.memory_space<vmem>> -> memref<1x128x128xf32, #tpu.memory_space<vmem>>
      %dma_start3A_1113 = tpu.memref_squeeze %dma_start3A_1112 : memref<1x128x128xf32, #tpu.memory_space<vmem>> -> memref<128x128xf32, #tpu.memory_space<vmem>>
      %dma_start3A_1114 = arith.constant 0 : i32
      %dma_start3A_1115 = tpu.memref_slice %arg5[%dma_start3A_1107, %dma_start3A_1108, %dma_start3A_1114] : memref<4x2x128xi32, #tpu.memory_space<vmem>> -> memref<1x1x128xi32, #tpu.memory_space<vmem>>
      %dma_start3A_1116 = tpu.memref_squeeze %dma_start3A_1115 : memref<1x1x128xi32, #tpu.memory_space<vmem>> -> memref<128xi32, #tpu.memory_space<vmem>>
      %dma_start3A_1117 = arith.constant 0 : i32
      %dma_start3A_1118 = arith.constant 0 : i32
      %dma_start3A_1119 = tpu.memref_slice %arg2[%dma_start3A_1117, %dma_start3A_1118] : memref<10240x128xf32, #tpu.memory_space<hbm>> -> memref<10240x128xf32, #tpu.memory_space<hbm>>
      tpu.enqueue_indirect_dma source(%dma_start3A_1119 : memref<10240x128xf32, #tpu.memory_space<hbm>>) target(%dma_start3A_1113 : memref<128x128xf32, #tpu.memory_space<vmem>>) offsets(%dma_start3A_1116 : memref<128xi32, #tpu.memory_space<vmem>>) semaphore(%arg9 : memref<!tpu.dma_semaphore, #tpu.memory_space<semaphore_mem>>)
    }
    %scan3A_445 = arith.constant 18 : i32
    %dma_wait3A_446 = arith.constant 0 : i32
    %dma_wait3A_447 = arith.constant 0 : i32
    %dma_wait3A_448 = arith.constant 0 : i32
    %dma_wait3A_449 = arith.constant 0 : i32
    %dma_wait3A_450 = arith.constant 0 : i32
    %dma_wait3A_451 = tpu.memref_slice %arg6[%dma_wait3A_448, %dma_wait3A_449, %dma_wait3A_450] : memref<2x128x128xf32, #tpu.memory_space<vmem>> -> memref<1x128x128xf32, #tpu.memory_space<vmem>>
    %dma_wait3A_452 = tpu.memref_squeeze %dma_wait3A_451 : memref<1x128x128xf32, #tpu.memory_space<vmem>> -> memref<128x128xf32, #tpu.memory_space<vmem>>
    %dma_wait3A_453 = arith.constant 0 : i32
    %dma_wait3A_454 = tpu.memref_slice %arg5[%dma_wait3A_446, %dma_wait3A_447, %dma_wait3A_453] : memref<4x2x128xi32, #tpu.memory_space<vmem>> -> memref<1x1x128xi32, #tpu.memory_space<vmem>>
    %dma_wait3A_455 = tpu.memref_squeeze %dma_wait3A_454 : memref<1x1x128xi32, #tpu.memory_space<vmem>> -> memref<128xi32, #tpu.memory_space<vmem>>
    %dma_wait3A_456 = arith.constant 0 : i32
    %dma_wait3A_457 = arith.constant 0 : i32
    %dma_wait3A_458 = tpu.memref_slice %arg2[%dma_wait3A_456, %dma_wait3A_457] : memref<10240x128xf32, #tpu.memory_space<hbm>> -> memref<10240x128xf32, #tpu.memory_space<hbm>>
    tpu.wait_indirect_dma semaphore(%arg9 : memref<!tpu.dma_semaphore, #tpu.memory_space<semaphore_mem>>) src(%dma_wait3A_458 : memref<10240x128xf32, #tpu.memory_space<hbm>>) dst(%dma_wait3A_452 : memref<128x128xf32, #tpu.memory_space<vmem>>)
    %dma_start3A_459 = arith.constant 0 : i32
    %dma_start3A_460 = arith.constant 0 : i32
    %dma_start3A_461 = arith.constant 1 : i32
    %dma_start3A_462 = arith.constant 0 : i32
    %dma_start3A_463 = arith.constant 0 : i32
    %dma_start3A_464 = tpu.memref_slice %arg6[%dma_start3A_459, %dma_start3A_462, %dma_start3A_463] : memref<2x128x128xf32, #tpu.memory_space<vmem>> -> memref<1x128x128xf32, #tpu.memory_space<vmem>>
    %dma_start3A_465 = tpu.memref_squeeze %dma_start3A_464 : memref<1x128x128xf32, #tpu.memory_space<vmem>> -> memref<128x128xf32, #tpu.memory_space<vmem>>
    %dma_start3A_466 = arith.constant 0 : i32
    %dma_start3A_467 = tpu.memref_slice %arg5[%dma_start3A_460, %dma_start3A_461, %dma_start3A_466] : memref<4x2x128xi32, #tpu.memory_space<vmem>> -> memref<1x1x128xi32, #tpu.memory_space<vmem>>
    %dma_start3A_468 = tpu.memref_squeeze %dma_start3A_467 : memref<1x1x128xi32, #tpu.memory_space<vmem>> -> memref<128xi32, #tpu.memory_space<vmem>>
    %dma_start3A_469 = arith.constant 0 : i32
    %dma_start3A_470 = arith.constant 0 : i32
    %dma_start3A_471 = tpu.memref_slice %arg7[%dma_start3A_469, %dma_start3A_470] : memref<10240x128xf32, #tpu.memory_space<vmem_shared>> -> memref<10240x128xf32, #tpu.memory_space<vmem_shared>>
    tpu.enqueue_indirect_dma source(%dma_start3A_465 : memref<128x128xf32, #tpu.memory_space<vmem>>) target(%dma_start3A_471 : memref<10240x128xf32, #tpu.memory_space<vmem_shared>>) offsets(%dma_start3A_468 : memref<128xi32, #tpu.memory_space<vmem>>) semaphore(%arg10 : memref<!tpu.dma_semaphore, #tpu.memory_space<semaphore_mem>>) {add = true}
    %dma_wait3A_472 = arith.constant 1 : i32
    %dma_wait3A_473 = arith.constant 3 : i32
    %dma_wait3A_474 = arith.constant 1 : i32
    %dma_wait3A_475 = arith.constant 0 : i32
    %dma_wait3A_476 = arith.constant 0 : i32
    %dma_wait3A_477 = tpu.memref_slice %arg6[%dma_wait3A_472, %dma_wait3A_475, %dma_wait3A_476] : memref<2x128x128xf32, #tpu.memory_space<vmem>> -> memref<1x128x128xf32, #tpu.memory_space<vmem>>
    %dma_wait3A_478 = tpu.memref_squeeze %dma_wait3A_477 : memref<1x128x128xf32, #tpu.memory_space<vmem>> -> memref<128x128xf32, #tpu.memory_space<vmem>>
    %dma_wait3A_479 = arith.constant 0 : i32
    %dma_wait3A_480 = tpu.memref_slice %arg5[%dma_wait3A_473, %dma_wait3A_474, %dma_wait3A_479] : memref<4x2x128xi32, #tpu.memory_space<vmem>> -> memref<1x1x128xi32, #tpu.memory_space<vmem>>
    %dma_wait3A_481 = tpu.memref_squeeze %dma_wait3A_480 : memref<1x1x128xi32, #tpu.memory_space<vmem>> -> memref<128xi32, #tpu.memory_space<vmem>>
    %dma_wait3A_482 = arith.constant 0 : i32
    %dma_wait3A_483 = arith.constant 0 : i32
    %dma_wait3A_484 = tpu.memref_slice %arg7[%dma_wait3A_482, %dma_wait3A_483] : memref<10240x128xf32, #tpu.memory_space<vmem_shared>> -> memref<10240x128xf32, #tpu.memory_space<vmem_shared>>
    tpu.wait_indirect_dma semaphore(%arg10 : memref<!tpu.dma_semaphore, #tpu.memory_space<semaphore_mem>>) src(%dma_wait3A_478 : memref<128x128xf32, #tpu.memory_space<vmem>>) dst(%dma_wait3A_484 : memref<10240x128xf32, #tpu.memory_space<vmem_shared>>)
    %add3A_485 = arith.constant 79 : i32
    %add3A_486 = arith.addi %mul3A_2, %add3A_485 : i32
    %dma_start3A_487 = arith.constant 3 : i32
    %dma_start3A_488 = arith.constant 0 : i32
    %dma_start3A_489 = arith.constant 0 : i32
    %dma_start3A_490 = tpu.memref_slice %arg5[%dma_start3A_487, %dma_start3A_488, %dma_start3A_489] : memref<4x2x128xi32, #tpu.memory_space<vmem>> -> memref<1x2x128xi32, #tpu.memory_space<vmem>>
    %dma_start3A_491 = tpu.memref_squeeze %dma_start3A_490 : memref<1x2x128xi32, #tpu.memory_space<vmem>> -> memref<2x128xi32, #tpu.memory_space<vmem>>
    %dma_start3A_492 = arith.constant 0 : i32
    %dma_start3A_493 = arith.constant 0 : i32
    %dma_start3A_494 = tpu.memref_slice %arg3[%add3A_486, %dma_start3A_492, %dma_start3A_493] : memref<2560x2x128xi32, #tpu.memory_space<hbm>> -> memref<1x2x128xi32, #tpu.memory_space<hbm>>
    %dma_start3A_495 = tpu.memref_squeeze %dma_start3A_494 : memref<1x2x128xi32, #tpu.memory_space<hbm>> -> memref<2x128xi32, #tpu.memory_space<hbm>>
    %dma_start3A_496 = arith.constant 0 : i32
    %dma_start3A_497 = arith.constant 0 : i32
    %dma_start3A_498 = tpu.memref_slice %arg5[%dma_start3A_487, %dma_start3A_496, %dma_start3A_497] : memref<4x2x128xi32, #tpu.memory_space<vmem>> -> memref<1x2x128xi32, #tpu.memory_space<vmem>>
    %dma_start3A_499 = tpu.memref_squeeze %dma_start3A_498 : memref<1x2x128xi32, #tpu.memory_space<vmem>> -> memref<2x128xi32, #tpu.memory_space<vmem>>
    %dma_start3A_500 = arith.constant 0 : i32
    %dma_start3A_501 = arith.constant 0 : i32
    %dma_start3A_502 = tpu.memref_slice %arg3[%add3A_486, %dma_start3A_500, %dma_start3A_501] : memref<2560x2x128xi32, #tpu.memory_space<hbm>> -> memref<1x2x128xi32, #tpu.memory_space<hbm>>
    %dma_start3A_503 = tpu.memref_squeeze %dma_start3A_502 : memref<1x2x128xi32, #tpu.memory_space<hbm>> -> memref<2x128xi32, #tpu.memory_space<hbm>>
    tpu.enqueue_dma source(%dma_start3A_503 : memref<2x128xi32, #tpu.memory_space<hbm>>) target(%dma_start3A_499 : memref<2x128xi32, #tpu.memory_space<vmem>>) target_semaphore(%arg8 : memref<!tpu.dma_semaphore, #tpu.memory_space<semaphore_mem>>)
    %add3A_504 = arith.constant 77 : i32
    %add3A_505 = arith.addi %mul3A_2, %add3A_504 : i32
    %dma_wait3A_506 = arith.constant 1 : i32
    %dma_wait3A_507 = arith.constant 0 : i32
    %dma_wait3A_508 = arith.constant 0 : i32
    %dma_wait3A_509 = tpu.memref_slice %arg5[%dma_wait3A_506, %dma_wait3A_507, %dma_wait3A_508] : memref<4x2x128xi32, #tpu.memory_space<vmem>> -> memref<1x2x128xi32, #tpu.memory_space<vmem>>
    %dma_wait3A_510 = tpu.memref_squeeze %dma_wait3A_509 : memref<1x2x128xi32, #tpu.memory_space<vmem>> -> memref<2x128xi32, #tpu.memory_space<vmem>>
    %dma_wait3A_511 = arith.constant 0 : i32
    %dma_wait3A_512 = arith.constant 0 : i32
    %dma_wait3A_513 = tpu.memref_slice %arg3[%add3A_505, %dma_wait3A_511, %dma_wait3A_512] : memref<2560x2x128xi32, #tpu.memory_space<hbm>> -> memref<1x2x128xi32, #tpu.memory_space<hbm>>
    %dma_wait3A_514 = tpu.memref_squeeze %dma_wait3A_513 : memref<1x2x128xi32, #tpu.memory_space<hbm>> -> memref<2x128xi32, #tpu.memory_space<hbm>>
    %dma_wait3A_515 = arith.constant 0 : i32
    %dma_wait3A_516 = arith.constant 0 : i32
    %dma_wait3A_517 = tpu.memref_slice %arg5[%dma_wait3A_506, %dma_wait3A_515, %dma_wait3A_516] : memref<4x2x128xi32, #tpu.memory_space<vmem>> -> memref<1x2x128xi32, #tpu.memory_space<vmem>>
    %dma_wait3A_518 = tpu.memref_squeeze %dma_wait3A_517 : memref<1x2x128xi32, #tpu.memory_space<vmem>> -> memref<2x128xi32, #tpu.memory_space<vmem>>
    %dma_wait3A_519 = arith.constant 0 : i32
    %dma_wait3A_520 = arith.constant 0 : i32
    %dma_wait3A_521 = tpu.memref_slice %arg3[%add3A_505, %dma_wait3A_519, %dma_wait3A_520] : memref<2560x2x128xi32, #tpu.memory_space<hbm>> -> memref<1x2x128xi32, #tpu.memory_space<hbm>>
    %dma_wait3A_522 = tpu.memref_squeeze %dma_wait3A_521 : memref<1x2x128xi32, #tpu.memory_space<hbm>> -> memref<2x128xi32, #tpu.memory_space<hbm>>
    tpu.wait_dma2 semaphore(%arg8 : memref<!tpu.dma_semaphore, #tpu.memory_space<semaphore_mem>>) src(%dma_wait3A_522 : memref<2x128xi32, #tpu.memory_space<hbm>>) dst(%dma_wait3A_518 : memref<2x128xi32, #tpu.memory_space<vmem>>)
    %dma_start3A_523 = arith.constant 1 : i32
    %dma_start3A_524 = arith.constant 0 : i32
    %dma_start3A_525 = arith.constant 1 : i32
    %dma_start3A_526 = arith.constant 0 : i32
    %dma_start3A_527 = arith.constant 0 : i32
    %dma_start3A_528 = tpu.memref_slice %arg6[%dma_start3A_525, %dma_start3A_526, %dma_start3A_527] : memref<2x128x128xf32, #tpu.memory_space<vmem>> -> memref<1x128x128xf32, #tpu.memory_space<vmem>>
    %dma_start3A_529 = tpu.memref_squeeze %dma_start3A_528 : memref<1x128x128xf32, #tpu.memory_space<vmem>> -> memref<128x128xf32, #tpu.memory_space<vmem>>
    %dma_start3A_530 = arith.constant 0 : i32
    %dma_start3A_531 = tpu.memref_slice %arg5[%dma_start3A_523, %dma_start3A_524, %dma_start3A_530] : memref<4x2x128xi32, #tpu.memory_space<vmem>> -> memref<1x1x128xi32, #tpu.memory_space<vmem>>
    %dma_start3A_532 = tpu.memref_squeeze %dma_start3A_531 : memref<1x1x128xi32, #tpu.memory_space<vmem>> -> memref<128xi32, #tpu.memory_space<vmem>>
    %dma_start3A_533 = arith.constant 0 : i32
    %dma_start3A_534 = arith.constant 0 : i32
    %dma_start3A_535 = tpu.memref_slice %arg2[%dma_start3A_533, %dma_start3A_534] : memref<10240x128xf32, #tpu.memory_space<hbm>> -> memref<10240x128xf32, #tpu.memory_space<hbm>>
    tpu.enqueue_indirect_dma source(%dma_start3A_535 : memref<10240x128xf32, #tpu.memory_space<hbm>>) target(%dma_start3A_529 : memref<128x128xf32, #tpu.memory_space<vmem>>) offsets(%dma_start3A_532 : memref<128xi32, #tpu.memory_space<vmem>>) semaphore(%arg9 : memref<!tpu.dma_semaphore, #tpu.memory_space<semaphore_mem>>)
    %dma_wait3A_536 = arith.constant 1 : i32
    %dma_wait3A_537 = arith.constant 0 : i32
    %dma_wait3A_538 = arith.constant 1 : i32
    %dma_wait3A_539 = arith.constant 0 : i32
    %dma_wait3A_540 = arith.constant 0 : i32
    %dma_wait3A_541 = tpu.memref_slice %arg6[%dma_wait3A_538, %dma_wait3A_539, %dma_wait3A_540] : memref<2x128x128xf32, #tpu.memory_space<vmem>> -> memref<1x128x128xf32, #tpu.memory_space<vmem>>
    %dma_wait3A_542 = tpu.memref_squeeze %dma_wait3A_541 : memref<1x128x128xf32, #tpu.memory_space<vmem>> -> memref<128x128xf32, #tpu.memory_space<vmem>>
    %dma_wait3A_543 = arith.constant 0 : i32
    %dma_wait3A_544 = tpu.memref_slice %arg5[%dma_wait3A_536, %dma_wait3A_537, %dma_wait3A_543] : memref<4x2x128xi32, #tpu.memory_space<vmem>> -> memref<1x1x128xi32, #tpu.memory_space<vmem>>
    %dma_wait3A_545 = tpu.memref_squeeze %dma_wait3A_544 : memref<1x1x128xi32, #tpu.memory_space<vmem>> -> memref<128xi32, #tpu.memory_space<vmem>>
    %dma_wait3A_546 = arith.constant 0 : i32
    %dma_wait3A_547 = arith.constant 0 : i32
    %dma_wait3A_548 = tpu.memref_slice %arg2[%dma_wait3A_546, %dma_wait3A_547] : memref<10240x128xf32, #tpu.memory_space<hbm>> -> memref<10240x128xf32, #tpu.memory_space<hbm>>
    tpu.wait_indirect_dma semaphore(%arg9 : memref<!tpu.dma_semaphore, #tpu.memory_space<semaphore_mem>>) src(%dma_wait3A_548 : memref<10240x128xf32, #tpu.memory_space<hbm>>) dst(%dma_wait3A_542 : memref<128x128xf32, #tpu.memory_space<vmem>>)
    %dma_start3A_549 = arith.constant 1 : i32
    %dma_start3A_550 = arith.constant 1 : i32
    %dma_start3A_551 = arith.constant 1 : i32
    %dma_start3A_552 = arith.constant 0 : i32
    %dma_start3A_553 = arith.constant 0 : i32
    %dma_start3A_554 = tpu.memref_slice %arg6[%dma_start3A_549, %dma_start3A_552, %dma_start3A_553] : memref<2x128x128xf32, #tpu.memory_space<vmem>> -> memref<1x128x128xf32, #tpu.memory_space<vmem>>
    %dma_start3A_555 = tpu.memref_squeeze %dma_start3A_554 : memref<1x128x128xf32, #tpu.memory_space<vmem>> -> memref<128x128xf32, #tpu.memory_space<vmem>>
    %dma_start3A_556 = arith.constant 0 : i32
    %dma_start3A_557 = tpu.memref_slice %arg5[%dma_start3A_550, %dma_start3A_551, %dma_start3A_556] : memref<4x2x128xi32, #tpu.memory_space<vmem>> -> memref<1x1x128xi32, #tpu.memory_space<vmem>>
    %dma_start3A_558 = tpu.memref_squeeze %dma_start3A_557 : memref<1x1x128xi32, #tpu.memory_space<vmem>> -> memref<128xi32, #tpu.memory_space<vmem>>
    %dma_start3A_559 = arith.constant 0 : i32
    %dma_start3A_560 = arith.constant 0 : i32
    %dma_start3A_561 = tpu.memref_slice %arg7[%dma_start3A_559, %dma_start3A_560] : memref<10240x128xf32, #tpu.memory_space<vmem_shared>> -> memref<10240x128xf32, #tpu.memory_space<vmem_shared>>
    tpu.enqueue_indirect_dma source(%dma_start3A_555 : memref<128x128xf32, #tpu.memory_space<vmem>>) target(%dma_start3A_561 : memref<10240x128xf32, #tpu.memory_space<vmem_shared>>) offsets(%dma_start3A_558 : memref<128xi32, #tpu.memory_space<vmem>>) semaphore(%arg10 : memref<!tpu.dma_semaphore, #tpu.memory_space<semaphore_mem>>) {add = true}
    %dma_wait3A_562 = arith.constant 0 : i32
    %dma_wait3A_563 = arith.constant 0 : i32
    %dma_wait3A_564 = arith.constant 1 : i32
    %dma_wait3A_565 = arith.constant 0 : i32
    %dma_wait3A_566 = arith.constant 0 : i32
    %dma_wait3A_567 = tpu.memref_slice %arg6[%dma_wait3A_562, %dma_wait3A_565, %dma_wait3A_566] : memref<2x128x128xf32, #tpu.memory_space<vmem>> -> memref<1x128x128xf32, #tpu.memory_space<vmem>>
    %dma_wait3A_568 = tpu.memref_squeeze %dma_wait3A_567 : memref<1x128x128xf32, #tpu.memory_space<vmem>> -> memref<128x128xf32, #tpu.memory_space<vmem>>
    %dma_wait3A_569 = arith.constant 0 : i32
    %dma_wait3A_570 = tpu.memref_slice %arg5[%dma_wait3A_563, %dma_wait3A_564, %dma_wait3A_569] : memref<4x2x128xi32, #tpu.memory_space<vmem>> -> memref<1x1x128xi32, #tpu.memory_space<vmem>>
    %dma_wait3A_571 = tpu.memref_squeeze %dma_wait3A_570 : memref<1x1x128xi32, #tpu.memory_space<vmem>> -> memref<128xi32, #tpu.memory_space<vmem>>
    %dma_wait3A_572 = arith.constant 0 : i32
    %dma_wait3A_573 = arith.constant 0 : i32
    %dma_wait3A_574 = tpu.memref_slice %arg7[%dma_wait3A_572, %dma_wait3A_573] : memref<10240x128xf32, #tpu.memory_space<vmem_shared>> -> memref<10240x128xf32, #tpu.memory_space<vmem_shared>>
    tpu.wait_indirect_dma semaphore(%arg10 : memref<!tpu.dma_semaphore, #tpu.memory_space<semaphore_mem>>) src(%dma_wait3A_568 : memref<128x128xf32, #tpu.memory_space<vmem>>) dst(%dma_wait3A_574 : memref<10240x128xf32, #tpu.memory_space<vmem_shared>>)
    %add3A_575 = arith.constant 78 : i32
    %add3A_576 = arith.addi %mul3A_2, %add3A_575 : i32
    %dma_wait3A_577 = arith.constant 2 : i32
    %dma_wait3A_578 = arith.constant 0 : i32
    %dma_wait3A_579 = arith.constant 0 : i32
    %dma_wait3A_580 = tpu.memref_slice %arg5[%dma_wait3A_577, %dma_wait3A_578, %dma_wait3A_579] : memref<4x2x128xi32, #tpu.memory_space<vmem>> -> memref<1x2x128xi32, #tpu.memory_space<vmem>>
    %dma_wait3A_581 = tpu.memref_squeeze %dma_wait3A_580 : memref<1x2x128xi32, #tpu.memory_space<vmem>> -> memref<2x128xi32, #tpu.memory_space<vmem>>
    %dma_wait3A_582 = arith.constant 0 : i32
    %dma_wait3A_583 = arith.constant 0 : i32
    %dma_wait3A_584 = tpu.memref_slice %arg3[%add3A_576, %dma_wait3A_582, %dma_wait3A_583] : memref<2560x2x128xi32, #tpu.memory_space<hbm>> -> memref<1x2x128xi32, #tpu.memory_space<hbm>>
    %dma_wait3A_585 = tpu.memref_squeeze %dma_wait3A_584 : memref<1x2x128xi32, #tpu.memory_space<hbm>> -> memref<2x128xi32, #tpu.memory_space<hbm>>
    %dma_wait3A_586 = arith.constant 0 : i32
    %dma_wait3A_587 = arith.constant 0 : i32
    %dma_wait3A_588 = tpu.memref_slice %arg5[%dma_wait3A_577, %dma_wait3A_586, %dma_wait3A_587] : memref<4x2x128xi32, #tpu.memory_space<vmem>> -> memref<1x2x128xi32, #tpu.memory_space<vmem>>
    %dma_wait3A_589 = tpu.memref_squeeze %dma_wait3A_588 : memref<1x2x128xi32, #tpu.memory_space<vmem>> -> memref<2x128xi32, #tpu.memory_space<vmem>>
    %dma_wait3A_590 = arith.constant 0 : i32
    %dma_wait3A_591 = arith.constant 0 : i32
    %dma_wait3A_592 = tpu.memref_slice %arg3[%add3A_576, %dma_wait3A_590, %dma_wait3A_591] : memref<2560x2x128xi32, #tpu.memory_space<hbm>> -> memref<1x2x128xi32, #tpu.memory_space<hbm>>
    %dma_wait3A_593 = tpu.memref_squeeze %dma_wait3A_592 : memref<1x2x128xi32, #tpu.memory_space<hbm>> -> memref<2x128xi32, #tpu.memory_space<hbm>>
    tpu.wait_dma2 semaphore(%arg8 : memref<!tpu.dma_semaphore, #tpu.memory_space<semaphore_mem>>) src(%dma_wait3A_593 : memref<2x128xi32, #tpu.memory_space<hbm>>) dst(%dma_wait3A_589 : memref<2x128xi32, #tpu.memory_space<vmem>>)
    %dma_start3A_594 = arith.constant 2 : i32
    %dma_start3A_595 = arith.constant 0 : i32
    %dma_start3A_596 = arith.constant 0 : i32
    %dma_start3A_597 = arith.constant 0 : i32
    %dma_start3A_598 = arith.constant 0 : i32
    %dma_start3A_599 = tpu.memref_slice %arg6[%dma_start3A_596, %dma_start3A_597, %dma_start3A_598] : memref<2x128x128xf32, #tpu.memory_space<vmem>> -> memref<1x128x128xf32, #tpu.memory_space<vmem>>
    %dma_start3A_600 = tpu.memref_squeeze %dma_start3A_599 : memref<1x128x128xf32, #tpu.memory_space<vmem>> -> memref<128x128xf32, #tpu.memory_space<vmem>>
    %dma_start3A_601 = arith.constant 0 : i32
    %dma_start3A_602 = tpu.memref_slice %arg5[%dma_start3A_594, %dma_start3A_595, %dma_start3A_601] : memref<4x2x128xi32, #tpu.memory_space<vmem>> -> memref<1x1x128xi32, #tpu.memory_space<vmem>>
    %dma_start3A_603 = tpu.memref_squeeze %dma_start3A_602 : memref<1x1x128xi32, #tpu.memory_space<vmem>> -> memref<128xi32, #tpu.memory_space<vmem>>
    %dma_start3A_604 = arith.constant 0 : i32
    %dma_start3A_605 = arith.constant 0 : i32
    %dma_start3A_606 = tpu.memref_slice %arg2[%dma_start3A_604, %dma_start3A_605] : memref<10240x128xf32, #tpu.memory_space<hbm>> -> memref<10240x128xf32, #tpu.memory_space<hbm>>
    tpu.enqueue_indirect_dma source(%dma_start3A_606 : memref<10240x128xf32, #tpu.memory_space<hbm>>) target(%dma_start3A_600 : memref<128x128xf32, #tpu.memory_space<vmem>>) offsets(%dma_start3A_603 : memref<128xi32, #tpu.memory_space<vmem>>) semaphore(%arg9 : memref<!tpu.dma_semaphore, #tpu.memory_space<semaphore_mem>>)
    %dma_wait3A_607 = arith.constant 2 : i32
    %dma_wait3A_608 = arith.constant 0 : i32
    %dma_wait3A_609 = arith.constant 0 : i32
    %dma_wait3A_610 = arith.constant 0 : i32
    %dma_wait3A_611 = arith.constant 0 : i32
    %dma_wait3A_612 = tpu.memref_slice %arg6[%dma_wait3A_609, %dma_wait3A_610, %dma_wait3A_611] : memref<2x128x128xf32, #tpu.memory_space<vmem>> -> memref<1x128x128xf32, #tpu.memory_space<vmem>>
    %dma_wait3A_613 = tpu.memref_squeeze %dma_wait3A_612 : memref<1x128x128xf32, #tpu.memory_space<vmem>> -> memref<128x128xf32, #tpu.memory_space<vmem>>
    %dma_wait3A_614 = arith.constant 0 : i32
    %dma_wait3A_615 = tpu.memref_slice %arg5[%dma_wait3A_607, %dma_wait3A_608, %dma_wait3A_614] : memref<4x2x128xi32, #tpu.memory_space<vmem>> -> memref<1x1x128xi32, #tpu.memory_space<vmem>>
    %dma_wait3A_616 = tpu.memref_squeeze %dma_wait3A_615 : memref<1x1x128xi32, #tpu.memory_space<vmem>> -> memref<128xi32, #tpu.memory_space<vmem>>
    %dma_wait3A_617 = arith.constant 0 : i32
    %dma_wait3A_618 = arith.constant 0 : i32
    %dma_wait3A_619 = tpu.memref_slice %arg2[%dma_wait3A_617, %dma_wait3A_618] : memref<10240x128xf32, #tpu.memory_space<hbm>> -> memref<10240x128xf32, #tpu.memory_space<hbm>>
    tpu.wait_indirect_dma semaphore(%arg9 : memref<!tpu.dma_semaphore, #tpu.memory_space<semaphore_mem>>) src(%dma_wait3A_619 : memref<10240x128xf32, #tpu.memory_space<hbm>>) dst(%dma_wait3A_613 : memref<128x128xf32, #tpu.memory_space<vmem>>)
    %dma_start3A_620 = arith.constant 0 : i32
    %dma_start3A_621 = arith.constant 2 : i32
    %dma_start3A_622 = arith.constant 1 : i32
    %dma_start3A_623 = arith.constant 0 : i32
    %dma_start3A_624 = arith.constant 0 : i32
    %dma_start3A_625 = tpu.memref_slice %arg6[%dma_start3A_620, %dma_start3A_623, %dma_start3A_624] : memref<2x128x128xf32, #tpu.memory_space<vmem>> -> memref<1x128x128xf32, #tpu.memory_space<vmem>>
    %dma_start3A_626 = tpu.memref_squeeze %dma_start3A_625 : memref<1x128x128xf32, #tpu.memory_space<vmem>> -> memref<128x128xf32, #tpu.memory_space<vmem>>
    %dma_start3A_627 = arith.constant 0 : i32
    %dma_start3A_628 = tpu.memref_slice %arg5[%dma_start3A_621, %dma_start3A_622, %dma_start3A_627] : memref<4x2x128xi32, #tpu.memory_space<vmem>> -> memref<1x1x128xi32, #tpu.memory_space<vmem>>
    %dma_start3A_629 = tpu.memref_squeeze %dma_start3A_628 : memref<1x1x128xi32, #tpu.memory_space<vmem>> -> memref<128xi32, #tpu.memory_space<vmem>>
    %dma_start3A_630 = arith.constant 0 : i32
    %dma_start3A_631 = arith.constant 0 : i32
    %dma_start3A_632 = tpu.memref_slice %arg7[%dma_start3A_630, %dma_start3A_631] : memref<10240x128xf32, #tpu.memory_space<vmem_shared>> -> memref<10240x128xf32, #tpu.memory_space<vmem_shared>>
    tpu.enqueue_indirect_dma source(%dma_start3A_626 : memref<128x128xf32, #tpu.memory_space<vmem>>) target(%dma_start3A_632 : memref<10240x128xf32, #tpu.memory_space<vmem_shared>>) offsets(%dma_start3A_629 : memref<128xi32, #tpu.memory_space<vmem>>) semaphore(%arg10 : memref<!tpu.dma_semaphore, #tpu.memory_space<semaphore_mem>>) {add = true}
    %dma_wait3A_633 = arith.constant 1 : i32
    %dma_wait3A_634 = arith.constant 1 : i32
    %dma_wait3A_635 = arith.constant 1 : i32
    %dma_wait3A_636 = arith.constant 0 : i32
    %dma_wait3A_637 = arith.constant 0 : i32
    %dma_wait3A_638 = tpu.memref_slice %arg6[%dma_wait3A_633, %dma_wait3A_636, %dma_wait3A_637] : memref<2x128x128xf32, #tpu.memory_space<vmem>> -> memref<1x128x128xf32, #tpu.memory_space<vmem>>
    %dma_wait3A_639 = tpu.memref_squeeze %dma_wait3A_638 : memref<1x128x128xf32, #tpu.memory_space<vmem>> -> memref<128x128xf32, #tpu.memory_space<vmem>>
    %dma_wait3A_640 = arith.constant 0 : i32
    %dma_wait3A_641 = tpu.memref_slice %arg5[%dma_wait3A_634, %dma_wait3A_635, %dma_wait3A_640] : memref<4x2x128xi32, #tpu.memory_space<vmem>> -> memref<1x1x128xi32, #tpu.memory_space<vmem>>
    %dma_wait3A_642 = tpu.memref_squeeze %dma_wait3A_641 : memref<1x1x128xi32, #tpu.memory_space<vmem>> -> memref<128xi32, #tpu.memory_space<vmem>>
    %dma_wait3A_643 = arith.constant 0 : i32
    %dma_wait3A_644 = arith.constant 0 : i32
    %dma_wait3A_645 = tpu.memref_slice %arg7[%dma_wait3A_643, %dma_wait3A_644] : memref<10240x128xf32, #tpu.memory_space<vmem_shared>> -> memref<10240x128xf32, #tpu.memory_space<vmem_shared>>
    tpu.wait_indirect_dma semaphore(%arg10 : memref<!tpu.dma_semaphore, #tpu.memory_space<semaphore_mem>>) src(%dma_wait3A_639 : memref<128x128xf32, #tpu.memory_space<vmem>>) dst(%dma_wait3A_645 : memref<10240x128xf32, #tpu.memory_space<vmem_shared>>)
    %add3A_646 = arith.constant 79 : i32
    %add3A_647 = arith.addi %mul3A_2, %add3A_646 : i32
    %dma_wait3A_648 = arith.constant 3 : i32
    %dma_wait3A_649 = arith.constant 0 : i32
    %dma_wait3A_650 = arith.constant 0 : i32
    %dma_wait3A_651 = tpu.memref_slice %arg5[%dma_wait3A_648, %dma_wait3A_649, %dma_wait3A_650] : memref<4x2x128xi32, #tpu.memory_space<vmem>> -> memref<1x2x128xi32, #tpu.memory_space<vmem>>
    %dma_wait3A_652 = tpu.memref_squeeze %dma_wait3A_651 : memref<1x2x128xi32, #tpu.memory_space<vmem>> -> memref<2x128xi32, #tpu.memory_space<vmem>>
    %dma_wait3A_653 = arith.constant 0 : i32
    %dma_wait3A_654 = arith.constant 0 : i32
    %dma_wait3A_655 = tpu.memref_slice %arg3[%add3A_647, %dma_wait3A_653, %dma_wait3A_654] : memref<2560x2x128xi32, #tpu.memory_space<hbm>> -> memref<1x2x128xi32, #tpu.memory_space<hbm>>
    %dma_wait3A_656 = tpu.memref_squeeze %dma_wait3A_655 : memref<1x2x128xi32, #tpu.memory_space<hbm>> -> memref<2x128xi32, #tpu.memory_space<hbm>>
    %dma_wait3A_657 = arith.constant 0 : i32
    %dma_wait3A_658 = arith.constant 0 : i32
    %dma_wait3A_659 = tpu.memref_slice %arg5[%dma_wait3A_648, %dma_wait3A_657, %dma_wait3A_658] : memref<4x2x128xi32, #tpu.memory_space<vmem>> -> memref<1x2x128xi32, #tpu.memory_space<vmem>>
    %dma_wait3A_660 = tpu.memref_squeeze %dma_wait3A_659 : memref<1x2x128xi32, #tpu.memory_space<vmem>> -> memref<2x128xi32, #tpu.memory_space<vmem>>
    %dma_wait3A_661 = arith.constant 0 : i32
    %dma_wait3A_662 = arith.constant 0 : i32
    %dma_wait3A_663 = tpu.memref_slice %arg3[%add3A_647, %dma_wait3A_661, %dma_wait3A_662] : memref<2560x2x128xi32, #tpu.memory_space<hbm>> -> memref<1x2x128xi32, #tpu.memory_space<hbm>>
    %dma_wait3A_664 = tpu.memref_squeeze %dma_wait3A_663 : memref<1x2x128xi32, #tpu.memory_space<hbm>> -> memref<2x128xi32, #tpu.memory_space<hbm>>
    tpu.wait_dma2 semaphore(%arg8 : memref<!tpu.dma_semaphore, #tpu.memory_space<semaphore_mem>>) src(%dma_wait3A_664 : memref<2x128xi32, #tpu.memory_space<hbm>>) dst(%dma_wait3A_660 : memref<2x128xi32, #tpu.memory_space<vmem>>)
    %dma_start3A_665 = arith.constant 3 : i32
    %dma_start3A_666 = arith.constant 0 : i32
    %dma_start3A_667 = arith.constant 1 : i32
    %dma_start3A_668 = arith.constant 0 : i32
    %dma_start3A_669 = arith.constant 0 : i32
    %dma_start3A_670 = tpu.memref_slice %arg6[%dma_start3A_667, %dma_start3A_668, %dma_start3A_669] : memref<2x128x128xf32, #tpu.memory_space<vmem>> -> memref<1x128x128xf32, #tpu.memory_space<vmem>>
    %dma_start3A_671 = tpu.memref_squeeze %dma_start3A_670 : memref<1x128x128xf32, #tpu.memory_space<vmem>> -> memref<128x128xf32, #tpu.memory_space<vmem>>
    %dma_start3A_672 = arith.constant 0 : i32
    %dma_start3A_673 = tpu.memref_slice %arg5[%dma_start3A_665, %dma_start3A_666, %dma_start3A_672] : memref<4x2x128xi32, #tpu.memory_space<vmem>> -> memref<1x1x128xi32, #tpu.memory_space<vmem>>
    %dma_start3A_674 = tpu.memref_squeeze %dma_start3A_673 : memref<1x1x128xi32, #tpu.memory_space<vmem>> -> memref<128xi32, #tpu.memory_space<vmem>>
    %dma_start3A_675 = arith.constant 0 : i32
    %dma_start3A_676 = arith.constant 0 : i32
    %dma_start3A_677 = tpu.memref_slice %arg2[%dma_start3A_675, %dma_start3A_676] : memref<10240x128xf32, #tpu.memory_space<hbm>> -> memref<10240x128xf32, #tpu.memory_space<hbm>>
    tpu.enqueue_indirect_dma source(%dma_start3A_677 : memref<10240x128xf32, #tpu.memory_space<hbm>>) target(%dma_start3A_671 : memref<128x128xf32, #tpu.memory_space<vmem>>) offsets(%dma_start3A_674 : memref<128xi32, #tpu.memory_space<vmem>>) semaphore(%arg9 : memref<!tpu.dma_semaphore, #tpu.memory_space<semaphore_mem>>)
    %dma_wait3A_678 = arith.constant 3 : i32
    %dma_wait3A_679 = arith.constant 0 : i32
    %dma_wait3A_680 = arith.constant 1 : i32
    %dma_wait3A_681 = arith.constant 0 : i32
    %dma_wait3A_682 = arith.constant 0 : i32
    %dma_wait3A_683 = tpu.memref_slice %arg6[%dma_wait3A_680, %dma_wait3A_681, %dma_wait3A_682] : memref<2x128x128xf32, #tpu.memory_space<vmem>> -> memref<1x128x128xf32, #tpu.memory_space<vmem>>
    %dma_wait3A_684 = tpu.memref_squeeze %dma_wait3A_683 : memref<1x128x128xf32, #tpu.memory_space<vmem>> -> memref<128x128xf32, #tpu.memory_space<vmem>>
    %dma_wait3A_685 = arith.constant 0 : i32
    %dma_wait3A_686 = tpu.memref_slice %arg5[%dma_wait3A_678, %dma_wait3A_679, %dma_wait3A_685] : memref<4x2x128xi32, #tpu.memory_space<vmem>> -> memref<1x1x128xi32, #tpu.memory_space<vmem>>
    %dma_wait3A_687 = tpu.memref_squeeze %dma_wait3A_686 : memref<1x1x128xi32, #tpu.memory_space<vmem>> -> memref<128xi32, #tpu.memory_space<vmem>>
    %dma_wait3A_688 = arith.constant 0 : i32
    %dma_wait3A_689 = arith.constant 0 : i32
    %dma_wait3A_690 = tpu.memref_slice %arg2[%dma_wait3A_688, %dma_wait3A_689] : memref<10240x128xf32, #tpu.memory_space<hbm>> -> memref<10240x128xf32, #tpu.memory_space<hbm>>
    tpu.wait_indirect_dma semaphore(%arg9 : memref<!tpu.dma_semaphore, #tpu.memory_space<semaphore_mem>>) src(%dma_wait3A_690 : memref<10240x128xf32, #tpu.memory_space<hbm>>) dst(%dma_wait3A_684 : memref<128x128xf32, #tpu.memory_space<vmem>>)
    %dma_start3A_691 = arith.constant 1 : i32
    %dma_start3A_692 = arith.constant 3 : i32
    %dma_start3A_693 = arith.constant 1 : i32
    %dma_start3A_694 = arith.constant 0 : i32
    %dma_start3A_695 = arith.constant 0 : i32
    %dma_start3A_696 = tpu.memref_slice %arg6[%dma_start3A_691, %dma_start3A_694, %dma_start3A_695] : memref<2x128x128xf32, #tpu.memory_space<vmem>> -> memref<1x128x128xf32, #tpu.memory_space<vmem>>
    %dma_start3A_697 = tpu.memref_squeeze %dma_start3A_696 : memref<1x128x128xf32, #tpu.memory_space<vmem>> -> memref<128x128xf32, #tpu.memory_space<vmem>>
    %dma_start3A_698 = arith.constant 0 : i32
    %dma_start3A_699 = tpu.memref_slice %arg5[%dma_start3A_692, %dma_start3A_693, %dma_start3A_698] : memref<4x2x128xi32, #tpu.memory_space<vmem>> -> memref<1x1x128xi32, #tpu.memory_space<vmem>>
    %dma_start3A_700 = tpu.memref_squeeze %dma_start3A_699 : memref<1x1x128xi32, #tpu.memory_space<vmem>> -> memref<128xi32, #tpu.memory_space<vmem>>
    %dma_start3A_701 = arith.constant 0 : i32
    %dma_start3A_702 = arith.constant 0 : i32
    %dma_start3A_703 = tpu.memref_slice %arg7[%dma_start3A_701, %dma_start3A_702] : memref<10240x128xf32, #tpu.memory_space<vmem_shared>> -> memref<10240x128xf32, #tpu.memory_space<vmem_shared>>
    tpu.enqueue_indirect_dma source(%dma_start3A_697 : memref<128x128xf32, #tpu.memory_space<vmem>>) target(%dma_start3A_703 : memref<10240x128xf32, #tpu.memory_space<vmem_shared>>) offsets(%dma_start3A_700 : memref<128xi32, #tpu.memory_space<vmem>>) semaphore(%arg10 : memref<!tpu.dma_semaphore, #tpu.memory_space<semaphore_mem>>) {add = true}
    %dma_wait3A_704 = arith.constant 0 : i32
    %dma_wait3A_705 = arith.constant 2 : i32
    %dma_wait3A_706 = arith.constant 1 : i32
    %dma_wait3A_707 = arith.constant 0 : i32
    %dma_wait3A_708 = arith.constant 0 : i32
    %dma_wait3A_709 = tpu.memref_slice %arg6[%dma_wait3A_704, %dma_wait3A_707, %dma_wait3A_708] : memref<2x128x128xf32, #tpu.memory_space<vmem>> -> memref<1x128x128xf32, #tpu.memory_space<vmem>>
    %dma_wait3A_710 = tpu.memref_squeeze %dma_wait3A_709 : memref<1x128x128xf32, #tpu.memory_space<vmem>> -> memref<128x128xf32, #tpu.memory_space<vmem>>
    %dma_wait3A_711 = arith.constant 0 : i32
    %dma_wait3A_712 = tpu.memref_slice %arg5[%dma_wait3A_705, %dma_wait3A_706, %dma_wait3A_711] : memref<4x2x128xi32, #tpu.memory_space<vmem>> -> memref<1x1x128xi32, #tpu.memory_space<vmem>>
    %dma_wait3A_713 = tpu.memref_squeeze %dma_wait3A_712 : memref<1x1x128xi32, #tpu.memory_space<vmem>> -> memref<128xi32, #tpu.memory_space<vmem>>
    %dma_wait3A_714 = arith.constant 0 : i32
    %dma_wait3A_715 = arith.constant 0 : i32
    %dma_wait3A_716 = tpu.memref_slice %arg7[%dma_wait3A_714, %dma_wait3A_715] : memref<10240x128xf32, #tpu.memory_space<vmem_shared>> -> memref<10240x128xf32, #tpu.memory_space<vmem_shared>>
    tpu.wait_indirect_dma semaphore(%arg10 : memref<!tpu.dma_semaphore, #tpu.memory_space<semaphore_mem>>) src(%dma_wait3A_710 : memref<128x128xf32, #tpu.memory_space<vmem>>) dst(%dma_wait3A_716 : memref<10240x128xf32, #tpu.memory_space<vmem_shared>>)
    %dma_wait3A_717 = arith.constant 1 : i32
    %dma_wait3A_718 = arith.constant 3 : i32
    %dma_wait3A_719 = arith.constant 1 : i32
    %dma_wait3A_720 = arith.constant 0 : i32
    %dma_wait3A_721 = arith.constant 0 : i32
    %dma_wait3A_722 = tpu.memref_slice %arg6[%dma_wait3A_717, %dma_wait3A_720, %dma_wait3A_721] : memref<2x128x128xf32, #tpu.memory_space<vmem>> -> memref<1x128x128xf32, #tpu.memory_space<vmem>>
    %dma_wait3A_723 = tpu.memref_squeeze %dma_wait3A_722 : memref<1x128x128xf32, #tpu.memory_space<vmem>> -> memref<128x128xf32, #tpu.memory_space<vmem>>
    %dma_wait3A_724 = arith.constant 0 : i32
    %dma_wait3A_725 = tpu.memref_slice %arg5[%dma_wait3A_718, %dma_wait3A_719, %dma_wait3A_724] : memref<4x2x128xi32, #tpu.memory_space<vmem>> -> memref<1x1x128xi32, #tpu.memory_space<vmem>>
    %dma_wait3A_726 = tpu.memref_squeeze %dma_wait3A_725 : memref<1x1x128xi32, #tpu.memory_space<vmem>> -> memref<128xi32, #tpu.memory_space<vmem>>
    %dma_wait3A_727 = arith.constant 0 : i32
    %dma_wait3A_728 = arith.constant 0 : i32
    %dma_wait3A_729 = tpu.memref_slice %arg7[%dma_wait3A_727, %dma_wait3A_728] : memref<10240x128xf32, #tpu.memory_space<vmem_shared>> -> memref<10240x128xf32, #tpu.memory_space<vmem_shared>>
    tpu.wait_indirect_dma semaphore(%arg10 : memref<!tpu.dma_semaphore, #tpu.memory_space<semaphore_mem>>) src(%dma_wait3A_723 : memref<128x128xf32, #tpu.memory_space<vmem>>) dst(%dma_wait3A_729 : memref<10240x128xf32, #tpu.memory_space<vmem_shared>>)
    %barrier3A_730 = arith.constant 0 : index
    tpu.barrier barrier_id(%barrier3A_730)
    %mul3A_731 = arith.constant 640 : i32
    %mul3A_732 = arith.muli %arg1, %mul3A_731 : i32
    %mul3A_733 = arith.constant 640 : i32
    %mul3A_734 = arith.muli %arg1, %mul3A_733 : i32
    "tpu.region"() ({
      %run_scoped3A = tpu.sem_alloc : memref<!tpu.dma_semaphore, #tpu.memory_space<semaphore_mem>>
      %dma_start3A_735 = arith.constant 0 : i32
      %dma_start3A_736 = tpu.memref_slice %arg4[%arg0, %mul3A_734, %dma_start3A_735] : memref<2x10240x128xf32, #tpu.memory_space<hbm>> -> memref<1x640x128xf32, #tpu.memory_space<hbm>>
      %dma_start3A_737 = tpu.memref_squeeze %dma_start3A_736 : memref<1x640x128xf32, #tpu.memory_space<hbm>> -> memref<640x128xf32, #tpu.memory_space<hbm>>
      %dma_start3A_738 = arith.constant 0 : i32
      %dma_start3A_739 = tpu.memref_slice %arg7[%mul3A_732, %dma_start3A_738] : memref<10240x128xf32, #tpu.memory_space<vmem_shared>> -> memref<640x128xf32, #tpu.memory_space<vmem_shared>>
      tpu.enqueue_dma source(%dma_start3A_739 : memref<640x128xf32, #tpu.memory_space<vmem_shared>>) target(%dma_start3A_737 : memref<640x128xf32, #tpu.memory_space<hbm>>) target_semaphore(%run_scoped3A : memref<!tpu.dma_semaphore, #tpu.memory_space<semaphore_mem>>)
      %dma_wait3A_740 = arith.constant 0 : i32
      %dma_wait3A_741 = tpu.memref_slice %arg4[%arg0, %mul3A_734, %dma_wait3A_740] : memref<2x10240x128xf32, #tpu.memory_space<hbm>> -> memref<1x640x128xf32, #tpu.memory_space<hbm>>
      %dma_wait3A_742 = tpu.memref_squeeze %dma_wait3A_741 : memref<1x640x128xf32, #tpu.memory_space<hbm>> -> memref<640x128xf32, #tpu.memory_space<hbm>>
      %dma_wait3A_743 = arith.constant 0 : i32
      %dma_wait3A_744 = tpu.memref_slice %arg7[%mul3A_732, %dma_wait3A_743] : memref<10240x128xf32, #tpu.memory_space<vmem_shared>> -> memref<640x128xf32, #tpu.memory_space<vmem_shared>>
      tpu.wait_dma2 semaphore(%run_scoped3A : memref<!tpu.dma_semaphore, #tpu.memory_space<semaphore_mem>>) src(%dma_wait3A_744 : memref<640x128xf32, #tpu.memory_space<vmem_shared>>) dst(%dma_wait3A_742 : memref<640x128xf32, #tpu.memory_space<hbm>>)
      tpu.yield
    }) : () -> ()
    return
  }
}

module attributes {stable_mosaic.version = 14 : i64} {
  func.func @_mm1_body(%arg0: i32, %arg1: memref<1000x128xf32, #tpu.memory_space<vmem>>, %arg2: memref<128x128xf32, #tpu.memory_space<vmem>>, %arg3: memref<2x1000x1xf32, #tpu.memory_space<vmem>>, %arg4: memref<1000x128xf32, #tpu.memory_space<vmem>>, %arg5: memref<1000x1xf32, #tpu.memory_space<vmem>>) attributes {dimension_semantics = [#tpu.dimension_semantics<arbitrary>], iteration_bounds = array<i64: 10>, scalar_prefetch = 0 : i64, scratch_operands = 0 : i64, tpu.core_type = #tpu.core_type<tc>, window_params = [{transform_indices = @transform_0, window_bounds = array<i64: 1000, 128>}, {pipeline_mode = #tpu.pipeline_mode<synchronous>, transform_indices = @transform_1, window_bounds = array<i64: 128, 128>}, {transform_indices = @transform_2, window_bounds = array<i64: 2, 1000, 1>}, {transform_indices = @transform_3, window_bounds = array<i64: 1000, 128>}, {transform_indices = @transform_4, window_bounds = array<i64: 1000, 1>}]} {
    %get3A = arith.constant 0 : index
    %get3A_0 = arith.constant 0 : index
    %get3A_1 = arith.constant 0 : index
    %get3A_2 = vector.load %arg3[%get3A, %get3A_0, %get3A_1] : memref<2x1000x1xf32, #tpu.memory_space<vmem>>, vector<1x1000x1xf32>
    %get3A_3 = vector.shape_cast %get3A_2 : vector<1x1000x1xf32> to vector<1000x1xf32>
    %get3A_4 = arith.constant 1 : index
    %get3A_5 = arith.constant 0 : index
    %get3A_6 = arith.constant 0 : index
    %get3A_7 = vector.load %arg3[%get3A_4, %get3A_5, %get3A_6] : memref<2x1000x1xf32, #tpu.memory_space<vmem>>, vector<1x1000x1xf32>
    %get3A_8 = vector.shape_cast %get3A_7 : vector<1x1000x1xf32> to vector<1000x1xf32>
    %add3A = arith.addf %get3A_3, %get3A_8 : vector<1000x1xf32>
    %add3A_9 = arith.constant 1.000000e+00 : f32
    %add3A_10 = vector.broadcast %add3A_9 : f32 to vector<1000x1xf32>
    %add3A_11 = arith.addf %add3A, %add3A_10 : vector<1000x1xf32>
    %rsqrt3A = math.rsqrt %add3A_11 : vector<1000x1xf32>
    %get3A_12 = arith.constant 0 : index
    %get3A_13 = arith.constant 0 : index
    %get3A_14 = vector.load %arg1[%get3A_12, %get3A_13] : memref<1000x128xf32, #tpu.memory_space<vmem>>, vector<1000x128xf32>
    %get3A_15 = arith.constant 0 : index
    %get3A_16 = arith.constant 0 : index
    %get3A_17 = vector.load %arg2[%get3A_15, %get3A_16] : memref<128x128xf32, #tpu.memory_space<vmem>>, vector<128x128xf32>
    %dot_general3A = arith.constant dense<0.000000e+00> : vector<1000x128xf32>
    %dot_general3A_18 = tpu.matmul %get3A_14, %get3A_17, %dot_general3A {dimension_numbers = #tpu.dot_dimension_numbers<[1], [0], [0], [1], [0, 0, 1, 1], [], []>, transpose_lhs_hint = false} : vector<1000x128xf32>, vector<128x128xf32>, vector<1000x128xf32> -> vector<1000x128xf32>
    %mul3A = vector.broadcast %rsqrt3A : vector<1000x1xf32> to vector<1000x128xf32>
    %mul3A_19 = arith.mulf %dot_general3A_18, %mul3A : vector<1000x128xf32>
    %swap3A = arith.constant 0 : index
    %swap3A_20 = arith.constant 0 : index
    %swap3A_21 = vector.load %arg4[%swap3A, %swap3A_20] : memref<1000x128xf32, #tpu.memory_space<vmem>>, vector<1000x128xf32>
    tpu.vector_store %arg4[%swap3A, %swap3A_20], %mul3A_19 {strides = array<i32>} : memref<1000x128xf32, #tpu.memory_space<vmem>>, vector<1000x128xf32>,
    %swap3A_22 = arith.constant 0 : index
    %swap3A_23 = arith.constant 0 : index
    %swap3A_24 = vector.load %arg5[%swap3A_22, %swap3A_23] : memref<1000x1xf32, #tpu.memory_space<vmem>>, vector<1000x1xf32>
    tpu.vector_store %arg5[%swap3A_22, %swap3A_23], %rsqrt3A {strides = array<i32>} : memref<1000x1xf32, #tpu.memory_space<vmem>>, vector<1000x1xf32>,
    return
  }
  func.func @transform_0(%arg0: i32) -> (i32, i32) {
    %c0_i32 = arith.constant 0 : i32
    %c0_i32_0 = arith.constant 0 : i32
    return %arg0, %c0_i32 : i32, i32
  }
  func.func @transform_1(%arg0: i32) -> (i32, i32) {
    %c0_i32 = arith.constant 0 : i32
    %c0_i32_0 = arith.constant 0 : i32
    %c0_i32_1 = arith.constant 0 : i32
    return %c0_i32, %c0_i32_0 : i32, i32
  }
  func.func @transform_2(%arg0: i32) -> (i32, i32, i32) {
    %c0_i32 = arith.constant 0 : i32
    %c0_i32_0 = arith.constant 0 : i32
    %c0_i32_1 = arith.constant 0 : i32
    return %c0_i32, %arg0, %c0_i32_0 : i32, i32, i32
  }
  func.func @transform_3(%arg0: i32) -> (i32, i32) {
    %c0_i32 = arith.constant 0 : i32
    %c0_i32_0 = arith.constant 0 : i32
    return %arg0, %c0_i32 : i32, i32
  }
  func.func @transform_4(%arg0: i32) -> (i32, i32) {
    %c0_i32 = arith.constant 0 : i32
    %c0_i32_0 = arith.constant 0 : i32
    return %arg0, %c0_i32 : i32, i32
  }
}

module attributes {stable_mosaic.version = 14 : i64} {
  func.func @_post_body(%arg0: i32, %arg1: i32, %arg2: memref<2x1024x128xf32, #tpu.memory_space<vmem>>, %arg3: memref<1024x128xf32, #tpu.memory_space<vmem>>, %arg4: memref<1024x1xf32, #tpu.memory_space<vmem>>, %arg5: memref<1x128xf32, #tpu.memory_space<vmem>>, %arg6: memref<1x128xf32, #tpu.memory_space<vmem>>, %arg7: memref<1x128xf32, #tpu.memory_space<vmem>>, %arg8: memref<128x1xf32, #tpu.memory_space<vmem>>, %arg9: memref<1024x1xf32, #tpu.memory_space<vmem>>, %arg10: memref<10240x128xf32, #tpu.memory_space<vmem>>, %arg11: memref<8x128xf32, #tpu.memory_space<vmem>>) attributes {dimension_semantics = [#tpu.dimension_semantics<arbitrary>, #tpu.dimension_semantics<arbitrary>], iteration_bounds = array<i64: 2, 10>, scalar_prefetch = 0 : i64, scratch_operands = 2 : i64, tpu.core_type = #tpu.core_type<tc>, window_params = [{transform_indices = @transform_0, window_bounds = array<i64: 2, 1024, 128>}, {transform_indices = @transform_1, window_bounds = array<i64: 1024, 128>}, {transform_indices = @transform_2, window_bounds = array<i64: 1024, 1>}, {pipeline_mode = #tpu.pipeline_mode<synchronous>, transform_indices = @transform_3, window_bounds = array<i64: 1, 128>}, {pipeline_mode = #tpu.pipeline_mode<synchronous>, transform_indices = @transform_4, window_bounds = array<i64: 1, 128>}, {pipeline_mode = #tpu.pipeline_mode<synchronous>, transform_indices = @transform_5, window_bounds = array<i64: 1, 128>}, {pipeline_mode = #tpu.pipeline_mode<synchronous>, transform_indices = @transform_6, window_bounds = array<i64: 128, 1>}, {transform_indices = @transform_7, window_bounds = array<i64: 1024, 1>}]} {
    %iota3A = tpu.iota {dimensions = array<i32: 0>} : vector<1024x1xi32>
    %mul3A = arith.constant 1024 : i32
    %mul3A_0 = arith.muli %arg1, %mul3A : i32
    %add3A = vector.broadcast %mul3A_0 : i32 to vector<1024x1xi32>
    %add3A_1 = arith.addi %iota3A, %add3A : vector<1024x1xi32>
    %lt3A = arith.constant 10000 : i32
    %lt3A_2 = vector.broadcast %lt3A : i32 to vector<1024x1xi32>
    %lt3A_3 = arith.cmpi slt, %add3A_1, %lt3A_2 : vector<1024x1xi32>
    %eq3A = arith.constant 0 : i32
    %eq3A_4 = arith.cmpi eq, %arg0, %eq3A : i32
    %convert_element_type3A = arith.extui %eq3A_4 : i1 to i32
    %cond3A = arith.constant 0 : i32
    %cond3A_5 = arith.cmpi ne, %convert_element_type3A, %cond3A : i32
    scf.if %cond3A_5 {
      %get3A = arith.constant 0 : index
      %get3A_11 = arith.constant 0 : index
      %get3A_12 = arith.constant 0 : index
      %get3A_13 = vector.load %arg2[%get3A, %get3A_11, %get3A_12] : memref<2x1024x128xf32, #tpu.memory_space<vmem>>, vector<1x1024x128xf32>
      %get3A_14 = vector.shape_cast %get3A_13 : vector<1x1024x128xf32> to vector<1024x128xf32>
      %get3A_15 = arith.constant 1 : index
      %get3A_16 = arith.constant 0 : index
      %get3A_17 = arith.constant 0 : index
      %get3A_18 = vector.load %arg2[%get3A_15, %get3A_16, %get3A_17] : memref<2x1024x128xf32, #tpu.memory_space<vmem>>, vector<1x1024x128xf32>
      %get3A_19 = vector.shape_cast %get3A_18 : vector<1x1024x128xf32> to vector<1024x128xf32>
      %add3A_20 = arith.addf %get3A_14, %get3A_19 : vector<1024x128xf32>
      %get3A_21 = arith.constant 0 : index
      %get3A_22 = arith.constant 0 : index
      %get3A_23 = vector.load %arg3[%get3A_21, %get3A_22] : memref<1024x128xf32, #tpu.memory_space<vmem>>, vector<1024x128xf32>
      %sub3A = arith.subf %add3A_20, %get3A_23 : vector<1024x128xf32>
      %get3A_24 = arith.constant 0 : index
      %get3A_25 = arith.constant 0 : index
      %get3A_26 = vector.load %arg4[%get3A_24, %get3A_25] : memref<1024x1xf32, #tpu.memory_space<vmem>>, vector<1024x1xf32>
      %mul3A_27 = vector.broadcast %get3A_26 : vector<1024x1xf32> to vector<1024x128xf32>
      %mul3A_28 = arith.mulf %sub3A, %mul3A_27 : vector<1024x128xf32>
      %get3A_29 = arith.constant 0 : index
      %get3A_30 = arith.constant 0 : index
      %get3A_31 = vector.load %arg5[%get3A_29, %get3A_30] : memref<1x128xf32, #tpu.memory_space<vmem>>, vector<1x128xf32>
      %add3A_32 = vector.broadcast %get3A_31 : vector<1x128xf32> to vector<1024x128xf32>
      %add3A_33 = arith.addf %mul3A_28, %add3A_32 : vector<1024x128xf32>
      %jit3A = arith.constant 0.000000e+00 : f32
      %broadcast_in_dim3A = vector.shape_cast %lt3A_3 : vector<1024x1xi1> to vector<1024x1xi1>
      %broadcast_in_dim3A_34 = vector.broadcast %broadcast_in_dim3A : vector<1024x1xi1> to vector<1024x128xi1>
      %broadcast_in_dim3A_35 = vector.broadcast %jit3A : f32 to vector<1024x128xf32>
      %select_n3A = arith.select %broadcast_in_dim3A_34, %add3A_33, %broadcast_in_dim3A_35 : vector<1024x128xi1>, vector<1024x128xf32>
      %mul3A_36 = arith.constant 1024 : i32
      %mul3A_37 = arith.muli %arg1, %mul3A_36 : i32
      %swap3A = arith.index_cast %mul3A_37 : i32 to index
      %swap3A_38 = arith.constant 0 : index
      %swap3A_39 = vector.load %arg10[%swap3A, %swap3A_38] : memref<10240x128xf32, #tpu.memory_space<vmem>>, vector<1024x128xf32>
      tpu.vector_store %arg10[%swap3A, %swap3A_38], %select_n3A {strides = array<i32>} : memref<10240x128xf32, #tpu.memory_space<vmem>>, vector<1024x128xf32>,
      %eq3A_40 = arith.constant 0 : i32
      %eq3A_41 = arith.cmpi eq, %arg1, %eq3A_40 : i32
      %convert_element_type3A_42 = arith.extui %eq3A_41 : i1 to i32
      %cond3A_43 = arith.constant 0 : i32
      %cond3A_44 = arith.cmpi ne, %convert_element_type3A_42, %cond3A_43 : i32
      scf.if %cond3A_44 {
        %broadcast_in_dim3A_70 = arith.constant 0.000000e+00 : f32
        %broadcast_in_dim3A_71 = vector.broadcast %broadcast_in_dim3A_70 : f32 to vector<8x128xf32>
        %swap3A_72 = arith.constant 0 : index
        %swap3A_73 = arith.constant 0 : index
        %swap3A_74 = vector.load %arg11[%swap3A_72, %swap3A_73] : memref<8x128xf32, #tpu.memory_space<vmem>>, vector<8x128xf32>
        tpu.vector_store %arg11[%swap3A_72, %swap3A_73], %broadcast_in_dim3A_71 {strides = array<i32>} : memref<8x128xf32, #tpu.memory_space<vmem>>, vector<8x128xf32>,
      } else {
      }
      %get3A_45 = arith.constant 0 : index
      %get3A_46 = arith.constant 0 : index
      %get3A_47 = vector.load %arg11[%get3A_45, %get3A_46] : memref<8x128xf32, #tpu.memory_space<vmem>>, vector<1x128xf32>
      %reduce_sum3A = arith.constant dense<0.000000e+00> : vector<128xf32>
      %reduce_sum3A_48 = vector.multi_reduction <add>, %select_n3A, %reduce_sum3A [0] : vector<1024x128xf32> to vector<128xf32>
      %broadcast_in_dim3A_49 = vector.shape_cast %reduce_sum3A_48 : vector<128xf32> to vector<1x128xf32>
      %add3A_50 = arith.addf %get3A_47, %broadcast_in_dim3A_49 : vector<1x128xf32>
      %swap3A_51 = arith.constant 0 : index
      %swap3A_52 = arith.constant 0 : index
      %swap3A_53 = vector.load %arg11[%swap3A_51, %swap3A_52] : memref<8x128xf32, #tpu.memory_space<vmem>>, vector<1x128xf32>
      tpu.vector_store %arg11[%swap3A_51, %swap3A_52], %add3A_50 {strides = array<i32>} : memref<8x128xf32, #tpu.memory_space<vmem>>, vector<1x128xf32>,
      %get3A_54 = arith.constant 1 : index
      %get3A_55 = arith.constant 0 : index
      %get3A_56 = vector.load %arg11[%get3A_54, %get3A_55] : memref<8x128xf32, #tpu.memory_space<vmem>>, vector<1x128xf32>
      %mul3A_57 = arith.mulf %select_n3A, %select_n3A : vector<1024x128xf32>
      %reduce_sum3A_58 = arith.constant dense<0.000000e+00> : vector<128xf32>
      %reduce_sum3A_59 = vector.multi_reduction <add>, %mul3A_57, %reduce_sum3A_58 [0] : vector<1024x128xf32> to vector<128xf32>
      %broadcast_in_dim3A_60 = vector.shape_cast %reduce_sum3A_59 : vector<128xf32> to vector<1x128xf32>
      %add3A_61 = arith.addf %get3A_56, %broadcast_in_dim3A_60 : vector<1x128xf32>
      %swap3A_62 = arith.constant 1 : index
      %swap3A_63 = arith.constant 0 : index
      %swap3A_64 = vector.load %arg11[%swap3A_62, %swap3A_63] : memref<8x128xf32, #tpu.memory_space<vmem>>, vector<1x128xf32>
      tpu.vector_store %arg11[%swap3A_62, %swap3A_63], %add3A_61 {strides = array<i32>} : memref<8x128xf32, #tpu.memory_space<vmem>>, vector<1x128xf32>,
      %broadcast_in_dim3A_65 = arith.constant 0.000000e+00 : f32
      %broadcast_in_dim3A_66 = vector.broadcast %broadcast_in_dim3A_65 : f32 to vector<1024x1xf32>
      %swap3A_67 = arith.constant 0 : index
      %swap3A_68 = arith.constant 0 : index
      %swap3A_69 = vector.load %arg9[%swap3A_67, %swap3A_68] : memref<1024x1xf32, #tpu.memory_space<vmem>>, vector<1024x1xf32>
      tpu.vector_store %arg9[%swap3A_67, %swap3A_68], %broadcast_in_dim3A_66 {strides = array<i32>} : memref<1024x1xf32, #tpu.memory_space<vmem>>, vector<1024x1xf32>,
    } else {
    }
    %eq3A_6 = arith.constant 1 : i32
    %eq3A_7 = arith.cmpi eq, %arg0, %eq3A_6 : i32
    %convert_element_type3A_8 = arith.extui %eq3A_7 : i1 to i32
    %cond3A_9 = arith.constant 0 : i32
    %cond3A_10 = arith.cmpi ne, %convert_element_type3A_8, %cond3A_9 : i32
    scf.if %cond3A_10 {
      %get3A = arith.constant 0 : index
      %get3A_11 = arith.constant 0 : index
      %get3A_12 = vector.load %arg11[%get3A, %get3A_11] : memref<8x128xf32, #tpu.memory_space<vmem>>, vector<1x128xf32>
      %mul3A_13 = arith.constant 9.99999974E-5 : f32
      %mul3A_14 = vector.broadcast %mul3A_13 : f32 to vector<1x128xf32>
      %mul3A_15 = arith.mulf %get3A_12, %mul3A_14 : vector<1x128xf32>
      %get3A_16 = arith.constant 1 : index
      %get3A_17 = arith.constant 0 : index
      %get3A_18 = vector.load %arg11[%get3A_16, %get3A_17] : memref<8x128xf32, #tpu.memory_space<vmem>>, vector<1x128xf32>
      %mul3A_19 = arith.constant 9.99999974E-5 : f32
      %mul3A_20 = vector.broadcast %mul3A_19 : f32 to vector<1x128xf32>
      %mul3A_21 = arith.mulf %get3A_18, %mul3A_20 : vector<1x128xf32>
      %mul3A_22 = arith.mulf %mul3A_15, %mul3A_15 : vector<1x128xf32>
      %sub3A = arith.subf %mul3A_21, %mul3A_22 : vector<1x128xf32>
      %add3A_23 = arith.constant 9.99999974E-6 : f32
      %add3A_24 = vector.broadcast %add3A_23 : f32 to vector<1x128xf32>
      %add3A_25 = arith.addf %sub3A, %add3A_24 : vector<1x128xf32>
      %rsqrt3A = math.rsqrt %add3A_25 : vector<1x128xf32>
      %mul3A_26 = arith.constant 1024 : i32
      %mul3A_27 = arith.muli %arg1, %mul3A_26 : i32
      %get3A_28 = arith.index_cast %mul3A_27 : i32 to index
      %get3A_29 = arith.constant 0 : index
      %get3A_30 = vector.load %arg10[%get3A_28, %get3A_29] : memref<10240x128xf32, #tpu.memory_space<vmem>>, vector<1024x128xf32>
      %sub3A_31 = vector.broadcast %mul3A_15 : vector<1x128xf32> to vector<1024x128xf32>
      %sub3A_32 = arith.subf %get3A_30, %sub3A_31 : vector<1024x128xf32>
      %get3A_33 = arith.constant 0 : index
      %get3A_34 = arith.constant 0 : index
      %get3A_35 = vector.load %arg6[%get3A_33, %get3A_34] : memref<1x128xf32, #tpu.memory_space<vmem>>, vector<1x128xf32>
      %mul3A_36 = arith.mulf %rsqrt3A, %get3A_35 : vector<1x128xf32>
      %mul3A_37 = vector.broadcast %mul3A_36 : vector<1x128xf32> to vector<1024x128xf32>
      %mul3A_38 = arith.mulf %sub3A_32, %mul3A_37 : vector<1024x128xf32>
      %get3A_39 = arith.constant 0 : index
      %get3A_40 = arith.constant 0 : index
      %get3A_41 = vector.load %arg7[%get3A_39, %get3A_40] : memref<1x128xf32, #tpu.memory_space<vmem>>, vector<1x128xf32>
      %add3A_42 = vector.broadcast %get3A_41 : vector<1x128xf32> to vector<1024x128xf32>
      %add3A_43 = arith.addf %mul3A_38, %add3A_42 : vector<1024x128xf32>
      %max3A = arith.constant 0.000000e+00 : f32
      %max3A_44 = vector.broadcast %max3A : f32 to vector<1024x128xf32>
      %max3A_45 = arith.maximumf %add3A_43, %max3A_44 : vector<1024x128xf32>
      %get3A_46 = arith.constant 0 : index
      %get3A_47 = arith.constant 0 : index
      %get3A_48 = vector.load %arg8[%get3A_46, %get3A_47] : memref<128x1xf32, #tpu.memory_space<vmem>>, vector<128x1xf32>
      %dot_general3A = arith.constant dense<0.000000e+00> : vector<1024x1xf32>
      %dot_general3A_49 = tpu.matmul %max3A_45, %get3A_48, %dot_general3A {dimension_numbers = #tpu.dot_dimension_numbers<[1], [0], [0], [1], [0, 0, 1, 1], [], []>, transpose_lhs_hint = false} : vector<1024x128xf32>, vector<128x1xf32>, vector<1024x1xf32> -> vector<1024x1xf32>
      %get3A_50 = arith.constant 0 : index
      %get3A_51 = arith.constant 0 : index
      %get3A_52 = vector.load %arg4[%get3A_50, %get3A_51] : memref<1024x1xf32, #tpu.memory_space<vmem>>, vector<1024x1xf32>
      %mul3A_53 = arith.mulf %dot_general3A_49, %get3A_52 : vector<1024x1xf32>
      %jit3A = arith.constant 0.000000e+00 : f32
      %broadcast_in_dim3A = vector.broadcast %jit3A : f32 to vector<1024x1xf32>
      %select_n3A = arith.select %lt3A_3, %mul3A_53, %broadcast_in_dim3A : vector<1024x1xi1>, vector<1024x1xf32>
      %swap3A = arith.constant 0 : index
      %swap3A_54 = arith.constant 0 : index
      %swap3A_55 = vector.load %arg9[%swap3A, %swap3A_54] : memref<1024x1xf32, #tpu.memory_space<vmem>>, vector<1024x1xf32>
      tpu.vector_store %arg9[%swap3A, %swap3A_54], %select_n3A {strides = array<i32>} : memref<1024x1xf32, #tpu.memory_space<vmem>>, vector<1024x1xf32>,
    } else {
    }
    return
  }
  func.func @transform_0(%arg0: i32, %arg1: i32) -> (i32, i32, i32) {
    %sub3A = arith.constant 1 : i32
    %sub3A_0 = arith.subi %sub3A, %arg0 : i32
    %mul3A = arith.muli %arg1, %sub3A_0 : i32
    %c0_i32 = arith.constant 0 : i32
    %c0_i32_1 = arith.constant 0 : i32
    %c0_i32_2 = arith.constant 0 : i32
    return %c0_i32, %mul3A, %c0_i32_1 : i32, i32, i32
  }
  func.func @transform_1(%arg0: i32, %arg1: i32) -> (i32, i32) {
    %sub3A = arith.constant 1 : i32
    %sub3A_0 = arith.subi %sub3A, %arg0 : i32
    %mul3A = arith.muli %arg1, %sub3A_0 : i32
    %c0_i32 = arith.constant 0 : i32
    %c0_i32_1 = arith.constant 0 : i32
    return %mul3A, %c0_i32 : i32, i32
  }
  func.func @transform_2(%arg0: i32, %arg1: i32) -> (i32, i32) {
    %c0_i32 = arith.constant 0 : i32
    %c0_i32_0 = arith.constant 0 : i32
    return %arg1, %c0_i32 : i32, i32
  }
  func.func @transform_3(%arg0: i32, %arg1: i32) -> (i32, i32) {
    %c0_i32 = arith.constant 0 : i32
    %c0_i32_0 = arith.constant 0 : i32
    %c0_i32_1 = arith.constant 0 : i32
    return %c0_i32, %c0_i32_0 : i32, i32
  }
  func.func @transform_4(%arg0: i32, %arg1: i32) -> (i32, i32) {
    %c0_i32 = arith.constant 0 : i32
    %c0_i32_0 = arith.constant 0 : i32
    %c0_i32_1 = arith.constant 0 : i32
    return %c0_i32, %c0_i32_0 : i32, i32
  }
  func.func @transform_5(%arg0: i32, %arg1: i32) -> (i32, i32) {
    %c0_i32 = arith.constant 0 : i32
    %c0_i32_0 = arith.constant 0 : i32
    %c0_i32_1 = arith.constant 0 : i32
    return %c0_i32, %c0_i32_0 : i32, i32
  }
  func.func @transform_6(%arg0: i32, %arg1: i32) -> (i32, i32) {
    %c0_i32 = arith.constant 0 : i32
    %c0_i32_0 = arith.constant 0 : i32
    %c0_i32_1 = arith.constant 0 : i32
    return %c0_i32, %c0_i32_0 : i32, i32
  }
  func.func @transform_7(%arg0: i32, %arg1: i32) -> (i32, i32) {
    %c0_i32 = arith.constant 0 : i32
    %c0_i32_0 = arith.constant 0 : i32
    return %arg1, %c0_i32 : i32, i32
  }
}

module attributes {stable_mosaic.version = 14 : i64} {
  func.func @_fin_body(%arg0: i32, %arg1: memref<2x1024x1xf32, #tpu.memory_space<vmem>>, %arg2: memref<1024x1xf32, #tpu.memory_space<vmem>>, %arg3: memref<1024x1xf32, #tpu.memory_space<vmem>>, %arg4: memref<1x1xf32, #tpu.memory_space<vmem>>, %arg5: memref<1024x1xf32, #tpu.memory_space<vmem>>) attributes {dimension_semantics = [#tpu.dimension_semantics<arbitrary>], iteration_bounds = array<i64: 10>, scalar_prefetch = 0 : i64, scratch_operands = 0 : i64, tpu.core_type = #tpu.core_type<tc>, window_params = [{transform_indices = @transform_0, window_bounds = array<i64: 2, 1024, 1>}, {transform_indices = @transform_1, window_bounds = array<i64: 1024, 1>}, {transform_indices = @transform_2, window_bounds = array<i64: 1024, 1>}, {pipeline_mode = #tpu.pipeline_mode<synchronous>, transform_indices = @transform_3, window_bounds = array<i64: 1, 1>}, {transform_indices = @transform_4, window_bounds = array<i64: 1024, 1>}]} {
    %get3A = arith.constant 0 : index
    %get3A_0 = arith.constant 0 : index
    %get3A_1 = arith.constant 0 : index
    %get3A_2 = vector.load %arg1[%get3A, %get3A_0, %get3A_1] : memref<2x1024x1xf32, #tpu.memory_space<vmem>>, vector<1x1024x1xf32>
    %get3A_3 = vector.shape_cast %get3A_2 : vector<1x1024x1xf32> to vector<1024x1xf32>
    %get3A_4 = arith.constant 1 : index
    %get3A_5 = arith.constant 0 : index
    %get3A_6 = arith.constant 0 : index
    %get3A_7 = vector.load %arg1[%get3A_4, %get3A_5, %get3A_6] : memref<2x1024x1xf32, #tpu.memory_space<vmem>>, vector<1x1024x1xf32>
    %get3A_8 = vector.shape_cast %get3A_7 : vector<1x1024x1xf32> to vector<1024x1xf32>
    %add3A = arith.addf %get3A_3, %get3A_8 : vector<1024x1xf32>
    %get3A_9 = arith.constant 0 : index
    %get3A_10 = arith.constant 0 : index
    %get3A_11 = vector.load %arg2[%get3A_9, %get3A_10] : memref<1024x1xf32, #tpu.memory_space<vmem>>, vector<1024x1xf32>
    %add3A_12 = arith.addf %add3A, %get3A_11 : vector<1024x1xf32>
    %get3A_13 = arith.constant 0 : index
    %get3A_14 = arith.constant 0 : index
    %get3A_15 = vector.load %arg3[%get3A_13, %get3A_14] : memref<1024x1xf32, #tpu.memory_space<vmem>>, vector<1024x1xf32>
    %mul3A = arith.mulf %add3A_12, %get3A_15 : vector<1024x1xf32>
    %get3A_16 = arith.constant 0 : index
    %get3A_17 = arith.constant 0 : index
    %get3A_18 = vector.load %arg4[%get3A_16, %get3A_17] : memref<1x1xf32, #tpu.memory_space<vmem>>, vector<1x1xf32>
    %add3A_19 = vector.broadcast %get3A_18 : vector<1x1xf32> to vector<1024x1xf32>
    %add3A_20 = arith.addf %mul3A, %add3A_19 : vector<1024x1xf32>
    %swap3A = arith.constant 0 : index
    %swap3A_21 = arith.constant 0 : index
    %swap3A_22 = vector.load %arg5[%swap3A, %swap3A_21] : memref<1024x1xf32, #tpu.memory_space<vmem>>, vector<1024x1xf32>
    tpu.vector_store %arg5[%swap3A, %swap3A_21], %add3A_20 {strides = array<i32>} : memref<1024x1xf32, #tpu.memory_space<vmem>>, vector<1024x1xf32>,
    return
  }
  func.func @transform_0(%arg0: i32) -> (i32, i32, i32) {
    %c0_i32 = arith.constant 0 : i32
    %c0_i32_0 = arith.constant 0 : i32
    %c0_i32_1 = arith.constant 0 : i32
    return %c0_i32, %arg0, %c0_i32_0 : i32, i32, i32
  }
  func.func @transform_1(%arg0: i32) -> (i32, i32) {
    %c0_i32 = arith.constant 0 : i32
    %c0_i32_0 = arith.constant 0 : i32
    return %arg0, %c0_i32 : i32, i32
  }
  func.func @transform_2(%arg0: i32) -> (i32, i32) {
    %c0_i32 = arith.constant 0 : i32
    %c0_i32_0 = arith.constant 0 : i32
    return %arg0, %c0_i32 : i32, i32
  }
  func.func @transform_3(%arg0: i32) -> (i32, i32) {
    %c0_i32 = arith.constant 0 : i32
    %c0_i32_0 = arith.constant 0 : i32
    %c0_i32_1 = arith.constant 0 : i32
    return %c0_i32, %c0_i32_0 : i32, i32
  }
  func.func @transform_4(%arg0: i32) -> (i32, i32) {
    %c0_i32 = arith.constant 0 : i32
    %c0_i32_0 = arith.constant 0 : i32
    return %arg0, %c0_i32 : i32, i32
  }
}

</mosaic_0001>

<sc_bundles>
// kernel: kernel.11.cloned.1.call-start
scs
__scs_entry_jumppad:
0x0: {  	(pc) =	sbr.rel $0x88, $3  }
0x1: {  	(tag) =	ssettag $0x0;
	lr =	simm.s32 $0x1  }
0x2: {  	[smem:$0x3F99] =	sst lr;
	_ =	strace $0xD0000000  }
0x3: {  	_ = 	snop  }
0x4: {  	_ = 	snop  }
0x5: {  	_ = 	snop  }
0x6: {  	_ = 	snop  }
0x7: {  	_ = 	snop  }
__scs_overlays_trampoline_lowered:
0x8: {  	[smem:$0x3FA8] =	sst s0  }
0x9: {  	[smem:$0x3FA9] =	sst s1  }
0xa: {  	[smem:$0x3FAA] =	sst s2  }
0xb: {  	[smem:$0x3FAB] =	sst s3  }
0xc: {  	[smem:$0x3FAC] =	sst s4  }
0xd: {  	[smem:$0x3FAD] =	sst s5  }
0xe: {  	[smem:$0x3FAE] =	sst s6  }
0xf: {  	[smem:$0x3FAF] =	sst s7  }
0x10: {  	[smem:$0x3FB0] =	sst s8  }
0x11: {  	[smem:$0x3FB1] =	sst s9;
	s0 =	simm.s32 @!p0 $0x0  }
0x12: {  	s1 =	sld [smem:$0x3F97];
	s0 =	simm.s32 @p0 $0x1  }
0x13: {  	[smem:$0x3FB2] =	sst s0;
	s0 =	simm.s32 @!p1 $0x0  }
0x14: {  	s2 =	sld [smem:$0x3F96];
	s0 =	simm.s32 @p1 $0x1  }
0x15: {  	[smem:$0x3FB3] =	sst s0;
	s0 =	simm.s32 @!p2 $0x0  }
0x16: {  	s3 =	sld [smem:$0x3FDB];
	s0 =	simm.s32 @p2 $0x1  }
0x17: {  	s4 =	simm.s32 $0x1BF5;
	[smem:$0x3FB5] =	sst s0  }
0x18: {  	s0 =	sld [smem:$0x3F98];
	_ =	swait.ge [sflag:s4], $0x0  }
0x19: {  	s7 =	sld [smem:$0x3F99]  }
0x1a: {  	s8 =	sadd.s32 $0xFFFFE003, lr  }
0x1b: {  	s9 =	sadd.s32 $0xFFFFFEF7, lr;
	s5 =	simm.s32 $0xFFFFFFFF;
	p2 =	slt.u32 s8, $0xFFFFF086  }
0x1c: {  	p1 =	slt.u32 s9, $0xF7A;
	s5 =	simm.s32 @!p2 $0x0  }
0x1d: {  	s5 =	simm.s32 @p1 $0x1;
	p0 =	seq.s32 s7, s2  }
0x1e: {  	s7 =	smul.u32 @!p0 $0xF7A, s2;
	p2 =	seq.s32 @!p0 s5, $0x0  }
0x1f: {  	s9 =	smul.u32 $0xF7A, s1;
	s8 =	simm.s32 @!p0 $0x1BF5;
	p2 =	por !p2, p0  }
0x20: {  	[sflag:s8] =	ssyncset.s32 @!p0 $0xFFFFF086;
	s6 =	sadd.s32 @!p0 s3, s7;
	s7 =	simm.s32 @!p0 $0x108  }
0x21: {  	s3 =	sadd.s32 s3, s9;
	s6 =	sadd.s32 @!p0 $0x88, s6;
	s7 =	simm.s32 @p2 $0x1082  }
0x22: {  	[simem:s7], [sflag:s8] =	dma.local @!p0 [hbm:s6], $0xF7A  }
0x23: {  	s9 =	sor.u32 $0xD0000000, s2;
	s6 =	simm.s32 $0x108;
	_ =	swait.ge @!p0 [sflag:s8], $0x0  }
0x24: {  	s3 =	sadd.s32 $0x88, s3;
	s6 =	simm.s32 @!p1 $0x1082;
	[sflag:s4] =	ssyncset.s32 $0xFFFFF086  }
0x25: {  	[simem:s6], [sflag:s4] =	dma.local [hbm:s3], $0xF7A  }
0x26: {  	[smem:$0x3F99] =	sst s1;
	(tag) =	ssettag s2;
	_ =	strace s9  }
0x27: {  	s1 =	sld [smem:$0x3FA9]  }
0x28: {  	s2 =	sld [smem:$0x3FAA]  }
0x29: {  	s4 =	sld [smem:$0x3FAC]  }
0x2a: {  	p0 =	seq.s32 s5, $0x0;
	s5 =	sld [smem:$0x3FAD]  }
0x2b: {  	s6 =	sld [smem:$0x3FAE]  }
0x2c: {  	s7 =	sld [smem:$0x3FAF]  }
0x2d: {  	s3 =	simm.s32 $0x108;
	s8 =	sld [smem:$0x3FB0]  }
0x2e: {  	s3 =	simm.s32 @!p0 $0x1082;
	s9 =	sld [smem:$0x3FB1]  }
0x2f: {  	lr =	sadd.s32 s0, s3;
	s0 =	sld [smem:$0x3FA8]  }
0x30: {  	s3 =	sld [smem:$0x3FAB]  }
0x31: {  	[smem:$0x3FB4] =	sst s10  }
0x32: {  	s10 =	sld [smem:$0x3FB2];
	_ =	sdelay $0x3  }
0x33: {  	p0 =	seq.s32 s10, $0x1;
	s10 =	sld [smem:$0x3FB4];
	_ =	sdelay $0x3  }
0x34: {  	[smem:$0x3FB4] =	sst s10  }
0x35: {  	s10 =	sld [smem:$0x3FB3];
	_ =	sdelay $0x3  }
0x36: {  	p1 =	seq.s32 s10, $0x1;
	s10 =	sld [smem:$0x3FB4];
	_ =	sdelay $0x3  }
0x37: {  	[smem:$0x3FB4] =	sst s10  }
0x38: {  	s10 =	sld [smem:$0x3FB5]  }
0x39: {  	_ = 	snop;
	(pc) =	sbr.ind lr, $3  }
0x3a: {  	_ = 	snop  }
0x3b: {  	_ = 	snop  }
0x3c: {  	p2 =	seq.s32 s10, $0x1;
	s10 =	sld [smem:$0x3FB4]  }
0x3d: {  	_ =	shalt  }
0x3e: {  	_ =	shalt  }
0x3f: {  	_ =	shalt  }
0x40: {  	_ =	shalt  }
0x41: {  	_ =	shalt  }
0x42: {  	_ =	shalt  }
0x43: {  	_ =	shalt  }
0x44: {  	_ =	shalt  }
0x45: {  	_ =	shalt  }
0x46: {  	_ =	shalt  }
0x47: {  	_ =	shalt  }
0x48: {  	_ =	shalt  }
0x49: {  	_ =	shalt  }
0x4a: {  	_ =	shalt  }
0x4b: {  	_ =	shalt  }
0x4c: {  	_ =	shalt  }
0x4d: {  	_ =	shalt  }
0x4e: {  	_ =	shalt  }
0x4f: {  	_ =	shalt  }
0x50: {  	_ =	shalt  }
0x51: {  	_ =	shalt  }
0x52: {  	_ =	shalt  }
0x53: {  	_ =	shalt  }
0x54: {  	_ =	shalt  }
0x55: {  	_ =	shalt  }
0x56: {  	_ =	shalt  }
0x57: {  	_ =	shalt  }
0x58: {  	_ =	shalt  }
0x59: {  	_ =	shalt  }
0x5a: {  	_ =	shalt  }
0x5b: {  	_ =	shalt  }
0x5c: {  	_ =	shalt  }
0x5d: {  	_ =	shalt  }
0x5e: {  	_ =	shalt  }
0x5f: {  	_ =	shalt  }
0x60: {  	_ =	shalt  }
0x61: {  	_ =	shalt  }
0x62: {  	_ =	shalt  }
0x63: {  	_ =	shalt  }
0x64: {  	_ =	shalt  }
0x65: {  	_ =	shalt  }
0x66: {  	_ =	shalt  }
0x67: {  	_ =	shalt  }
0x68: {  	_ =	shalt  }
0x69: {  	_ =	shalt  }
0x6a: {  	_ =	shalt  }
0x6b: {  	_ =	shalt  }
0x6c: {  	_ =	shalt  }
0x6d: {  	_ =	shalt  }
0x6e: {  	_ =	shalt  }
0x6f: {  	_ =	shalt  }
0x70: {  	_ =	shalt  }
0x71: {  	_ =	shalt  }
0x72: {  	_ =	shalt  }
0x73: {  	_ =	shalt  }
0x74: {  	_ =	shalt  }
0x75: {  	_ =	shalt  }
0x76: {  	_ =	shalt  }
0x77: {  	_ =	shalt  }
0x78: {  	_ =	shalt  }
0x79: {  	_ =	shalt  }
0x7a: {  	_ =	shalt  }
0x7b: {  	_ =	shalt  }
0x7c: {  	_ =	shalt  }
0x7d: {  	_ =	shalt  }
0x7e: {  	_ =	shalt  }
0x7f: {  	_ =	shalt  }
0x80: {  	_ =	shalt  }
0x81: {  	_ =	shalt  }
0x82: {  	_ =	shalt  }
0x83: {  	_ =	shalt  }
0x84: {  	_ =	shalt  }
0x85: {  	_ =	shalt  }
0x86: {  	_ =	shalt  }
0x87: {  	_ =	shalt  }
.Lfunc_end0:
.L_simem_size_0:
called_computation.1_lowered:
.L_overlay_start_0:
0x88: {  	s2 =	sld [smem:$0x3FD9]  }
0x89: {  	s3 =	sld [smem:$0x3FFE];
	_ =	sdelay $0x1  }
0x8a: {  	s1 =	srdreg.scid  }
0x8b: {  	s0 =	sand.u32 $0x1, s1  }
0x8c: {  	s16 =	sshll.u32 s0, $0xA;
	s2 =	sadd.s32 s3, s2  }
0x8d: {  	s2 =	sadd.s32 s2, s16  }
0x8e: {  	[smem:$0x3FC0] =	sst s2  }
0x8f: {  	_ = 	snop  }
0x90: {  	(tm) =	ssettm $0x1  }
0x91: {  	s17 =	sld [smem:$0x3FFB];
	_ =	sdelay $0x3  }
0x92: {  	_ =	strace s17  }
0x93: {  	s2 =	sld [smem:$0x3FFC];
	_ =	sdelay $0x3  }
0x94: {  	_ =	strace s2  }
0x95: {  	s2 =	sld [smem:$0x3FFD];
	_ =	sdelay $0x3  }
0x96: {  	_ =	strace s2  }
0x97: {  	_ =	strace $0x8FFFFFFF  }
0x98: {  	s18 =	sld [smem:$0x3FDB];
	_ =	sdelay $0x1  }
0x99: {  	s19 =	simm.s32 $_scs_section_size  }
0x9a: {  	s4 =	simm.s32 $_size__tile_overlayer_lowered;
	s5 =	simm.s32 $_tile_overlayer_lowered  }
0x9b: {  	s22 =	simm.s32 $0x1BFF;
	s21 =	sshll.u32 s5, $0x1;
	s2 =	sadd.s32 s19, s18  }
0x9c: {  	s6 =	simm.s32 $0x0;
	s20 =	sshll.u32 s4, $0x1;
	s4 =	sadd.s32 s21, s2  }
0x9d: {  	[timem:s6], [sflag:s22] =	dma.local [hbm:s4], s20  }
0x9e: {  	_ =	swait.ge [sflag:s22], s20  }
0x9f: {  	s3 =	ssub.s32 $0x0, s20;
	[sflag:s22] =	ssyncset.done $0x0  }
0xa0: {  	[sflag:s22] =	ssyncadd.s32 s3;
	_ =	sdelay $0x1  }
0xa1: {  	s23 =	simm.s32 $0x1B8B  }
0xa2: {  	_ =	swait.ge [sflag:s23], $0x1  }
0xa3: {  	[sflag:s23] =	ssyncset.done $0x0  }
0xa4: {  	s25 =	simm.s32 $0x1B8E;
	s24 =	sld [smem:$0x3FFE];
	[sflag:s23] =	ssyncadd.s32 $0xFFFFFFFF  }
0xa5: {  	s26 =	simm.s32 $execute0_lowered;
	[smem:$0x3FD2] =	sst s25  }
0xa6: {  	s4 =	sshll.u32 s26, $0x1;
	_ =	strace $0x80000049;
	[dreg:$0x1] =	wrdreg $0xFFFFFFFF  }
0xa7: {  	s28 =	simm.s32 $_size_execute0_lowered;
	s2 =	sadd.s32 s2, s4;
	[dreg:$0x0] =	wrdreg $0x0  }
0xa8: {  	s4 =	sshll.u32 s28, $0x1;
	[dreg:$0x2] =	wrdreg s2  }
0xa9: {  	[dreg:$0x3] =	wrdreg s4  }
0xaa: {  	[dreg:$0x4] =	wrdreg $0xC0  }
0xab: {  	_ =	task [dreg:s6], $0x5FFFF  }
0xac: {  	[dreg:$0x1] =	wrdreg $0xFFFFFFFF  }
0xad: {  	[dreg:$0x0] =	wrdreg $0x60  }
0xae: {  	[dreg:$0x2] =	wrdreg s24  }
0xaf: {  	[dreg:$0x3] =	wrdreg $0x84000  }
0xb0: {  	[dreg:$0x4] =	wrdreg $0x9  }
0xb1: {  	_ =	task.clear_ibuf [dreg:s6], $0x5FFFF;
	_ =	strace $0x90000049  }
0xb2: {  	s29 =	simm.s32 $0x9;
	_ =	strace $0x8000004B  }
0xb3: {  	_ =	swait.ge [sflag:s29], $0x1  }
0xb4: {  	[sflag:s29] =	ssyncadd.s32 $0xFFFFFFFF  }
0xb5: {  	_ =	strace $0x9000004B  }
0xb6: {  	_ =	sfence  }
0xb7: {  	s30 =	sld [smem:$0x0];
	_ =	sdelay $0x2  }
0xb8: {  	s31 =	sshll.u32 s1, $0xD;
	s1 =	sshrl.u32 s1, $0x2  }
0xb9: {  	s3 =	sand.u32 $0x4000, s31;
	s1 =	sadd.s32 s1, s30  }
0xba: {  	s0 =	sor.u32 s3, s0;
	s1 =	sshll.u32 s1, $0x11  }
0xbb: {  	s0 =	sor.u32 s1, s0  }
0xbc: {  	s0 =	sadd.s32 $0x8F2B, s0  }
0xbd: {  	[sflag:s0] =	ssyncadd.remote.s32 $0x1  }
0xbe: {  	_ =	sfence.sel $0xFFFF  }
0xbf: {  	[dreg:$0x0] =	wrdreg $0xFFFFFFFF;
	(pc) =	sbr.abs _section_cstart, $3  }
0xc0: {  	[dreg:$0x1] =	wrdreg $0xFFFFFFFF  }
0xc1: {  	_ =	task.clear_ibuf [dreg:s6], $0x2FFFF;
	_ =	strace $0x9FFFFFFF  }
0xc2: {  	(tm) =	ssettm $0x7FFFFFFF  }
0xc3: {  	_ =	shalt  }
tec
execute0_lowered:
.L_overlay_start_1:
0x0: {  	(tag) =	ssettag $0x1  }
0x1: {  	s0 =	rddreg [dreg:$0x0]  }
0x2: {  	s1 =	srdreg.scid;
	s12 =	stileid.u32  }
0x3: {  	s2 =	rddreg [dreg:$0x1];
	s3 =	simm.s32 $0x0;
	s28 =	simm.s32 $0x2  }
0x4: {  	s29 =	simm.s32 $0x300;
	s30 =	simm.s32 $0x4400;
	s5 =	smul.u32 $0x14000, s12  }
0x5: {  	s31 =	simm.s32 $0x180;
	s1 =	sand.u32 $0x1, s1;
	s11 =	smul.u32 $0x50000, s12  }
0x6: {  	[smem:$0x7FF] =	sst s3;
	s4 =	sadd.s32 $0x15E00, s0;
	s22 =	smul.u32 $0x50, s12  }
0x7: {  	s8 =	sadd.s32 $0x1E00, s0;
	s21 =	sshll.u32 s12, $0x6;
	s6 =	smul.u32 $0x140000, s1  }
0x8: {  	_ =	strace $0x8000004A;
	s7 =	ssub.s32 $0x2, s1;
	s10 =	sshll.u32 s1, $0x4  }
0x9: {  	s1 =	smul.u32 $0x500, s1;
	s9 =	sshrl.u32 s7, $0x1;
	s17 =	sor.u32 s12, s10  }
0xa: {  	s18 =	sshrl.u32 s11, $0x2;
	s6 =	sadd.s32 s5, s6;
	s9 =	ssub.s32 s7, s9  }
0xb: {  	s5 =	sshrl.u32 s5, $0x3;
	s10 =	smul.u32 $0xA00, s17;
	s20 =	sadd.s32 s18, s2  }
0xc: {  	s19 =	smul.u32 $0x5000, s17;
	s7 =	sor.u32 $0x1C04, s21;
	s1 =	sadd.s32 s22, s1  }
0xd: {  	s21 =	simm.s32 $0x4;
	s22 =	simm.s32 $0x100;
	s6 =	sshrl.u32 s6, $0x3  }
0xe: {  	s5 =	sadd.s32 s4, s5;
	s1 =	sshll.u32 s1, $0x5;
	s17 =	smax.u32 s9, $0x1  }
0xf: {  	s20 =	sshrl.u32 s20, $0x3;
	s0 =	sadd.s32 s6, s0;
	[dreg:$0x3] =	wrdreg s5  }
0x10: {  	s6 =	sadd.s32 s8, s10;
	s5 =	sshrl.u32 s19, $0x3;
	s16 =	sadd.s32 s1, s8  }
0x11: {  	s1 =	simm.s32 $0x3;
	s10 =	sadd.s32 $0x20, s6;
	s23 =	sadd.s32 $0x40, s6  }
0x12: {  	s24 =	sadd.s32 $0x60, s6;
	s25 =	sadd.s32 $0x80, s6;
	[dreg:$0x4] =	wrdreg s10  }
0x13: {  	s26 =	sadd.s32 $0xA0, s6;
	s13 =	sadd.s32 $0xC0, s6;
	[dreg:$0x5] =	wrdreg s23  }
0x14: {  	s5 =	sadd.s32 s8, s5;
	s15 =	sadd.s32 $0x3DE00, s0;
	[dreg:$0x6] =	wrdreg s24  }
0x15: {  	s18 =	sadd.s32 $0x140, s16;
	s19 =	sadd.s32 $0x100, s16;
	[dreg:$0x7] =	wrdreg s25  }
0x16: {  	s0 =	simm.s32 $0x280;
	s8 =	simm.s32 $0x0;
	[dreg:$0x8] =	wrdreg s26  }
0x17: {  	s14 =	sadd.s32 $0x9E0, s5;
	s23 =	simm.s32 $0x200;
	s24 =	simm.s32 $0x1  }
0x18: {  	s25 =	simm.s32 $0x80;
	s26 =	simm.s32 $0x400;
	s5 =	simm.s32 $0x380  }
.LBB2_1:
0x19: {  	s9 =	rddreg [dreg:$0x3]  }
0x1a: {  	[spmem:s20], [sflag:s7] =	dma.local [hbm:s9], $0x2800  }
0x1b: {  	_ =	swait.ge [sflag:s21], $0x2800  }
0x1c: {  	[sflag:s21] =	ssyncset.done $0x0  }
0x1d: {  	[sflag:s21] =	ssyncadd.s32 $0xFFFFD800  }
0x1e: {  	[bflag:$0x0] =	sbarrier.arrive $0xFFFF  }
0x1f: {  	[tilespmem:s3], [sflag:$0x1] =	stream.linear.gather [hbm4b:s6+s3], $0x100, $0x38;
	[tilespmem:$0x1C400] =	vst v63  }
0x20: {  	s10 =	rddreg [dreg:$0x4]  }
0x21: {  	[tilespmem:s22], [sflag:$0x1] =	stream.linear.gather [hbm4b:s10+s3], $0x100, $0x38;
	[tilespmem:$0x1C400] =	vst v63  }
0x22: {  	s11 =	rddreg [dreg:$0x5]  }
0x23: {  	[tilespmem:s23], [sflag:$0x1] =	stream.linear.gather [hbm4b:s11+s3], $0x100, $0x38;
	[tilespmem:$0x1C400] =	vst v63  }
0x24: {  	_ =	swait.ge [sflag:s24], $0x100  }
0x25: {  	[sflag:s24] =	ssyncset.done $0x0  }
0x26: {  	[sflag:s24] =	ssyncadd.s32 $0xFFFFFF00  }
0x27: {  	[tilespmem:s26], [sflag:$0x2] =	stream.indirect.gather [hbm4b:s4+s25], $0x80, s3, s25, $0xb8;
	[tilespmem:$0x1C400] =	vst v63  }
0x28: {  	_ =	swait.ge [sflag:s28], $0x4000  }
0x29: {  	[sflag:s28] =	ssyncset.done $0x0  }
0x2a: {  	[sflag:s28] =	ssyncadd.s32 $0xFFFFC000  }
0x2b: {  	[spmem:s2] =	stream.indirect.scatter.add.f32 [tilespmem:s26], [sflag:$0x3], $0x80, s25, s25, $0xb8;
	[tilespmem:$0x1C400] =	vst v63  }
0x2c: {  	s12 =	rddreg [dreg:$0x6]  }
0x2d: {  	[tilespmem:s29], [sflag:$0x1] =	stream.linear.gather [hbm4b:s12+s3], $0x100, $0x38;
	[tilespmem:$0x1C400] =	vst v63  }
0x2e: {  	_ =	swait.ge [sflag:s24], $0x100  }
0x2f: {  	[sflag:s24] =	ssyncset.done $0x0  }
0x30: {  	[sflag:s24] =	ssyncadd.s32 $0xFFFFFF00  }
0x31: {  	[tilespmem:s30], [sflag:$0x2] =	stream.indirect.gather [hbm4b:s4+s25], $0x80, s22, s25, $0xb8;
	[tilespmem:$0x1C400] =	vst v63  }
0x32: {  	_ =	swait.ge [sflag:s28], $0x4000  }
0x33: {  	[sflag:s28] =	ssyncset.done $0x0  }
0x34: {  	[sflag:s28] =	ssyncadd.s32 $0xFFFFC000  }
0x35: {  	[spmem:s2] =	stream.indirect.scatter.add.f32 [tilespmem:s30], [sflag:$0x3], $0x80, s31, s25, $0xb8;
	[tilespmem:$0x1C400] =	vst v63  }
0x36: {  	_ =	swait.ge [sflag:s1], $0x4000  }
0x37: {  	[sflag:s1] =	ssyncset.done $0x0  }
0x38: {  	s10 =	rddreg [dreg:$0x7];
	[sflag:s1] =	ssyncadd.s32 $0xFFFFC000  }
0x39: {  	[tilespmem:s3], [sflag:$0x1] =	stream.linear.gather [hbm4b:s10+s3], $0x100, $0x38;
	[tilespmem:$0x1C400] =	vst v63  }
0x3a: {  	_ =	swait.ge [sflag:s24], $0x100  }
0x3b: {  	[sflag:s24] =	ssyncset.done $0x0  }
0x3c: {  	[sflag:s24] =	ssyncadd.s32 $0xFFFFFF00  }
0x3d: {  	[tilespmem:s26], [sflag:$0x2] =	stream.indirect.gather [hbm4b:s4+s25], $0x80, s23, s25, $0xb8;
	[tilespmem:$0x1C400] =	vst v63  }
0x3e: {  	_ =	swait.ge [sflag:s28], $0x4000  }
0x3f: {  	[sflag:s28] =	ssyncset.done $0x0  }
0x40: {  	[sflag:s28] =	ssyncadd.s32 $0xFFFFC000  }
0x41: {  	[spmem:s2] =	stream.indirect.scatter.add.f32 [tilespmem:s26], [sflag:$0x3], $0x80, s0, s25, $0xb8;
	[tilespmem:$0x1C400] =	vst v63  }
0x42: {  	_ =	swait.ge [sflag:s1], $0x4000  }
0x43: {  	[sflag:s1] =	ssyncset.done $0x0  }
0x44: {  	s11 =	rddreg [dreg:$0x8];
	[sflag:s1] =	ssyncadd.s32 $0xFFFFC000  }
0x45: {  	[tilespmem:s22], [sflag:$0x1] =	stream.linear.gather [hbm4b:s11+s3], $0x100, $0x38;
	[tilespmem:$0x1C400] =	vst v63  }
0x46: {  	_ =	swait.ge [sflag:s24], $0x100  }
0x47: {  	[sflag:s24] =	ssyncset.done $0x0  }
0x48: {  	[sflag:s24] =	ssyncadd.s32 $0xFFFFFF00  }
0x49: {  	[tilespmem:s30], [sflag:$0x2] =	stream.indirect.gather [hbm4b:s4+s25], $0x80, s29, s25, $0xb8;
	[tilespmem:$0x1C400] =	vst v63  }
0x4a: {  	_ =	swait.ge [sflag:s28], $0x4000  }
0x4b: {  	[sflag:s28] =	ssyncset.done $0x0  }
0x4c: {  	[sflag:s28] =	ssyncadd.s32 $0xFFFFC000  }
0x4d: {  	[spmem:s2] =	stream.indirect.scatter.add.f32 [tilespmem:s30], [sflag:$0x3], $0x80, s5, s25, $0xb8;
	[tilespmem:$0x1C400] =	vst v63  }
0x4e: {  	_ =	swait.ge [sflag:s1], $0x4000  }
0x4f: {  	[sflag:s1] =	ssyncset.done $0x0  }
0x50: {  	[sflag:s1] =	ssyncadd.s32 $0xFFFFC000  }
0x51: {  	[tilespmem:s23], [sflag:$0x1] =	stream.linear.gather [hbm4b:s13+s3], $0x100, $0x38;
	[tilespmem:$0x1C400] =	vst v63  }
0x52: {  	_ =	swait.ge [sflag:s24], $0x100  }
0x53: {  	[sflag:s24] =	ssyncset.done $0x0  }
0x54: {  	[sflag:s24] =	ssyncadd.s32 $0xFFFFFF00  }
0x55: {  	[tilespmem:s26], [sflag:$0x2] =	stream.indirect.gather [hbm4b:s4+s25], $0x80, s3, s25, $0xb8;
	[tilespmem:$0x1C400] =	vst v63  }
0x56: {  	_ =	swait.ge [sflag:s28], $0x4000  }
0x57: {  	[sflag:s28] =	ssyncset.done $0x0  }
0x58: {  	[sflag:s28] =	ssyncadd.s32 $0xFFFFC000  }
0x59: {  	[spmem:s2] =	stream.indirect.scatter.add.f32 [tilespmem:s26], [sflag:$0x3], $0x80, s25, s25, $0xb8;
	[tilespmem:$0x1C400] =	vst v63  }
0x5a: {  	_ =	swait.ge [sflag:s1], $0x4000  }
0x5b: {  	s12 =	sadd.s32 $0x0, s16;
	[sflag:s1] =	ssyncset.done $0x0  }
0x5c: {  	s10 =	sadd.s32 $0xE0, s12;
	[sflag:s1] =	ssyncadd.s32 $0xFFFFC000  }
0x5d: {  	[tilespmem:s29], [sflag:$0x1] =	stream.linear.gather [hbm4b:s10+s3], $0x100, $0x38;
	[tilespmem:$0x1C400] =	vst v63  }
0x5e: {  	_ =	swait.ge [sflag:s24], $0x100  }
0x5f: {  	[sflag:s24] =	ssyncset.done $0x0  }
0x60: {  	[sflag:s24] =	ssyncadd.s32 $0xFFFFFF00  }
0x61: {  	[tilespmem:s30], [sflag:$0x2] =	stream.indirect.gather [hbm4b:s4+s25], $0x80, s22, s25, $0xb8;
	[tilespmem:$0x1C400] =	vst v63  }
0x62: {  	_ =	swait.ge [sflag:s28], $0x4000  }
0x63: {  	[sflag:s28] =	ssyncset.done $0x0  }
0x64: {  	[sflag:s28] =	ssyncadd.s32 $0xFFFFC000  }
0x65: {  	[spmem:s2] =	stream.indirect.scatter.add.f32 [tilespmem:s30], [sflag:$0x3], $0x80, s31, s25, $0xb8;
	[tilespmem:$0x1C400] =	vst v63  }
0x66: {  	_ =	swait.ge [sflag:s1], $0x4000  }
0x67: {  	[sflag:s1] =	ssyncset.done $0x0  }
0x68: {  	s11 =	sadd.s32 $0x0, s19;
	[sflag:s1] =	ssyncadd.s32 $0xFFFFC000  }
0x69: {  	[tilespmem:s3], [sflag:$0x1] =	stream.linear.gather [hbm4b:s11+s3], $0x100, $0x38;
	[tilespmem:$0x1C400] =	vst v63  }
0x6a: {  	_ =	swait.ge [sflag:s24], $0x100  }
0x6b: {  	[sflag:s24] =	ssyncset.done $0x0  }
0x6c: {  	[sflag:s24] =	ssyncadd.s32 $0xFFFFFF00  }
0x6d: {  	[tilespmem:s26], [sflag:$0x2] =	stream.indirect.gather [hbm4b:s4+s25], $0x80, s23, s25, $0xb8;
	[tilespmem:$0x1C400] =	vst v63  }
0x6e: {  	_ =	swait.ge [sflag:s28], $0x4000  }
0x6f: {  	[sflag:s28] =	ssyncset.done $0x0  }
0x70: {  	[sflag:s28] =	ssyncadd.s32 $0xFFFFC000  }
0x71: {  	[spmem:s2] =	stream.indirect.scatter.add.f32 [tilespmem:s26], [sflag:$0x3], $0x80, s0, s25, $0xb8;
	[tilespmem:$0x1C400] =	vst v63  }
0x72: {  	_ =	swait.ge [sflag:s1], $0x4000  }
0x73: {  	[sflag:s1] =	ssyncset.done $0x0  }
0x74: {  	s9 =	sadd.s32 $0x120, s12;
	[sflag:s1] =	ssyncadd.s32 $0xFFFFC000  }
0x75: {  	[tilespmem:s22], [sflag:$0x1] =	stream.linear.gather [hbm4b:s9+s3], $0x100, $0x38;
	[tilespmem:$0x1C400] =	vst v63  }
0x76: {  	_ =	swait.ge [sflag:s24], $0x100  }
0x77: {  	[sflag:s24] =	ssyncset.done $0x0  }
0x78: {  	[sflag:s24] =	ssyncadd.s32 $0xFFFFFF00  }
0x79: {  	[tilespmem:s30], [sflag:$0x2] =	stream.indirect.gather [hbm4b:s4+s25], $0x80, s29, s25, $0xb8;
	[tilespmem:$0x1C400] =	vst v63  }
0x7a: {  	_ =	swait.ge [sflag:s28], $0x4000  }
0x7b: {  	[sflag:s28] =	ssyncset.done $0x0  }
0x7c: {  	[sflag:s28] =	ssyncadd.s32 $0xFFFFC000  }
0x7d: {  	[spmem:s2] =	stream.indirect.scatter.add.f32 [tilespmem:s30], [sflag:$0x3], $0x80, s5, s25, $0xb8;
	[tilespmem:$0x1C400] =	vst v63  }
0x7e: {  	_ =	swait.ge [sflag:s1], $0x4000  }
0x7f: {  	[sflag:s1] =	ssyncset.done $0x0  }
0x80: {  	s12 =	sadd.s32 $0x0, s18;
	[sflag:s1] =	ssyncadd.s32 $0xFFFFC000  }
0x81: {  	[tilespmem:s23], [sflag:$0x1] =	stream.linear.gather [hbm4b:s12+s3], $0x100, $0x38;
	[tilespmem:$0x1C400] =	vst v63  }
0x82: {  	_ =	swait.ge [sflag:s24], $0x100  }
0x83: {  	[sflag:s24] =	ssyncset.done $0x0  }
0x84: {  	s9 =	simm.s32 $0x80;
	[sflag:s24] =	ssyncadd.s32 $0xFFFFFF00  }
.LBB2_2:
0x85: {  	[tilespmem:s26], [sflag:$0x2] =	stream.indirect.gather [hbm4b:s4+s25], $0x80, s3, s25, $0xb8;
	[tilespmem:$0x1C400] =	vst v63  }
0x86: {  	s10 =	smov.u32 s9  }
0x87: {  	p0 =	sne.s32 s9, $0x880;
	s9 =	sadd.s32 $0x80, s9;
	_ =	swait.ge [sflag:s28], $0x4000  }
0x88: {  	[sflag:s28] =	ssyncset.done $0x0  }
0x89: {  	[sflag:s28] =	ssyncadd.s32 $0xFFFFC000  }
0x8a: {  	[spmem:s2] =	stream.indirect.scatter.add.f32 [tilespmem:s26], [sflag:$0x3], $0x80, s25, s25, $0xb8;
	[tilespmem:$0x1C400] =	vst v63  }
0x8b: {  	_ =	swait.ge [sflag:s1], $0x4000  }
0x8c: {  	s11 =	sadd.s32 s10, s16;
	[sflag:s1] =	ssyncset.done $0x0  }
0x8d: {  	s12 =	sadd.s32 $0xE0, s11;
	[sflag:s1] =	ssyncadd.s32 $0xFFFFC000  }
0x8e: {  	[tilespmem:s29], [sflag:$0x1] =	stream.linear.gather [hbm4b:s12+s3], $0x100, $0x38;
	[tilespmem:$0x1C400] =	vst v63  }
0x8f: {  	_ =	swait.ge [sflag:s24], $0x100  }
0x90: {  	[sflag:s24] =	ssyncset.done $0x0  }
0x91: {  	[sflag:s24] =	ssyncadd.s32 $0xFFFFFF00  }
0x92: {  	[tilespmem:s30], [sflag:$0x2] =	stream.indirect.gather [hbm4b:s4+s25], $0x80, s22, s25, $0xb8;
	[tilespmem:$0x1C400] =	vst v63  }
0x93: {  	_ =	swait.ge [sflag:s28], $0x4000  }
0x94: {  	[sflag:s28] =	ssyncset.done $0x0  }
0x95: {  	[sflag:s28] =	ssyncadd.s32 $0xFFFFC000  }
0x96: {  	[spmem:s2] =	stream.indirect.scatter.add.f32 [tilespmem:s30], [sflag:$0x3], $0x80, s31, s25, $0xb8;
	[tilespmem:$0x1C400] =	vst v63  }
0x97: {  	_ =	swait.ge [sflag:s1], $0x4000  }
0x98: {  	[sflag:s1] =	ssyncset.done $0x0  }
0x99: {  	s12 =	sadd.s32 s10, s19;
	[sflag:s1] =	ssyncadd.s32 $0xFFFFC000  }
0x9a: {  	[tilespmem:s3], [sflag:$0x1] =	stream.linear.gather [hbm4b:s12+s3], $0x100, $0x38;
	[tilespmem:$0x1C400] =	vst v63  }
0x9b: {  	_ =	swait.ge [sflag:s24], $0x100  }
0x9c: {  	[sflag:s24] =	ssyncset.done $0x0  }
0x9d: {  	[sflag:s24] =	ssyncadd.s32 $0xFFFFFF00  }
0x9e: {  	[tilespmem:s26], [sflag:$0x2] =	stream.indirect.gather [hbm4b:s4+s25], $0x80, s23, s25, $0xb8;
	[tilespmem:$0x1C400] =	vst v63  }
0x9f: {  	_ =	swait.ge [sflag:s28], $0x4000  }
0xa0: {  	[sflag:s28] =	ssyncset.done $0x0  }
0xa1: {  	[sflag:s28] =	ssyncadd.s32 $0xFFFFC000  }
0xa2: {  	[spmem:s2] =	stream.indirect.scatter.add.f32 [tilespmem:s26], [sflag:$0x3], $0x80, s0, s25, $0xb8;
	[tilespmem:$0x1C400] =	vst v63  }
0xa3: {  	_ =	swait.ge [sflag:s1], $0x4000  }
0xa4: {  	[sflag:s1] =	ssyncset.done $0x0  }
0xa5: {  	s11 =	sadd.s32 $0x120, s11;
	[sflag:s1] =	ssyncadd.s32 $0xFFFFC000  }
0xa6: {  	[tilespmem:s22], [sflag:$0x1] =	stream.linear.gather [hbm4b:s11+s3], $0x100, $0x38;
	[tilespmem:$0x1C400] =	vst v63  }
0xa7: {  	_ =	swait.ge [sflag:s24], $0x100  }
0xa8: {  	[sflag:s24] =	ssyncset.done $0x0  }
0xa9: {  	[sflag:s24] =	ssyncadd.s32 $0xFFFFFF00  }
0xaa: {  	[tilespmem:s30], [sflag:$0x2] =	stream.indirect.gather [hbm4b:s4+s25], $0x80, s29, s25, $0xb8;
	[tilespmem:$0x1C400] =	vst v63  }
0xab: {  	_ =	swait.ge [sflag:s28], $0x4000  }
0xac: {  	[sflag:s28] =	ssyncset.done $0x0  }
0xad: {  	[sflag:s28] =	ssyncadd.s32 $0xFFFFC000  }
0xae: {  	[spmem:s2] =	stream.indirect.scatter.add.f32 [tilespmem:s30], [sflag:$0x3], $0x80, s5, s25, $0xb8;
	[tilespmem:$0x1C400] =	vst v63  }
0xaf: {  	_ =	swait.ge [sflag:s1], $0x4000  }
0xb0: {  	[sflag:s1] =	ssyncset.done $0x0  }
.Ltmp0:
0xb1: {  	s10 =	sadd.s32 s10, s18;
	[sflag:s1] =	ssyncadd.s32 $0xFFFFC000;
	(pc) =	sbr.rel @p0 .LBB2_2-.Ltmp0, $4  }
0xb2: {  	[tilespmem:s23], [sflag:$0x1] =	stream.linear.gather [hbm4b:s10+s3], $0x100, $0x38;
	[tilespmem:$0x1C400] =	vst v63  }
0xb3: {  	_ =	swait.ge [sflag:s24], $0x100  }
0xb4: {  	[sflag:s24] =	ssyncset.done $0x0  }
0xb5: {  	[sflag:s24] =	ssyncadd.s32 $0xFFFFFF00  }
0xb6: {  	[tilespmem:s26], [sflag:$0x2] =	stream.indirect.gather [hbm4b:s4+s25], $0x80, s3, s25, $0xb8;
	[tilespmem:$0x1C400] =	vst v63  }
0xb7: {  	_ =	swait.ge [sflag:s28], $0x4000  }
0xb8: {  	[sflag:s28] =	ssyncset.done $0x0  }
0xb9: {  	[sflag:s28] =	ssyncadd.s32 $0xFFFFC000  }
0xba: {  	[spmem:s2] =	stream.indirect.scatter.add.f32 [tilespmem:s26], [sflag:$0x3], $0x80, s25, s25, $0xb8;
	[tilespmem:$0x1C400] =	vst v63  }
0xbb: {  	_ =	swait.ge [sflag:s1], $0x4000  }
0xbc: {  	[sflag:s1] =	ssyncset.done $0x0  }
0xbd: {  	[sflag:s1] =	ssyncadd.s32 $0xFFFFC000  }
0xbe: {  	[tilespmem:s29], [sflag:$0x1] =	stream.linear.gather [hbm4b:s14+s3], $0x100, $0x38;
	[tilespmem:$0x1C400] =	vst v63  }
0xbf: {  	_ =	swait.ge [sflag:s24], $0x100  }
0xc0: {  	[sflag:s24] =	ssyncset.done $0x0  }
0xc1: {  	[sflag:s24] =	ssyncadd.s32 $0xFFFFFF00  }
0xc2: {  	[tilespmem:s30], [sflag:$0x2] =	stream.indirect.gather [hbm4b:s4+s25], $0x80, s22, s25, $0xb8;
	[tilespmem:$0x1C400] =	vst v63  }
0xc3: {  	_ =	swait.ge [sflag:s28], $0x4000  }
0xc4: {  	[sflag:s28] =	ssyncset.done $0x0  }
0xc5: {  	[sflag:s28] =	ssyncadd.s32 $0xFFFFC000  }
0xc6: {  	[spmem:s2] =	stream.indirect.scatter.add.f32 [tilespmem:s30], [sflag:$0x3], $0x80, s31, s25, $0xb8;
	[tilespmem:$0x1C400] =	vst v63  }
0xc7: {  	_ =	swait.ge [sflag:s1], $0x4000  }
0xc8: {  	[sflag:s1] =	ssyncset.done $0x0  }
0xc9: {  	[sflag:s1] =	ssyncadd.s32 $0xFFFFC000  }
0xca: {  	_ =	swait.ge [sflag:s24], $0x100  }
0xcb: {  	[sflag:s24] =	ssyncset.done $0x0  }
0xcc: {  	[sflag:s24] =	ssyncadd.s32 $0xFFFFFF00  }
0xcd: {  	[tilespmem:s26], [sflag:$0x2] =	stream.indirect.gather [hbm4b:s4+s25], $0x80, s23, s25, $0xb8;
	[tilespmem:$0x1C400] =	vst v63  }
0xce: {  	_ =	swait.ge [sflag:s28], $0x4000  }
0xcf: {  	[sflag:s28] =	ssyncset.done $0x0  }
0xd0: {  	[sflag:s28] =	ssyncadd.s32 $0xFFFFC000  }
0xd1: {  	[spmem:s2] =	stream.indirect.scatter.add.f32 [tilespmem:s26], [sflag:$0x3], $0x80, s0, s25, $0xb8;
	[tilespmem:$0x1C400] =	vst v63  }
0xd2: {  	_ =	swait.ge [sflag:s1], $0x4000  }
0xd3: {  	[sflag:s1] =	ssyncset.done $0x0  }
0xd4: {  	[sflag:s1] =	ssyncadd.s32 $0xFFFFC000  }
0xd5: {  	_ =	swait.ge [sflag:s24], $0x100  }
0xd6: {  	[sflag:s24] =	ssyncset.done $0x0  }
0xd7: {  	[sflag:s24] =	ssyncadd.s32 $0xFFFFFF00  }
0xd8: {  	[tilespmem:s30], [sflag:$0x2] =	stream.indirect.gather [hbm4b:s4+s25], $0x80, s29, s25, $0xb8;
	[tilespmem:$0x1C400] =	vst v63  }
0xd9: {  	_ =	swait.ge [sflag:s28], $0x4000  }
0xda: {  	[sflag:s28] =	ssyncset.done $0x0  }
0xdb: {  	[sflag:s28] =	ssyncadd.s32 $0xFFFFC000  }
0xdc: {  	[spmem:s2] =	stream.indirect.scatter.add.f32 [tilespmem:s30], [sflag:$0x3], $0x80, s5, s25, $0xb8;
	[tilespmem:$0x1C400] =	vst v63  }
0xdd: {  	_ =	swait.ge [sflag:s1], $0x4000  }
0xde: {  	[sflag:s1] =	ssyncset.done $0x0  }
0xdf: {  	[sflag:s1] =	ssyncadd.s32 $0xFFFFC000  }
0xe0: {  	_ =	swait.ge [sflag:s1], $0x4000  }
0xe1: {  	s8 =	sadd.s32 $0x1, s8;
	[sflag:s1] =	ssyncset.done $0x0  }
0xe2: {  	p0 =	sne.s32 s8, s17;
	[sflag:s1] =	ssyncadd.s32 $0xFFFFC000  }
.Ltmp1:
0xe3: {  	[bflag:$0x0] =	sbarrier.arrive $0xFFFF;
	(pc) =	sbr.rel @p0 .LBB2_1-.Ltmp1, $4  }
0xe4: {  	[hbm:s15], [sflag:s7] =	dma.local [spmem:s20], $0x2800  }
0xe5: {  	_ =	swait.ge [sflag:s21], $0x2800  }
0xe6: {  	[sflag:s21] =	ssyncset.done $0x0  }
0xe7: {  	[sflag:s21] =	ssyncadd.s32 $0xFFFFD800  }
0xe8: {  	_ =	sfence.sel $0x180000  }
0xe9: {  	[bflag:$0x0] =	sbarrier.arrive $0xFFFF  }
0xea: {  	_ =	strace $0x9000004A  }
0xeb: {  	s0 =	stileid.u32;
	[bflag:$0x2] =	sbarrier.arrive $0xFFFF  }
0xec: {  	p0 =	sne.s32 s0, $0x0;
	s0 =	rddreg [dreg:$0x2]  }
0xed: {  	s0 =	sadd.s32 @!p0 $0x100000, s0  }
0xee: {  	[sflag:s0] =	ssyncadd.tile.s32 @!p0 $0x1;
	_ =	shalt  }
.Lfunc_end2:
_tile_overlayer_lowered:
.L_overlay_start_2:
0xef: {  	(tag) =	ssettag $0x2  }
0xf0: {  	s0 =	rddreg [dreg:$0x0];
	s2 =	stileid.u32  }
0xf1: {  	s1 =	rddreg [dreg:$0x1];
	p0 =	sne.s32 s2, $0x0  }
0xf2: {  	s3 =	rddreg [dreg:$0x2];
	[bflag:$0x3] =	sbarrier.arrive $0xFFFF;
	s2 =	simm.s32 @!p0 $0x1C04  }
0xf3: {  	[timem:s3], [sflag:s2] =	dma.local @!p0 [hbm:s0], s1  }
0xf4: {  	s0 =	simm.s32 @!p0 $0x4  }
0xf5: {  	_ =	swait.ge @!p0 [sflag:s0], s1  }
0xf6: {  	s1 =	ssub.s32 @!p0 $0x0, s1;
	[sflag:s0] =	ssyncset.done @!p0 $0x0  }
0xf7: {  	[sflag:s0] =	ssyncadd.s32 @!p0 s1  }
0xf8: {  	[bflag:$0x3] =	sbarrier.arrive $0xFFFF  }
0xf9: {  	_ =	shalt  }

// kernel: kernel.14.cloned.1.call-start
scs
__scs_entry_jumppad:
0x0: {  	(pc) =	sbr.rel $0x88, $3  }
0x1: {  	(tag) =	ssettag $0x0;
	lr =	simm.s32 $0x1  }
0x2: {  	[smem:$0x3F99] =	sst lr;
	_ =	strace $0xD0000000  }
0x3: {  	_ = 	snop  }
0x4: {  	_ = 	snop  }
0x5: {  	_ = 	snop  }
0x6: {  	_ = 	snop  }
0x7: {  	_ = 	snop  }
__scs_overlays_trampoline_lowered:
0x8: {  	[smem:$0x3FA8] =	sst s0  }
0x9: {  	[smem:$0x3FA9] =	sst s1  }
0xa: {  	[smem:$0x3FAA] =	sst s2  }
0xb: {  	[smem:$0x3FAB] =	sst s3  }
0xc: {  	[smem:$0x3FAC] =	sst s4  }
0xd: {  	[smem:$0x3FAD] =	sst s5  }
0xe: {  	[smem:$0x3FAE] =	sst s6  }
0xf: {  	[smem:$0x3FAF] =	sst s7  }
0x10: {  	[smem:$0x3FB0] =	sst s8  }
0x11: {  	[smem:$0x3FB1] =	sst s9;
	s0 =	simm.s32 @!p0 $0x0  }
0x12: {  	s1 =	sld [smem:$0x3F97];
	s0 =	simm.s32 @p0 $0x1  }
0x13: {  	[smem:$0x3FB2] =	sst s0;
	s0 =	simm.s32 @!p1 $0x0  }
0x14: {  	s2 =	sld [smem:$0x3F96];
	s0 =	simm.s32 @p1 $0x1  }
0x15: {  	[smem:$0x3FB3] =	sst s0;
	s0 =	simm.s32 @!p2 $0x0  }
0x16: {  	s3 =	sld [smem:$0x3FDB];
	s0 =	simm.s32 @p2 $0x1  }
0x17: {  	s4 =	simm.s32 $0x1BF5;
	[smem:$0x3FB5] =	sst s0  }
0x18: {  	s0 =	sld [smem:$0x3F98];
	_ =	swait.ge [sflag:s4], $0x0  }
0x19: {  	s7 =	sld [smem:$0x3F99]  }
0x1a: {  	s8 =	sadd.s32 $0xFFFFE003, lr  }
0x1b: {  	s9 =	sadd.s32 $0xFFFFFEF7, lr;
	s5 =	simm.s32 $0xFFFFFFFF;
	p2 =	slt.u32 s8, $0xFFFFF086  }
0x1c: {  	p1 =	slt.u32 s9, $0xF7A;
	s5 =	simm.s32 @!p2 $0x0  }
0x1d: {  	s5 =	simm.s32 @p1 $0x1;
	p0 =	seq.s32 s7, s2  }
0x1e: {  	s7 =	smul.u32 @!p0 $0xF7A, s2;
	p2 =	seq.s32 @!p0 s5, $0x0  }
0x1f: {  	s9 =	smul.u32 $0xF7A, s1;
	s8 =	simm.s32 @!p0 $0x1BF5;
	p2 =	por !p2, p0  }
0x20: {  	[sflag:s8] =	ssyncset.s32 @!p0 $0xFFFFF086;
	s6 =	sadd.s32 @!p0 s3, s7;
	s7 =	simm.s32 @!p0 $0x108  }
0x21: {  	s3 =	sadd.s32 s3, s9;
	s6 =	sadd.s32 @!p0 $0x88, s6;
	s7 =	simm.s32 @p2 $0x1082  }
0x22: {  	[simem:s7], [sflag:s8] =	dma.local @!p0 [hbm:s6], $0xF7A  }
0x23: {  	s9 =	sor.u32 $0xD0000000, s2;
	s6 =	simm.s32 $0x108;
	_ =	swait.ge @!p0 [sflag:s8], $0x0  }
0x24: {  	s3 =	sadd.s32 $0x88, s3;
	s6 =	simm.s32 @!p1 $0x1082;
	[sflag:s4] =	ssyncset.s32 $0xFFFFF086  }
0x25: {  	[simem:s6], [sflag:s4] =	dma.local [hbm:s3], $0xF7A  }
0x26: {  	[smem:$0x3F99] =	sst s1;
	(tag) =	ssettag s2;
	_ =	strace s9  }
0x27: {  	s1 =	sld [smem:$0x3FA9]  }
0x28: {  	s2 =	sld [smem:$0x3FAA]  }
0x29: {  	s4 =	sld [smem:$0x3FAC]  }
0x2a: {  	p0 =	seq.s32 s5, $0x0;
	s5 =	sld [smem:$0x3FAD]  }
0x2b: {  	s6 =	sld [smem:$0x3FAE]  }
0x2c: {  	s7 =	sld [smem:$0x3FAF]  }
0x2d: {  	s3 =	simm.s32 $0x108;
	s8 =	sld [smem:$0x3FB0]  }
0x2e: {  	s3 =	simm.s32 @!p0 $0x1082;
	s9 =	sld [smem:$0x3FB1]  }
0x2f: {  	lr =	sadd.s32 s0, s3;
	s0 =	sld [smem:$0x3FA8]  }
0x30: {  	s3 =	sld [smem:$0x3FAB]  }
0x31: {  	[smem:$0x3FB4] =	sst s10  }
0x32: {  	s10 =	sld [smem:$0x3FB2];
	_ =	sdelay $0x3  }
0x33: {  	p0 =	seq.s32 s10, $0x1;
	s10 =	sld [smem:$0x3FB4];
	_ =	sdelay $0x3  }
0x34: {  	[smem:$0x3FB4] =	sst s10  }
0x35: {  	s10 =	sld [smem:$0x3FB3];
	_ =	sdelay $0x3  }
0x36: {  	p1 =	seq.s32 s10, $0x1;
	s10 =	sld [smem:$0x3FB4];
	_ =	sdelay $0x3  }
0x37: {  	[smem:$0x3FB4] =	sst s10  }
0x38: {  	s10 =	sld [smem:$0x3FB5]  }
0x39: {  	_ = 	snop;
	(pc) =	sbr.ind lr, $3  }
0x3a: {  	_ = 	snop  }
0x3b: {  	_ = 	snop  }
0x3c: {  	p2 =	seq.s32 s10, $0x1;
	s10 =	sld [smem:$0x3FB4]  }
0x3d: {  	_ =	shalt  }
0x3e: {  	_ =	shalt  }
0x3f: {  	_ =	shalt  }
0x40: {  	_ =	shalt  }
0x41: {  	_ =	shalt  }
0x42: {  	_ =	shalt  }
0x43: {  	_ =	shalt  }
0x44: {  	_ =	shalt  }
0x45: {  	_ =	shalt  }
0x46: {  	_ =	shalt  }
0x47: {  	_ =	shalt  }
0x48: {  	_ =	shalt  }
0x49: {  	_ =	shalt  }
0x4a: {  	_ =	shalt  }
0x4b: {  	_ =	shalt  }
0x4c: {  	_ =	shalt  }
0x4d: {  	_ =	shalt  }
0x4e: {  	_ =	shalt  }
0x4f: {  	_ =	shalt  }
0x50: {  	_ =	shalt  }
0x51: {  	_ =	shalt  }
0x52: {  	_ =	shalt  }
0x53: {  	_ =	shalt  }
0x54: {  	_ =	shalt  }
0x55: {  	_ =	shalt  }
0x56: {  	_ =	shalt  }
0x57: {  	_ =	shalt  }
0x58: {  	_ =	shalt  }
0x59: {  	_ =	shalt  }
0x5a: {  	_ =	shalt  }
0x5b: {  	_ =	shalt  }
0x5c: {  	_ =	shalt  }
0x5d: {  	_ =	shalt  }
0x5e: {  	_ =	shalt  }
0x5f: {  	_ =	shalt  }
0x60: {  	_ =	shalt  }
0x61: {  	_ =	shalt  }
0x62: {  	_ =	shalt  }
0x63: {  	_ =	shalt  }
0x64: {  	_ =	shalt  }
0x65: {  	_ =	shalt  }
0x66: {  	_ =	shalt  }
0x67: {  	_ =	shalt  }
0x68: {  	_ =	shalt  }
0x69: {  	_ =	shalt  }
0x6a: {  	_ =	shalt  }
0x6b: {  	_ =	shalt  }
0x6c: {  	_ =	shalt  }
0x6d: {  	_ =	shalt  }
0x6e: {  	_ =	shalt  }
0x6f: {  	_ =	shalt  }
0x70: {  	_ =	shalt  }
0x71: {  	_ =	shalt  }
0x72: {  	_ =	shalt  }
0x73: {  	_ =	shalt  }
0x74: {  	_ =	shalt  }
0x75: {  	_ =	shalt  }
0x76: {  	_ =	shalt  }
0x77: {  	_ =	shalt  }
0x78: {  	_ =	shalt  }
0x79: {  	_ =	shalt  }
0x7a: {  	_ =	shalt  }
0x7b: {  	_ =	shalt  }
0x7c: {  	_ =	shalt  }
0x7d: {  	_ =	shalt  }
0x7e: {  	_ =	shalt  }
0x7f: {  	_ =	shalt  }
0x80: {  	_ =	shalt  }
0x81: {  	_ =	shalt  }
0x82: {  	_ =	shalt  }
0x83: {  	_ =	shalt  }
0x84: {  	_ =	shalt  }
0x85: {  	_ =	shalt  }
0x86: {  	_ =	shalt  }
0x87: {  	_ =	shalt  }
.Lfunc_end0:
.L_simem_size_0:
called_computation.2_lowered:
.L_overlay_start_0:
0x88: {  	s2 =	sld [smem:$0x3FD9]  }
0x89: {  	s3 =	sld [smem:$0x3FFE];
	_ =	sdelay $0x1  }
0x8a: {  	s1 =	srdreg.scid  }
0x8b: {  	s0 =	sand.u32 $0x1, s1  }
0x8c: {  	s16 =	sshll.u32 s0, $0xA;
	s2 =	sadd.s32 s3, s2  }
0x8d: {  	s2 =	sadd.s32 s2, s16  }
0x8e: {  	[smem:$0x3FC0] =	sst s2  }
0x8f: {  	_ = 	snop  }
0x90: {  	(tm) =	ssettm $0x1  }
0x91: {  	s17 =	sld [smem:$0x3FFB];
	_ =	sdelay $0x3  }
0x92: {  	_ =	strace s17  }
0x93: {  	s2 =	sld [smem:$0x3FFC];
	_ =	sdelay $0x3  }
0x94: {  	_ =	strace s2  }
0x95: {  	s2 =	sld [smem:$0x3FFD];
	_ =	sdelay $0x3  }
0x96: {  	_ =	strace s2  }
0x97: {  	_ =	strace $0x8FFFFFFF  }
0x98: {  	s18 =	sld [smem:$0x3FDB];
	_ =	sdelay $0x1  }
0x99: {  	s19 =	simm.s32 $_scs_section_size  }
0x9a: {  	s4 =	simm.s32 $_size__tile_overlayer_lowered;
	s5 =	simm.s32 $_tile_overlayer_lowered  }
0x9b: {  	s22 =	simm.s32 $0x1BFF;
	s21 =	sshll.u32 s5, $0x1;
	s2 =	sadd.s32 s19, s18  }
0x9c: {  	s6 =	simm.s32 $0x0;
	s20 =	sshll.u32 s4, $0x1;
	s4 =	sadd.s32 s21, s2  }
0x9d: {  	[timem:s6], [sflag:s22] =	dma.local [hbm:s4], s20  }
0x9e: {  	_ =	swait.ge [sflag:s22], s20  }
0x9f: {  	s3 =	ssub.s32 $0x0, s20;
	[sflag:s22] =	ssyncset.done $0x0  }
0xa0: {  	[sflag:s22] =	ssyncadd.s32 s3;
	_ =	sdelay $0x1  }
0xa1: {  	s23 =	simm.s32 $0x1B8B  }
0xa2: {  	_ =	swait.ge [sflag:s23], $0x1  }
0xa3: {  	[sflag:s23] =	ssyncset.done $0x0  }
0xa4: {  	s25 =	simm.s32 $0x1B8E;
	s24 =	sld [smem:$0x3FFE];
	[sflag:s23] =	ssyncadd.s32 $0xFFFFFFFF  }
0xa5: {  	s26 =	simm.s32 $execute0_lowered;
	[smem:$0x3FD2] =	sst s25  }
0xa6: {  	s4 =	sshll.u32 s26, $0x1;
	_ =	strace $0x8000004C;
	[dreg:$0x1] =	wrdreg $0xFFFFFFFF  }
0xa7: {  	s28 =	simm.s32 $_size_execute0_lowered;
	s2 =	sadd.s32 s2, s4;
	[dreg:$0x0] =	wrdreg $0x0  }
0xa8: {  	s4 =	sshll.u32 s28, $0x1;
	[dreg:$0x2] =	wrdreg s2  }
0xa9: {  	[dreg:$0x3] =	wrdreg s4  }
0xaa: {  	[dreg:$0x4] =	wrdreg $0xC0  }
0xab: {  	_ =	task [dreg:s6], $0x5FFFF  }
0xac: {  	[dreg:$0x1] =	wrdreg $0xFFFFFFFF  }
0xad: {  	[dreg:$0x0] =	wrdreg $0x60  }
0xae: {  	[dreg:$0x2] =	wrdreg s24  }
0xaf: {  	[dreg:$0x3] =	wrdreg $0x78000  }
0xb0: {  	[dreg:$0x4] =	wrdreg $0x7A800  }
0xb1: {  	[dreg:$0x5] =	wrdreg $0x9  }
0xb2: {  	_ =	task.clear_ibuf [dreg:s6], $0x6FFFF;
	_ =	strace $0x9000004C  }
0xb3: {  	s29 =	simm.s32 $0x9;
	_ =	strace $0x8000004E  }
0xb4: {  	_ =	swait.ge [sflag:s29], $0x1  }
0xb5: {  	[sflag:s29] =	ssyncadd.s32 $0xFFFFFFFF  }
0xb6: {  	_ =	strace $0x9000004E  }
0xb7: {  	_ =	sfence  }
0xb8: {  	s30 =	sld [smem:$0x0];
	_ =	sdelay $0x2  }
0xb9: {  	s31 =	sshll.u32 s1, $0xD;
	s1 =	sshrl.u32 s1, $0x2  }
0xba: {  	s3 =	sand.u32 $0x4000, s31;
	s1 =	sadd.s32 s1, s30  }
0xbb: {  	s0 =	sor.u32 s3, s0;
	s1 =	sshll.u32 s1, $0x11  }
0xbc: {  	s0 =	sor.u32 s1, s0  }
0xbd: {  	s0 =	sadd.s32 $0x8F2B, s0  }
0xbe: {  	[sflag:s0] =	ssyncadd.remote.s32 $0x1  }
0xbf: {  	_ =	sfence.sel $0xFFFF  }
0xc0: {  	[dreg:$0x0] =	wrdreg $0xFFFFFFFF;
	(pc) =	sbr.abs _section_cstart, $3  }
0xc1: {  	[dreg:$0x1] =	wrdreg $0xFFFFFFFF  }
0xc2: {  	_ =	task.clear_ibuf [dreg:s6], $0x2FFFF;
	_ =	strace $0x9FFFFFFF  }
0xc3: {  	(tm) =	ssettm $0x7FFFFFFF  }
tec
execute0_lowered:
.L_overlay_start_1:
0x0: {  	(tag) =	ssettag $0x1  }
0x1: {  	s0 =	rddreg [dreg:$0x0]  }
0x2: {  	s2 =	rddreg [dreg:$0x1]  }
0x3: {  	s3 =	rddreg [dreg:$0x2];
	s4 =	simm.s32 $0x0  }
0x4: {  	s12 =	stileid.u32;
	s1 =	srdreg.scid;
	s10 =	simm.s32 $0x3  }
0x5: {  	s14 =	simm.s32 $0x80;
	s31 =	simm.s32 $0x1;
	s19 =	simm.s32 $0x7580  }
0x6: {  	s20 =	simm.s32 $0x4C80;
	s21 =	simm.s32 $0x7600;
	s22 =	simm.s32 $0x4D80  }
0x7: {  	s23 =	simm.s32 $0x7680;
	s24 =	simm.s32 $0x4E80;
	s28 =	simm.s32 $0x7780  }
0x8: {  	s29 =	simm.s32 $0x2;
	s30 =	simm.s32 $0x20;
	s7 =	smul.u32 $0x280, s12  }
0x9: {  	[smem:$0x7FF] =	sst s4;
	s1 =	sand.u32 $0x1, s1;
	s6 =	smul.u32 $0x500, s12  }
0xa: {  	s26 =	sshll.u32 s12, $0x6;
	_ =	strace $0x8000004D;
	s5 =	sshll.u32 s1, $0x4  }
0xb: {  	s9 =	sshll.u32 s1, $0x7;
	s1 =	ssub.s32 $0x2, s1;
	s8 =	sshrl.u32 s7, $0x3  }
0xc: {  	s5 =	sor.u32 s12, s5;
	s6 =	sor.u32 s9, s6;
	s25 =	sshrl.u32 s1, $0x1  }
0xd: {  	s11 =	sadd.s32 s7, s3;
	s12 =	sor.u32 $0x1C03, s26;
	s26 =	simm.s32 $0x4F80  }
0xe: {  	s5 =	smul.u32 $0xA00, s5;
	s8 =	sadd.s32 s8, s0;
	s6 =	sshrl.u32 s6, $0x3  }
0xf: {  	s1 =	ssub.s32 s1, s25;
	s13 =	sshrl.u32 s11, $0x3;
	s25 =	simm.s32 $0x7700  }
0x10: {  	s9 =	smax.u32 s1, $0x1;
	s1 =	simm.s32 $0x0;
	s5 =	sadd.s32 s5, s0  }
0x11: {  	s0 =	sadd.s32 s6, s0;
	s6 =	sadd.s32 s7, s2;
	s7 =	sadd.s32 $0x15E00, s8  }
0x12: {  	v0 =	vimm.f32 $0.0e+00;
	s5 =	sadd.s32 $0x1E00, s5;
	s8 =	sadd.s32 $0x16400, s0;
	s0 =	simm.s32 $0x10  }
.LBB2_1:
0x13: {  	[tilespmem:s4], [sflag:$0x3] =	stream.linear.gather [hbm4b:s5+s4], $0x5000, $0x38;
	[tilespmem:$0x7F80] =	vst v63  }
0x14: {  	_ =	swait.ge [sflag:s10], $0x5000  }
0x15: {  	[sflag:s10] =	ssyncset.done $0x0  }
0x16: {  	[sflag:s10] =	ssyncadd.s32 $0xFFFFB000  }
0x17: {  	[tilespmem:$0x7D00] =	vst v0  }
0x18: {  	[tilespmem:$0x7D10] =	vst v0  }
0x19: {  	[tilespmem:$0x7D20] =	vst v0  }
0x1a: {  	[tilespmem:$0x7D30] =	vst v0  }
0x1b: {  	[tilespmem:$0x7D40] =	vst v0  }
0x1c: {  	[tilespmem:$0x7D50] =	vst v0  }
0x1d: {  	[tilespmem:$0x7D60] =	vst v0  }
0x1e: {  	[tilespmem:$0x7D70] =	vst v0  }
0x1f: {  	[tilespmem:$0x7D80] =	vst v0  }
0x20: {  	[tilespmem:$0x7D90] =	vst v0  }
0x21: {  	[tilespmem:$0x7DA0] =	vst v0  }
0x22: {  	[tilespmem:$0x7DB0] =	vst v0  }
0x23: {  	[tilespmem:$0x7DC0] =	vst v0  }
0x24: {  	[tilespmem:$0x7DD0] =	vst v0  }
0x25: {  	[tilespmem:$0x7DE0] =	vst v0  }
0x26: {  	[tilespmem:$0x7DF0] =	vst v0  }
0x27: {  	[tilespmem:$0x7E00] =	vst v0  }
0x28: {  	[tilespmem:$0x7E10] =	vst v0  }
0x29: {  	[tilespmem:$0x7E20] =	vst v0  }
0x2a: {  	[tilespmem:$0x7E30] =	vst v0  }
0x2b: {  	[tilespmem:$0x7E40] =	vst v0  }
0x2c: {  	[tilespmem:$0x7E50] =	vst v0  }
0x2d: {  	[tilespmem:$0x7E60] =	vst v0  }
0x2e: {  	[tilespmem:$0x7E70] =	vst v0  }
0x2f: {  	[tilespmem:$0x7E80] =	vst v0  }
0x30: {  	[tilespmem:$0x7E90] =	vst v0  }
0x31: {  	[tilespmem:$0x7EA0] =	vst v0  }
0x32: {  	[tilespmem:$0x7EB0] =	vst v0  }
0x33: {  	[tilespmem:$0x7EC0] =	vst v0  }
0x34: {  	[tilespmem:$0x7ED0] =	vst v0  }
0x35: {  	[tilespmem:$0x7EE0] =	vst v0  }
0x36: {  	[tilespmem:$0x7EF0] =	vst v0  }
0x37: {  	[tilespmem:$0x7F00] =	vst v0  }
0x38: {  	[tilespmem:$0x7F10] =	vst v0  }
0x39: {  	[tilespmem:$0x7F20] =	vst v0  }
0x3a: {  	[tilespmem:$0x7F30] =	vst v0  }
0x3b: {  	[tilespmem:$0x7F40] =	vst v0  }
0x3c: {  	[tilespmem:$0x7F50] =	vst v0  }
0x3d: {  	[tilespmem:$0x7F60] =	vst v0  }
0x3e: {  	s11 =	simm.s32 $0x7D00;
	[tilespmem:$0x7F70] =	vst v0  }
0x3f: {  	[spmem:s6] =	stream.linear.scatter [tilespmem:s11], [sflag:$0x3], $0x280, $0x38;
	[tilespmem:$0x7F80] =	vst v63  }
0x40: {  	_ =	swait.ge [sflag:s10], $0x280  }
0x41: {  	[sflag:s10] =	ssyncset.done $0x0  }
0x42: {  	[sflag:s10] =	ssyncadd.s32 $0xFFFFFD80  }
0x43: {  	[spmem:s13], [sflag:s12] =	dma.local [hbm:s7], $0x50  }
0x44: {  	_ =	swait.ge [sflag:s10], $0x50  }
0x45: {  	[sflag:s10] =	ssyncset.done $0x0  }
0x46: {  	[sflag:s10] =	ssyncadd.s32 $0xFFFFFFB0  }
0x47: {  	s17 =	simm.s32 $0x5000;
	[bflag:$0x0] =	sbarrier.arrive $0xFFFF  }
0x48: {  	[tilespmem:s17], [sflag:$0x1] =	stream.indirect.gather [spmem:s3], $0x1, s4, s14, $0xb8;
	[tilespmem:$0x7F80] =	vst v63  }
0x49: {  	s18 =	simm.s32 $0x100;
	s15 =	simm.s32 $0x5080  }
0x4a: {  	[tilespmem:s15], [sflag:$0x1] =	stream.indirect.gather [spmem:s3], $0x1, s18, s14, $0xb8;
	[tilespmem:$0x7F80] =	vst v63  }
0x4b: {  	s16 =	simm.s32 $0x5100;
	s15 =	simm.s32 $0x200  }
0x4c: {  	[tilespmem:s16], [sflag:$0x1] =	stream.indirect.gather [spmem:s3], $0x1, s15, s14, $0xb8;
	[tilespmem:$0x7F80] =	vst v63  }
0x4d: {  	s17 =	simm.s32 $0x300;
	s18 =	simm.s32 $0x5180  }
0x4e: {  	[tilespmem:s18], [sflag:$0x1] =	stream.indirect.gather [spmem:s3], $0x1, s17, s14, $0xb8;
	[tilespmem:$0x7F80] =	vst v63  }
0x4f: {  	s15 =	simm.s32 $0x400;
	s16 =	simm.s32 $0x5200  }
0x50: {  	[tilespmem:s16], [sflag:$0x1] =	stream.indirect.gather [spmem:s3], $0x1, s15, s14, $0xb8;
	[tilespmem:$0x7F80] =	vst v63  }
0x51: {  	s17 =	simm.s32 $0x500;
	s18 =	simm.s32 $0x5280  }
0x52: {  	[tilespmem:s18], [sflag:$0x1] =	stream.indirect.gather [spmem:s3], $0x1, s17, s14, $0xb8;
	[tilespmem:$0x7F80] =	vst v63  }
0x53: {  	s15 =	simm.s32 $0x600;
	s16 =	simm.s32 $0x5300  }
0x54: {  	[tilespmem:s16], [sflag:$0x1] =	stream.indirect.gather [spmem:s3], $0x1, s15, s14, $0xb8;
	[tilespmem:$0x7F80] =	vst v63  }
0x55: {  	s17 =	simm.s32 $0x700;
	s18 =	simm.s32 $0x5380  }
0x56: {  	[tilespmem:s18], [sflag:$0x1] =	stream.indirect.gather [spmem:s3], $0x1, s17, s14, $0xb8;
	[tilespmem:$0x7F80] =	vst v63  }
0x57: {  	_ =	swait.ge [sflag:s31], $0x80  }
0x58: {  	[sflag:s31] =	ssyncset.done $0x0  }
0x59: {  	s16 =	simm.s32 $0x5000;
	s17 =	simm.s32 $0x80;
	[sflag:s31] =	ssyncadd.s32 $0xFFFFFF80  }
0x5a: {  	[spmem:s2] =	stream.indirect.scatter.add.f32 [tilespmem:s16], [sflag:$0x2], $0x1, s17, s14, $0xb8;
	[tilespmem:$0x7F80] =	vst v63  }
0x5b: {  	s11 =	simm.s32 $0x800;
	s15 =	simm.s32 $0x200;
	s18 =	simm.s32 $0x5400  }
0x5c: {  	[tilespmem:s18], [sflag:$0x1] =	stream.indirect.gather [spmem:s3], $0x1, s11, s14, $0xb8;
	[tilespmem:$0x7F80] =	vst v63  }
.LBB2_2:
0x5d: {  	s16 =	sshra.s32 s15, $0x2  }
0x5e: {  	_ =	swait.ge [sflag:s31], $0x80;
	s11 =	sadd.s32 $0x100, s11;
	p0 =	sne.s32 s15, $0x8E00  }
.Ltmp0:
0x5f: {  	s15 =	sadd.s32 $0x200, s15;
	[sflag:s31] =	ssyncset.done $0x0;
	(pc) =	sbr.rel @p0 .LBB2_2-.Ltmp0, $4  }
0x60: {  	s17 =	sadd.s32 $0x5000, s16;
	s18 =	sadd.s32 $0xFFFFF880, s11;
	[sflag:s31] =	ssyncadd.s32 $0xFFFFFF80  }
0x61: {  	[spmem:s2] =	stream.indirect.scatter.add.f32 [tilespmem:s17], [sflag:$0x2], $0x1, s18, s14, $0xb8;
	[tilespmem:$0x7F80] =	vst v63  }
0x62: {  	s16 =	sadd.s32 $0x5400, s16  }
0x63: {  	[tilespmem:s16], [sflag:$0x1] =	stream.indirect.gather [spmem:s3], $0x1, s11, s14, $0xb8;
	[tilespmem:$0x7F80] =	vst v63  }
0x64: {  	_ =	swait.ge [sflag:s31], $0x80  }
0x65: {  	[sflag:s31] =	ssyncset.done $0x0  }
0x66: {  	s11 =	simm.s32 $0x4880;
	s15 =	simm.s32 $0x7400;
	[sflag:s31] =	ssyncadd.s32 $0xFFFFFF80  }
0x67: {  	[spmem:s2] =	stream.indirect.scatter.add.f32 [tilespmem:s15], [sflag:$0x2], $0x1, s11, s14, $0xb8;
	[tilespmem:$0x7F80] =	vst v63  }
0x68: {  	_ =	swait.ge [sflag:s31], $0x80  }
0x69: {  	[sflag:s31] =	ssyncset.done $0x0  }
0x6a: {  	s17 =	simm.s32 $0x4980;
	s18 =	simm.s32 $0x7480;
	[sflag:s31] =	ssyncadd.s32 $0xFFFFFF80  }
0x6b: {  	[spmem:s2] =	stream.indirect.scatter.add.f32 [tilespmem:s18], [sflag:$0x2], $0x1, s17, s14, $0xb8;
	[tilespmem:$0x7F80] =	vst v63  }
0x6c: {  	_ =	swait.ge [sflag:s31], $0x80  }
0x6d: {  	[sflag:s31] =	ssyncset.done $0x0  }
0x6e: {  	s16 =	simm.s32 $0x4A80;
	s17 =	simm.s32 $0x7500;
	[sflag:s31] =	ssyncadd.s32 $0xFFFFFF80  }
0x6f: {  	[spmem:s2] =	stream.indirect.scatter.add.f32 [tilespmem:s17], [sflag:$0x2], $0x1, s16, s14, $0xb8;
	[tilespmem:$0x7F80] =	vst v63  }
0x70: {  	_ =	swait.ge [sflag:s31], $0x80  }
0x71: {  	[sflag:s31] =	ssyncset.done $0x0  }
0x72: {  	s18 =	simm.s32 $0x4B80;
	[sflag:s31] =	ssyncadd.s32 $0xFFFFFF80  }
0x73: {  	[spmem:s2] =	stream.indirect.scatter.add.f32 [tilespmem:s19], [sflag:$0x2], $0x1, s18, s14, $0xb8;
	[tilespmem:$0x7F80] =	vst v63  }
0x74: {  	_ =	swait.ge [sflag:s31], $0x80  }
0x75: {  	[sflag:s31] =	ssyncset.done $0x0  }
0x76: {  	[sflag:s31] =	ssyncadd.s32 $0xFFFFFF80  }
0x77: {  	[spmem:s2] =	stream.indirect.scatter.add.f32 [tilespmem:s21], [sflag:$0x2], $0x1, s20, s14, $0xb8;
	[tilespmem:$0x7F80] =	vst v63  }
0x78: {  	_ =	swait.ge [sflag:s31], $0x80  }
0x79: {  	[sflag:s31] =	ssyncset.done $0x0  }
0x7a: {  	[sflag:s31] =	ssyncadd.s32 $0xFFFFFF80  }
0x7b: {  	[spmem:s2] =	stream.indirect.scatter.add.f32 [tilespmem:s23], [sflag:$0x2], $0x1, s22, s14, $0xb8;
	[tilespmem:$0x7F80] =	vst v63  }
0x7c: {  	_ =	swait.ge [sflag:s31], $0x80  }
0x7d: {  	[sflag:s31] =	ssyncset.done $0x0  }
0x7e: {  	[sflag:s31] =	ssyncadd.s32 $0xFFFFFF80  }
0x7f: {  	[spmem:s2] =	stream.indirect.scatter.add.f32 [tilespmem:s25], [sflag:$0x2], $0x1, s24, s14, $0xb8;
	[tilespmem:$0x7F80] =	vst v63  }
0x80: {  	_ =	swait.ge [sflag:s31], $0x80  }
0x81: {  	[sflag:s31] =	ssyncset.done $0x0  }
0x82: {  	[sflag:s31] =	ssyncadd.s32 $0xFFFFFF80  }
0x83: {  	[spmem:s2] =	stream.indirect.scatter.add.f32 [tilespmem:s28], [sflag:$0x2], $0x1, s26, s14, $0xb8;
	[tilespmem:$0x7F80] =	vst v63  }
0x84: {  	_ =	swait.ge [sflag:s29], $0x80  }
0x85: {  	s11 =	simm.s32 $0x4F;
	[sflag:s29] =	ssyncset.done $0x0  }
.LBB2_4:
0x86: {  	p0 =	sne.s32 s11, $0x1;
	s11 =	sadd.s32 $0xFFFFFFFF, s11;
	[sflag:s29] =	ssyncadd.s32 $0xFFFFFF80  }
.Ltmp1:
0x87: {  	(pc) =	sbr.rel @p0 .LBB2_4-.Ltmp1, $3  }
0x88: {  	_ =	sdelay $0x1  }
0x89: {  	_ =	swait.ge [sflag:s29], $0x80  }
0x8a: {  	[sflag:s29] =	ssyncset.done $0x0  }
0x8b: {  	s1 =	sadd.s32 $0x1, s1  }
0x8c: {  	[sflag:s29] =	ssyncadd.s32 $0xFFFFFF80;
	p0 =	sne.s32 s1, s9  }
.Ltmp2:
0x8d: {  	s11 =	sshrl.u32 s6, $0x3;
	[bflag:$0x0] =	sbarrier.arrive $0xFFFF;
	(pc) =	sbr.rel @p0 .LBB2_1-.Ltmp2, $4  }
0x8e: {  	[hbm:s8@s30], [sflag:s12] =	dma.strided [spmem:s11@s0], $0x50, s31, $0x10   }
0x8f: {  	_ =	swait.ge [sflag:s10], $0x50  }
0x90: {  	[sflag:s10] =	ssyncset.done $0x0  }
0x91: {  	[sflag:s10] =	ssyncadd.s32 $0xFFFFFFB0  }
0x92: {  	_ =	sfence.sel $0x180000  }
0x93: {  	[bflag:$0x0] =	sbarrier.arrive $0xFFFF  }
0x94: {  	_ =	strace $0x9000004D  }
0x95: {  	s0 =	stileid.u32;
	[bflag:$0x2] =	sbarrier.arrive $0xFFFF  }
0x96: {  	p0 =	sne.s32 s0, $0x0;
	s0 =	rddreg [dreg:$0x3]  }
0x97: {  	s0 =	sadd.s32 @!p0 $0x100000, s0  }
0x98: {  	[sflag:s0] =	ssyncadd.tile.s32 @!p0 $0x1;
	_ =	shalt  }
.Lfunc_end2:
_tile_overlayer_lowered:
.L_overlay_start_2:
0x99: {  	(tag) =	ssettag $0x2  }
0x9a: {  	s0 =	rddreg [dreg:$0x0];
	s2 =	stileid.u32  }
0x9b: {  	s1 =	rddreg [dreg:$0x1];
	p0 =	sne.s32 s2, $0x0  }
0x9c: {  	s3 =	rddreg [dreg:$0x2];
	[bflag:$0x3] =	sbarrier.arrive $0xFFFF;
	s2 =	simm.s32 @!p0 $0x1C03  }
0x9d: {  	[timem:s3], [sflag:s2] =	dma.local @!p0 [hbm:s0], s1  }
0x9e: {  	s0 =	simm.s32 @!p0 $0x3  }
0x9f: {  	_ =	swait.ge @!p0 [sflag:s0], s1  }
0xa0: {  	s1 =	ssub.s32 @!p0 $0x0, s1;
	[sflag:s0] =	ssyncset.done @!p0 $0x0  }
0xa1: {  	[sflag:s0] =	ssyncadd.s32 @!p0 s1  }
0xa2: {  	[bflag:$0x3] =	sbarrier.arrive $0xFFFF  }
0xa3: {  	_ =	shalt  }

// kernel: kernel.8.cloned.1.call-start
scs
__scs_entry_jumppad:
0x0: {  	(pc) =	sbr.rel $0x88, $3  }
0x1: {  	(tag) =	ssettag $0x0;
	lr =	simm.s32 $0x1  }
0x2: {  	[smem:$0x3F99] =	sst lr;
	_ =	strace $0xD0000000  }
0x3: {  	_ = 	snop  }
0x4: {  	_ = 	snop  }
0x5: {  	_ = 	snop  }
0x6: {  	_ = 	snop  }
0x7: {  	_ = 	snop  }
__scs_overlays_trampoline_lowered:
0x8: {  	[smem:$0x3FA8] =	sst s0  }
0x9: {  	[smem:$0x3FA9] =	sst s1  }
0xa: {  	[smem:$0x3FAA] =	sst s2  }
0xb: {  	[smem:$0x3FAB] =	sst s3  }
0xc: {  	[smem:$0x3FAC] =	sst s4  }
0xd: {  	[smem:$0x3FAD] =	sst s5  }
0xe: {  	[smem:$0x3FAE] =	sst s6  }
0xf: {  	[smem:$0x3FAF] =	sst s7  }
0x10: {  	[smem:$0x3FB0] =	sst s8  }
0x11: {  	[smem:$0x3FB1] =	sst s9;
	s0 =	simm.s32 @!p0 $0x0  }
0x12: {  	s1 =	sld [smem:$0x3F97];
	s0 =	simm.s32 @p0 $0x1  }
0x13: {  	[smem:$0x3FB2] =	sst s0;
	s0 =	simm.s32 @!p1 $0x0  }
0x14: {  	s2 =	sld [smem:$0x3F96];
	s0 =	simm.s32 @p1 $0x1  }
0x15: {  	[smem:$0x3FB3] =	sst s0;
	s0 =	simm.s32 @!p2 $0x0  }
0x16: {  	s3 =	sld [smem:$0x3FDB];
	s0 =	simm.s32 @p2 $0x1  }
0x17: {  	s4 =	simm.s32 $0x1BF5;
	[smem:$0x3FB5] =	sst s0  }
0x18: {  	s0 =	sld [smem:$0x3F98];
	_ =	swait.ge [sflag:s4], $0x0  }
0x19: {  	s7 =	sld [smem:$0x3F99]  }
0x1a: {  	s8 =	sadd.s32 $0xFFFFE003, lr  }
0x1b: {  	s9 =	sadd.s32 $0xFFFFFEF7, lr;
	s5 =	simm.s32 $0xFFFFFFFF;
	p2 =	slt.u32 s8, $0xFFFFF086  }
0x1c: {  	p1 =	slt.u32 s9, $0xF7A;
	s5 =	simm.s32 @!p2 $0x0  }
0x1d: {  	s5 =	simm.s32 @p1 $0x1;
	p0 =	seq.s32 s7, s2  }
0x1e: {  	s7 =	smul.u32 @!p0 $0xF7A, s2;
	p2 =	seq.s32 @!p0 s5, $0x0  }
0x1f: {  	s9 =	smul.u32 $0xF7A, s1;
	s8 =	simm.s32 @!p0 $0x1BF5;
	p2 =	por !p2, p0  }
0x20: {  	[sflag:s8] =	ssyncset.s32 @!p0 $0xFFFFF086;
	s6 =	sadd.s32 @!p0 s3, s7;
	s7 =	simm.s32 @!p0 $0x108  }
0x21: {  	s3 =	sadd.s32 s3, s9;
	s6 =	sadd.s32 @!p0 $0x88, s6;
	s7 =	simm.s32 @p2 $0x1082  }
0x22: {  	[simem:s7], [sflag:s8] =	dma.local @!p0 [hbm:s6], $0xF7A  }
0x23: {  	s9 =	sor.u32 $0xD0000000, s2;
	s6 =	simm.s32 $0x108;
	_ =	swait.ge @!p0 [sflag:s8], $0x0  }
0x24: {  	s3 =	sadd.s32 $0x88, s3;
	s6 =	simm.s32 @!p1 $0x1082;
	[sflag:s4] =	ssyncset.s32 $0xFFFFF086  }
0x25: {  	[simem:s6], [sflag:s4] =	dma.local [hbm:s3], $0xF7A  }
0x26: {  	[smem:$0x3F99] =	sst s1;
	(tag) =	ssettag s2;
	_ =	strace s9  }
0x27: {  	s1 =	sld [smem:$0x3FA9]  }
0x28: {  	s2 =	sld [smem:$0x3FAA]  }
0x29: {  	s4 =	sld [smem:$0x3FAC]  }
0x2a: {  	p0 =	seq.s32 s5, $0x0;
	s5 =	sld [smem:$0x3FAD]  }
0x2b: {  	s6 =	sld [smem:$0x3FAE]  }
0x2c: {  	s7 =	sld [smem:$0x3FAF]  }
0x2d: {  	s3 =	simm.s32 $0x108;
	s8 =	sld [smem:$0x3FB0]  }
0x2e: {  	s3 =	simm.s32 @!p0 $0x1082;
	s9 =	sld [smem:$0x3FB1]  }
0x2f: {  	lr =	sadd.s32 s0, s3;
	s0 =	sld [smem:$0x3FA8]  }
0x30: {  	s3 =	sld [smem:$0x3FAB]  }
0x31: {  	[smem:$0x3FB4] =	sst s10  }
0x32: {  	s10 =	sld [smem:$0x3FB2];
	_ =	sdelay $0x3  }
0x33: {  	p0 =	seq.s32 s10, $0x1;
	s10 =	sld [smem:$0x3FB4];
	_ =	sdelay $0x3  }
0x34: {  	[smem:$0x3FB4] =	sst s10  }
0x35: {  	s10 =	sld [smem:$0x3FB3];
	_ =	sdelay $0x3  }
0x36: {  	p1 =	seq.s32 s10, $0x1;
	s10 =	sld [smem:$0x3FB4];
	_ =	sdelay $0x3  }
0x37: {  	[smem:$0x3FB4] =	sst s10  }
0x38: {  	s10 =	sld [smem:$0x3FB5]  }
0x39: {  	_ = 	snop;
	(pc) =	sbr.ind lr, $3  }
0x3a: {  	_ = 	snop  }
0x3b: {  	_ = 	snop  }
0x3c: {  	p2 =	seq.s32 s10, $0x1;
	s10 =	sld [smem:$0x3FB4]  }
0x3d: {  	_ =	shalt  }
0x3e: {  	_ =	shalt  }
0x3f: {  	_ =	shalt  }
0x40: {  	_ =	shalt  }
0x41: {  	_ =	shalt  }
0x42: {  	_ =	shalt  }
0x43: {  	_ =	shalt  }
0x44: {  	_ =	shalt  }
0x45: {  	_ =	shalt  }
0x46: {  	_ =	shalt  }
0x47: {  	_ =	shalt  }
0x48: {  	_ =	shalt  }
0x49: {  	_ =	shalt  }
0x4a: {  	_ =	shalt  }
0x4b: {  	_ =	shalt  }
0x4c: {  	_ =	shalt  }
0x4d: {  	_ =	shalt  }
0x4e: {  	_ =	shalt  }
0x4f: {  	_ =	shalt  }
0x50: {  	_ =	shalt  }
0x51: {  	_ =	shalt  }
0x52: {  	_ =	shalt  }
0x53: {  	_ =	shalt  }
0x54: {  	_ =	shalt  }
0x55: {  	_ =	shalt  }
0x56: {  	_ =	shalt  }
0x57: {  	_ =	shalt  }
0x58: {  	_ =	shalt  }
0x59: {  	_ =	shalt  }
0x5a: {  	_ =	shalt  }
0x5b: {  	_ =	shalt  }
0x5c: {  	_ =	shalt  }
0x5d: {  	_ =	shalt  }
0x5e: {  	_ =	shalt  }
0x5f: {  	_ =	shalt  }
0x60: {  	_ =	shalt  }
0x61: {  	_ =	shalt  }
0x62: {  	_ =	shalt  }
0x63: {  	_ =	shalt  }
0x64: {  	_ =	shalt  }
0x65: {  	_ =	shalt  }
0x66: {  	_ =	shalt  }
0x67: {  	_ =	shalt  }
0x68: {  	_ =	shalt  }
0x69: {  	_ =	shalt  }
0x6a: {  	_ =	shalt  }
0x6b: {  	_ =	shalt  }
0x6c: {  	_ =	shalt  }
0x6d: {  	_ =	shalt  }
0x6e: {  	_ =	shalt  }
0x6f: {  	_ =	shalt  }
0x70: {  	_ =	shalt  }
0x71: {  	_ =	shalt  }
0x72: {  	_ =	shalt  }
0x73: {  	_ =	shalt  }
0x74: {  	_ =	shalt  }
0x75: {  	_ =	shalt  }
0x76: {  	_ =	shalt  }
0x77: {  	_ =	shalt  }
0x78: {  	_ =	shalt  }
0x79: {  	_ =	shalt  }
0x7a: {  	_ =	shalt  }
0x7b: {  	_ =	shalt  }
0x7c: {  	_ =	shalt  }
0x7d: {  	_ =	shalt  }
0x7e: {  	_ =	shalt  }
0x7f: {  	_ =	shalt  }
0x80: {  	_ =	shalt  }
0x81: {  	_ =	shalt  }
0x82: {  	_ =	shalt  }
0x83: {  	_ =	shalt  }
0x84: {  	_ =	shalt  }
0x85: {  	_ =	shalt  }
0x86: {  	_ =	shalt  }
0x87: {  	_ =	shalt  }
.Lfunc_end0:
.L_simem_size_0:
called_computation_lowered:
.L_overlay_start_0:
0x88: {  	s2 =	sld [smem:$0x3FD9]  }
0x89: {  	s3 =	sld [smem:$0x3FFE];
	_ =	sdelay $0x1  }
0x8a: {  	s1 =	srdreg.scid  }
0x8b: {  	s0 =	sand.u32 $0x1, s1  }
0x8c: {  	s16 =	sshll.u32 s0, $0xA;
	s2 =	sadd.s32 s3, s2  }
0x8d: {  	s2 =	sadd.s32 s2, s16  }
0x8e: {  	[smem:$0x3FC0] =	sst s2  }
0x8f: {  	_ = 	snop  }
0x90: {  	(tm) =	ssettm $0x1  }
0x91: {  	s17 =	sld [smem:$0x3FFB];
	_ =	sdelay $0x3  }
0x92: {  	_ =	strace s17  }
0x93: {  	s2 =	sld [smem:$0x3FFC];
	_ =	sdelay $0x3  }
0x94: {  	_ =	strace s2  }
0x95: {  	s2 =	sld [smem:$0x3FFD];
	_ =	sdelay $0x3  }
0x96: {  	_ =	strace s2  }
0x97: {  	_ =	strace $0x8FFFFFFF  }
0x98: {  	s18 =	sld [smem:$0x3FDB];
	_ =	sdelay $0x1  }
0x99: {  	s19 =	simm.s32 $_scs_section_size  }
0x9a: {  	s4 =	simm.s32 $_size__tile_overlayer_lowered;
	s5 =	simm.s32 $_tile_overlayer_lowered  }
0x9b: {  	s22 =	simm.s32 $0x1BFF;
	s21 =	sshll.u32 s5, $0x1;
	s2 =	sadd.s32 s19, s18  }
0x9c: {  	s6 =	simm.s32 $0x0;
	s20 =	sshll.u32 s4, $0x1;
	s4 =	sadd.s32 s21, s2  }
0x9d: {  	[timem:s6], [sflag:s22] =	dma.local [hbm:s4], s20  }
0x9e: {  	_ =	swait.ge [sflag:s22], s20  }
0x9f: {  	s3 =	ssub.s32 $0x0, s20;
	[sflag:s22] =	ssyncset.done $0x0  }
0xa0: {  	[sflag:s22] =	ssyncadd.s32 s3;
	_ =	sdelay $0x1  }
0xa1: {  	s23 =	simm.s32 $0x1B8B  }
0xa2: {  	_ =	swait.ge [sflag:s23], $0x1  }
0xa3: {  	[sflag:s23] =	ssyncset.done $0x0  }
0xa4: {  	s25 =	simm.s32 $0x1B8E;
	s24 =	sld [smem:$0x3FFE];
	[sflag:s23] =	ssyncadd.s32 $0xFFFFFFFF  }
0xa5: {  	s26 =	simm.s32 $execute0_lowered;
	[smem:$0x3FD2] =	sst s25  }
0xa6: {  	s4 =	sshll.u32 s26, $0x1;
	_ =	strace $0x80000046;
	[dreg:$0x1] =	wrdreg $0xFFFFFFFF  }
0xa7: {  	s28 =	simm.s32 $_size_execute0_lowered;
	s2 =	sadd.s32 s2, s4;
	[dreg:$0x0] =	wrdreg $0x0  }
0xa8: {  	s4 =	sshll.u32 s28, $0x1;
	[dreg:$0x2] =	wrdreg s2  }
0xa9: {  	[dreg:$0x3] =	wrdreg s4  }
0xaa: {  	[dreg:$0x4] =	wrdreg $0xC0  }
0xab: {  	_ =	task [dreg:s6], $0x5FFFF  }
0xac: {  	[dreg:$0x1] =	wrdreg $0xFFFFFFFF  }
0xad: {  	[dreg:$0x0] =	wrdreg $0x60  }
0xae: {  	[dreg:$0x2] =	wrdreg s24  }
0xaf: {  	[dreg:$0x3] =	wrdreg $0x53000  }
0xb0: {  	[dreg:$0x4] =	wrdreg $0x9  }
0xb1: {  	_ =	task.clear_ibuf [dreg:s6], $0x5FFFF;
	_ =	strace $0x90000046  }
0xb2: {  	s29 =	simm.s32 $0x9;
	_ =	strace $0x80000048  }
0xb3: {  	_ =	swait.ge [sflag:s29], $0x1  }
0xb4: {  	[sflag:s29] =	ssyncadd.s32 $0xFFFFFFFF  }
0xb5: {  	_ =	strace $0x90000048  }
0xb6: {  	_ =	sfence  }
0xb7: {  	s30 =	sld [smem:$0x0];
	_ =	sdelay $0x2  }
0xb8: {  	s31 =	sshll.u32 s1, $0xD;
	s1 =	sshrl.u32 s1, $0x2  }
0xb9: {  	s3 =	sand.u32 $0x4000, s31;
	s1 =	sadd.s32 s1, s30  }
0xba: {  	s0 =	sor.u32 s3, s0;
	s1 =	sshll.u32 s1, $0x11  }
0xbb: {  	s0 =	sor.u32 s1, s0  }
0xbc: {  	s0 =	sadd.s32 $0x8F2B, s0  }
0xbd: {  	[sflag:s0] =	ssyncadd.remote.s32 $0x1  }
0xbe: {  	_ =	sfence.sel $0xFFFF  }
0xbf: {  	[dreg:$0x0] =	wrdreg $0xFFFFFFFF;
	(pc) =	sbr.abs _section_cstart, $3  }
0xc0: {  	[dreg:$0x1] =	wrdreg $0xFFFFFFFF  }
0xc1: {  	_ =	task.clear_ibuf [dreg:s6], $0x2FFFF;
	_ =	strace $0x9FFFFFFF  }
0xc2: {  	(tm) =	ssettm $0x7FFFFFFF  }
0xc3: {  	_ =	shalt  }
tec
execute0_lowered:
.L_overlay_start_1:
0x0: {  	(tag) =	ssettag $0x1  }
0x1: {  	s4 =	rddreg [dreg:$0x0]  }
0x2: {  	s2 =	rddreg [dreg:$0x1];
	s3 =	srdreg.scid  }
0x3: {  	s0 =	rddreg [dreg:$0x2];
	s1 =	stileid.u32;
	s10 =	simm.s32 $0x80  }
0x4: {  	s11 =	simm.s32 $0x5000;
	s12 =	simm.s32 $0x180;
	s13 =	simm.s32 $0x280  }
0x5: {  	s14 =	simm.s32 $0x380;
	s15 =	simm.s32 $0x480;
	s16 =	simm.s32 $0x580  }
0x6: {  	s17 =	simm.s32 $0x680;
	s18 =	simm.s32 $0x780;
	s19 =	simm.s32 $0x1  }
0x7: {  	s22 =	simm.s32 $0x20;
	s23 =	simm.s32 $0x10;
	s24 =	simm.s32 $0x0  }
0x8: {  	s5 =	sand.u32 $0x1, s3;
	s3 =	simm.s32 $0x0;
	s7 =	smul.u32 $0x500, s1  }
0x9: {  	s29 =	smul.u32 $0xA00, s1;
	s20 =	sshll.u32 s1, $0x6;
	s6 =	sshll.u32 s5, $0x4  }
0xa: {  	[smem:$0x7FF] =	sst s3;
	s8 =	sshll.u32 s5, $0x7;
	s5 =	ssub.s32 $0x2, s5  }
0xb: {  	s20 =	sor.u32 $0x1C02, s20;
	s6 =	sor.u32 s1, s6;
	_ =	strace $0x80000047  }
0xc: {  	s7 =	sor.u32 s8, s7;
	s30 =	sshrl.u32 s5, $0x1;
	s6 =	smul.u32 $0xA00, s6  }
0xd: {  	s31 =	sshrl.u32 s29, $0x2;
	s8 =	simm.s32 $0x2;
	s7 =	sshrl.u32 s7, $0x3  }
0xe: {  	s9 =	ssub.s32 s5, s30;
	s5 =	sadd.s32 s31, s2;
	s6 =	sadd.s32 s6, s4  }
0xf: {  	s7 =	sadd.s32 s7, s4;
	s21 =	sshrl.u32 s5, $0x3;
	s4 =	sadd.s32 $0x1E00, s6  }
0x10: {  	v0 =	vimm.f32 $1.000000000e+00;
	v1 =	vimm.f32 $0.0e+00;
	s6 =	sadd.s32 $0x15E00, s7;
	s7 =	smax.u32 s9, $0x1;
	s9 =	simm.s32 $0x5080  }
.LBB2_1:
0x11: {  	[tilespmem:s3], [sflag:$0x2] =	stream.linear.gather [hbm4b:s4+s3], $0x5000, $0x38;
	[tilespmem:$0x5580] =	vst v63  }
0x12: {  	_ =	swait.ge [sflag:s8], $0x5000  }
0x13: {  	[sflag:s8] =	ssyncset.done $0x0  }
0x14: {  	[sflag:s8] =	ssyncadd.s32 $0xFFFFB000  }
0x15: {  	[tilespmem:$0x5000] =	vst v0  }
0x16: {  	[tilespmem:$0x5010] =	vst v0  }
0x17: {  	[tilespmem:$0x5020] =	vst v0  }
0x18: {  	[tilespmem:$0x5030] =	vst v0  }
0x19: {  	[tilespmem:$0x5040] =	vst v0  }
0x1a: {  	[tilespmem:$0x5050] =	vst v0  }
0x1b: {  	[tilespmem:$0x5060] =	vst v0  }
0x1c: {  	[tilespmem:$0x5070] =	vst v0  }
0x1d: {  	[tilespmem:$0x5080] =	vst v1  }
0x1e: {  	[tilespmem:$0x5090] =	vst v1  }
0x1f: {  	[tilespmem:$0x50A0] =	vst v1  }
0x20: {  	[tilespmem:$0x50B0] =	vst v1  }
0x21: {  	[tilespmem:$0x50C0] =	vst v1  }
0x22: {  	[tilespmem:$0x50D0] =	vst v1  }
0x23: {  	[tilespmem:$0x50E0] =	vst v1  }
0x24: {  	[tilespmem:$0x50F0] =	vst v1  }
0x25: {  	[tilespmem:$0x5100] =	vst v1  }
0x26: {  	[tilespmem:$0x5110] =	vst v1  }
0x27: {  	[tilespmem:$0x5120] =	vst v1  }
0x28: {  	[tilespmem:$0x5130] =	vst v1  }
0x29: {  	[tilespmem:$0x5140] =	vst v1  }
0x2a: {  	[tilespmem:$0x5150] =	vst v1  }
0x2b: {  	[tilespmem:$0x5160] =	vst v1  }
0x2c: {  	[tilespmem:$0x5170] =	vst v1  }
0x2d: {  	[tilespmem:$0x5180] =	vst v1  }
0x2e: {  	[tilespmem:$0x5190] =	vst v1  }
0x2f: {  	[tilespmem:$0x51A0] =	vst v1  }
0x30: {  	[tilespmem:$0x51B0] =	vst v1  }
0x31: {  	[tilespmem:$0x51C0] =	vst v1  }
0x32: {  	[tilespmem:$0x51D0] =	vst v1  }
0x33: {  	[tilespmem:$0x51E0] =	vst v1  }
0x34: {  	[tilespmem:$0x51F0] =	vst v1  }
0x35: {  	[tilespmem:$0x5200] =	vst v1  }
0x36: {  	[tilespmem:$0x5210] =	vst v1  }
0x37: {  	[tilespmem:$0x5220] =	vst v1  }
0x38: {  	[tilespmem:$0x5230] =	vst v1  }
0x39: {  	[tilespmem:$0x5240] =	vst v1  }
0x3a: {  	[tilespmem:$0x5250] =	vst v1  }
0x3b: {  	[tilespmem:$0x5260] =	vst v1  }
0x3c: {  	[tilespmem:$0x5270] =	vst v1  }
0x3d: {  	[tilespmem:$0x5280] =	vst v1  }
0x3e: {  	[tilespmem:$0x5290] =	vst v1  }
0x3f: {  	[tilespmem:$0x52A0] =	vst v1  }
0x40: {  	[tilespmem:$0x52B0] =	vst v1  }
0x41: {  	[tilespmem:$0x52C0] =	vst v1  }
0x42: {  	[tilespmem:$0x52D0] =	vst v1  }
0x43: {  	[tilespmem:$0x52E0] =	vst v1  }
0x44: {  	[tilespmem:$0x52F0] =	vst v1  }
0x45: {  	[spmem:s5] =	stream.linear.scatter [tilespmem:s9], [sflag:$0x2], $0x280, $0x38;
	[tilespmem:$0x5580] =	vst v63  }
0x46: {  	_ =	swait.ge [sflag:s8], $0x280  }
0x47: {  	[sflag:s8] =	ssyncset.done $0x0  }
0x48: {  	[sflag:s8] =	ssyncadd.s32 $0xFFFFFD80  }
0x49: {  	[bflag:$0x0] =	sbarrier.arrive $0xFFFF  }
0x4a: {  	[spmem:s2] =	stream.indirect.scatter.add.f32 [tilespmem:s11], [sflag:$0x1], $0x1, s10, s10, $0xb8;
	[tilespmem:$0x5580] =	vst v63  }
0x4b: {  	_ = 	snop  }
0x4c: {  	[spmem:s2] =	stream.indirect.scatter.add.f32 [tilespmem:s11], [sflag:$0x1], $0x1, s12, s10, $0xb8;
	[tilespmem:$0x5580] =	vst v63  }
0x4d: {  	_ = 	snop  }
0x4e: {  	[spmem:s2] =	stream.indirect.scatter.add.f32 [tilespmem:s11], [sflag:$0x1], $0x1, s13, s10, $0xb8;
	[tilespmem:$0x5580] =	vst v63  }
0x4f: {  	_ = 	snop  }
0x50: {  	[spmem:s2] =	stream.indirect.scatter.add.f32 [tilespmem:s11], [sflag:$0x1], $0x1, s14, s10, $0xb8;
	[tilespmem:$0x5580] =	vst v63  }
0x51: {  	_ = 	snop  }
0x52: {  	[spmem:s2] =	stream.indirect.scatter.add.f32 [tilespmem:s11], [sflag:$0x1], $0x1, s15, s10, $0xb8;
	[tilespmem:$0x5580] =	vst v63  }
0x53: {  	_ = 	snop  }
0x54: {  	[spmem:s2] =	stream.indirect.scatter.add.f32 [tilespmem:s11], [sflag:$0x1], $0x1, s16, s10, $0xb8;
	[tilespmem:$0x5580] =	vst v63  }
0x55: {  	_ = 	snop  }
0x56: {  	[spmem:s2] =	stream.indirect.scatter.add.f32 [tilespmem:s11], [sflag:$0x1], $0x1, s17, s10, $0xb8;
	[tilespmem:$0x5580] =	vst v63  }
0x57: {  	_ = 	snop  }
0x58: {  	[spmem:s2] =	stream.indirect.scatter.add.f32 [tilespmem:s11], [sflag:$0x1], $0x1, s18, s10, $0xb8;
	[tilespmem:$0x5580] =	vst v63  }
0x59: {  	_ =	swait.ge [sflag:s19], $0x80  }
0x5a: {  	[sflag:s19] =	ssyncset.done $0x0  }
0x5b: {  	s25 =	simm.s32 $0x2600;
	s26 =	simm.s32 $0x880;
	[sflag:s19] =	ssyncadd.s32 $0xFFFFFF80  }
.LBB2_2:
0x5c: {  	[spmem:s2] =	stream.indirect.scatter.add.f32 [tilespmem:s11], [sflag:$0x1], $0x1, s26, s10, $0xb8;
	[tilespmem:$0x5580] =	vst v63  }
0x5d: {  	s26 =	smov.u32 s25;
	p0 =	sne.s32 s25, $0x13E00  }
.Ltmp0:
0x5e: {  	s25 =	sadd.s32 $0x400, s25;
	(pc) =	sbr.rel @p0 .LBB2_2-.Ltmp0, $4  }
0x5f: {  	_ = 	snop  }
0x60: {  	_ =	swait.ge [sflag:s19], $0x80  }
0x61: {  	[sflag:s19] =	ssyncset.done $0x0  }
0x62: {  	s26 =	sshra.s32 s26, $0x2;
	[sflag:s19] =	ssyncadd.s32 $0xFFFFFF80  }
0x63: {  	[spmem:s2] =	stream.indirect.scatter.add.f32 [tilespmem:s11], [sflag:$0x1], $0x1, s26, s10, $0xb8;
	[tilespmem:$0x5580] =	vst v63  }
0x64: {  	_ =	swait.ge [sflag:s19], $0x80  }
0x65: {  	[sflag:s19] =	ssyncset.done $0x0  }
0x66: {  	[sflag:s19] =	ssyncadd.s32 $0xFFFFFF80  }
0x67: {  	_ =	swait.ge [sflag:s19], $0x80  }
0x68: {  	[sflag:s19] =	ssyncset.done $0x0  }
0x69: {  	[sflag:s19] =	ssyncadd.s32 $0xFFFFFF80  }
0x6a: {  	_ =	swait.ge [sflag:s19], $0x80  }
0x6b: {  	[sflag:s19] =	ssyncset.done $0x0  }
0x6c: {  	[sflag:s19] =	ssyncadd.s32 $0xFFFFFF80  }
0x6d: {  	_ =	swait.ge [sflag:s19], $0x80  }
0x6e: {  	[sflag:s19] =	ssyncset.done $0x0  }
0x6f: {  	[sflag:s19] =	ssyncadd.s32 $0xFFFFFF80  }
0x70: {  	_ =	swait.ge [sflag:s19], $0x80  }
0x71: {  	[sflag:s19] =	ssyncset.done $0x0  }
0x72: {  	[sflag:s19] =	ssyncadd.s32 $0xFFFFFF80  }
0x73: {  	_ =	swait.ge [sflag:s19], $0x80  }
0x74: {  	[sflag:s19] =	ssyncset.done $0x0  }
0x75: {  	[sflag:s19] =	ssyncadd.s32 $0xFFFFFF80  }
0x76: {  	_ =	swait.ge [sflag:s19], $0x80  }
0x77: {  	[sflag:s19] =	ssyncset.done $0x0  }
0x78: {  	[sflag:s19] =	ssyncadd.s32 $0xFFFFFF80  }
0x79: {  	_ =	swait.ge [sflag:s19], $0x80  }
0x7a: {  	s24 =	sadd.s32 $0x1, s24;
	[sflag:s19] =	ssyncset.done $0x0  }
0x7b: {  	p0 =	sne.s32 s24, s7;
	[sflag:s19] =	ssyncadd.s32 $0xFFFFFF80  }
.Ltmp1:
0x7c: {  	[bflag:$0x0] =	sbarrier.arrive $0xFFFF;
	(pc) =	sbr.rel @p0 .LBB2_1-.Ltmp1, $4  }
0x7d: {  	[hbm:s6@s22], [sflag:s20] =	dma.strided [spmem:s21@s23], $0x50, s19, $0x10   }
0x7e: {  	_ =	swait.ge [sflag:s8], $0x50  }
0x7f: {  	[sflag:s8] =	ssyncset.done $0x0  }
0x80: {  	[sflag:s8] =	ssyncadd.s32 $0xFFFFFFB0  }
0x81: {  	_ =	sfence.sel $0x180000  }
0x82: {  	[bflag:$0x0] =	sbarrier.arrive $0xFFFF  }
0x83: {  	p0 =	sne.s32 s1, $0x0;
	_ =	strace $0x90000047  }
0x84: {  	s0 =	sadd.s32 @!p0 $0x100000, s0;
	[bflag:$0x2] =	sbarrier.arrive $0xFFFF  }
0x85: {  	[sflag:s0] =	ssyncadd.tile.s32 @!p0 $0x1;
	_ =	shalt  }
.Lfunc_end2:
_tile_overlayer_lowered:
.L_overlay_start_2:
0x86: {  	(tag) =	ssettag $0x2  }
0x87: {  	s0 =	rddreg [dreg:$0x0];
	s2 =	stileid.u32  }
0x88: {  	s1 =	rddreg [dreg:$0x1];
	p0 =	sne.s32 s2, $0x0  }
0x89: {  	s3 =	rddreg [dreg:$0x2];
	[bflag:$0x3] =	sbarrier.arrive $0xFFFF;
	s2 =	simm.s32 @!p0 $0x1C02  }
0x8a: {  	[timem:s3], [sflag:s2] =	dma.local @!p0 [hbm:s0], s1  }
0x8b: {  	s0 =	simm.s32 @!p0 $0x2  }
0x8c: {  	_ =	swait.ge @!p0 [sflag:s0], s1  }
0x8d: {  	s1 =	ssub.s32 @!p0 $0x0, s1;
	[sflag:s0] =	ssyncset.done @!p0 $0x0  }
0x8e: {  	[sflag:s0] =	ssyncadd.s32 @!p0 s1  }
0x8f: {  	[bflag:$0x3] =	sbarrier.arrive $0xFFFF  }
0x90: {  	_ =	shalt  }

</sc_bundles>
